<compile_context>
chip_gen: v7x
topology: tpu7x:2x2x1
jax: 0.10.2.dev20260603
libtpu: 0.0.44.dev20260713+nightly
codegen_flags: <defaults>
</compile_context>

<pallas_src>
import functools

import jax
import jax.numpy as jnp
from jax import lax
from jax.experimental import pallas as pl
from jax.experimental.pallas import tpu as pltpu
from jax.experimental.pallas import tpu_sc as plsc

B = 32
N = 32768
F = 64
K = 1024
L = 16
NV = N // L



def _max_body(xt_ref, o_ref):
    m = jnp.max(xt_ref[...], axis=1)
    o_ref[...] = jnp.where(m == 0.0, 0.0, m)


def _compute_maxes(xt):
    blk = 1024
    return pl.pallas_call(
        _max_body,
        grid=(N // blk,),
        in_specs=[pl.BlockSpec((B, F, blk), lambda i: (0, 0, i))],
        out_specs=pl.BlockSpec((B, blk), lambda i: (0, i)),
        out_shape=jax.ShapeDtypeStruct((B, N), jnp.float32),
    )(xt)



_sc_mesh = plsc.VectorSubcoreMesh(core_axis_name="c", subcore_axis_name="s")


@functools.partial(
    pl.kernel,
    out_type=jax.ShapeDtypeStruct((B * K // 128, 128), jnp.int32),
    mesh=_sc_mesh,
    compiler_params=pltpu.CompilerParams(needs_layout_passes=False,
                                         use_tc_tiling_on_sc=False),
    scratch_types=[
        pltpu.VMEM((N,), jnp.float32),
        pltpu.VMEM((4096,), jnp.int32),
        pltpu.VMEM((256,), jnp.int32),
        pltpu.VMEM((K,), jnp.int32),
        pltpu.VMEM((K,), jnp.int32),
        pltpu.VMEM((K,), jnp.int32),
        pltpu.VMEM((K,), jnp.int32),
        pltpu.VMEM((8, 128), jnp.int32),
    ],
)
def _sc_select(maxes_hbm, fout_hbm,
               maxv, hist, offs, akd, aidx, bkd, bidx, fidx):
    b = lax.axis_index("s") * 2 + lax.axis_index("c")
    pltpu.sync_copy(maxes_hbm.at[b], maxv)

    def zf(i, c):
        fidx[i // 8, pl.ds((i % 8) * L, L)] = jnp.zeros((L,), jnp.int32)
        return c
    lax.fori_loop(0, K // L, zf, 0)

    lanes = lax.iota(jnp.int32, 16)
    ones = jnp.ones((L,), jnp.int32)
    zeros = jnp.zeros((L,), jnp.int32)

    def srl(x, s):
        return lax.shift_right_logical(
            x, jnp.full(jnp.shape(x), s, jnp.int32))

    def kd_at(i):
        return lax.bitcast_convert_type(maxv[pl.ds(i * L, L)], jnp.int32)

    def zero_hist():
        def zb(i, c):
            hist[pl.ds(i * L, L)] = zeros
            return c
        lax.fori_loop(0, 256, zb, 0)

    UNROLL = 4
    prefix = jnp.int32(0)
    cnt_before = jnp.int32(0)
    for p in range(4):
        sh = 24 - 8 * p
        zero_hist()

        def acc(i, c, _p=p, _sh=sh, _prefix=prefix):
            for u in range(UNROLL):
                base = (i * UNROLL + u) * L
                if _p == 0:
                    v = maxv[pl.ds(base, L)]
                    kb = lax.bitcast_convert_type(v, jnp.int32)
                    kd = jnp.where(kb < 0, kb, (~kb) & jnp.int32(0x7FFFFFFF))
                    maxv[pl.ds(base, L)] = lax.bitcast_convert_type(
                        kd, jnp.float32)
                    d = srl(kd, _sh) & jnp.int32(255)
                    plsc.addupdate_scatter(hist, [lanes * 256 + d], ones)
                else:
                    kd = lax.bitcast_convert_type(
                        maxv[pl.ds(base, L)], jnp.int32)
                    d = srl(kd, _sh) & jnp.int32(255)
                    m = srl(kd, _sh + 8) == srl(_prefix, _sh + 8)
                    plsc.addupdate_scatter(hist, [lanes * 256 + d], ones,
                                           mask=m)
            return c
        lax.fori_loop(0, NV // UNROLL, acc, 0)

        def chunk(e, carry):
            crun, tdig, cntb, done = carry
            tot = zeros
            for l in range(16):
                tot = tot + hist[pl.ds(l * 256 + e * L, L)]
            cum = plsc.cumsum(tot)
            reached = (crun + cum) >= K
            nbelow = jnp.sum(jnp.where(reached, 0, 1).astype(jnp.int32))
            below = jnp.sum(jnp.where(reached, 0, tot))
            found = nbelow < 16
            upd = jnp.logical_and(done == 0, found)
            tdig = jnp.where(upd, e * L + nbelow, tdig)
            cntb = jnp.where(upd, crun + below, cntb)
            crun = crun + jnp.sum(tot)
            done = jnp.where(upd, jnp.int32(1), done)
            return crun, tdig, cntb, done

        _, tdig, cntb, _ = lax.fori_loop(
            0, 16, chunk,
            (cnt_before, jnp.int32(0), jnp.int32(0), jnp.int32(0)))
        prefix = prefix | (tdig << sh)
        cnt_before = cntb

    T = prefix
    count_lt = cnt_before
    need_eq = K - count_lt
    MIN32 = jnp.int32(-2147483648)
    Tx = T ^ MIN32

    def comp(i, carry):
        off_lt, off_eq = carry
        for u in range(UNROLL):
            j = i * UNROLL + u
            kd = kd_at(j)
            gidx = j * L + lanes
            m_lt = (kd ^ MIN32) < Tx
            c = plsc.cumsum(m_lt.astype(jnp.int32))
            pos = off_lt + c - 1
            plsc.store_scatter(akd, [pos], kd, mask=m_lt)
            plsc.store_scatter(aidx, [pos], gidx, mask=m_lt)
            n_lt = plsc.all_reduce_population_count(m_lt)
            m_eq = kd == T
            ceq = plsc.cumsum(m_eq.astype(jnp.int32))
            m_eq = jnp.logical_and(m_eq, (off_eq + ceq) <= need_eq)
            peq = count_lt + off_eq + ceq - 1
            plsc.store_scatter(fidx, [peq >> 7, peq & 127], gidx, mask=m_eq)
            n_eq = plsc.all_reduce_population_count(m_eq)
            off_lt = off_lt + n_lt
            off_eq = off_eq + n_eq
        return (off_lt, off_eq)

    lax.fori_loop(0, NV // UNROLL, comp,
                  (jnp.zeros((L,), jnp.int32), jnp.zeros((L,), jnp.int32)))

    nv_lt = (count_lt + (L - 1)) // L
    bufs = [(akd, aidx), (bkd, bidx)]
    for p in range(4):
        sh = 8 * p
        skd, sidx = bufs[p % 2]
        dkd, didx = bufs[(p + 1) % 2]
        zero_hist()

        def hacc(i, c, _sh=sh, _skd=skd):
            m = (i * L + lanes) < count_lt
            kv = _skd[pl.ds(i * L, L)]
            d = srl(kv, _sh) & jnp.int32(255)
            plsc.addupdate_scatter(hist, [lanes * 256 + d], ones, mask=m)
            return c
        lax.fori_loop(0, nv_lt, hacc, 0)

        def offb(e, cin):
            tot = zeros
            for l in range(16):
                tot = tot + hist[pl.ds(l * 256 + e * L, L)]
            cum = plsc.cumsum(tot)
            offs[pl.ds(e * L, L)] = cin + cum - tot
            return cin + jnp.sum(tot)
        lax.fori_loop(0, 16, offb, jnp.int32(0))

        def scat(i, c, _p=p, _sh=sh, _skd=skd, _sidx=sidx, _dkd=dkd, _didx=didx):
            m = (i * L + lanes) < count_lt
            kv = _skd[pl.ds(i * L, L)]
            iv = _sidx[pl.ds(i * L, L)]
            d = srl(kv, _sh) & jnp.int32(255)
            base = plsc.load_gather(offs, [d])
            dup, lastm = plsc.scan_count(d, mask=m)
            pos = base + dup - 1
            if _p == 3:
                plsc.store_scatter(fidx, [pos >> 7, pos & 127], iv, mask=m)
            else:
                plsc.store_scatter(_dkd, [pos], kv, mask=m)
                plsc.store_scatter(_didx, [pos], iv, mask=m)
            plsc.addupdate_scatter(offs, [d], dup,
                                   mask=jnp.logical_and(lastm, m))
            return c
        lax.fori_loop(0, nv_lt, scat, 0)

    pltpu.sync_copy(fidx, fout_hbm.at[pl.ds(b * 8, 8)])


CH = 512
NCH = N // CH


@functools.partial(
    pl.kernel,
    out_type=jax.ShapeDtypeStruct((B, K // 2, 128), jnp.float32),
    mesh=_sc_mesh,
    compiler_params=pltpu.CompilerParams(needs_layout_passes=False),
    scratch_types=[
        pltpu.VMEM((F, CH), jnp.float32),
        pltpu.VMEM((K // 2, 128), jnp.float32),
        pltpu.VMEM((8, 128), jnp.int32),
        pltpu.VMEM((K,), jnp.int32),
        pltpu.VMEM((K,), jnp.int32),
        pltpu.VMEM((NCH,), jnp.int32),
        pltpu.VMEM((NCH,), jnp.int32),
    ],
)
def _sc_extract(fidx_hbm, xt_hbm, out_hbm,
                chunk, rowbuf, fv, colb, rankb, ostart, orun):
    b = lax.axis_index("s") * 2 + lax.axis_index("c")
    lanes = lax.iota(jnp.int32, 16)
    pltpu.sync_copy(fidx_hbm.at[pl.ds(b * 8, 8)], fv)

    for g in range(NCH // L):
        orun[pl.ds(g * L, L)] = jnp.zeros((L,), jnp.int32)

    def hacc(i, c):
        cols = fv[i // 8, pl.ds((i % 8) * L, L)]
        ch = cols // CH
        dup, last = plsc.scan_count(ch)
        plsc.addupdate_scatter(orun, [ch], dup, mask=last)
        return c
    lax.fori_loop(0, K // L, hacc, 0)

    carry = jnp.int32(0)
    for g in range(NCH // L):
        v = orun[pl.ds(g * L, L)]
        cum = plsc.cumsum(v)
        excl = carry + cum - v
        ostart[pl.ds(g * L, L)] = excl
        orun[pl.ds(g * L, L)] = excl
        carry = carry + jnp.sum(v)

    def bkt(i, c):
        cols = fv[i // 8, pl.ds((i % 8) * L, L)]
        rank = i * L + lanes
        ch = cols // CH
        base = plsc.load_gather(orun, [ch])
        dup, last = plsc.scan_count(ch)
        pos = base + dup - 1
        plsc.store_scatter(colb, [pos], cols - ch * CH)
        plsc.store_scatter(rankb, [pos], rank)
        plsc.addupdate_scatter(orun, [ch], dup, mask=last)
        return c
    lax.fori_loop(0, K // L, bkt, 0)

    def one_chunk(ci, c):
        pltpu.sync_copy(xt_hbm.at[b, :, pl.ds(ci * CH, CH)], chunk)
        sv = ostart[pl.ds((ci // L) * L, L)]
        ev = orun[pl.ds((ci // L) * L, L)]
        lsel = (lanes == (ci % L))
        start = jnp.sum(jnp.where(lsel, sv, 0))
        end = jnp.sum(jnp.where(lsel, ev, 0))

        def grp(g, c2):
            idx = start + g * L + lanes
            m = idx < end
            cols16 = plsc.load_gather(colb, [idx], mask=m)
            rk = plsc.load_gather(rankb, [idx], mask=m)
            rrow = rk >> 1
            rcol0 = (rk & 1) * F
            for f in range(F):
                vals = plsc.load_gather(
                    chunk, [jnp.full((L,), f, jnp.int32), cols16], mask=m)
                plsc.store_scatter(rowbuf, [rrow, rcol0 + f], vals, mask=m)
            return c2
        lax.fori_loop(0, (end - start + (L - 1)) // L, grp, 0)
        return c
    lax.fori_loop(0, NCH, one_chunk, 0)

    pltpu.sync_copy(rowbuf, out_hbm.at[b])


def kernel(output_of_dgcnn_layer):
    xt = jnp.swapaxes(output_of_dgcnn_layer, 1, 2)
    maxes = _compute_maxes(xt)
    fidx = _sc_select(maxes)
    rows = _sc_extract(fidx, xt)
    return rows.reshape(B, K, F)

# --- scband reference (transcript-rebuilt; emitter-appended) ---
"""Pipeline reference for scband-sort-pooling-for-bmm-79680233276321 (READ-ONLY COPY).

The authoritative reference and input builder live on the scoring server;
editing this copy changes nothing except your own understanding.
"""

import jax, jax.numpy as jnp
import numpy as np

SORT_POOLING_K = 1024

def setup_inputs(seed: int = 0) -> dict:
    key = jax.random.key(seed)
    output_of_dgcnn_layer = jax.random.normal(key, (32, 32768, 64), dtype=jnp.float32)
    return {"output_of_dgcnn_layer": output_of_dgcnn_layer}

def reference(output_of_dgcnn_layer):
    k = SORT_POOLING_K
    # max over feature dim (dim=2)
    max_values = jnp.max(output_of_dgcnn_layer, axis=2)
    # argsort descending along node dim (dim=1)
    sorted_indices = jnp.argsort(-max_values, axis=1)
    # gather rows in sorted order
    sorted_output = jnp.take_along_axis(
        output_of_dgcnn_layer,
        sorted_indices[:, :, None],
        axis=1,
    )
    top_k_node_features = sorted_output[:, :k, :]
    num_nodes = output_of_dgcnn_layer.shape[1]
    if num_nodes == k:
        return top_k_node_features
    if num_nodes < k:
        pad_offset = k - num_nodes
        top_k_node_features = jnp.pad(
            top_k_node_features,
            ((0, 0), (0, pad_offset), (0, 0)),
            mode="constant", constant_values=0.0,
        )
    else:
        top_k_node_features = top_k_node_features[:, :k, :]
    return top_k_node_features

if __name__ == "__main__":
    import jax
    _d = setup_inputs()
    print(jax.jit(kernel)(*tuple(_d.values())))

</pallas_src>

<mosaic_0001>
#map = affine_map<(d0, d1) -> (0, 0)>
#map1 = affine_map<(d0, d1) -> (0, 0, 0)>
module attributes {stable_mosaic.version = 14 : i64} {
  func.func @_sc_extract(%arg0: i32, %arg1: i32, %arg2: memref<256x128xi32, #tpu.memory_space<hbm>>, %arg3: memref<32x64x32768xf32, #tpu.memory_space<hbm>>, %arg4: memref<32x512x128xf32, #tpu.memory_space<hbm>>, %arg5: memref<64x512xf32, #tpu.memory_space<vmem>>, %arg6: memref<512x128xf32, #tpu.memory_space<vmem>>, %arg7: memref<8x128xi32, #tpu.memory_space<vmem>>, %arg8: memref<1024xi32, #tpu.memory_space<vmem>>, %arg9: memref<1024xi32, #tpu.memory_space<vmem>>, %arg10: memref<64xi32, #tpu.memory_space<vmem>>, %arg11: memref<64xi32, #tpu.memory_space<vmem>>) attributes {dimension_semantics = [#tpu.dimension_semantics<core_parallel>, #tpu.dimension_semantics<subcore_parallel>], iteration_bounds = array<i64: 2, 16>, scalar_prefetch = 0 : i64, scratch_operands = 7 : i64, tpu.core_type = #tpu.core_type<sc_vector_subcore>, window_params = [{transform_indices = #map}, {transform_indices = #map1}, {transform_indices = #map1}]} {
    %mul3A = arith.constant 2 : i32
    %mul3A_0 = arith.muli %arg1, %mul3A : i32
    %add3A = arith.addi %mul3A_0, %arg0 : i32
    %iota3A = tpu.iota {dimensions = array<i32: 0>} : vector<16xi32>
    %mul3A_1 = arith.constant 8 : i32
    %mul3A_2 = arith.muli %add3A, %mul3A_1 : i32
    "tpu.region"() ({
      %run_scoped3A = tpu.sem_alloc : memref<!tpu.dma_semaphore, #tpu.memory_space<semaphore_mem>>
      %dma_start3A = arith.constant 0 : i32
      %dma_start3A_100 = tpu.memref_slice %arg2[%mul3A_2, %dma_start3A] : memref<256x128xi32, #tpu.memory_space<hbm>> -> memref<8x128xi32, #tpu.memory_space<hbm>>
      %dma_start3A_101 = arith.constant 0 : i32
      %dma_start3A_102 = tpu.memref_slice %arg2[%mul3A_2, %dma_start3A_101] : memref<256x128xi32, #tpu.memory_space<hbm>> -> memref<8x128xi32, #tpu.memory_space<hbm>>
      tpu.enqueue_dma source(%dma_start3A_102 : memref<8x128xi32, #tpu.memory_space<hbm>>) target(%arg7 : memref<8x128xi32, #tpu.memory_space<vmem>>) target_semaphore(%run_scoped3A : memref<!tpu.dma_semaphore, #tpu.memory_space<semaphore_mem>>)
      %dma_wait3A = arith.constant 0 : i32
      %dma_wait3A_103 = tpu.memref_slice %arg2[%mul3A_2, %dma_wait3A] : memref<256x128xi32, #tpu.memory_space<hbm>> -> memref<8x128xi32, #tpu.memory_space<hbm>>
      %dma_wait3A_104 = arith.constant 0 : i32
      %dma_wait3A_105 = tpu.memref_slice %arg2[%mul3A_2, %dma_wait3A_104] : memref<256x128xi32, #tpu.memory_space<hbm>> -> memref<8x128xi32, #tpu.memory_space<hbm>>
      tpu.wait_dma2 semaphore(%run_scoped3A : memref<!tpu.dma_semaphore, #tpu.memory_space<semaphore_mem>>) src(%dma_wait3A_105 : memref<8x128xi32, #tpu.memory_space<hbm>>) dst(%arg7 : memref<8x128xi32, #tpu.memory_space<vmem>>)
      tpu.yield
    }) : () -> ()
    %broadcast_in_dim3A = arith.constant 0 : i32
    %broadcast_in_dim3A_3 = vector.broadcast %broadcast_in_dim3A : i32 to vector<16xi32>
    %swap3A = arith.constant 0 : index
    %swap3A_4 = tpu.vector_load %arg11[%swap3A] {strides = array<i32>} : memref<64xi32, #tpu.memory_space<vmem>>, vector<16xi32>,
    tpu.vector_store %arg11[%swap3A], %broadcast_in_dim3A_3 {strides = array<i32>} : memref<64xi32, #tpu.memory_space<vmem>>, vector<16xi32>,
    %broadcast_in_dim3A_5 = arith.constant 0 : i32
    %broadcast_in_dim3A_6 = vector.broadcast %broadcast_in_dim3A_5 : i32 to vector<16xi32>
    %swap3A_7 = arith.constant 16 : index
    %swap3A_8 = tpu.vector_load %arg11[%swap3A_7] {strides = array<i32>} : memref<64xi32, #tpu.memory_space<vmem>>, vector<16xi32>,
    tpu.vector_store %arg11[%swap3A_7], %broadcast_in_dim3A_6 {strides = array<i32>} : memref<64xi32, #tpu.memory_space<vmem>>, vector<16xi32>,
    %broadcast_in_dim3A_9 = arith.constant 0 : i32
    %broadcast_in_dim3A_10 = vector.broadcast %broadcast_in_dim3A_9 : i32 to vector<16xi32>
    %swap3A_11 = arith.constant 32 : index
    %swap3A_12 = tpu.vector_load %arg11[%swap3A_11] {strides = array<i32>} : memref<64xi32, #tpu.memory_space<vmem>>, vector<16xi32>,
    tpu.vector_store %arg11[%swap3A_11], %broadcast_in_dim3A_10 {strides = array<i32>} : memref<64xi32, #tpu.memory_space<vmem>>, vector<16xi32>,
    %broadcast_in_dim3A_13 = arith.constant 0 : i32
    %broadcast_in_dim3A_14 = vector.broadcast %broadcast_in_dim3A_13 : i32 to vector<16xi32>
    %swap3A_15 = arith.constant 48 : index
    %swap3A_16 = tpu.vector_load %arg11[%swap3A_15] {strides = array<i32>} : memref<64xi32, #tpu.memory_space<vmem>>, vector<16xi32>,
    tpu.vector_store %arg11[%swap3A_15], %broadcast_in_dim3A_14 {strides = array<i32>} : memref<64xi32, #tpu.memory_space<vmem>>, vector<16xi32>,
    %scan3A = arith.constant 0 : i32
    %scan3A_17 = arith.constant 0 : i32
    %scan3A_18 = arith.constant 64 : i32
    %scan3A_19 = arith.addi %scan3A_17, %scan3A_18 : i32
    %scan3A_20 = arith.constant 1 : i32
    scf.for %scan3A_100 = %scan3A_17 to %scan3A_19 step %scan3A_20  : i32 {
      %jit3A = arith.constant 8 : i32
      %div3A = arith.divsi %scan3A_100, %jit3A : i32
      %sign3A = arith.constant 0 : i32
      %sign3A_101 = arith.cmpi sgt, %scan3A_100, %sign3A : i32
      %sign3A_102 = arith.extui %sign3A_101 : i1 to i32
      %sign3A_103 = arith.constant 0 : i32
      %sign3A_104 = arith.cmpi slt, %scan3A_100, %sign3A_103 : i32
      %sign3A_105 = arith.extui %sign3A_104 : i1 to i32
      %sign3A_106 = arith.subi %sign3A_102, %sign3A_105 : i32
      %sign3A_107 = arith.constant 0 : i32
      %sign3A_108 = arith.cmpi sgt, %jit3A, %sign3A_107 : i32
      %sign3A_109 = arith.extui %sign3A_108 : i1 to i32
      %sign3A_110 = arith.constant 0 : i32
      %sign3A_111 = arith.cmpi slt, %jit3A, %sign3A_110 : i32
      %sign3A_112 = arith.extui %sign3A_111 : i1 to i32
      %sign3A_113 = arith.subi %sign3A_109, %sign3A_112 : i32
      %ne3A = arith.cmpi ne, %sign3A_106, %sign3A_113 : i32
      %rem3A = arith.remsi %scan3A_100, %jit3A : i32
      %ne3A_114 = arith.constant 0 : i32
      %ne3A_115 = arith.cmpi ne, %rem3A, %ne3A_114 : i32
      %and3A = arith.andi %ne3A, %ne3A_115 : i1
      %sub3A_116 = arith.constant 1 : i32
      %sub3A_117 = arith.subi %div3A, %sub3A_116 : i32
      %select_n3A = arith.select %and3A, %sub3A_117, %div3A : i32
      %jit3A_118 = arith.constant 8 : i32
      %eq3A = arith.constant 0 : i32
      %eq3A_119 = arith.cmpi eq, %jit3A_118, %eq3A : i32
      %jit3A_120 = arith.constant 1 : i32
      %select_n3A_121 = arith.select %eq3A_119, %jit3A_120, %jit3A_118 : i32
      %rem3A_122 = arith.remsi %scan3A_100, %select_n3A_121 : i32
      %ne3A_123 = arith.constant 0 : i32
      %ne3A_124 = arith.cmpi ne, %rem3A_122, %ne3A_123 : i32
      %lt3A = arith.constant 0 : i32
      %lt3A_125 = arith.cmpi slt, %rem3A_122, %lt3A : i32
      %lt3A_126 = arith.constant 0 : i32
      %lt3A_127 = arith.cmpi slt, %select_n3A_121, %lt3A_126 : i32
      %ne3A_128 = arith.xori %lt3A_125, %lt3A_127 : i1
      %and3A_129 = arith.andi %ne3A_128, %ne3A_124 : i1
      %add3A_130 = arith.addi %rem3A_122, %select_n3A_121 : i32
      %select_n3A_131 = arith.select %and3A_129, %add3A_130, %rem3A_122 : i32
      %mul3A_132 = arith.constant 16 : i32
      %mul3A_133 = arith.muli %select_n3A_131, %mul3A_132 : i32
      %get3A_134 = arith.index_cast %select_n3A : i32 to index
      %get3A_135 = arith.index_cast %mul3A_133 : i32 to index
      %get3A_136 = tpu.vector_load %arg7[%get3A_134, %get3A_135] {strides = array<i32>} : memref<8x128xi32, #tpu.memory_space<vmem>>, vector<16xi32>,
      %jit3A_137 = arith.constant 512 : i32
      %div3A_138 = vector.broadcast %jit3A_137 : i32 to vector<16xi32>
      %div3A_139 = arith.divsi %get3A_136, %div3A_138 : vector<16xi32>
      %sign3A_140 = arith.constant 0 : i32
      %sign3A_141 = vector.broadcast %sign3A_140 : i32 to vector<16xi32>
      %sign3A_142 = arith.cmpi sgt, %get3A_136, %sign3A_141 : vector<16xi32>
      %sign3A_143 = arith.extui %sign3A_142 : vector<16xi1> to vector<16xi32>
      %sign3A_144 = arith.constant 0 : i32
      %sign3A_145 = vector.broadcast %sign3A_144 : i32 to vector<16xi32>
      %sign3A_146 = arith.cmpi slt, %get3A_136, %sign3A_145 : vector<16xi32>
      %sign3A_147 = arith.extui %sign3A_146 : vector<16xi1> to vector<16xi32>
      %sign3A_148 = arith.subi %sign3A_143, %sign3A_147 : vector<16xi32>
      %sign3A_149 = arith.constant 0 : i32
      %sign3A_150 = arith.cmpi sgt, %jit3A_137, %sign3A_149 : i32
      %sign3A_151 = arith.extui %sign3A_150 : i1 to i32
      %sign3A_152 = arith.constant 0 : i32
      %sign3A_153 = arith.cmpi slt, %jit3A_137, %sign3A_152 : i32
      %sign3A_154 = arith.extui %sign3A_153 : i1 to i32
      %sign3A_155 = arith.subi %sign3A_151, %sign3A_154 : i32
      %ne3A_156 = vector.broadcast %sign3A_155 : i32 to vector<16xi32>
      %ne3A_157 = arith.cmpi ne, %sign3A_148, %ne3A_156 : vector<16xi32>
      %rem3A_158 = vector.broadcast %jit3A_137 : i32 to vector<16xi32>
      %rem3A_159 = arith.remsi %get3A_136, %rem3A_158 : vector<16xi32>
      %ne3A_160 = arith.constant 0 : i32
      %ne3A_161 = vector.broadcast %ne3A_160 : i32 to vector<16xi32>
      %ne3A_162 = arith.cmpi ne, %rem3A_159, %ne3A_161 : vector<16xi32>
      %and3A_163 = arith.andi %ne3A_157, %ne3A_162 : vector<16xi1>
      %sub3A_164 = arith.constant 1 : i32
      %sub3A_165 = vector.broadcast %sub3A_164 : i32 to vector<16xi32>
      %sub3A_166 = arith.subi %div3A_139, %sub3A_165 : vector<16xi32>
      %select_n3A_167 = arith.select %and3A_163, %sub3A_166, %div3A_139 : vector<16xi1>, vector<16xi32>
      %broadcast_in_dim3A_168 = arith.constant true
      %broadcast_in_dim3A_169 = vector.broadcast %broadcast_in_dim3A_168 : i1 to vector<16xi1>
      %unique3A, %unique3A_170 = tpu.scan_count mask(%broadcast_in_dim3A_169 : vector<16xi1>) value(%select_n3A_167 : vector<16xi32>) : vector<16xi1>, vector<16xi32>
      tpu.vector_store_idx %arg11[%select_n3A_167], %unique3A_170 masked %unique3A {add = true} : memref<64xi32, #tpu.memory_space<vmem>>[vector<16xi32>], vector<16xi32>, vector<16xi1>
    }
    %scan3A_21 = arith.constant 64 : i32
    %get3A = arith.constant 0 : index
    %get3A_22 = tpu.vector_load %arg11[%get3A] {strides = array<i32>} : memref<64xi32, #tpu.memory_space<vmem>>, vector<16xi32>,
    %broadcast_in_dim3A_23 = arith.constant true
    %broadcast_in_dim3A_24 = vector.broadcast %broadcast_in_dim3A_23 : i1 to vector<16xi1>
    %masked_cumsum3A = tpu.scan <sum>, %get3A_22 masked %broadcast_in_dim3A_24 : vector<16xi32>, vector<16xi1> -> vector<16xi32>
    %add3A_25 = arith.constant 0 : i32
    %add3A_26 = vector.broadcast %add3A_25 : i32 to vector<16xi32>
    %add3A_27 = arith.addi %add3A_26, %masked_cumsum3A : vector<16xi32>
    %sub3A = arith.subi %add3A_27, %get3A_22 : vector<16xi32>
    %swap3A_28 = arith.constant 0 : index
    %swap3A_29 = tpu.vector_load %arg10[%swap3A_28] {strides = array<i32>} : memref<64xi32, #tpu.memory_space<vmem>>, vector<16xi32>,
    tpu.vector_store %arg10[%swap3A_28], %sub3A {strides = array<i32>} : memref<64xi32, #tpu.memory_space<vmem>>, vector<16xi32>,
    %swap3A_30 = arith.constant 0 : index
    %swap3A_31 = tpu.vector_load %arg11[%swap3A_30] {strides = array<i32>} : memref<64xi32, #tpu.memory_space<vmem>>, vector<16xi32>,
    tpu.vector_store %arg11[%swap3A_30], %sub3A {strides = array<i32>} : memref<64xi32, #tpu.memory_space<vmem>>, vector<16xi32>,
    %reduce_sum3A = arith.constant true
    %reduce_sum3A_32 = vector.broadcast %reduce_sum3A : i1 to vector<16xi1>
    %reduce_sum3A_33 = tpu.scan <sum>, %get3A_22 masked %reduce_sum3A_32 : vector<16xi32>, vector<16xi1> -> vector<16xi32>
    %reduce_sum3A_34 = vector.extract %reduce_sum3A_33[15] : i32 from vector<16xi32>
    %add3A_35 = arith.constant 0 : i32
    %add3A_36 = arith.addi %add3A_35, %reduce_sum3A_34 : i32
    %get3A_37 = arith.constant 16 : index
    %get3A_38 = tpu.vector_load %arg11[%get3A_37] {strides = array<i32>} : memref<64xi32, #tpu.memory_space<vmem>>, vector<16xi32>,
    %broadcast_in_dim3A_39 = arith.constant true
    %broadcast_in_dim3A_40 = vector.broadcast %broadcast_in_dim3A_39 : i1 to vector<16xi1>
    %masked_cumsum3A_41 = tpu.scan <sum>, %get3A_38 masked %broadcast_in_dim3A_40 : vector<16xi32>, vector<16xi1> -> vector<16xi32>
    %add3A_42 = vector.broadcast %add3A_36 : i32 to vector<16xi32>
    %add3A_43 = arith.addi %add3A_42, %masked_cumsum3A_41 : vector<16xi32>
    %sub3A_44 = arith.subi %add3A_43, %get3A_38 : vector<16xi32>
    %swap3A_45 = arith.constant 16 : index
    %swap3A_46 = tpu.vector_load %arg10[%swap3A_45] {strides = array<i32>} : memref<64xi32, #tpu.memory_space<vmem>>, vector<16xi32>,
    tpu.vector_store %arg10[%swap3A_45], %sub3A_44 {strides = array<i32>} : memref<64xi32, #tpu.memory_space<vmem>>, vector<16xi32>,
    %swap3A_47 = arith.constant 16 : index
    %swap3A_48 = tpu.vector_load %arg11[%swap3A_47] {strides = array<i32>} : memref<64xi32, #tpu.memory_space<vmem>>, vector<16xi32>,
    tpu.vector_store %arg11[%swap3A_47], %sub3A_44 {strides = array<i32>} : memref<64xi32, #tpu.memory_space<vmem>>, vector<16xi32>,
    %reduce_sum3A_49 = arith.constant true
    %reduce_sum3A_50 = vector.broadcast %reduce_sum3A_49 : i1 to vector<16xi1>
    %reduce_sum3A_51 = tpu.scan <sum>, %get3A_38 masked %reduce_sum3A_50 : vector<16xi32>, vector<16xi1> -> vector<16xi32>
    %reduce_sum3A_52 = vector.extract %reduce_sum3A_51[15] : i32 from vector<16xi32>
    %add3A_53 = arith.addi %add3A_36, %reduce_sum3A_52 : i32
    %get3A_54 = arith.constant 32 : index
    %get3A_55 = tpu.vector_load %arg11[%get3A_54] {strides = array<i32>} : memref<64xi32, #tpu.memory_space<vmem>>, vector<16xi32>,
    %broadcast_in_dim3A_56 = arith.constant true
    %broadcast_in_dim3A_57 = vector.broadcast %broadcast_in_dim3A_56 : i1 to vector<16xi1>
    %masked_cumsum3A_58 = tpu.scan <sum>, %get3A_55 masked %broadcast_in_dim3A_57 : vector<16xi32>, vector<16xi1> -> vector<16xi32>
    %add3A_59 = vector.broadcast %add3A_53 : i32 to vector<16xi32>
    %add3A_60 = arith.addi %add3A_59, %masked_cumsum3A_58 : vector<16xi32>
    %sub3A_61 = arith.subi %add3A_60, %get3A_55 : vector<16xi32>
    %swap3A_62 = arith.constant 32 : index
    %swap3A_63 = tpu.vector_load %arg10[%swap3A_62] {strides = array<i32>} : memref<64xi32, #tpu.memory_space<vmem>>, vector<16xi32>,
    tpu.vector_store %arg10[%swap3A_62], %sub3A_61 {strides = array<i32>} : memref<64xi32, #tpu.memory_space<vmem>>, vector<16xi32>,
    %swap3A_64 = arith.constant 32 : index
    %swap3A_65 = tpu.vector_load %arg11[%swap3A_64] {strides = array<i32>} : memref<64xi32, #tpu.memory_space<vmem>>, vector<16xi32>,
    tpu.vector_store %arg11[%swap3A_64], %sub3A_61 {strides = array<i32>} : memref<64xi32, #tpu.memory_space<vmem>>, vector<16xi32>,
    %reduce_sum3A_66 = arith.constant true
    %reduce_sum3A_67 = vector.broadcast %reduce_sum3A_66 : i1 to vector<16xi1>
    %reduce_sum3A_68 = tpu.scan <sum>, %get3A_55 masked %reduce_sum3A_67 : vector<16xi32>, vector<16xi1> -> vector<16xi32>
    %reduce_sum3A_69 = vector.extract %reduce_sum3A_68[15] : i32 from vector<16xi32>
    %add3A_70 = arith.addi %add3A_53, %reduce_sum3A_69 : i32
    %get3A_71 = arith.constant 48 : index
    %get3A_72 = tpu.vector_load %arg11[%get3A_71] {strides = array<i32>} : memref<64xi32, #tpu.memory_space<vmem>>, vector<16xi32>,
    %broadcast_in_dim3A_73 = arith.constant true
    %broadcast_in_dim3A_74 = vector.broadcast %broadcast_in_dim3A_73 : i1 to vector<16xi1>
    %masked_cumsum3A_75 = tpu.scan <sum>, %get3A_72 masked %broadcast_in_dim3A_74 : vector<16xi32>, vector<16xi1> -> vector<16xi32>
    %add3A_76 = vector.broadcast %add3A_70 : i32 to vector<16xi32>
    %add3A_77 = arith.addi %add3A_76, %masked_cumsum3A_75 : vector<16xi32>
    %sub3A_78 = arith.subi %add3A_77, %get3A_72 : vector<16xi32>
    %swap3A_79 = arith.constant 48 : index
    %swap3A_80 = tpu.vector_load %arg10[%swap3A_79] {strides = array<i32>} : memref<64xi32, #tpu.memory_space<vmem>>, vector<16xi32>,
    tpu.vector_store %arg10[%swap3A_79], %sub3A_78 {strides = array<i32>} : memref<64xi32, #tpu.memory_space<vmem>>, vector<16xi32>,
    %swap3A_81 = arith.constant 48 : index
    %swap3A_82 = tpu.vector_load %arg11[%swap3A_81] {strides = array<i32>} : memref<64xi32, #tpu.memory_space<vmem>>, vector<16xi32>,
    tpu.vector_store %arg11[%swap3A_81], %sub3A_78 {strides = array<i32>} : memref<64xi32, #tpu.memory_space<vmem>>, vector<16xi32>,
    %reduce_sum3A_83 = arith.constant true
    %reduce_sum3A_84 = vector.broadcast %reduce_sum3A_83 : i1 to vector<16xi1>
    %reduce_sum3A_85 = tpu.scan <sum>, %get3A_72 masked %reduce_sum3A_84 : vector<16xi32>, vector<16xi1> -> vector<16xi32>
    %reduce_sum3A_86 = vector.extract %reduce_sum3A_85[15] : i32 from vector<16xi32>
    %add3A_87 = arith.addi %add3A_70, %reduce_sum3A_86 : i32
    %scan3A_88 = arith.constant 0 : i32
    %scan3A_89 = arith.constant 0 : i32
    %scan3A_90 = arith.constant 64 : i32
    %scan3A_91 = arith.addi %scan3A_89, %scan3A_90 : i32
    %scan3A_92 = arith.constant 1 : i32
    scf.for %scan3A_100 = %scan3A_89 to %scan3A_91 step %scan3A_92  : i32 {
      %jit3A = arith.constant 8 : i32
      %div3A = arith.divsi %scan3A_100, %jit3A : i32
      %sign3A = arith.constant 0 : i32
      %sign3A_101 = arith.cmpi sgt, %scan3A_100, %sign3A : i32
      %sign3A_102 = arith.extui %sign3A_101 : i1 to i32
      %sign3A_103 = arith.constant 0 : i32
      %sign3A_104 = arith.cmpi slt, %scan3A_100, %sign3A_103 : i32
      %sign3A_105 = arith.extui %sign3A_104 : i1 to i32
      %sign3A_106 = arith.subi %sign3A_102, %sign3A_105 : i32
      %sign3A_107 = arith.constant 0 : i32
      %sign3A_108 = arith.cmpi sgt, %jit3A, %sign3A_107 : i32
      %sign3A_109 = arith.extui %sign3A_108 : i1 to i32
      %sign3A_110 = arith.constant 0 : i32
      %sign3A_111 = arith.cmpi slt, %jit3A, %sign3A_110 : i32
      %sign3A_112 = arith.extui %sign3A_111 : i1 to i32
      %sign3A_113 = arith.subi %sign3A_109, %sign3A_112 : i32
      %ne3A = arith.cmpi ne, %sign3A_106, %sign3A_113 : i32
      %rem3A = arith.remsi %scan3A_100, %jit3A : i32
      %ne3A_114 = arith.constant 0 : i32
      %ne3A_115 = arith.cmpi ne, %rem3A, %ne3A_114 : i32
      %and3A = arith.andi %ne3A, %ne3A_115 : i1
      %sub3A_116 = arith.constant 1 : i32
      %sub3A_117 = arith.subi %div3A, %sub3A_116 : i32
      %select_n3A = arith.select %and3A, %sub3A_117, %div3A : i32
      %jit3A_118 = arith.constant 8 : i32
      %eq3A = arith.constant 0 : i32
      %eq3A_119 = arith.cmpi eq, %jit3A_118, %eq3A : i32
      %jit3A_120 = arith.constant 1 : i32
      %select_n3A_121 = arith.select %eq3A_119, %jit3A_120, %jit3A_118 : i32
      %rem3A_122 = arith.remsi %scan3A_100, %select_n3A_121 : i32
      %ne3A_123 = arith.constant 0 : i32
      %ne3A_124 = arith.cmpi ne, %rem3A_122, %ne3A_123 : i32
      %lt3A = arith.constant 0 : i32
      %lt3A_125 = arith.cmpi slt, %rem3A_122, %lt3A : i32
      %lt3A_126 = arith.constant 0 : i32
      %lt3A_127 = arith.cmpi slt, %select_n3A_121, %lt3A_126 : i32
      %ne3A_128 = arith.xori %lt3A_125, %lt3A_127 : i1
      %and3A_129 = arith.andi %ne3A_128, %ne3A_124 : i1
      %add3A_130 = arith.addi %rem3A_122, %select_n3A_121 : i32
      %select_n3A_131 = arith.select %and3A_129, %add3A_130, %rem3A_122 : i32
      %mul3A_132 = arith.constant 16 : i32
      %mul3A_133 = arith.muli %select_n3A_131, %mul3A_132 : i32
      %get3A_134 = arith.index_cast %select_n3A : i32 to index
      %get3A_135 = arith.index_cast %mul3A_133 : i32 to index
      %get3A_136 = tpu.vector_load %arg7[%get3A_134, %get3A_135] {strides = array<i32>} : memref<8x128xi32, #tpu.memory_space<vmem>>, vector<16xi32>,
      %mul3A_137 = arith.constant 16 : i32
      %mul3A_138 = arith.muli %scan3A_100, %mul3A_137 : i32
      %add3A_139 = vector.broadcast %mul3A_138 : i32 to vector<16xi32>
      %add3A_140 = arith.addi %add3A_139, %iota3A : vector<16xi32>
      %jit3A_141 = arith.constant 512 : i32
      %div3A_142 = vector.broadcast %jit3A_141 : i32 to vector<16xi32>
      %div3A_143 = arith.divsi %get3A_136, %div3A_142 : vector<16xi32>
      %sign3A_144 = arith.constant 0 : i32
      %sign3A_145 = vector.broadcast %sign3A_144 : i32 to vector<16xi32>
      %sign3A_146 = arith.cmpi sgt, %get3A_136, %sign3A_145 : vector<16xi32>
      %sign3A_147 = arith.extui %sign3A_146 : vector<16xi1> to vector<16xi32>
      %sign3A_148 = arith.constant 0 : i32
      %sign3A_149 = vector.broadcast %sign3A_148 : i32 to vector<16xi32>
      %sign3A_150 = arith.cmpi slt, %get3A_136, %sign3A_149 : vector<16xi32>
      %sign3A_151 = arith.extui %sign3A_150 : vector<16xi1> to vector<16xi32>
      %sign3A_152 = arith.subi %sign3A_147, %sign3A_151 : vector<16xi32>
      %sign3A_153 = arith.constant 0 : i32
      %sign3A_154 = arith.cmpi sgt, %jit3A_141, %sign3A_153 : i32
      %sign3A_155 = arith.extui %sign3A_154 : i1 to i32
      %sign3A_156 = arith.constant 0 : i32
      %sign3A_157 = arith.cmpi slt, %jit3A_141, %sign3A_156 : i32
      %sign3A_158 = arith.extui %sign3A_157 : i1 to i32
      %sign3A_159 = arith.subi %sign3A_155, %sign3A_158 : i32
      %ne3A_160 = vector.broadcast %sign3A_159 : i32 to vector<16xi32>
      %ne3A_161 = arith.cmpi ne, %sign3A_152, %ne3A_160 : vector<16xi32>
      %rem3A_162 = vector.broadcast %jit3A_141 : i32 to vector<16xi32>
      %rem3A_163 = arith.remsi %get3A_136, %rem3A_162 : vector<16xi32>
      %ne3A_164 = arith.constant 0 : i32
      %ne3A_165 = vector.broadcast %ne3A_164 : i32 to vector<16xi32>
      %ne3A_166 = arith.cmpi ne, %rem3A_163, %ne3A_165 : vector<16xi32>
      %and3A_167 = arith.andi %ne3A_161, %ne3A_166 : vector<16xi1>
      %sub3A_168 = arith.constant 1 : i32
      %sub3A_169 = vector.broadcast %sub3A_168 : i32 to vector<16xi32>
      %sub3A_170 = arith.subi %div3A_143, %sub3A_169 : vector<16xi32>
      %select_n3A_171 = arith.select %and3A_167, %sub3A_170, %div3A_143 : vector<16xi1>, vector<16xi32>
      %gather3A = tpu.vector_load_idx %arg11[%select_n3A_171] : memref<64xi32, #tpu.memory_space<vmem>>[vector<16xi32>], vector<16xi32>,
      %broadcast_in_dim3A_172 = arith.constant true
      %broadcast_in_dim3A_173 = vector.broadcast %broadcast_in_dim3A_172 : i1 to vector<16xi1>
      %unique3A, %unique3A_174 = tpu.scan_count mask(%broadcast_in_dim3A_173 : vector<16xi1>) value(%select_n3A_171 : vector<16xi32>) : vector<16xi1>, vector<16xi32>
      %add3A_175 = arith.addi %gather3A, %unique3A_174 : vector<16xi32>
      %sub3A_176 = arith.constant 1 : i32
      %sub3A_177 = vector.broadcast %sub3A_176 : i32 to vector<16xi32>
      %sub3A_178 = arith.subi %add3A_175, %sub3A_177 : vector<16xi32>
      %mul3A_179 = arith.constant 512 : i32
      %mul3A_180 = vector.broadcast %mul3A_179 : i32 to vector<16xi32>
      %mul3A_181 = arith.muli %select_n3A_171, %mul3A_180 : vector<16xi32>
      %sub3A_182 = arith.subi %get3A_136, %mul3A_181 : vector<16xi32>
      tpu.vector_store_idx %arg8[%sub3A_178], %sub3A_182 : memref<1024xi32, #tpu.memory_space<vmem>>[vector<16xi32>], vector<16xi32>,
      tpu.vector_store_idx %arg9[%sub3A_178], %add3A_140 : memref<1024xi32, #tpu.memory_space<vmem>>[vector<16xi32>], vector<16xi32>,
      tpu.vector_store_idx %arg11[%select_n3A_171], %unique3A_174 masked %unique3A {add = true} : memref<64xi32, #tpu.memory_space<vmem>>[vector<16xi32>], vector<16xi32>, vector<16xi1>
    }
    %scan3A_93 = arith.constant 64 : i32
    %scan3A_94 = arith.constant 0 : i32
    %scan3A_95 = arith.constant 0 : i32
    %scan3A_96 = arith.constant 64 : i32
    %scan3A_97 = arith.addi %scan3A_95, %scan3A_96 : i32
    %scan3A_98 = arith.constant 1 : i32
    scf.for %scan3A_100 = %scan3A_95 to %scan3A_97 step %scan3A_98  : i32 {
      %mul3A_101 = arith.constant 512 : i32
      %mul3A_102 = arith.muli %scan3A_100, %mul3A_101 : i32
      "tpu.region"() ({
        %run_scoped3A = tpu.sem_alloc : memref<!tpu.dma_semaphore, #tpu.memory_space<semaphore_mem>>
        %dma_start3A = arith.constant 0 : i32
        %dma_start3A_218 = tpu.memref_slice %arg3[%add3A, %dma_start3A, %mul3A_102] : memref<32x64x32768xf32, #tpu.memory_space<hbm>> -> memref<1x64x512xf32, #tpu.memory_space<hbm>>
        %dma_start3A_219 = tpu.memref_squeeze %dma_start3A_218 : memref<1x64x512xf32, #tpu.memory_space<hbm>> -> memref<64x512xf32, #tpu.memory_space<hbm>>
        %dma_start3A_220 = arith.constant 0 : i32
        %dma_start3A_221 = tpu.memref_slice %arg3[%add3A, %dma_start3A_220, %mul3A_102] : memref<32x64x32768xf32, #tpu.memory_space<hbm>> -> memref<1x64x512xf32, #tpu.memory_space<hbm>>
        %dma_start3A_222 = tpu.memref_squeeze %dma_start3A_221 : memref<1x64x512xf32, #tpu.memory_space<hbm>> -> memref<64x512xf32, #tpu.memory_space<hbm>>
        tpu.enqueue_dma source(%dma_start3A_222 : memref<64x512xf32, #tpu.memory_space<hbm>>) target(%arg5 : memref<64x512xf32, #tpu.memory_space<vmem>>) target_semaphore(%run_scoped3A : memref<!tpu.dma_semaphore, #tpu.memory_space<semaphore_mem>>)
        %dma_wait3A = arith.constant 0 : i32
        %dma_wait3A_223 = tpu.memref_slice %arg3[%add3A, %dma_wait3A, %mul3A_102] : memref<32x64x32768xf32, #tpu.memory_space<hbm>> -> memref<1x64x512xf32, #tpu.memory_space<hbm>>
        %dma_wait3A_224 = tpu.memref_squeeze %dma_wait3A_223 : memref<1x64x512xf32, #tpu.memory_space<hbm>> -> memref<64x512xf32, #tpu.memory_space<hbm>>
        %dma_wait3A_225 = arith.constant 0 : i32
        %dma_wait3A_226 = tpu.memref_slice %arg3[%add3A, %dma_wait3A_225, %mul3A_102] : memref<32x64x32768xf32, #tpu.memory_space<hbm>> -> memref<1x64x512xf32, #tpu.memory_space<hbm>>
        %dma_wait3A_227 = tpu.memref_squeeze %dma_wait3A_226 : memref<1x64x512xf32, #tpu.memory_space<hbm>> -> memref<64x512xf32, #tpu.memory_space<hbm>>
        tpu.wait_dma2 semaphore(%run_scoped3A : memref<!tpu.dma_semaphore, #tpu.memory_space<semaphore_mem>>) src(%dma_wait3A_227 : memref<64x512xf32, #tpu.memory_space<hbm>>) dst(%arg5 : memref<64x512xf32, #tpu.memory_space<vmem>>)
        tpu.yield
      }) : () -> ()
      %jit3A = arith.constant 16 : i32
      %div3A = arith.divsi %scan3A_100, %jit3A : i32
      %sign3A = arith.constant 0 : i32
      %sign3A_103 = arith.cmpi sgt, %scan3A_100, %sign3A : i32
      %sign3A_104 = arith.extui %sign3A_103 : i1 to i32
      %sign3A_105 = arith.constant 0 : i32
      %sign3A_106 = arith.cmpi slt, %scan3A_100, %sign3A_105 : i32
      %sign3A_107 = arith.extui %sign3A_106 : i1 to i32
      %sign3A_108 = arith.subi %sign3A_104, %sign3A_107 : i32
      %sign3A_109 = arith.constant 0 : i32
      %sign3A_110 = arith.cmpi sgt, %jit3A, %sign3A_109 : i32
      %sign3A_111 = arith.extui %sign3A_110 : i1 to i32
      %sign3A_112 = arith.constant 0 : i32
      %sign3A_113 = arith.cmpi slt, %jit3A, %sign3A_112 : i32
      %sign3A_114 = arith.extui %sign3A_113 : i1 to i32
      %sign3A_115 = arith.subi %sign3A_111, %sign3A_114 : i32
      %ne3A = arith.cmpi ne, %sign3A_108, %sign3A_115 : i32
      %rem3A = arith.remsi %scan3A_100, %jit3A : i32
      %ne3A_116 = arith.constant 0 : i32
      %ne3A_117 = arith.cmpi ne, %rem3A, %ne3A_116 : i32
      %and3A = arith.andi %ne3A, %ne3A_117 : i1
      %sub3A_118 = arith.constant 1 : i32
      %sub3A_119 = arith.subi %div3A, %sub3A_118 : i32
      %select_n3A = arith.select %and3A, %sub3A_119, %div3A : i32
      %mul3A_120 = arith.constant 16 : i32
      %mul3A_121 = arith.muli %select_n3A, %mul3A_120 : i32
      %get3A_122 = arith.index_cast %mul3A_121 : i32 to index
      %get3A_123 = tpu.vector_load %arg10[%get3A_122] {strides = array<i32>} : memref<64xi32, #tpu.memory_space<vmem>>, vector<16xi32>,
      %jit3A_124 = arith.constant 16 : i32
      %div3A_125 = arith.divsi %scan3A_100, %jit3A_124 : i32
      %sign3A_126 = arith.constant 0 : i32
      %sign3A_127 = arith.cmpi sgt, %scan3A_100, %sign3A_126 : i32
      %sign3A_128 = arith.extui %sign3A_127 : i1 to i32
      %sign3A_129 = arith.constant 0 : i32
      %sign3A_130 = arith.cmpi slt, %scan3A_100, %sign3A_129 : i32
      %sign3A_131 = arith.extui %sign3A_130 : i1 to i32
      %sign3A_132 = arith.subi %sign3A_128, %sign3A_131 : i32
      %sign3A_133 = arith.constant 0 : i32
      %sign3A_134 = arith.cmpi sgt, %jit3A_124, %sign3A_133 : i32
      %sign3A_135 = arith.extui %sign3A_134 : i1 to i32
      %sign3A_136 = arith.constant 0 : i32
      %sign3A_137 = arith.cmpi slt, %jit3A_124, %sign3A_136 : i32
      %sign3A_138 = arith.extui %sign3A_137 : i1 to i32
      %sign3A_139 = arith.subi %sign3A_135, %sign3A_138 : i32
      %ne3A_140 = arith.cmpi ne, %sign3A_132, %sign3A_139 : i32
      %rem3A_141 = arith.remsi %scan3A_100, %jit3A_124 : i32
      %ne3A_142 = arith.constant 0 : i32
      %ne3A_143 = arith.cmpi ne, %rem3A_141, %ne3A_142 : i32
      %and3A_144 = arith.andi %ne3A_140, %ne3A_143 : i1
      %sub3A_145 = arith.constant 1 : i32
      %sub3A_146 = arith.subi %div3A_125, %sub3A_145 : i32
      %select_n3A_147 = arith.select %and3A_144, %sub3A_146, %div3A_125 : i32
      %mul3A_148 = arith.constant 16 : i32
      %mul3A_149 = arith.muli %select_n3A_147, %mul3A_148 : i32
      %get3A_150 = arith.index_cast %mul3A_149 : i32 to index
      %get3A_151 = tpu.vector_load %arg11[%get3A_150] {strides = array<i32>} : memref<64xi32, #tpu.memory_space<vmem>>, vector<16xi32>,
      %jit3A_152 = arith.constant 16 : i32
      %eq3A = arith.constant 0 : i32
      %eq3A_153 = arith.cmpi eq, %jit3A_152, %eq3A : i32
      %jit3A_154 = arith.constant 1 : i32
      %select_n3A_155 = arith.select %eq3A_153, %jit3A_154, %jit3A_152 : i32
      %rem3A_156 = arith.remsi %scan3A_100, %select_n3A_155 : i32
      %ne3A_157 = arith.constant 0 : i32
      %ne3A_158 = arith.cmpi ne, %rem3A_156, %ne3A_157 : i32
      %lt3A = arith.constant 0 : i32
      %lt3A_159 = arith.cmpi slt, %rem3A_156, %lt3A : i32
      %lt3A_160 = arith.constant 0 : i32
      %lt3A_161 = arith.cmpi slt, %select_n3A_155, %lt3A_160 : i32
      %ne3A_162 = arith.xori %lt3A_159, %lt3A_161 : i1
      %and3A_163 = arith.andi %ne3A_162, %ne3A_158 : i1
      %add3A_164 = arith.addi %rem3A_156, %select_n3A_155 : i32
      %select_n3A_165 = arith.select %and3A_163, %add3A_164, %rem3A_156 : i32
      %eq3A_166 = vector.broadcast %select_n3A_165 : i32 to vector<16xi32>
      %eq3A_167 = arith.cmpi eq, %iota3A, %eq3A_166 : vector<16xi32>
      %jit3A_168 = arith.constant 0 : i32
      %broadcast_in_dim3A_169 = vector.broadcast %jit3A_168 : i32 to vector<16xi32>
      %select_n3A_170 = arith.select %eq3A_167, %get3A_123, %broadcast_in_dim3A_169 : vector<16xi1>, vector<16xi32>
      %reduce_sum3A_171 = arith.constant true
      %reduce_sum3A_172 = vector.broadcast %reduce_sum3A_171 : i1 to vector<16xi1>
      %reduce_sum3A_173 = tpu.scan <sum>, %select_n3A_170 masked %reduce_sum3A_172 : vector<16xi32>, vector<16xi1> -> vector<16xi32>
      %reduce_sum3A_174 = vector.extract %reduce_sum3A_173[15] : i32 from vector<16xi32>
      %jit3A_175 = arith.constant 0 : i32
      %broadcast_in_dim3A_176 = vector.broadcast %jit3A_175 : i32 to vector<16xi32>
      %select_n3A_177 = arith.select %eq3A_167, %get3A_151, %broadcast_in_dim3A_176 : vector<16xi1>, vector<16xi32>
      %reduce_sum3A_178 = arith.constant true
      %reduce_sum3A_179 = vector.broadcast %reduce_sum3A_178 : i1 to vector<16xi1>
      %reduce_sum3A_180 = tpu.scan <sum>, %select_n3A_177 masked %reduce_sum3A_179 : vector<16xi32>, vector<16xi1> -> vector<16xi32>
      %reduce_sum3A_181 = vector.extract %reduce_sum3A_180[15] : i32 from vector<16xi32>
      %sub3A_182 = arith.subi %reduce_sum3A_181, %reduce_sum3A_174 : i32
      %add3A_183 = arith.constant 15 : i32
      %add3A_184 = arith.addi %sub3A_182, %add3A_183 : i32
      %jit3A_185 = arith.constant 16 : i32
      %div3A_186 = arith.divsi %add3A_184, %jit3A_185 : i32
      %sign3A_187 = arith.constant 0 : i32
      %sign3A_188 = arith.cmpi sgt, %add3A_184, %sign3A_187 : i32
      %sign3A_189 = arith.extui %sign3A_188 : i1 to i32
      %sign3A_190 = arith.constant 0 : i32
      %sign3A_191 = arith.cmpi slt, %add3A_184, %sign3A_190 : i32
      %sign3A_192 = arith.extui %sign3A_191 : i1 to i32
      %sign3A_193 = arith.subi %sign3A_189, %sign3A_192 : i32
      %sign3A_194 = arith.constant 0 : i32
      %sign3A_195 = arith.cmpi sgt, %jit3A_185, %sign3A_194 : i32
      %sign3A_196 = arith.extui %sign3A_195 : i1 to i32
      %sign3A_197 = arith.constant 0 : i32
      %sign3A_198 = arith.cmpi slt, %jit3A_185, %sign3A_197 : i32
      %sign3A_199 = arith.extui %sign3A_198 : i1 to i32
      %sign3A_200 = arith.subi %sign3A_196, %sign3A_199 : i32
      %ne3A_201 = arith.cmpi ne, %sign3A_193, %sign3A_200 : i32
      %rem3A_202 = arith.remsi %add3A_184, %jit3A_185 : i32
      %ne3A_203 = arith.constant 0 : i32
      %ne3A_204 = arith.cmpi ne, %rem3A_202, %ne3A_203 : i32
      %and3A_205 = arith.andi %ne3A_201, %ne3A_204 : i1
      %sub3A_206 = arith.constant 1 : i32
      %sub3A_207 = arith.subi %div3A_186, %sub3A_206 : i32
      %select_n3A_208 = arith.select %and3A_205, %sub3A_207, %div3A_186 : i32
      %while3A = arith.constant 0 : i32
      %while3A_209 = arith.constant 0 : i32
      %while3A_210 = arith.subi %select_n3A_208, %while3A_209 : i32
      %while3A_211 = arith.addi %while3A_209, %while3A_210 : i32
      %while3A_212 = arith.constant 1 : i32
      %while3A_213 = arith.divsi %while3A_210, %while3A_212 : i32
      %while3A_214 = arith.muli %while3A_213, %while3A_212 : i32
      %while3A_215 = arith.addi %while3A_209, %while3A_214 : i32
      %while3A_216 = arith.constant 1 : i32
      scf.for %while3A_218 = %while3A_209 to %while3A_215 step %while3A_216  : i32 {
        %mul3A_219 = arith.constant 16 : i32
        %mul3A_220 = arith.muli %while3A_218, %mul3A_219 : i32
        %add3A_221 = arith.addi %reduce_sum3A_174, %mul3A_220 : i32
        %add3A_222 = vector.broadcast %add3A_221 : i32 to vector<16xi32>
        %add3A_223 = arith.addi %add3A_222, %iota3A : vector<16xi32>
        %lt3A_224 = vector.broadcast %reduce_sum3A_181 : i32 to vector<16xi32>
        %lt3A_225 = arith.cmpi slt, %add3A_223, %lt3A_224 : vector<16xi32>
        %gather3A = tpu.vector_load_idx %arg8[%add3A_223] masked %lt3A_225 : memref<1024xi32, #tpu.memory_space<vmem>>[vector<16xi32>], vector<16xi32>, vector<16xi1>
        %gather3A_226 = tpu.vector_load_idx %arg9[%add3A_223] masked %lt3A_225 : memref<1024xi32, #tpu.memory_space<vmem>>[vector<16xi32>], vector<16xi32>, vector<16xi1>
        %shift_right_arithmetic3A = arith.constant 1 : i32
        %shift_right_arithmetic3A_227 = vector.broadcast %shift_right_arithmetic3A : i32 to vector<16xi32>
        %shift_right_arithmetic3A_228 = arith.shrsi %gather3A_226, %shift_right_arithmetic3A_227 : vector<16xi32>
        %and3A_229 = arith.constant 1 : i32
        %and3A_230 = vector.broadcast %and3A_229 : i32 to vector<16xi32>
        %and3A_231 = arith.andi %gather3A_226, %and3A_230 : vector<16xi32>
        %mul3A_232 = arith.constant 64 : i32
        %mul3A_233 = vector.broadcast %mul3A_232 : i32 to vector<16xi32>
        %mul3A_234 = arith.muli %and3A_231, %mul3A_233 : vector<16xi32>
        %broadcast_in_dim3A_235 = arith.constant 0 : i32
        %broadcast_in_dim3A_236 = vector.broadcast %broadcast_in_dim3A_235 : i32 to vector<16xi32>
        %gather3A_237 = tpu.vector_load_idx %arg5[%broadcast_in_dim3A_236, %gather3A] masked %lt3A_225 : memref<64x512xf32, #tpu.memory_space<vmem>>[vector<16xi32>, vector<16xi32>], vector<16xf32>, vector<16xi1>
        %add3A_238 = arith.constant 0 : i32
        %add3A_239 = vector.broadcast %add3A_238 : i32 to vector<16xi32>
        %add3A_240 = arith.addi %mul3A_234, %add3A_239 : vector<16xi32>
        tpu.vector_store_idx %arg6[%shift_right_arithmetic3A_228, %add3A_240], %gather3A_237 masked %lt3A_225 : memref<512x128xf32, #tpu.memory_space<vmem>>[vector<16xi32>, vector<16xi32>], vector<16xf32>, vector<16xi1>
        %broadcast_in_dim3A_241 = arith.constant 1 : i32
        %broadcast_in_dim3A_242 = vector.broadcast %broadcast_in_dim3A_241 : i32 to vector<16xi32>
        %gather3A_243 = tpu.vector_load_idx %arg5[%broadcast_in_dim3A_242, %gather3A] masked %lt3A_225 : memref<64x512xf32, #tpu.memory_space<vmem>>[vector<16xi32>, vector<16xi32>], vector<16xf32>, vector<16xi1>
        %add3A_244 = arith.constant 1 : i32
        %add3A_245 = vector.broadcast %add3A_244 : i32 to vector<16xi32>
        %add3A_246 = arith.addi %mul3A_234, %add3A_245 : vector<16xi32>
        tpu.vector_store_idx %arg6[%shift_right_arithmetic3A_228, %add3A_246], %gather3A_243 masked %lt3A_225 : memref<512x128xf32, #tpu.memory_space<vmem>>[vector<16xi32>, vector<16xi32>], vector<16xf32>, vector<16xi1>
        %broadcast_in_dim3A_247 = arith.constant 2 : i32
        %broadcast_in_dim3A_248 = vector.broadcast %broadcast_in_dim3A_247 : i32 to vector<16xi32>
        %gather3A_249 = tpu.vector_load_idx %arg5[%broadcast_in_dim3A_248, %gather3A] masked %lt3A_225 : memref<64x512xf32, #tpu.memory_space<vmem>>[vector<16xi32>, vector<16xi32>], vector<16xf32>, vector<16xi1>
        %add3A_250 = arith.constant 2 : i32
        %add3A_251 = vector.broadcast %add3A_250 : i32 to vector<16xi32>
        %add3A_252 = arith.addi %mul3A_234, %add3A_251 : vector<16xi32>
        tpu.vector_store_idx %arg6[%shift_right_arithmetic3A_228, %add3A_252], %gather3A_249 masked %lt3A_225 : memref<512x128xf32, #tpu.memory_space<vmem>>[vector<16xi32>, vector<16xi32>], vector<16xf32>, vector<16xi1>
        %broadcast_in_dim3A_253 = arith.constant 3 : i32
        %broadcast_in_dim3A_254 = vector.broadcast %broadcast_in_dim3A_253 : i32 to vector<16xi32>
        %gather3A_255 = tpu.vector_load_idx %arg5[%broadcast_in_dim3A_254, %gather3A] masked %lt3A_225 : memref<64x512xf32, #tpu.memory_space<vmem>>[vector<16xi32>, vector<16xi32>], vector<16xf32>, vector<16xi1>
        %add3A_256 = arith.constant 3 : i32
        %add3A_257 = vector.broadcast %add3A_256 : i32 to vector<16xi32>
        %add3A_258 = arith.addi %mul3A_234, %add3A_257 : vector<16xi32>
        tpu.vector_store_idx %arg6[%shift_right_arithmetic3A_228, %add3A_258], %gather3A_255 masked %lt3A_225 : memref<512x128xf32, #tpu.memory_space<vmem>>[vector<16xi32>, vector<16xi32>], vector<16xf32>, vector<16xi1>
        %broadcast_in_dim3A_259 = arith.constant 4 : i32
        %broadcast_in_dim3A_260 = vector.broadcast %broadcast_in_dim3A_259 : i32 to vector<16xi32>
        %gather3A_261 = tpu.vector_load_idx %arg5[%broadcast_in_dim3A_260, %gather3A] masked %lt3A_225 : memref<64x512xf32, #tpu.memory_space<vmem>>[vector<16xi32>, vector<16xi32>], vector<16xf32>, vector<16xi1>
        %add3A_262 = arith.constant 4 : i32
        %add3A_263 = vector.broadcast %add3A_262 : i32 to vector<16xi32>
        %add3A_264 = arith.addi %mul3A_234, %add3A_263 : vector<16xi32>
        tpu.vector_store_idx %arg6[%shift_right_arithmetic3A_228, %add3A_264], %gather3A_261 masked %lt3A_225 : memref<512x128xf32, #tpu.memory_space<vmem>>[vector<16xi32>, vector<16xi32>], vector<16xf32>, vector<16xi1>
        %broadcast_in_dim3A_265 = arith.constant 5 : i32
        %broadcast_in_dim3A_266 = vector.broadcast %broadcast_in_dim3A_265 : i32 to vector<16xi32>
        %gather3A_267 = tpu.vector_load_idx %arg5[%broadcast_in_dim3A_266, %gather3A] masked %lt3A_225 : memref<64x512xf32, #tpu.memory_space<vmem>>[vector<16xi32>, vector<16xi32>], vector<16xf32>, vector<16xi1>
        %add3A_268 = arith.constant 5 : i32
        %add3A_269 = vector.broadcast %add3A_268 : i32 to vector<16xi32>
        %add3A_270 = arith.addi %mul3A_234, %add3A_269 : vector<16xi32>
        tpu.vector_store_idx %arg6[%shift_right_arithmetic3A_228, %add3A_270], %gather3A_267 masked %lt3A_225 : memref<512x128xf32, #tpu.memory_space<vmem>>[vector<16xi32>, vector<16xi32>], vector<16xf32>, vector<16xi1>
        %broadcast_in_dim3A_271 = arith.constant 6 : i32
        %broadcast_in_dim3A_272 = vector.broadcast %broadcast_in_dim3A_271 : i32 to vector<16xi32>
        %gather3A_273 = tpu.vector_load_idx %arg5[%broadcast_in_dim3A_272, %gather3A] masked %lt3A_225 : memref<64x512xf32, #tpu.memory_space<vmem>>[vector<16xi32>, vector<16xi32>], vector<16xf32>, vector<16xi1>
        %add3A_274 = arith.constant 6 : i32
        %add3A_275 = vector.broadcast %add3A_274 : i32 to vector<16xi32>
        %add3A_276 = arith.addi %mul3A_234, %add3A_275 : vector<16xi32>
        tpu.vector_store_idx %arg6[%shift_right_arithmetic3A_228, %add3A_276], %gather3A_273 masked %lt3A_225 : memref<512x128xf32, #tpu.memory_space<vmem>>[vector<16xi32>, vector<16xi32>], vector<16xf32>, vector<16xi1>
        %broadcast_in_dim3A_277 = arith.constant 7 : i32
        %broadcast_in_dim3A_278 = vector.broadcast %broadcast_in_dim3A_277 : i32 to vector<16xi32>
        %gather3A_279 = tpu.vector_load_idx %arg5[%broadcast_in_dim3A_278, %gather3A] masked %lt3A_225 : memref<64x512xf32, #tpu.memory_space<vmem>>[vector<16xi32>, vector<16xi32>], vector<16xf32>, vector<16xi1>
        %add3A_280 = arith.constant 7 : i32
        %add3A_281 = vector.broadcast %add3A_280 : i32 to vector<16xi32>
        %add3A_282 = arith.addi %mul3A_234, %add3A_281 : vector<16xi32>
        tpu.vector_store_idx %arg6[%shift_right_arithmetic3A_228, %add3A_282], %gather3A_279 masked %lt3A_225 : memref<512x128xf32, #tpu.memory_space<vmem>>[vector<16xi32>, vector<16xi32>], vector<16xf32>, vector<16xi1>
        %broadcast_in_dim3A_283 = arith.constant 8 : i32
        %broadcast_in_dim3A_284 = vector.broadcast %broadcast_in_dim3A_283 : i32 to vector<16xi32>
        %gather3A_285 = tpu.vector_load_idx %arg5[%broadcast_in_dim3A_284, %gather3A] masked %lt3A_225 : memref<64x512xf32, #tpu.memory_space<vmem>>[vector<16xi32>, vector<16xi32>], vector<16xf32>, vector<16xi1>
        %add3A_286 = arith.constant 8 : i32
        %add3A_287 = vector.broadcast %add3A_286 : i32 to vector<16xi32>
        %add3A_288 = arith.addi %mul3A_234, %add3A_287 : vector<16xi32>
        tpu.vector_store_idx %arg6[%shift_right_arithmetic3A_228, %add3A_288], %gather3A_285 masked %lt3A_225 : memref<512x128xf32, #tpu.memory_space<vmem>>[vector<16xi32>, vector<16xi32>], vector<16xf32>, vector<16xi1>
        %broadcast_in_dim3A_289 = arith.constant 9 : i32
        %broadcast_in_dim3A_290 = vector.broadcast %broadcast_in_dim3A_289 : i32 to vector<16xi32>
        %gather3A_291 = tpu.vector_load_idx %arg5[%broadcast_in_dim3A_290, %gather3A] masked %lt3A_225 : memref<64x512xf32, #tpu.memory_space<vmem>>[vector<16xi32>, vector<16xi32>], vector<16xf32>, vector<16xi1>
        %add3A_292 = arith.constant 9 : i32
        %add3A_293 = vector.broadcast %add3A_292 : i32 to vector<16xi32>
        %add3A_294 = arith.addi %mul3A_234, %add3A_293 : vector<16xi32>
        tpu.vector_store_idx %arg6[%shift_right_arithmetic3A_228, %add3A_294], %gather3A_291 masked %lt3A_225 : memref<512x128xf32, #tpu.memory_space<vmem>>[vector<16xi32>, vector<16xi32>], vector<16xf32>, vector<16xi1>
        %broadcast_in_dim3A_295 = arith.constant 10 : i32
        %broadcast_in_dim3A_296 = vector.broadcast %broadcast_in_dim3A_295 : i32 to vector<16xi32>
        %gather3A_297 = tpu.vector_load_idx %arg5[%broadcast_in_dim3A_296, %gather3A] masked %lt3A_225 : memref<64x512xf32, #tpu.memory_space<vmem>>[vector<16xi32>, vector<16xi32>], vector<16xf32>, vector<16xi1>
        %add3A_298 = arith.constant 10 : i32
        %add3A_299 = vector.broadcast %add3A_298 : i32 to vector<16xi32>
        %add3A_300 = arith.addi %mul3A_234, %add3A_299 : vector<16xi32>
        tpu.vector_store_idx %arg6[%shift_right_arithmetic3A_228, %add3A_300], %gather3A_297 masked %lt3A_225 : memref<512x128xf32, #tpu.memory_space<vmem>>[vector<16xi32>, vector<16xi32>], vector<16xf32>, vector<16xi1>
        %broadcast_in_dim3A_301 = arith.constant 11 : i32
        %broadcast_in_dim3A_302 = vector.broadcast %broadcast_in_dim3A_301 : i32 to vector<16xi32>
        %gather3A_303 = tpu.vector_load_idx %arg5[%broadcast_in_dim3A_302, %gather3A] masked %lt3A_225 : memref<64x512xf32, #tpu.memory_space<vmem>>[vector<16xi32>, vector<16xi32>], vector<16xf32>, vector<16xi1>
        %add3A_304 = arith.constant 11 : i32
        %add3A_305 = vector.broadcast %add3A_304 : i32 to vector<16xi32>
        %add3A_306 = arith.addi %mul3A_234, %add3A_305 : vector<16xi32>
        tpu.vector_store_idx %arg6[%shift_right_arithmetic3A_228, %add3A_306], %gather3A_303 masked %lt3A_225 : memref<512x128xf32, #tpu.memory_space<vmem>>[vector<16xi32>, vector<16xi32>], vector<16xf32>, vector<16xi1>
        %broadcast_in_dim3A_307 = arith.constant 12 : i32
        %broadcast_in_dim3A_308 = vector.broadcast %broadcast_in_dim3A_307 : i32 to vector<16xi32>
        %gather3A_309 = tpu.vector_load_idx %arg5[%broadcast_in_dim3A_308, %gather3A] masked %lt3A_225 : memref<64x512xf32, #tpu.memory_space<vmem>>[vector<16xi32>, vector<16xi32>], vector<16xf32>, vector<16xi1>
        %add3A_310 = arith.constant 12 : i32
        %add3A_311 = vector.broadcast %add3A_310 : i32 to vector<16xi32>
        %add3A_312 = arith.addi %mul3A_234, %add3A_311 : vector<16xi32>
        tpu.vector_store_idx %arg6[%shift_right_arithmetic3A_228, %add3A_312], %gather3A_309 masked %lt3A_225 : memref<512x128xf32, #tpu.memory_space<vmem>>[vector<16xi32>, vector<16xi32>], vector<16xf32>, vector<16xi1>
        %broadcast_in_dim3A_313 = arith.constant 13 : i32
        %broadcast_in_dim3A_314 = vector.broadcast %broadcast_in_dim3A_313 : i32 to vector<16xi32>
        %gather3A_315 = tpu.vector_load_idx %arg5[%broadcast_in_dim3A_314, %gather3A] masked %lt3A_225 : memref<64x512xf32, #tpu.memory_space<vmem>>[vector<16xi32>, vector<16xi32>], vector<16xf32>, vector<16xi1>
        %add3A_316 = arith.constant 13 : i32
        %add3A_317 = vector.broadcast %add3A_316 : i32 to vector<16xi32>
        %add3A_318 = arith.addi %mul3A_234, %add3A_317 : vector<16xi32>
        tpu.vector_store_idx %arg6[%shift_right_arithmetic3A_228, %add3A_318], %gather3A_315 masked %lt3A_225 : memref<512x128xf32, #tpu.memory_space<vmem>>[vector<16xi32>, vector<16xi32>], vector<16xf32>, vector<16xi1>
        %broadcast_in_dim3A_319 = arith.constant 14 : i32
        %broadcast_in_dim3A_320 = vector.broadcast %broadcast_in_dim3A_319 : i32 to vector<16xi32>
        %gather3A_321 = tpu.vector_load_idx %arg5[%broadcast_in_dim3A_320, %gather3A] masked %lt3A_225 : memref<64x512xf32, #tpu.memory_space<vmem>>[vector<16xi32>, vector<16xi32>], vector<16xf32>, vector<16xi1>
        %add3A_322 = arith.constant 14 : i32
        %add3A_323 = vector.broadcast %add3A_322 : i32 to vector<16xi32>
        %add3A_324 = arith.addi %mul3A_234, %add3A_323 : vector<16xi32>
        tpu.vector_store_idx %arg6[%shift_right_arithmetic3A_228, %add3A_324], %gather3A_321 masked %lt3A_225 : memref<512x128xf32, #tpu.memory_space<vmem>>[vector<16xi32>, vector<16xi32>], vector<16xf32>, vector<16xi1>
        %broadcast_in_dim3A_325 = arith.constant 15 : i32
        %broadcast_in_dim3A_326 = vector.broadcast %broadcast_in_dim3A_325 : i32 to vector<16xi32>
        %gather3A_327 = tpu.vector_load_idx %arg5[%broadcast_in_dim3A_326, %gather3A] masked %lt3A_225 : memref<64x512xf32, #tpu.memory_space<vmem>>[vector<16xi32>, vector<16xi32>], vector<16xf32>, vector<16xi1>
        %add3A_328 = arith.constant 15 : i32
        %add3A_329 = vector.broadcast %add3A_328 : i32 to vector<16xi32>
        %add3A_330 = arith.addi %mul3A_234, %add3A_329 : vector<16xi32>
        tpu.vector_store_idx %arg6[%shift_right_arithmetic3A_228, %add3A_330], %gather3A_327 masked %lt3A_225 : memref<512x128xf32, #tpu.memory_space<vmem>>[vector<16xi32>, vector<16xi32>], vector<16xf32>, vector<16xi1>
        %broadcast_in_dim3A_331 = arith.constant 16 : i32
        %broadcast_in_dim3A_332 = vector.broadcast %broadcast_in_dim3A_331 : i32 to vector<16xi32>
        %gather3A_333 = tpu.vector_load_idx %arg5[%broadcast_in_dim3A_332, %gather3A] masked %lt3A_225 : memref<64x512xf32, #tpu.memory_space<vmem>>[vector<16xi32>, vector<16xi32>], vector<16xf32>, vector<16xi1>
        %add3A_334 = arith.constant 16 : i32
        %add3A_335 = vector.broadcast %add3A_334 : i32 to vector<16xi32>
        %add3A_336 = arith.addi %mul3A_234, %add3A_335 : vector<16xi32>
        tpu.vector_store_idx %arg6[%shift_right_arithmetic3A_228, %add3A_336], %gather3A_333 masked %lt3A_225 : memref<512x128xf32, #tpu.memory_space<vmem>>[vector<16xi32>, vector<16xi32>], vector<16xf32>, vector<16xi1>
        %broadcast_in_dim3A_337 = arith.constant 17 : i32
        %broadcast_in_dim3A_338 = vector.broadcast %broadcast_in_dim3A_337 : i32 to vector<16xi32>
        %gather3A_339 = tpu.vector_load_idx %arg5[%broadcast_in_dim3A_338, %gather3A] masked %lt3A_225 : memref<64x512xf32, #tpu.memory_space<vmem>>[vector<16xi32>, vector<16xi32>], vector<16xf32>, vector<16xi1>
        %add3A_340 = arith.constant 17 : i32
        %add3A_341 = vector.broadcast %add3A_340 : i32 to vector<16xi32>
        %add3A_342 = arith.addi %mul3A_234, %add3A_341 : vector<16xi32>
        tpu.vector_store_idx %arg6[%shift_right_arithmetic3A_228, %add3A_342], %gather3A_339 masked %lt3A_225 : memref<512x128xf32, #tpu.memory_space<vmem>>[vector<16xi32>, vector<16xi32>], vector<16xf32>, vector<16xi1>
        %broadcast_in_dim3A_343 = arith.constant 18 : i32
        %broadcast_in_dim3A_344 = vector.broadcast %broadcast_in_dim3A_343 : i32 to vector<16xi32>
        %gather3A_345 = tpu.vector_load_idx %arg5[%broadcast_in_dim3A_344, %gather3A] masked %lt3A_225 : memref<64x512xf32, #tpu.memory_space<vmem>>[vector<16xi32>, vector<16xi32>], vector<16xf32>, vector<16xi1>
        %add3A_346 = arith.constant 18 : i32
        %add3A_347 = vector.broadcast %add3A_346 : i32 to vector<16xi32>
        %add3A_348 = arith.addi %mul3A_234, %add3A_347 : vector<16xi32>
        tpu.vector_store_idx %arg6[%shift_right_arithmetic3A_228, %add3A_348], %gather3A_345 masked %lt3A_225 : memref<512x128xf32, #tpu.memory_space<vmem>>[vector<16xi32>, vector<16xi32>], vector<16xf32>, vector<16xi1>
        %broadcast_in_dim3A_349 = arith.constant 19 : i32
        %broadcast_in_dim3A_350 = vector.broadcast %broadcast_in_dim3A_349 : i32 to vector<16xi32>
        %gather3A_351 = tpu.vector_load_idx %arg5[%broadcast_in_dim3A_350, %gather3A] masked %lt3A_225 : memref<64x512xf32, #tpu.memory_space<vmem>>[vector<16xi32>, vector<16xi32>], vector<16xf32>, vector<16xi1>
        %add3A_352 = arith.constant 19 : i32
        %add3A_353 = vector.broadcast %add3A_352 : i32 to vector<16xi32>
        %add3A_354 = arith.addi %mul3A_234, %add3A_353 : vector<16xi32>
        tpu.vector_store_idx %arg6[%shift_right_arithmetic3A_228, %add3A_354], %gather3A_351 masked %lt3A_225 : memref<512x128xf32, #tpu.memory_space<vmem>>[vector<16xi32>, vector<16xi32>], vector<16xf32>, vector<16xi1>
        %broadcast_in_dim3A_355 = arith.constant 20 : i32
        %broadcast_in_dim3A_356 = vector.broadcast %broadcast_in_dim3A_355 : i32 to vector<16xi32>
        %gather3A_357 = tpu.vector_load_idx %arg5[%broadcast_in_dim3A_356, %gather3A] masked %lt3A_225 : memref<64x512xf32, #tpu.memory_space<vmem>>[vector<16xi32>, vector<16xi32>], vector<16xf32>, vector<16xi1>
        %add3A_358 = arith.constant 20 : i32
        %add3A_359 = vector.broadcast %add3A_358 : i32 to vector<16xi32>
        %add3A_360 = arith.addi %mul3A_234, %add3A_359 : vector<16xi32>
        tpu.vector_store_idx %arg6[%shift_right_arithmetic3A_228, %add3A_360], %gather3A_357 masked %lt3A_225 : memref<512x128xf32, #tpu.memory_space<vmem>>[vector<16xi32>, vector<16xi32>], vector<16xf32>, vector<16xi1>
        %broadcast_in_dim3A_361 = arith.constant 21 : i32
        %broadcast_in_dim3A_362 = vector.broadcast %broadcast_in_dim3A_361 : i32 to vector<16xi32>
        %gather3A_363 = tpu.vector_load_idx %arg5[%broadcast_in_dim3A_362, %gather3A] masked %lt3A_225 : memref<64x512xf32, #tpu.memory_space<vmem>>[vector<16xi32>, vector<16xi32>], vector<16xf32>, vector<16xi1>
        %add3A_364 = arith.constant 21 : i32
        %add3A_365 = vector.broadcast %add3A_364 : i32 to vector<16xi32>
        %add3A_366 = arith.addi %mul3A_234, %add3A_365 : vector<16xi32>
        tpu.vector_store_idx %arg6[%shift_right_arithmetic3A_228, %add3A_366], %gather3A_363 masked %lt3A_225 : memref<512x128xf32, #tpu.memory_space<vmem>>[vector<16xi32>, vector<16xi32>], vector<16xf32>, vector<16xi1>
        %broadcast_in_dim3A_367 = arith.constant 22 : i32
        %broadcast_in_dim3A_368 = vector.broadcast %broadcast_in_dim3A_367 : i32 to vector<16xi32>
        %gather3A_369 = tpu.vector_load_idx %arg5[%broadcast_in_dim3A_368, %gather3A] masked %lt3A_225 : memref<64x512xf32, #tpu.memory_space<vmem>>[vector<16xi32>, vector<16xi32>], vector<16xf32>, vector<16xi1>
        %add3A_370 = arith.constant 22 : i32
        %add3A_371 = vector.broadcast %add3A_370 : i32 to vector<16xi32>
        %add3A_372 = arith.addi %mul3A_234, %add3A_371 : vector<16xi32>
        tpu.vector_store_idx %arg6[%shift_right_arithmetic3A_228, %add3A_372], %gather3A_369 masked %lt3A_225 : memref<512x128xf32, #tpu.memory_space<vmem>>[vector<16xi32>, vector<16xi32>], vector<16xf32>, vector<16xi1>
        %broadcast_in_dim3A_373 = arith.constant 23 : i32
        %broadcast_in_dim3A_374 = vector.broadcast %broadcast_in_dim3A_373 : i32 to vector<16xi32>
        %gather3A_375 = tpu.vector_load_idx %arg5[%broadcast_in_dim3A_374, %gather3A] masked %lt3A_225 : memref<64x512xf32, #tpu.memory_space<vmem>>[vector<16xi32>, vector<16xi32>], vector<16xf32>, vector<16xi1>
        %add3A_376 = arith.constant 23 : i32
        %add3A_377 = vector.broadcast %add3A_376 : i32 to vector<16xi32>
        %add3A_378 = arith.addi %mul3A_234, %add3A_377 : vector<16xi32>
        tpu.vector_store_idx %arg6[%shift_right_arithmetic3A_228, %add3A_378], %gather3A_375 masked %lt3A_225 : memref<512x128xf32, #tpu.memory_space<vmem>>[vector<16xi32>, vector<16xi32>], vector<16xf32>, vector<16xi1>
        %broadcast_in_dim3A_379 = arith.constant 24 : i32
        %broadcast_in_dim3A_380 = vector.broadcast %broadcast_in_dim3A_379 : i32 to vector<16xi32>
        %gather3A_381 = tpu.vector_load_idx %arg5[%broadcast_in_dim3A_380, %gather3A] masked %lt3A_225 : memref<64x512xf32, #tpu.memory_space<vmem>>[vector<16xi32>, vector<16xi32>], vector<16xf32>, vector<16xi1>
        %add3A_382 = arith.constant 24 : i32
        %add3A_383 = vector.broadcast %add3A_382 : i32 to vector<16xi32>
        %add3A_384 = arith.addi %mul3A_234, %add3A_383 : vector<16xi32>
        tpu.vector_store_idx %arg6[%shift_right_arithmetic3A_228, %add3A_384], %gather3A_381 masked %lt3A_225 : memref<512x128xf32, #tpu.memory_space<vmem>>[vector<16xi32>, vector<16xi32>], vector<16xf32>, vector<16xi1>
        %broadcast_in_dim3A_385 = arith.constant 25 : i32
        %broadcast_in_dim3A_386 = vector.broadcast %broadcast_in_dim3A_385 : i32 to vector<16xi32>
        %gather3A_387 = tpu.vector_load_idx %arg5[%broadcast_in_dim3A_386, %gather3A] masked %lt3A_225 : memref<64x512xf32, #tpu.memory_space<vmem>>[vector<16xi32>, vector<16xi32>], vector<16xf32>, vector<16xi1>
        %add3A_388 = arith.constant 25 : i32
        %add3A_389 = vector.broadcast %add3A_388 : i32 to vector<16xi32>
        %add3A_390 = arith.addi %mul3A_234, %add3A_389 : vector<16xi32>
        tpu.vector_store_idx %arg6[%shift_right_arithmetic3A_228, %add3A_390], %gather3A_387 masked %lt3A_225 : memref<512x128xf32, #tpu.memory_space<vmem>>[vector<16xi32>, vector<16xi32>], vector<16xf32>, vector<16xi1>
        %broadcast_in_dim3A_391 = arith.constant 26 : i32
        %broadcast_in_dim3A_392 = vector.broadcast %broadcast_in_dim3A_391 : i32 to vector<16xi32>
        %gather3A_393 = tpu.vector_load_idx %arg5[%broadcast_in_dim3A_392, %gather3A] masked %lt3A_225 : memref<64x512xf32, #tpu.memory_space<vmem>>[vector<16xi32>, vector<16xi32>], vector<16xf32>, vector<16xi1>
        %add3A_394 = arith.constant 26 : i32
        %add3A_395 = vector.broadcast %add3A_394 : i32 to vector<16xi32>
        %add3A_396 = arith.addi %mul3A_234, %add3A_395 : vector<16xi32>
        tpu.vector_store_idx %arg6[%shift_right_arithmetic3A_228, %add3A_396], %gather3A_393 masked %lt3A_225 : memref<512x128xf32, #tpu.memory_space<vmem>>[vector<16xi32>, vector<16xi32>], vector<16xf32>, vector<16xi1>
        %broadcast_in_dim3A_397 = arith.constant 27 : i32
        %broadcast_in_dim3A_398 = vector.broadcast %broadcast_in_dim3A_397 : i32 to vector<16xi32>
        %gather3A_399 = tpu.vector_load_idx %arg5[%broadcast_in_dim3A_398, %gather3A] masked %lt3A_225 : memref<64x512xf32, #tpu.memory_space<vmem>>[vector<16xi32>, vector<16xi32>], vector<16xf32>, vector<16xi1>
        %add3A_400 = arith.constant 27 : i32
        %add3A_401 = vector.broadcast %add3A_400 : i32 to vector<16xi32>
        %add3A_402 = arith.addi %mul3A_234, %add3A_401 : vector<16xi32>
        tpu.vector_store_idx %arg6[%shift_right_arithmetic3A_228, %add3A_402], %gather3A_399 masked %lt3A_225 : memref<512x128xf32, #tpu.memory_space<vmem>>[vector<16xi32>, vector<16xi32>], vector<16xf32>, vector<16xi1>
        %broadcast_in_dim3A_403 = arith.constant 28 : i32
        %broadcast_in_dim3A_404 = vector.broadcast %broadcast_in_dim3A_403 : i32 to vector<16xi32>
        %gather3A_405 = tpu.vector_load_idx %arg5[%broadcast_in_dim3A_404, %gather3A] masked %lt3A_225 : memref<64x512xf32, #tpu.memory_space<vmem>>[vector<16xi32>, vector<16xi32>], vector<16xf32>, vector<16xi1>
        %add3A_406 = arith.constant 28 : i32
        %add3A_407 = vector.broadcast %add3A_406 : i32 to vector<16xi32>
        %add3A_408 = arith.addi %mul3A_234, %add3A_407 : vector<16xi32>
        tpu.vector_store_idx %arg6[%shift_right_arithmetic3A_228, %add3A_408], %gather3A_405 masked %lt3A_225 : memref<512x128xf32, #tpu.memory_space<vmem>>[vector<16xi32>, vector<16xi32>], vector<16xf32>, vector<16xi1>
        %broadcast_in_dim3A_409 = arith.constant 29 : i32
        %broadcast_in_dim3A_410 = vector.broadcast %broadcast_in_dim3A_409 : i32 to vector<16xi32>
        %gather3A_411 = tpu.vector_load_idx %arg5[%broadcast_in_dim3A_410, %gather3A] masked %lt3A_225 : memref<64x512xf32, #tpu.memory_space<vmem>>[vector<16xi32>, vector<16xi32>], vector<16xf32>, vector<16xi1>
        %add3A_412 = arith.constant 29 : i32
        %add3A_413 = vector.broadcast %add3A_412 : i32 to vector<16xi32>
        %add3A_414 = arith.addi %mul3A_234, %add3A_413 : vector<16xi32>
        tpu.vector_store_idx %arg6[%shift_right_arithmetic3A_228, %add3A_414], %gather3A_411 masked %lt3A_225 : memref<512x128xf32, #tpu.memory_space<vmem>>[vector<16xi32>, vector<16xi32>], vector<16xf32>, vector<16xi1>
        %broadcast_in_dim3A_415 = arith.constant 30 : i32
        %broadcast_in_dim3A_416 = vector.broadcast %broadcast_in_dim3A_415 : i32 to vector<16xi32>
        %gather3A_417 = tpu.vector_load_idx %arg5[%broadcast_in_dim3A_416, %gather3A] masked %lt3A_225 : memref<64x512xf32, #tpu.memory_space<vmem>>[vector<16xi32>, vector<16xi32>], vector<16xf32>, vector<16xi1>
        %add3A_418 = arith.constant 30 : i32
        %add3A_419 = vector.broadcast %add3A_418 : i32 to vector<16xi32>
        %add3A_420 = arith.addi %mul3A_234, %add3A_419 : vector<16xi32>
        tpu.vector_store_idx %arg6[%shift_right_arithmetic3A_228, %add3A_420], %gather3A_417 masked %lt3A_225 : memref<512x128xf32, #tpu.memory_space<vmem>>[vector<16xi32>, vector<16xi32>], vector<16xf32>, vector<16xi1>
        %broadcast_in_dim3A_421 = arith.constant 31 : i32
        %broadcast_in_dim3A_422 = vector.broadcast %broadcast_in_dim3A_421 : i32 to vector<16xi32>
        %gather3A_423 = tpu.vector_load_idx %arg5[%broadcast_in_dim3A_422, %gather3A] masked %lt3A_225 : memref<64x512xf32, #tpu.memory_space<vmem>>[vector<16xi32>, vector<16xi32>], vector<16xf32>, vector<16xi1>
        %add3A_424 = arith.constant 31 : i32
        %add3A_425 = vector.broadcast %add3A_424 : i32 to vector<16xi32>
        %add3A_426 = arith.addi %mul3A_234, %add3A_425 : vector<16xi32>
        tpu.vector_store_idx %arg6[%shift_right_arithmetic3A_228, %add3A_426], %gather3A_423 masked %lt3A_225 : memref<512x128xf32, #tpu.memory_space<vmem>>[vector<16xi32>, vector<16xi32>], vector<16xf32>, vector<16xi1>
        %broadcast_in_dim3A_427 = arith.constant 32 : i32
        %broadcast_in_dim3A_428 = vector.broadcast %broadcast_in_dim3A_427 : i32 to vector<16xi32>
        %gather3A_429 = tpu.vector_load_idx %arg5[%broadcast_in_dim3A_428, %gather3A] masked %lt3A_225 : memref<64x512xf32, #tpu.memory_space<vmem>>[vector<16xi32>, vector<16xi32>], vector<16xf32>, vector<16xi1>
        %add3A_430 = arith.constant 32 : i32
        %add3A_431 = vector.broadcast %add3A_430 : i32 to vector<16xi32>
        %add3A_432 = arith.addi %mul3A_234, %add3A_431 : vector<16xi32>
        tpu.vector_store_idx %arg6[%shift_right_arithmetic3A_228, %add3A_432], %gather3A_429 masked %lt3A_225 : memref<512x128xf32, #tpu.memory_space<vmem>>[vector<16xi32>, vector<16xi32>], vector<16xf32>, vector<16xi1>
        %broadcast_in_dim3A_433 = arith.constant 33 : i32
        %broadcast_in_dim3A_434 = vector.broadcast %broadcast_in_dim3A_433 : i32 to vector<16xi32>
        %gather3A_435 = tpu.vector_load_idx %arg5[%broadcast_in_dim3A_434, %gather3A] masked %lt3A_225 : memref<64x512xf32, #tpu.memory_space<vmem>>[vector<16xi32>, vector<16xi32>], vector<16xf32>, vector<16xi1>
        %add3A_436 = arith.constant 33 : i32
        %add3A_437 = vector.broadcast %add3A_436 : i32 to vector<16xi32>
        %add3A_438 = arith.addi %mul3A_234, %add3A_437 : vector<16xi32>
        tpu.vector_store_idx %arg6[%shift_right_arithmetic3A_228, %add3A_438], %gather3A_435 masked %lt3A_225 : memref<512x128xf32, #tpu.memory_space<vmem>>[vector<16xi32>, vector<16xi32>], vector<16xf32>, vector<16xi1>
        %broadcast_in_dim3A_439 = arith.constant 34 : i32
        %broadcast_in_dim3A_440 = vector.broadcast %broadcast_in_dim3A_439 : i32 to vector<16xi32>
        %gather3A_441 = tpu.vector_load_idx %arg5[%broadcast_in_dim3A_440, %gather3A] masked %lt3A_225 : memref<64x512xf32, #tpu.memory_space<vmem>>[vector<16xi32>, vector<16xi32>], vector<16xf32>, vector<16xi1>
        %add3A_442 = arith.constant 34 : i32
        %add3A_443 = vector.broadcast %add3A_442 : i32 to vector<16xi32>
        %add3A_444 = arith.addi %mul3A_234, %add3A_443 : vector<16xi32>
        tpu.vector_store_idx %arg6[%shift_right_arithmetic3A_228, %add3A_444], %gather3A_441 masked %lt3A_225 : memref<512x128xf32, #tpu.memory_space<vmem>>[vector<16xi32>, vector<16xi32>], vector<16xf32>, vector<16xi1>
        %broadcast_in_dim3A_445 = arith.constant 35 : i32
        %broadcast_in_dim3A_446 = vector.broadcast %broadcast_in_dim3A_445 : i32 to vector<16xi32>
        %gather3A_447 = tpu.vector_load_idx %arg5[%broadcast_in_dim3A_446, %gather3A] masked %lt3A_225 : memref<64x512xf32, #tpu.memory_space<vmem>>[vector<16xi32>, vector<16xi32>], vector<16xf32>, vector<16xi1>
        %add3A_448 = arith.constant 35 : i32
        %add3A_449 = vector.broadcast %add3A_448 : i32 to vector<16xi32>
        %add3A_450 = arith.addi %mul3A_234, %add3A_449 : vector<16xi32>
        tpu.vector_store_idx %arg6[%shift_right_arithmetic3A_228, %add3A_450], %gather3A_447 masked %lt3A_225 : memref<512x128xf32, #tpu.memory_space<vmem>>[vector<16xi32>, vector<16xi32>], vector<16xf32>, vector<16xi1>
        %broadcast_in_dim3A_451 = arith.constant 36 : i32
        %broadcast_in_dim3A_452 = vector.broadcast %broadcast_in_dim3A_451 : i32 to vector<16xi32>
        %gather3A_453 = tpu.vector_load_idx %arg5[%broadcast_in_dim3A_452, %gather3A] masked %lt3A_225 : memref<64x512xf32, #tpu.memory_space<vmem>>[vector<16xi32>, vector<16xi32>], vector<16xf32>, vector<16xi1>
        %add3A_454 = arith.constant 36 : i32
        %add3A_455 = vector.broadcast %add3A_454 : i32 to vector<16xi32>
        %add3A_456 = arith.addi %mul3A_234, %add3A_455 : vector<16xi32>
        tpu.vector_store_idx %arg6[%shift_right_arithmetic3A_228, %add3A_456], %gather3A_453 masked %lt3A_225 : memref<512x128xf32, #tpu.memory_space<vmem>>[vector<16xi32>, vector<16xi32>], vector<16xf32>, vector<16xi1>
        %broadcast_in_dim3A_457 = arith.constant 37 : i32
        %broadcast_in_dim3A_458 = vector.broadcast %broadcast_in_dim3A_457 : i32 to vector<16xi32>
        %gather3A_459 = tpu.vector_load_idx %arg5[%broadcast_in_dim3A_458, %gather3A] masked %lt3A_225 : memref<64x512xf32, #tpu.memory_space<vmem>>[vector<16xi32>, vector<16xi32>], vector<16xf32>, vector<16xi1>
        %add3A_460 = arith.constant 37 : i32
        %add3A_461 = vector.broadcast %add3A_460 : i32 to vector<16xi32>
        %add3A_462 = arith.addi %mul3A_234, %add3A_461 : vector<16xi32>
        tpu.vector_store_idx %arg6[%shift_right_arithmetic3A_228, %add3A_462], %gather3A_459 masked %lt3A_225 : memref<512x128xf32, #tpu.memory_space<vmem>>[vector<16xi32>, vector<16xi32>], vector<16xf32>, vector<16xi1>
        %broadcast_in_dim3A_463 = arith.constant 38 : i32
        %broadcast_in_dim3A_464 = vector.broadcast %broadcast_in_dim3A_463 : i32 to vector<16xi32>
        %gather3A_465 = tpu.vector_load_idx %arg5[%broadcast_in_dim3A_464, %gather3A] masked %lt3A_225 : memref<64x512xf32, #tpu.memory_space<vmem>>[vector<16xi32>, vector<16xi32>], vector<16xf32>, vector<16xi1>
        %add3A_466 = arith.constant 38 : i32
        %add3A_467 = vector.broadcast %add3A_466 : i32 to vector<16xi32>
        %add3A_468 = arith.addi %mul3A_234, %add3A_467 : vector<16xi32>
        tpu.vector_store_idx %arg6[%shift_right_arithmetic3A_228, %add3A_468], %gather3A_465 masked %lt3A_225 : memref<512x128xf32, #tpu.memory_space<vmem>>[vector<16xi32>, vector<16xi32>], vector<16xf32>, vector<16xi1>
        %broadcast_in_dim3A_469 = arith.constant 39 : i32
        %broadcast_in_dim3A_470 = vector.broadcast %broadcast_in_dim3A_469 : i32 to vector<16xi32>
        %gather3A_471 = tpu.vector_load_idx %arg5[%broadcast_in_dim3A_470, %gather3A] masked %lt3A_225 : memref<64x512xf32, #tpu.memory_space<vmem>>[vector<16xi32>, vector<16xi32>], vector<16xf32>, vector<16xi1>
        %add3A_472 = arith.constant 39 : i32
        %add3A_473 = vector.broadcast %add3A_472 : i32 to vector<16xi32>
        %add3A_474 = arith.addi %mul3A_234, %add3A_473 : vector<16xi32>
        tpu.vector_store_idx %arg6[%shift_right_arithmetic3A_228, %add3A_474], %gather3A_471 masked %lt3A_225 : memref<512x128xf32, #tpu.memory_space<vmem>>[vector<16xi32>, vector<16xi32>], vector<16xf32>, vector<16xi1>
        %broadcast_in_dim3A_475 = arith.constant 40 : i32
        %broadcast_in_dim3A_476 = vector.broadcast %broadcast_in_dim3A_475 : i32 to vector<16xi32>
        %gather3A_477 = tpu.vector_load_idx %arg5[%broadcast_in_dim3A_476, %gather3A] masked %lt3A_225 : memref<64x512xf32, #tpu.memory_space<vmem>>[vector<16xi32>, vector<16xi32>], vector<16xf32>, vector<16xi1>
        %add3A_478 = arith.constant 40 : i32
        %add3A_479 = vector.broadcast %add3A_478 : i32 to vector<16xi32>
        %add3A_480 = arith.addi %mul3A_234, %add3A_479 : vector<16xi32>
        tpu.vector_store_idx %arg6[%shift_right_arithmetic3A_228, %add3A_480], %gather3A_477 masked %lt3A_225 : memref<512x128xf32, #tpu.memory_space<vmem>>[vector<16xi32>, vector<16xi32>], vector<16xf32>, vector<16xi1>
        %broadcast_in_dim3A_481 = arith.constant 41 : i32
        %broadcast_in_dim3A_482 = vector.broadcast %broadcast_in_dim3A_481 : i32 to vector<16xi32>
        %gather3A_483 = tpu.vector_load_idx %arg5[%broadcast_in_dim3A_482, %gather3A] masked %lt3A_225 : memref<64x512xf32, #tpu.memory_space<vmem>>[vector<16xi32>, vector<16xi32>], vector<16xf32>, vector<16xi1>
        %add3A_484 = arith.constant 41 : i32
        %add3A_485 = vector.broadcast %add3A_484 : i32 to vector<16xi32>
        %add3A_486 = arith.addi %mul3A_234, %add3A_485 : vector<16xi32>
        tpu.vector_store_idx %arg6[%shift_right_arithmetic3A_228, %add3A_486], %gather3A_483 masked %lt3A_225 : memref<512x128xf32, #tpu.memory_space<vmem>>[vector<16xi32>, vector<16xi32>], vector<16xf32>, vector<16xi1>
        %broadcast_in_dim3A_487 = arith.constant 42 : i32
        %broadcast_in_dim3A_488 = vector.broadcast %broadcast_in_dim3A_487 : i32 to vector<16xi32>
        %gather3A_489 = tpu.vector_load_idx %arg5[%broadcast_in_dim3A_488, %gather3A] masked %lt3A_225 : memref<64x512xf32, #tpu.memory_space<vmem>>[vector<16xi32>, vector<16xi32>], vector<16xf32>, vector<16xi1>
        %add3A_490 = arith.constant 42 : i32
        %add3A_491 = vector.broadcast %add3A_490 : i32 to vector<16xi32>
        %add3A_492 = arith.addi %mul3A_234, %add3A_491 : vector<16xi32>
        tpu.vector_store_idx %arg6[%shift_right_arithmetic3A_228, %add3A_492], %gather3A_489 masked %lt3A_225 : memref<512x128xf32, #tpu.memory_space<vmem>>[vector<16xi32>, vector<16xi32>], vector<16xf32>, vector<16xi1>
        %broadcast_in_dim3A_493 = arith.constant 43 : i32
        %broadcast_in_dim3A_494 = vector.broadcast %broadcast_in_dim3A_493 : i32 to vector<16xi32>
        %gather3A_495 = tpu.vector_load_idx %arg5[%broadcast_in_dim3A_494, %gather3A] masked %lt3A_225 : memref<64x512xf32, #tpu.memory_space<vmem>>[vector<16xi32>, vector<16xi32>], vector<16xf32>, vector<16xi1>
        %add3A_496 = arith.constant 43 : i32
        %add3A_497 = vector.broadcast %add3A_496 : i32 to vector<16xi32>
        %add3A_498 = arith.addi %mul3A_234, %add3A_497 : vector<16xi32>
        tpu.vector_store_idx %arg6[%shift_right_arithmetic3A_228, %add3A_498], %gather3A_495 masked %lt3A_225 : memref<512x128xf32, #tpu.memory_space<vmem>>[vector<16xi32>, vector<16xi32>], vector<16xf32>, vector<16xi1>
        %broadcast_in_dim3A_499 = arith.constant 44 : i32
        %broadcast_in_dim3A_500 = vector.broadcast %broadcast_in_dim3A_499 : i32 to vector<16xi32>
        %gather3A_501 = tpu.vector_load_idx %arg5[%broadcast_in_dim3A_500, %gather3A] masked %lt3A_225 : memref<64x512xf32, #tpu.memory_space<vmem>>[vector<16xi32>, vector<16xi32>], vector<16xf32>, vector<16xi1>
        %add3A_502 = arith.constant 44 : i32
        %add3A_503 = vector.broadcast %add3A_502 : i32 to vector<16xi32>
        %add3A_504 = arith.addi %mul3A_234, %add3A_503 : vector<16xi32>
        tpu.vector_store_idx %arg6[%shift_right_arithmetic3A_228, %add3A_504], %gather3A_501 masked %lt3A_225 : memref<512x128xf32, #tpu.memory_space<vmem>>[vector<16xi32>, vector<16xi32>], vector<16xf32>, vector<16xi1>
        %broadcast_in_dim3A_505 = arith.constant 45 : i32
        %broadcast_in_dim3A_506 = vector.broadcast %broadcast_in_dim3A_505 : i32 to vector<16xi32>
        %gather3A_507 = tpu.vector_load_idx %arg5[%broadcast_in_dim3A_506, %gather3A] masked %lt3A_225 : memref<64x512xf32, #tpu.memory_space<vmem>>[vector<16xi32>, vector<16xi32>], vector<16xf32>, vector<16xi1>
        %add3A_508 = arith.constant 45 : i32
        %add3A_509 = vector.broadcast %add3A_508 : i32 to vector<16xi32>
        %add3A_510 = arith.addi %mul3A_234, %add3A_509 : vector<16xi32>
        tpu.vector_store_idx %arg6[%shift_right_arithmetic3A_228, %add3A_510], %gather3A_507 masked %lt3A_225 : memref<512x128xf32, #tpu.memory_space<vmem>>[vector<16xi32>, vector<16xi32>], vector<16xf32>, vector<16xi1>
        %broadcast_in_dim3A_511 = arith.constant 46 : i32
        %broadcast_in_dim3A_512 = vector.broadcast %broadcast_in_dim3A_511 : i32 to vector<16xi32>
        %gather3A_513 = tpu.vector_load_idx %arg5[%broadcast_in_dim3A_512, %gather3A] masked %lt3A_225 : memref<64x512xf32, #tpu.memory_space<vmem>>[vector<16xi32>, vector<16xi32>], vector<16xf32>, vector<16xi1>
        %add3A_514 = arith.constant 46 : i32
        %add3A_515 = vector.broadcast %add3A_514 : i32 to vector<16xi32>
        %add3A_516 = arith.addi %mul3A_234, %add3A_515 : vector<16xi32>
        tpu.vector_store_idx %arg6[%shift_right_arithmetic3A_228, %add3A_516], %gather3A_513 masked %lt3A_225 : memref<512x128xf32, #tpu.memory_space<vmem>>[vector<16xi32>, vector<16xi32>], vector<16xf32>, vector<16xi1>
        %broadcast_in_dim3A_517 = arith.constant 47 : i32
        %broadcast_in_dim3A_518 = vector.broadcast %broadcast_in_dim3A_517 : i32 to vector<16xi32>
        %gather3A_519 = tpu.vector_load_idx %arg5[%broadcast_in_dim3A_518, %gather3A] masked %lt3A_225 : memref<64x512xf32, #tpu.memory_space<vmem>>[vector<16xi32>, vector<16xi32>], vector<16xf32>, vector<16xi1>
        %add3A_520 = arith.constant 47 : i32
        %add3A_521 = vector.broadcast %add3A_520 : i32 to vector<16xi32>
        %add3A_522 = arith.addi %mul3A_234, %add3A_521 : vector<16xi32>
        tpu.vector_store_idx %arg6[%shift_right_arithmetic3A_228, %add3A_522], %gather3A_519 masked %lt3A_225 : memref<512x128xf32, #tpu.memory_space<vmem>>[vector<16xi32>, vector<16xi32>], vector<16xf32>, vector<16xi1>
        %broadcast_in_dim3A_523 = arith.constant 48 : i32
        %broadcast_in_dim3A_524 = vector.broadcast %broadcast_in_dim3A_523 : i32 to vector<16xi32>
        %gather3A_525 = tpu.vector_load_idx %arg5[%broadcast_in_dim3A_524, %gather3A] masked %lt3A_225 : memref<64x512xf32, #tpu.memory_space<vmem>>[vector<16xi32>, vector<16xi32>], vector<16xf32>, vector<16xi1>
        %add3A_526 = arith.constant 48 : i32
        %add3A_527 = vector.broadcast %add3A_526 : i32 to vector<16xi32>
        %add3A_528 = arith.addi %mul3A_234, %add3A_527 : vector<16xi32>
        tpu.vector_store_idx %arg6[%shift_right_arithmetic3A_228, %add3A_528], %gather3A_525 masked %lt3A_225 : memref<512x128xf32, #tpu.memory_space<vmem>>[vector<16xi32>, vector<16xi32>], vector<16xf32>, vector<16xi1>
        %broadcast_in_dim3A_529 = arith.constant 49 : i32
        %broadcast_in_dim3A_530 = vector.broadcast %broadcast_in_dim3A_529 : i32 to vector<16xi32>
        %gather3A_531 = tpu.vector_load_idx %arg5[%broadcast_in_dim3A_530, %gather3A] masked %lt3A_225 : memref<64x512xf32, #tpu.memory_space<vmem>>[vector<16xi32>, vector<16xi32>], vector<16xf32>, vector<16xi1>
        %add3A_532 = arith.constant 49 : i32
        %add3A_533 = vector.broadcast %add3A_532 : i32 to vector<16xi32>
        %add3A_534 = arith.addi %mul3A_234, %add3A_533 : vector<16xi32>
        tpu.vector_store_idx %arg6[%shift_right_arithmetic3A_228, %add3A_534], %gather3A_531 masked %lt3A_225 : memref<512x128xf32, #tpu.memory_space<vmem>>[vector<16xi32>, vector<16xi32>], vector<16xf32>, vector<16xi1>
        %broadcast_in_dim3A_535 = arith.constant 50 : i32
        %broadcast_in_dim3A_536 = vector.broadcast %broadcast_in_dim3A_535 : i32 to vector<16xi32>
        %gather3A_537 = tpu.vector_load_idx %arg5[%broadcast_in_dim3A_536, %gather3A] masked %lt3A_225 : memref<64x512xf32, #tpu.memory_space<vmem>>[vector<16xi32>, vector<16xi32>], vector<16xf32>, vector<16xi1>
        %add3A_538 = arith.constant 50 : i32
        %add3A_539 = vector.broadcast %add3A_538 : i32 to vector<16xi32>
        %add3A_540 = arith.addi %mul3A_234, %add3A_539 : vector<16xi32>
        tpu.vector_store_idx %arg6[%shift_right_arithmetic3A_228, %add3A_540], %gather3A_537 masked %lt3A_225 : memref<512x128xf32, #tpu.memory_space<vmem>>[vector<16xi32>, vector<16xi32>], vector<16xf32>, vector<16xi1>
        %broadcast_in_dim3A_541 = arith.constant 51 : i32
        %broadcast_in_dim3A_542 = vector.broadcast %broadcast_in_dim3A_541 : i32 to vector<16xi32>
        %gather3A_543 = tpu.vector_load_idx %arg5[%broadcast_in_dim3A_542, %gather3A] masked %lt3A_225 : memref<64x512xf32, #tpu.memory_space<vmem>>[vector<16xi32>, vector<16xi32>], vector<16xf32>, vector<16xi1>
        %add3A_544 = arith.constant 51 : i32
        %add3A_545 = vector.broadcast %add3A_544 : i32 to vector<16xi32>
        %add3A_546 = arith.addi %mul3A_234, %add3A_545 : vector<16xi32>
        tpu.vector_store_idx %arg6[%shift_right_arithmetic3A_228, %add3A_546], %gather3A_543 masked %lt3A_225 : memref<512x128xf32, #tpu.memory_space<vmem>>[vector<16xi32>, vector<16xi32>], vector<16xf32>, vector<16xi1>
        %broadcast_in_dim3A_547 = arith.constant 52 : i32
        %broadcast_in_dim3A_548 = vector.broadcast %broadcast_in_dim3A_547 : i32 to vector<16xi32>
        %gather3A_549 = tpu.vector_load_idx %arg5[%broadcast_in_dim3A_548, %gather3A] masked %lt3A_225 : memref<64x512xf32, #tpu.memory_space<vmem>>[vector<16xi32>, vector<16xi32>], vector<16xf32>, vector<16xi1>
        %add3A_550 = arith.constant 52 : i32
        %add3A_551 = vector.broadcast %add3A_550 : i32 to vector<16xi32>
        %add3A_552 = arith.addi %mul3A_234, %add3A_551 : vector<16xi32>
        tpu.vector_store_idx %arg6[%shift_right_arithmetic3A_228, %add3A_552], %gather3A_549 masked %lt3A_225 : memref<512x128xf32, #tpu.memory_space<vmem>>[vector<16xi32>, vector<16xi32>], vector<16xf32>, vector<16xi1>
        %broadcast_in_dim3A_553 = arith.constant 53 : i32
        %broadcast_in_dim3A_554 = vector.broadcast %broadcast_in_dim3A_553 : i32 to vector<16xi32>
        %gather3A_555 = tpu.vector_load_idx %arg5[%broadcast_in_dim3A_554, %gather3A] masked %lt3A_225 : memref<64x512xf32, #tpu.memory_space<vmem>>[vector<16xi32>, vector<16xi32>], vector<16xf32>, vector<16xi1>
        %add3A_556 = arith.constant 53 : i32
        %add3A_557 = vector.broadcast %add3A_556 : i32 to vector<16xi32>
        %add3A_558 = arith.addi %mul3A_234, %add3A_557 : vector<16xi32>
        tpu.vector_store_idx %arg6[%shift_right_arithmetic3A_228, %add3A_558], %gather3A_555 masked %lt3A_225 : memref<512x128xf32, #tpu.memory_space<vmem>>[vector<16xi32>, vector<16xi32>], vector<16xf32>, vector<16xi1>
        %broadcast_in_dim3A_559 = arith.constant 54 : i32
        %broadcast_in_dim3A_560 = vector.broadcast %broadcast_in_dim3A_559 : i32 to vector<16xi32>
        %gather3A_561 = tpu.vector_load_idx %arg5[%broadcast_in_dim3A_560, %gather3A] masked %lt3A_225 : memref<64x512xf32, #tpu.memory_space<vmem>>[vector<16xi32>, vector<16xi32>], vector<16xf32>, vector<16xi1>
        %add3A_562 = arith.constant 54 : i32
        %add3A_563 = vector.broadcast %add3A_562 : i32 to vector<16xi32>
        %add3A_564 = arith.addi %mul3A_234, %add3A_563 : vector<16xi32>
        tpu.vector_store_idx %arg6[%shift_right_arithmetic3A_228, %add3A_564], %gather3A_561 masked %lt3A_225 : memref<512x128xf32, #tpu.memory_space<vmem>>[vector<16xi32>, vector<16xi32>], vector<16xf32>, vector<16xi1>
        %broadcast_in_dim3A_565 = arith.constant 55 : i32
        %broadcast_in_dim3A_566 = vector.broadcast %broadcast_in_dim3A_565 : i32 to vector<16xi32>
        %gather3A_567 = tpu.vector_load_idx %arg5[%broadcast_in_dim3A_566, %gather3A] masked %lt3A_225 : memref<64x512xf32, #tpu.memory_space<vmem>>[vector<16xi32>, vector<16xi32>], vector<16xf32>, vector<16xi1>
        %add3A_568 = arith.constant 55 : i32
        %add3A_569 = vector.broadcast %add3A_568 : i32 to vector<16xi32>
        %add3A_570 = arith.addi %mul3A_234, %add3A_569 : vector<16xi32>
        tpu.vector_store_idx %arg6[%shift_right_arithmetic3A_228, %add3A_570], %gather3A_567 masked %lt3A_225 : memref<512x128xf32, #tpu.memory_space<vmem>>[vector<16xi32>, vector<16xi32>], vector<16xf32>, vector<16xi1>
        %broadcast_in_dim3A_571 = arith.constant 56 : i32
        %broadcast_in_dim3A_572 = vector.broadcast %broadcast_in_dim3A_571 : i32 to vector<16xi32>
        %gather3A_573 = tpu.vector_load_idx %arg5[%broadcast_in_dim3A_572, %gather3A] masked %lt3A_225 : memref<64x512xf32, #tpu.memory_space<vmem>>[vector<16xi32>, vector<16xi32>], vector<16xf32>, vector<16xi1>
        %add3A_574 = arith.constant 56 : i32
        %add3A_575 = vector.broadcast %add3A_574 : i32 to vector<16xi32>
        %add3A_576 = arith.addi %mul3A_234, %add3A_575 : vector<16xi32>
        tpu.vector_store_idx %arg6[%shift_right_arithmetic3A_228, %add3A_576], %gather3A_573 masked %lt3A_225 : memref<512x128xf32, #tpu.memory_space<vmem>>[vector<16xi32>, vector<16xi32>], vector<16xf32>, vector<16xi1>
        %broadcast_in_dim3A_577 = arith.constant 57 : i32
        %broadcast_in_dim3A_578 = vector.broadcast %broadcast_in_dim3A_577 : i32 to vector<16xi32>
        %gather3A_579 = tpu.vector_load_idx %arg5[%broadcast_in_dim3A_578, %gather3A] masked %lt3A_225 : memref<64x512xf32, #tpu.memory_space<vmem>>[vector<16xi32>, vector<16xi32>], vector<16xf32>, vector<16xi1>
        %add3A_580 = arith.constant 57 : i32
        %add3A_581 = vector.broadcast %add3A_580 : i32 to vector<16xi32>
        %add3A_582 = arith.addi %mul3A_234, %add3A_581 : vector<16xi32>
        tpu.vector_store_idx %arg6[%shift_right_arithmetic3A_228, %add3A_582], %gather3A_579 masked %lt3A_225 : memref<512x128xf32, #tpu.memory_space<vmem>>[vector<16xi32>, vector<16xi32>], vector<16xf32>, vector<16xi1>
        %broadcast_in_dim3A_583 = arith.constant 58 : i32
        %broadcast_in_dim3A_584 = vector.broadcast %broadcast_in_dim3A_583 : i32 to vector<16xi32>
        %gather3A_585 = tpu.vector_load_idx %arg5[%broadcast_in_dim3A_584, %gather3A] masked %lt3A_225 : memref<64x512xf32, #tpu.memory_space<vmem>>[vector<16xi32>, vector<16xi32>], vector<16xf32>, vector<16xi1>
        %add3A_586 = arith.constant 58 : i32
        %add3A_587 = vector.broadcast %add3A_586 : i32 to vector<16xi32>
        %add3A_588 = arith.addi %mul3A_234, %add3A_587 : vector<16xi32>
        tpu.vector_store_idx %arg6[%shift_right_arithmetic3A_228, %add3A_588], %gather3A_585 masked %lt3A_225 : memref<512x128xf32, #tpu.memory_space<vmem>>[vector<16xi32>, vector<16xi32>], vector<16xf32>, vector<16xi1>
        %broadcast_in_dim3A_589 = arith.constant 59 : i32
        %broadcast_in_dim3A_590 = vector.broadcast %broadcast_in_dim3A_589 : i32 to vector<16xi32>
        %gather3A_591 = tpu.vector_load_idx %arg5[%broadcast_in_dim3A_590, %gather3A] masked %lt3A_225 : memref<64x512xf32, #tpu.memory_space<vmem>>[vector<16xi32>, vector<16xi32>], vector<16xf32>, vector<16xi1>
        %add3A_592 = arith.constant 59 : i32
        %add3A_593 = vector.broadcast %add3A_592 : i32 to vector<16xi32>
        %add3A_594 = arith.addi %mul3A_234, %add3A_593 : vector<16xi32>
        tpu.vector_store_idx %arg6[%shift_right_arithmetic3A_228, %add3A_594], %gather3A_591 masked %lt3A_225 : memref<512x128xf32, #tpu.memory_space<vmem>>[vector<16xi32>, vector<16xi32>], vector<16xf32>, vector<16xi1>
        %broadcast_in_dim3A_595 = arith.constant 60 : i32
        %broadcast_in_dim3A_596 = vector.broadcast %broadcast_in_dim3A_595 : i32 to vector<16xi32>
        %gather3A_597 = tpu.vector_load_idx %arg5[%broadcast_in_dim3A_596, %gather3A] masked %lt3A_225 : memref<64x512xf32, #tpu.memory_space<vmem>>[vector<16xi32>, vector<16xi32>], vector<16xf32>, vector<16xi1>
        %add3A_598 = arith.constant 60 : i32
        %add3A_599 = vector.broadcast %add3A_598 : i32 to vector<16xi32>
        %add3A_600 = arith.addi %mul3A_234, %add3A_599 : vector<16xi32>
        tpu.vector_store_idx %arg6[%shift_right_arithmetic3A_228, %add3A_600], %gather3A_597 masked %lt3A_225 : memref<512x128xf32, #tpu.memory_space<vmem>>[vector<16xi32>, vector<16xi32>], vector<16xf32>, vector<16xi1>
        %broadcast_in_dim3A_601 = arith.constant 61 : i32
        %broadcast_in_dim3A_602 = vector.broadcast %broadcast_in_dim3A_601 : i32 to vector<16xi32>
        %gather3A_603 = tpu.vector_load_idx %arg5[%broadcast_in_dim3A_602, %gather3A] masked %lt3A_225 : memref<64x512xf32, #tpu.memory_space<vmem>>[vector<16xi32>, vector<16xi32>], vector<16xf32>, vector<16xi1>
        %add3A_604 = arith.constant 61 : i32
        %add3A_605 = vector.broadcast %add3A_604 : i32 to vector<16xi32>
        %add3A_606 = arith.addi %mul3A_234, %add3A_605 : vector<16xi32>
        tpu.vector_store_idx %arg6[%shift_right_arithmetic3A_228, %add3A_606], %gather3A_603 masked %lt3A_225 : memref<512x128xf32, #tpu.memory_space<vmem>>[vector<16xi32>, vector<16xi32>], vector<16xf32>, vector<16xi1>
        %broadcast_in_dim3A_607 = arith.constant 62 : i32
        %broadcast_in_dim3A_608 = vector.broadcast %broadcast_in_dim3A_607 : i32 to vector<16xi32>
        %gather3A_609 = tpu.vector_load_idx %arg5[%broadcast_in_dim3A_608, %gather3A] masked %lt3A_225 : memref<64x512xf32, #tpu.memory_space<vmem>>[vector<16xi32>, vector<16xi32>], vector<16xf32>, vector<16xi1>
        %add3A_610 = arith.constant 62 : i32
        %add3A_611 = vector.broadcast %add3A_610 : i32 to vector<16xi32>
        %add3A_612 = arith.addi %mul3A_234, %add3A_611 : vector<16xi32>
        tpu.vector_store_idx %arg6[%shift_right_arithmetic3A_228, %add3A_612], %gather3A_609 masked %lt3A_225 : memref<512x128xf32, #tpu.memory_space<vmem>>[vector<16xi32>, vector<16xi32>], vector<16xf32>, vector<16xi1>
        %broadcast_in_dim3A_613 = arith.constant 63 : i32
        %broadcast_in_dim3A_614 = vector.broadcast %broadcast_in_dim3A_613 : i32 to vector<16xi32>
        %gather3A_615 = tpu.vector_load_idx %arg5[%broadcast_in_dim3A_614, %gather3A] masked %lt3A_225 : memref<64x512xf32, #tpu.memory_space<vmem>>[vector<16xi32>, vector<16xi32>], vector<16xf32>, vector<16xi1>
        %add3A_616 = arith.constant 63 : i32
        %add3A_617 = vector.broadcast %add3A_616 : i32 to vector<16xi32>
        %add3A_618 = arith.addi %mul3A_234, %add3A_617 : vector<16xi32>
        tpu.vector_store_idx %arg6[%shift_right_arithmetic3A_228, %add3A_618], %gather3A_615 masked %lt3A_225 : memref<512x128xf32, #tpu.memory_space<vmem>>[vector<16xi32>, vector<16xi32>], vector<16xf32>, vector<16xi1>
      }
      %while3A_217 = arith.constant 1 : i32
      scf.for %while3A_218 = %while3A_215 to %while3A_211 step %while3A_217  : i32 {
        %mul3A_219 = arith.constant 16 : i32
        %mul3A_220 = arith.muli %while3A_218, %mul3A_219 : i32
        %add3A_221 = arith.addi %reduce_sum3A_174, %mul3A_220 : i32
        %add3A_222 = vector.broadcast %add3A_221 : i32 to vector<16xi32>
        %add3A_223 = arith.addi %add3A_222, %iota3A : vector<16xi32>
        %lt3A_224 = vector.broadcast %reduce_sum3A_181 : i32 to vector<16xi32>
        %lt3A_225 = arith.cmpi slt, %add3A_223, %lt3A_224 : vector<16xi32>
        %gather3A = tpu.vector_load_idx %arg8[%add3A_223] masked %lt3A_225 : memref<1024xi32, #tpu.memory_space<vmem>>[vector<16xi32>], vector<16xi32>, vector<16xi1>
        %gather3A_226 = tpu.vector_load_idx %arg9[%add3A_223] masked %lt3A_225 : memref<1024xi32, #tpu.memory_space<vmem>>[vector<16xi32>], vector<16xi32>, vector<16xi1>
        %shift_right_arithmetic3A = arith.constant 1 : i32
        %shift_right_arithmetic3A_227 = vector.broadcast %shift_right_arithmetic3A : i32 to vector<16xi32>
        %shift_right_arithmetic3A_228 = arith.shrsi %gather3A_226, %shift_right_arithmetic3A_227 : vector<16xi32>
        %and3A_229 = arith.constant 1 : i32
        %and3A_230 = vector.broadcast %and3A_229 : i32 to vector<16xi32>
        %and3A_231 = arith.andi %gather3A_226, %and3A_230 : vector<16xi32>
        %mul3A_232 = arith.constant 64 : i32
        %mul3A_233 = vector.broadcast %mul3A_232 : i32 to vector<16xi32>
        %mul3A_234 = arith.muli %and3A_231, %mul3A_233 : vector<16xi32>
        %broadcast_in_dim3A_235 = arith.constant 0 : i32
        %broadcast_in_dim3A_236 = vector.broadcast %broadcast_in_dim3A_235 : i32 to vector<16xi32>
        %gather3A_237 = tpu.vector_load_idx %arg5[%broadcast_in_dim3A_236, %gather3A] masked %lt3A_225 : memref<64x512xf32, #tpu.memory_space<vmem>>[vector<16xi32>, vector<16xi32>], vector<16xf32>, vector<16xi1>
        %add3A_238 = arith.constant 0 : i32
        %add3A_239 = vector.broadcast %add3A_238 : i32 to vector<16xi32>
        %add3A_240 = arith.addi %mul3A_234, %add3A_239 : vector<16xi32>
        tpu.vector_store_idx %arg6[%shift_right_arithmetic3A_228, %add3A_240], %gather3A_237 masked %lt3A_225 : memref<512x128xf32, #tpu.memory_space<vmem>>[vector<16xi32>, vector<16xi32>], vector<16xf32>, vector<16xi1>
        %broadcast_in_dim3A_241 = arith.constant 1 : i32
        %broadcast_in_dim3A_242 = vector.broadcast %broadcast_in_dim3A_241 : i32 to vector<16xi32>
        %gather3A_243 = tpu.vector_load_idx %arg5[%broadcast_in_dim3A_242, %gather3A] masked %lt3A_225 : memref<64x512xf32, #tpu.memory_space<vmem>>[vector<16xi32>, vector<16xi32>], vector<16xf32>, vector<16xi1>
        %add3A_244 = arith.constant 1 : i32
        %add3A_245 = vector.broadcast %add3A_244 : i32 to vector<16xi32>
        %add3A_246 = arith.addi %mul3A_234, %add3A_245 : vector<16xi32>
        tpu.vector_store_idx %arg6[%shift_right_arithmetic3A_228, %add3A_246], %gather3A_243 masked %lt3A_225 : memref<512x128xf32, #tpu.memory_space<vmem>>[vector<16xi32>, vector<16xi32>], vector<16xf32>, vector<16xi1>
        %broadcast_in_dim3A_247 = arith.constant 2 : i32
        %broadcast_in_dim3A_248 = vector.broadcast %broadcast_in_dim3A_247 : i32 to vector<16xi32>
        %gather3A_249 = tpu.vector_load_idx %arg5[%broadcast_in_dim3A_248, %gather3A] masked %lt3A_225 : memref<64x512xf32, #tpu.memory_space<vmem>>[vector<16xi32>, vector<16xi32>], vector<16xf32>, vector<16xi1>
        %add3A_250 = arith.constant 2 : i32
        %add3A_251 = vector.broadcast %add3A_250 : i32 to vector<16xi32>
        %add3A_252 = arith.addi %mul3A_234, %add3A_251 : vector<16xi32>
        tpu.vector_store_idx %arg6[%shift_right_arithmetic3A_228, %add3A_252], %gather3A_249 masked %lt3A_225 : memref<512x128xf32, #tpu.memory_space<vmem>>[vector<16xi32>, vector<16xi32>], vector<16xf32>, vector<16xi1>
        %broadcast_in_dim3A_253 = arith.constant 3 : i32
        %broadcast_in_dim3A_254 = vector.broadcast %broadcast_in_dim3A_253 : i32 to vector<16xi32>
        %gather3A_255 = tpu.vector_load_idx %arg5[%broadcast_in_dim3A_254, %gather3A] masked %lt3A_225 : memref<64x512xf32, #tpu.memory_space<vmem>>[vector<16xi32>, vector<16xi32>], vector<16xf32>, vector<16xi1>
        %add3A_256 = arith.constant 3 : i32
        %add3A_257 = vector.broadcast %add3A_256 : i32 to vector<16xi32>
        %add3A_258 = arith.addi %mul3A_234, %add3A_257 : vector<16xi32>
        tpu.vector_store_idx %arg6[%shift_right_arithmetic3A_228, %add3A_258], %gather3A_255 masked %lt3A_225 : memref<512x128xf32, #tpu.memory_space<vmem>>[vector<16xi32>, vector<16xi32>], vector<16xf32>, vector<16xi1>
        %broadcast_in_dim3A_259 = arith.constant 4 : i32
        %broadcast_in_dim3A_260 = vector.broadcast %broadcast_in_dim3A_259 : i32 to vector<16xi32>
        %gather3A_261 = tpu.vector_load_idx %arg5[%broadcast_in_dim3A_260, %gather3A] masked %lt3A_225 : memref<64x512xf32, #tpu.memory_space<vmem>>[vector<16xi32>, vector<16xi32>], vector<16xf32>, vector<16xi1>
        %add3A_262 = arith.constant 4 : i32
        %add3A_263 = vector.broadcast %add3A_262 : i32 to vector<16xi32>
        %add3A_264 = arith.addi %mul3A_234, %add3A_263 : vector<16xi32>
        tpu.vector_store_idx %arg6[%shift_right_arithmetic3A_228, %add3A_264], %gather3A_261 masked %lt3A_225 : memref<512x128xf32, #tpu.memory_space<vmem>>[vector<16xi32>, vector<16xi32>], vector<16xf32>, vector<16xi1>
        %broadcast_in_dim3A_265 = arith.constant 5 : i32
        %broadcast_in_dim3A_266 = vector.broadcast %broadcast_in_dim3A_265 : i32 to vector<16xi32>
        %gather3A_267 = tpu.vector_load_idx %arg5[%broadcast_in_dim3A_266, %gather3A] masked %lt3A_225 : memref<64x512xf32, #tpu.memory_space<vmem>>[vector<16xi32>, vector<16xi32>], vector<16xf32>, vector<16xi1>
        %add3A_268 = arith.constant 5 : i32
        %add3A_269 = vector.broadcast %add3A_268 : i32 to vector<16xi32>
        %add3A_270 = arith.addi %mul3A_234, %add3A_269 : vector<16xi32>
        tpu.vector_store_idx %arg6[%shift_right_arithmetic3A_228, %add3A_270], %gather3A_267 masked %lt3A_225 : memref<512x128xf32, #tpu.memory_space<vmem>>[vector<16xi32>, vector<16xi32>], vector<16xf32>, vector<16xi1>
        %broadcast_in_dim3A_271 = arith.constant 6 : i32
        %broadcast_in_dim3A_272 = vector.broadcast %broadcast_in_dim3A_271 : i32 to vector<16xi32>
        %gather3A_273 = tpu.vector_load_idx %arg5[%broadcast_in_dim3A_272, %gather3A] masked %lt3A_225 : memref<64x512xf32, #tpu.memory_space<vmem>>[vector<16xi32>, vector<16xi32>], vector<16xf32>, vector<16xi1>
        %add3A_274 = arith.constant 6 : i32
        %add3A_275 = vector.broadcast %add3A_274 : i32 to vector<16xi32>
        %add3A_276 = arith.addi %mul3A_234, %add3A_275 : vector<16xi32>
        tpu.vector_store_idx %arg6[%shift_right_arithmetic3A_228, %add3A_276], %gather3A_273 masked %lt3A_225 : memref<512x128xf32, #tpu.memory_space<vmem>>[vector<16xi32>, vector<16xi32>], vector<16xf32>, vector<16xi1>
        %broadcast_in_dim3A_277 = arith.constant 7 : i32
        %broadcast_in_dim3A_278 = vector.broadcast %broadcast_in_dim3A_277 : i32 to vector<16xi32>
        %gather3A_279 = tpu.vector_load_idx %arg5[%broadcast_in_dim3A_278, %gather3A] masked %lt3A_225 : memref<64x512xf32, #tpu.memory_space<vmem>>[vector<16xi32>, vector<16xi32>], vector<16xf32>, vector<16xi1>
        %add3A_280 = arith.constant 7 : i32
        %add3A_281 = vector.broadcast %add3A_280 : i32 to vector<16xi32>
        %add3A_282 = arith.addi %mul3A_234, %add3A_281 : vector<16xi32>
        tpu.vector_store_idx %arg6[%shift_right_arithmetic3A_228, %add3A_282], %gather3A_279 masked %lt3A_225 : memref<512x128xf32, #tpu.memory_space<vmem>>[vector<16xi32>, vector<16xi32>], vector<16xf32>, vector<16xi1>
        %broadcast_in_dim3A_283 = arith.constant 8 : i32
        %broadcast_in_dim3A_284 = vector.broadcast %broadcast_in_dim3A_283 : i32 to vector<16xi32>
        %gather3A_285 = tpu.vector_load_idx %arg5[%broadcast_in_dim3A_284, %gather3A] masked %lt3A_225 : memref<64x512xf32, #tpu.memory_space<vmem>>[vector<16xi32>, vector<16xi32>], vector<16xf32>, vector<16xi1>
        %add3A_286 = arith.constant 8 : i32
        %add3A_287 = vector.broadcast %add3A_286 : i32 to vector<16xi32>
        %add3A_288 = arith.addi %mul3A_234, %add3A_287 : vector<16xi32>
        tpu.vector_store_idx %arg6[%shift_right_arithmetic3A_228, %add3A_288], %gather3A_285 masked %lt3A_225 : memref<512x128xf32, #tpu.memory_space<vmem>>[vector<16xi32>, vector<16xi32>], vector<16xf32>, vector<16xi1>
        %broadcast_in_dim3A_289 = arith.constant 9 : i32
        %broadcast_in_dim3A_290 = vector.broadcast %broadcast_in_dim3A_289 : i32 to vector<16xi32>
        %gather3A_291 = tpu.vector_load_idx %arg5[%broadcast_in_dim3A_290, %gather3A] masked %lt3A_225 : memref<64x512xf32, #tpu.memory_space<vmem>>[vector<16xi32>, vector<16xi32>], vector<16xf32>, vector<16xi1>
        %add3A_292 = arith.constant 9 : i32
        %add3A_293 = vector.broadcast %add3A_292 : i32 to vector<16xi32>
        %add3A_294 = arith.addi %mul3A_234, %add3A_293 : vector<16xi32>
        tpu.vector_store_idx %arg6[%shift_right_arithmetic3A_228, %add3A_294], %gather3A_291 masked %lt3A_225 : memref<512x128xf32, #tpu.memory_space<vmem>>[vector<16xi32>, vector<16xi32>], vector<16xf32>, vector<16xi1>
        %broadcast_in_dim3A_295 = arith.constant 10 : i32
        %broadcast_in_dim3A_296 = vector.broadcast %broadcast_in_dim3A_295 : i32 to vector<16xi32>
        %gather3A_297 = tpu.vector_load_idx %arg5[%broadcast_in_dim3A_296, %gather3A] masked %lt3A_225 : memref<64x512xf32, #tpu.memory_space<vmem>>[vector<16xi32>, vector<16xi32>], vector<16xf32>, vector<16xi1>
        %add3A_298 = arith.constant 10 : i32
        %add3A_299 = vector.broadcast %add3A_298 : i32 to vector<16xi32>
        %add3A_300 = arith.addi %mul3A_234, %add3A_299 : vector<16xi32>
        tpu.vector_store_idx %arg6[%shift_right_arithmetic3A_228, %add3A_300], %gather3A_297 masked %lt3A_225 : memref<512x128xf32, #tpu.memory_space<vmem>>[vector<16xi32>, vector<16xi32>], vector<16xf32>, vector<16xi1>
        %broadcast_in_dim3A_301 = arith.constant 11 : i32
        %broadcast_in_dim3A_302 = vector.broadcast %broadcast_in_dim3A_301 : i32 to vector<16xi32>
        %gather3A_303 = tpu.vector_load_idx %arg5[%broadcast_in_dim3A_302, %gather3A] masked %lt3A_225 : memref<64x512xf32, #tpu.memory_space<vmem>>[vector<16xi32>, vector<16xi32>], vector<16xf32>, vector<16xi1>
        %add3A_304 = arith.constant 11 : i32
        %add3A_305 = vector.broadcast %add3A_304 : i32 to vector<16xi32>
        %add3A_306 = arith.addi %mul3A_234, %add3A_305 : vector<16xi32>
        tpu.vector_store_idx %arg6[%shift_right_arithmetic3A_228, %add3A_306], %gather3A_303 masked %lt3A_225 : memref<512x128xf32, #tpu.memory_space<vmem>>[vector<16xi32>, vector<16xi32>], vector<16xf32>, vector<16xi1>
        %broadcast_in_dim3A_307 = arith.constant 12 : i32
        %broadcast_in_dim3A_308 = vector.broadcast %broadcast_in_dim3A_307 : i32 to vector<16xi32>
        %gather3A_309 = tpu.vector_load_idx %arg5[%broadcast_in_dim3A_308, %gather3A] masked %lt3A_225 : memref<64x512xf32, #tpu.memory_space<vmem>>[vector<16xi32>, vector<16xi32>], vector<16xf32>, vector<16xi1>
        %add3A_310 = arith.constant 12 : i32
        %add3A_311 = vector.broadcast %add3A_310 : i32 to vector<16xi32>
        %add3A_312 = arith.addi %mul3A_234, %add3A_311 : vector<16xi32>
        tpu.vector_store_idx %arg6[%shift_right_arithmetic3A_228, %add3A_312], %gather3A_309 masked %lt3A_225 : memref<512x128xf32, #tpu.memory_space<vmem>>[vector<16xi32>, vector<16xi32>], vector<16xf32>, vector<16xi1>
        %broadcast_in_dim3A_313 = arith.constant 13 : i32
        %broadcast_in_dim3A_314 = vector.broadcast %broadcast_in_dim3A_313 : i32 to vector<16xi32>
        %gather3A_315 = tpu.vector_load_idx %arg5[%broadcast_in_dim3A_314, %gather3A] masked %lt3A_225 : memref<64x512xf32, #tpu.memory_space<vmem>>[vector<16xi32>, vector<16xi32>], vector<16xf32>, vector<16xi1>
        %add3A_316 = arith.constant 13 : i32
        %add3A_317 = vector.broadcast %add3A_316 : i32 to vector<16xi32>
        %add3A_318 = arith.addi %mul3A_234, %add3A_317 : vector<16xi32>
        tpu.vector_store_idx %arg6[%shift_right_arithmetic3A_228, %add3A_318], %gather3A_315 masked %lt3A_225 : memref<512x128xf32, #tpu.memory_space<vmem>>[vector<16xi32>, vector<16xi32>], vector<16xf32>, vector<16xi1>
        %broadcast_in_dim3A_319 = arith.constant 14 : i32
        %broadcast_in_dim3A_320 = vector.broadcast %broadcast_in_dim3A_319 : i32 to vector<16xi32>
        %gather3A_321 = tpu.vector_load_idx %arg5[%broadcast_in_dim3A_320, %gather3A] masked %lt3A_225 : memref<64x512xf32, #tpu.memory_space<vmem>>[vector<16xi32>, vector<16xi32>], vector<16xf32>, vector<16xi1>
        %add3A_322 = arith.constant 14 : i32
        %add3A_323 = vector.broadcast %add3A_322 : i32 to vector<16xi32>
        %add3A_324 = arith.addi %mul3A_234, %add3A_323 : vector<16xi32>
        tpu.vector_store_idx %arg6[%shift_right_arithmetic3A_228, %add3A_324], %gather3A_321 masked %lt3A_225 : memref<512x128xf32, #tpu.memory_space<vmem>>[vector<16xi32>, vector<16xi32>], vector<16xf32>, vector<16xi1>
        %broadcast_in_dim3A_325 = arith.constant 15 : i32
        %broadcast_in_dim3A_326 = vector.broadcast %broadcast_in_dim3A_325 : i32 to vector<16xi32>
        %gather3A_327 = tpu.vector_load_idx %arg5[%broadcast_in_dim3A_326, %gather3A] masked %lt3A_225 : memref<64x512xf32, #tpu.memory_space<vmem>>[vector<16xi32>, vector<16xi32>], vector<16xf32>, vector<16xi1>
        %add3A_328 = arith.constant 15 : i32
        %add3A_329 = vector.broadcast %add3A_328 : i32 to vector<16xi32>
        %add3A_330 = arith.addi %mul3A_234, %add3A_329 : vector<16xi32>
        tpu.vector_store_idx %arg6[%shift_right_arithmetic3A_228, %add3A_330], %gather3A_327 masked %lt3A_225 : memref<512x128xf32, #tpu.memory_space<vmem>>[vector<16xi32>, vector<16xi32>], vector<16xf32>, vector<16xi1>
        %broadcast_in_dim3A_331 = arith.constant 16 : i32
        %broadcast_in_dim3A_332 = vector.broadcast %broadcast_in_dim3A_331 : i32 to vector<16xi32>
        %gather3A_333 = tpu.vector_load_idx %arg5[%broadcast_in_dim3A_332, %gather3A] masked %lt3A_225 : memref<64x512xf32, #tpu.memory_space<vmem>>[vector<16xi32>, vector<16xi32>], vector<16xf32>, vector<16xi1>
        %add3A_334 = arith.constant 16 : i32
        %add3A_335 = vector.broadcast %add3A_334 : i32 to vector<16xi32>
        %add3A_336 = arith.addi %mul3A_234, %add3A_335 : vector<16xi32>
        tpu.vector_store_idx %arg6[%shift_right_arithmetic3A_228, %add3A_336], %gather3A_333 masked %lt3A_225 : memref<512x128xf32, #tpu.memory_space<vmem>>[vector<16xi32>, vector<16xi32>], vector<16xf32>, vector<16xi1>
        %broadcast_in_dim3A_337 = arith.constant 17 : i32
        %broadcast_in_dim3A_338 = vector.broadcast %broadcast_in_dim3A_337 : i32 to vector<16xi32>
        %gather3A_339 = tpu.vector_load_idx %arg5[%broadcast_in_dim3A_338, %gather3A] masked %lt3A_225 : memref<64x512xf32, #tpu.memory_space<vmem>>[vector<16xi32>, vector<16xi32>], vector<16xf32>, vector<16xi1>
        %add3A_340 = arith.constant 17 : i32
        %add3A_341 = vector.broadcast %add3A_340 : i32 to vector<16xi32>
        %add3A_342 = arith.addi %mul3A_234, %add3A_341 : vector<16xi32>
        tpu.vector_store_idx %arg6[%shift_right_arithmetic3A_228, %add3A_342], %gather3A_339 masked %lt3A_225 : memref<512x128xf32, #tpu.memory_space<vmem>>[vector<16xi32>, vector<16xi32>], vector<16xf32>, vector<16xi1>
        %broadcast_in_dim3A_343 = arith.constant 18 : i32
        %broadcast_in_dim3A_344 = vector.broadcast %broadcast_in_dim3A_343 : i32 to vector<16xi32>
        %gather3A_345 = tpu.vector_load_idx %arg5[%broadcast_in_dim3A_344, %gather3A] masked %lt3A_225 : memref<64x512xf32, #tpu.memory_space<vmem>>[vector<16xi32>, vector<16xi32>], vector<16xf32>, vector<16xi1>
        %add3A_346 = arith.constant 18 : i32
        %add3A_347 = vector.broadcast %add3A_346 : i32 to vector<16xi32>
        %add3A_348 = arith.addi %mul3A_234, %add3A_347 : vector<16xi32>
        tpu.vector_store_idx %arg6[%shift_right_arithmetic3A_228, %add3A_348], %gather3A_345 masked %lt3A_225 : memref<512x128xf32, #tpu.memory_space<vmem>>[vector<16xi32>, vector<16xi32>], vector<16xf32>, vector<16xi1>
        %broadcast_in_dim3A_349 = arith.constant 19 : i32
        %broadcast_in_dim3A_350 = vector.broadcast %broadcast_in_dim3A_349 : i32 to vector<16xi32>
        %gather3A_351 = tpu.vector_load_idx %arg5[%broadcast_in_dim3A_350, %gather3A] masked %lt3A_225 : memref<64x512xf32, #tpu.memory_space<vmem>>[vector<16xi32>, vector<16xi32>], vector<16xf32>, vector<16xi1>
        %add3A_352 = arith.constant 19 : i32
        %add3A_353 = vector.broadcast %add3A_352 : i32 to vector<16xi32>
        %add3A_354 = arith.addi %mul3A_234, %add3A_353 : vector<16xi32>
        tpu.vector_store_idx %arg6[%shift_right_arithmetic3A_228, %add3A_354], %gather3A_351 masked %lt3A_225 : memref<512x128xf32, #tpu.memory_space<vmem>>[vector<16xi32>, vector<16xi32>], vector<16xf32>, vector<16xi1>
        %broadcast_in_dim3A_355 = arith.constant 20 : i32
        %broadcast_in_dim3A_356 = vector.broadcast %broadcast_in_dim3A_355 : i32 to vector<16xi32>
        %gather3A_357 = tpu.vector_load_idx %arg5[%broadcast_in_dim3A_356, %gather3A] masked %lt3A_225 : memref<64x512xf32, #tpu.memory_space<vmem>>[vector<16xi32>, vector<16xi32>], vector<16xf32>, vector<16xi1>
        %add3A_358 = arith.constant 20 : i32
        %add3A_359 = vector.broadcast %add3A_358 : i32 to vector<16xi32>
        %add3A_360 = arith.addi %mul3A_234, %add3A_359 : vector<16xi32>
        tpu.vector_store_idx %arg6[%shift_right_arithmetic3A_228, %add3A_360], %gather3A_357 masked %lt3A_225 : memref<512x128xf32, #tpu.memory_space<vmem>>[vector<16xi32>, vector<16xi32>], vector<16xf32>, vector<16xi1>
        %broadcast_in_dim3A_361 = arith.constant 21 : i32
        %broadcast_in_dim3A_362 = vector.broadcast %broadcast_in_dim3A_361 : i32 to vector<16xi32>
        %gather3A_363 = tpu.vector_load_idx %arg5[%broadcast_in_dim3A_362, %gather3A] masked %lt3A_225 : memref<64x512xf32, #tpu.memory_space<vmem>>[vector<16xi32>, vector<16xi32>], vector<16xf32>, vector<16xi1>
        %add3A_364 = arith.constant 21 : i32
        %add3A_365 = vector.broadcast %add3A_364 : i32 to vector<16xi32>
        %add3A_366 = arith.addi %mul3A_234, %add3A_365 : vector<16xi32>
        tpu.vector_store_idx %arg6[%shift_right_arithmetic3A_228, %add3A_366], %gather3A_363 masked %lt3A_225 : memref<512x128xf32, #tpu.memory_space<vmem>>[vector<16xi32>, vector<16xi32>], vector<16xf32>, vector<16xi1>
        %broadcast_in_dim3A_367 = arith.constant 22 : i32
        %broadcast_in_dim3A_368 = vector.broadcast %broadcast_in_dim3A_367 : i32 to vector<16xi32>
        %gather3A_369 = tpu.vector_load_idx %arg5[%broadcast_in_dim3A_368, %gather3A] masked %lt3A_225 : memref<64x512xf32, #tpu.memory_space<vmem>>[vector<16xi32>, vector<16xi32>], vector<16xf32>, vector<16xi1>
        %add3A_370 = arith.constant 22 : i32
        %add3A_371 = vector.broadcast %add3A_370 : i32 to vector<16xi32>
        %add3A_372 = arith.addi %mul3A_234, %add3A_371 : vector<16xi32>
        tpu.vector_store_idx %arg6[%shift_right_arithmetic3A_228, %add3A_372], %gather3A_369 masked %lt3A_225 : memref<512x128xf32, #tpu.memory_space<vmem>>[vector<16xi32>, vector<16xi32>], vector<16xf32>, vector<16xi1>
        %broadcast_in_dim3A_373 = arith.constant 23 : i32
        %broadcast_in_dim3A_374 = vector.broadcast %broadcast_in_dim3A_373 : i32 to vector<16xi32>
        %gather3A_375 = tpu.vector_load_idx %arg5[%broadcast_in_dim3A_374, %gather3A] masked %lt3A_225 : memref<64x512xf32, #tpu.memory_space<vmem>>[vector<16xi32>, vector<16xi32>], vector<16xf32>, vector<16xi1>
        %add3A_376 = arith.constant 23 : i32
        %add3A_377 = vector.broadcast %add3A_376 : i32 to vector<16xi32>
        %add3A_378 = arith.addi %mul3A_234, %add3A_377 : vector<16xi32>
        tpu.vector_store_idx %arg6[%shift_right_arithmetic3A_228, %add3A_378], %gather3A_375 masked %lt3A_225 : memref<512x128xf32, #tpu.memory_space<vmem>>[vector<16xi32>, vector<16xi32>], vector<16xf32>, vector<16xi1>
        %broadcast_in_dim3A_379 = arith.constant 24 : i32
        %broadcast_in_dim3A_380 = vector.broadcast %broadcast_in_dim3A_379 : i32 to vector<16xi32>
        %gather3A_381 = tpu.vector_load_idx %arg5[%broadcast_in_dim3A_380, %gather3A] masked %lt3A_225 : memref<64x512xf32, #tpu.memory_space<vmem>>[vector<16xi32>, vector<16xi32>], vector<16xf32>, vector<16xi1>
        %add3A_382 = arith.constant 24 : i32
        %add3A_383 = vector.broadcast %add3A_382 : i32 to vector<16xi32>
        %add3A_384 = arith.addi %mul3A_234, %add3A_383 : vector<16xi32>
        tpu.vector_store_idx %arg6[%shift_right_arithmetic3A_228, %add3A_384], %gather3A_381 masked %lt3A_225 : memref<512x128xf32, #tpu.memory_space<vmem>>[vector<16xi32>, vector<16xi32>], vector<16xf32>, vector<16xi1>
        %broadcast_in_dim3A_385 = arith.constant 25 : i32
        %broadcast_in_dim3A_386 = vector.broadcast %broadcast_in_dim3A_385 : i32 to vector<16xi32>
        %gather3A_387 = tpu.vector_load_idx %arg5[%broadcast_in_dim3A_386, %gather3A] masked %lt3A_225 : memref<64x512xf32, #tpu.memory_space<vmem>>[vector<16xi32>, vector<16xi32>], vector<16xf32>, vector<16xi1>
        %add3A_388 = arith.constant 25 : i32
        %add3A_389 = vector.broadcast %add3A_388 : i32 to vector<16xi32>
        %add3A_390 = arith.addi %mul3A_234, %add3A_389 : vector<16xi32>
        tpu.vector_store_idx %arg6[%shift_right_arithmetic3A_228, %add3A_390], %gather3A_387 masked %lt3A_225 : memref<512x128xf32, #tpu.memory_space<vmem>>[vector<16xi32>, vector<16xi32>], vector<16xf32>, vector<16xi1>
        %broadcast_in_dim3A_391 = arith.constant 26 : i32
        %broadcast_in_dim3A_392 = vector.broadcast %broadcast_in_dim3A_391 : i32 to vector<16xi32>
        %gather3A_393 = tpu.vector_load_idx %arg5[%broadcast_in_dim3A_392, %gather3A] masked %lt3A_225 : memref<64x512xf32, #tpu.memory_space<vmem>>[vector<16xi32>, vector<16xi32>], vector<16xf32>, vector<16xi1>
        %add3A_394 = arith.constant 26 : i32
        %add3A_395 = vector.broadcast %add3A_394 : i32 to vector<16xi32>
        %add3A_396 = arith.addi %mul3A_234, %add3A_395 : vector<16xi32>
        tpu.vector_store_idx %arg6[%shift_right_arithmetic3A_228, %add3A_396], %gather3A_393 masked %lt3A_225 : memref<512x128xf32, #tpu.memory_space<vmem>>[vector<16xi32>, vector<16xi32>], vector<16xf32>, vector<16xi1>
        %broadcast_in_dim3A_397 = arith.constant 27 : i32
        %broadcast_in_dim3A_398 = vector.broadcast %broadcast_in_dim3A_397 : i32 to vector<16xi32>
        %gather3A_399 = tpu.vector_load_idx %arg5[%broadcast_in_dim3A_398, %gather3A] masked %lt3A_225 : memref<64x512xf32, #tpu.memory_space<vmem>>[vector<16xi32>, vector<16xi32>], vector<16xf32>, vector<16xi1>
        %add3A_400 = arith.constant 27 : i32
        %add3A_401 = vector.broadcast %add3A_400 : i32 to vector<16xi32>
        %add3A_402 = arith.addi %mul3A_234, %add3A_401 : vector<16xi32>
        tpu.vector_store_idx %arg6[%shift_right_arithmetic3A_228, %add3A_402], %gather3A_399 masked %lt3A_225 : memref<512x128xf32, #tpu.memory_space<vmem>>[vector<16xi32>, vector<16xi32>], vector<16xf32>, vector<16xi1>
        %broadcast_in_dim3A_403 = arith.constant 28 : i32
        %broadcast_in_dim3A_404 = vector.broadcast %broadcast_in_dim3A_403 : i32 to vector<16xi32>
        %gather3A_405 = tpu.vector_load_idx %arg5[%broadcast_in_dim3A_404, %gather3A] masked %lt3A_225 : memref<64x512xf32, #tpu.memory_space<vmem>>[vector<16xi32>, vector<16xi32>], vector<16xf32>, vector<16xi1>
        %add3A_406 = arith.constant 28 : i32
        %add3A_407 = vector.broadcast %add3A_406 : i32 to vector<16xi32>
        %add3A_408 = arith.addi %mul3A_234, %add3A_407 : vector<16xi32>
        tpu.vector_store_idx %arg6[%shift_right_arithmetic3A_228, %add3A_408], %gather3A_405 masked %lt3A_225 : memref<512x128xf32, #tpu.memory_space<vmem>>[vector<16xi32>, vector<16xi32>], vector<16xf32>, vector<16xi1>
        %broadcast_in_dim3A_409 = arith.constant 29 : i32
        %broadcast_in_dim3A_410 = vector.broadcast %broadcast_in_dim3A_409 : i32 to vector<16xi32>
        %gather3A_411 = tpu.vector_load_idx %arg5[%broadcast_in_dim3A_410, %gather3A] masked %lt3A_225 : memref<64x512xf32, #tpu.memory_space<vmem>>[vector<16xi32>, vector<16xi32>], vector<16xf32>, vector<16xi1>
        %add3A_412 = arith.constant 29 : i32
        %add3A_413 = vector.broadcast %add3A_412 : i32 to vector<16xi32>
        %add3A_414 = arith.addi %mul3A_234, %add3A_413 : vector<16xi32>
        tpu.vector_store_idx %arg6[%shift_right_arithmetic3A_228, %add3A_414], %gather3A_411 masked %lt3A_225 : memref<512x128xf32, #tpu.memory_space<vmem>>[vector<16xi32>, vector<16xi32>], vector<16xf32>, vector<16xi1>
        %broadcast_in_dim3A_415 = arith.constant 30 : i32
        %broadcast_in_dim3A_416 = vector.broadcast %broadcast_in_dim3A_415 : i32 to vector<16xi32>
        %gather3A_417 = tpu.vector_load_idx %arg5[%broadcast_in_dim3A_416, %gather3A] masked %lt3A_225 : memref<64x512xf32, #tpu.memory_space<vmem>>[vector<16xi32>, vector<16xi32>], vector<16xf32>, vector<16xi1>
        %add3A_418 = arith.constant 30 : i32
        %add3A_419 = vector.broadcast %add3A_418 : i32 to vector<16xi32>
        %add3A_420 = arith.addi %mul3A_234, %add3A_419 : vector<16xi32>
        tpu.vector_store_idx %arg6[%shift_right_arithmetic3A_228, %add3A_420], %gather3A_417 masked %lt3A_225 : memref<512x128xf32, #tpu.memory_space<vmem>>[vector<16xi32>, vector<16xi32>], vector<16xf32>, vector<16xi1>
        %broadcast_in_dim3A_421 = arith.constant 31 : i32
        %broadcast_in_dim3A_422 = vector.broadcast %broadcast_in_dim3A_421 : i32 to vector<16xi32>
        %gather3A_423 = tpu.vector_load_idx %arg5[%broadcast_in_dim3A_422, %gather3A] masked %lt3A_225 : memref<64x512xf32, #tpu.memory_space<vmem>>[vector<16xi32>, vector<16xi32>], vector<16xf32>, vector<16xi1>
        %add3A_424 = arith.constant 31 : i32
        %add3A_425 = vector.broadcast %add3A_424 : i32 to vector<16xi32>
        %add3A_426 = arith.addi %mul3A_234, %add3A_425 : vector<16xi32>
        tpu.vector_store_idx %arg6[%shift_right_arithmetic3A_228, %add3A_426], %gather3A_423 masked %lt3A_225 : memref<512x128xf32, #tpu.memory_space<vmem>>[vector<16xi32>, vector<16xi32>], vector<16xf32>, vector<16xi1>
        %broadcast_in_dim3A_427 = arith.constant 32 : i32
        %broadcast_in_dim3A_428 = vector.broadcast %broadcast_in_dim3A_427 : i32 to vector<16xi32>
        %gather3A_429 = tpu.vector_load_idx %arg5[%broadcast_in_dim3A_428, %gather3A] masked %lt3A_225 : memref<64x512xf32, #tpu.memory_space<vmem>>[vector<16xi32>, vector<16xi32>], vector<16xf32>, vector<16xi1>
        %add3A_430 = arith.constant 32 : i32
        %add3A_431 = vector.broadcast %add3A_430 : i32 to vector<16xi32>
        %add3A_432 = arith.addi %mul3A_234, %add3A_431 : vector<16xi32>
        tpu.vector_store_idx %arg6[%shift_right_arithmetic3A_228, %add3A_432], %gather3A_429 masked %lt3A_225 : memref<512x128xf32, #tpu.memory_space<vmem>>[vector<16xi32>, vector<16xi32>], vector<16xf32>, vector<16xi1>
        %broadcast_in_dim3A_433 = arith.constant 33 : i32
        %broadcast_in_dim3A_434 = vector.broadcast %broadcast_in_dim3A_433 : i32 to vector<16xi32>
        %gather3A_435 = tpu.vector_load_idx %arg5[%broadcast_in_dim3A_434, %gather3A] masked %lt3A_225 : memref<64x512xf32, #tpu.memory_space<vmem>>[vector<16xi32>, vector<16xi32>], vector<16xf32>, vector<16xi1>
        %add3A_436 = arith.constant 33 : i32
        %add3A_437 = vector.broadcast %add3A_436 : i32 to vector<16xi32>
        %add3A_438 = arith.addi %mul3A_234, %add3A_437 : vector<16xi32>
        tpu.vector_store_idx %arg6[%shift_right_arithmetic3A_228, %add3A_438], %gather3A_435 masked %lt3A_225 : memref<512x128xf32, #tpu.memory_space<vmem>>[vector<16xi32>, vector<16xi32>], vector<16xf32>, vector<16xi1>
        %broadcast_in_dim3A_439 = arith.constant 34 : i32
        %broadcast_in_dim3A_440 = vector.broadcast %broadcast_in_dim3A_439 : i32 to vector<16xi32>
        %gather3A_441 = tpu.vector_load_idx %arg5[%broadcast_in_dim3A_440, %gather3A] masked %lt3A_225 : memref<64x512xf32, #tpu.memory_space<vmem>>[vector<16xi32>, vector<16xi32>], vector<16xf32>, vector<16xi1>
        %add3A_442 = arith.constant 34 : i32
        %add3A_443 = vector.broadcast %add3A_442 : i32 to vector<16xi32>
        %add3A_444 = arith.addi %mul3A_234, %add3A_443 : vector<16xi32>
        tpu.vector_store_idx %arg6[%shift_right_arithmetic3A_228, %add3A_444], %gather3A_441 masked %lt3A_225 : memref<512x128xf32, #tpu.memory_space<vmem>>[vector<16xi32>, vector<16xi32>], vector<16xf32>, vector<16xi1>
        %broadcast_in_dim3A_445 = arith.constant 35 : i32
        %broadcast_in_dim3A_446 = vector.broadcast %broadcast_in_dim3A_445 : i32 to vector<16xi32>
        %gather3A_447 = tpu.vector_load_idx %arg5[%broadcast_in_dim3A_446, %gather3A] masked %lt3A_225 : memref<64x512xf32, #tpu.memory_space<vmem>>[vector<16xi32>, vector<16xi32>], vector<16xf32>, vector<16xi1>
        %add3A_448 = arith.constant 35 : i32
        %add3A_449 = vector.broadcast %add3A_448 : i32 to vector<16xi32>
        %add3A_450 = arith.addi %mul3A_234, %add3A_449 : vector<16xi32>
        tpu.vector_store_idx %arg6[%shift_right_arithmetic3A_228, %add3A_450], %gather3A_447 masked %lt3A_225 : memref<512x128xf32, #tpu.memory_space<vmem>>[vector<16xi32>, vector<16xi32>], vector<16xf32>, vector<16xi1>
        %broadcast_in_dim3A_451 = arith.constant 36 : i32
        %broadcast_in_dim3A_452 = vector.broadcast %broadcast_in_dim3A_451 : i32 to vector<16xi32>
        %gather3A_453 = tpu.vector_load_idx %arg5[%broadcast_in_dim3A_452, %gather3A] masked %lt3A_225 : memref<64x512xf32, #tpu.memory_space<vmem>>[vector<16xi32>, vector<16xi32>], vector<16xf32>, vector<16xi1>
        %add3A_454 = arith.constant 36 : i32
        %add3A_455 = vector.broadcast %add3A_454 : i32 to vector<16xi32>
        %add3A_456 = arith.addi %mul3A_234, %add3A_455 : vector<16xi32>
        tpu.vector_store_idx %arg6[%shift_right_arithmetic3A_228, %add3A_456], %gather3A_453 masked %lt3A_225 : memref<512x128xf32, #tpu.memory_space<vmem>>[vector<16xi32>, vector<16xi32>], vector<16xf32>, vector<16xi1>
        %broadcast_in_dim3A_457 = arith.constant 37 : i32
        %broadcast_in_dim3A_458 = vector.broadcast %broadcast_in_dim3A_457 : i32 to vector<16xi32>
        %gather3A_459 = tpu.vector_load_idx %arg5[%broadcast_in_dim3A_458, %gather3A] masked %lt3A_225 : memref<64x512xf32, #tpu.memory_space<vmem>>[vector<16xi32>, vector<16xi32>], vector<16xf32>, vector<16xi1>
        %add3A_460 = arith.constant 37 : i32
        %add3A_461 = vector.broadcast %add3A_460 : i32 to vector<16xi32>
        %add3A_462 = arith.addi %mul3A_234, %add3A_461 : vector<16xi32>
        tpu.vector_store_idx %arg6[%shift_right_arithmetic3A_228, %add3A_462], %gather3A_459 masked %lt3A_225 : memref<512x128xf32, #tpu.memory_space<vmem>>[vector<16xi32>, vector<16xi32>], vector<16xf32>, vector<16xi1>
        %broadcast_in_dim3A_463 = arith.constant 38 : i32
        %broadcast_in_dim3A_464 = vector.broadcast %broadcast_in_dim3A_463 : i32 to vector<16xi32>
        %gather3A_465 = tpu.vector_load_idx %arg5[%broadcast_in_dim3A_464, %gather3A] masked %lt3A_225 : memref<64x512xf32, #tpu.memory_space<vmem>>[vector<16xi32>, vector<16xi32>], vector<16xf32>, vector<16xi1>
        %add3A_466 = arith.constant 38 : i32
        %add3A_467 = vector.broadcast %add3A_466 : i32 to vector<16xi32>
        %add3A_468 = arith.addi %mul3A_234, %add3A_467 : vector<16xi32>
        tpu.vector_store_idx %arg6[%shift_right_arithmetic3A_228, %add3A_468], %gather3A_465 masked %lt3A_225 : memref<512x128xf32, #tpu.memory_space<vmem>>[vector<16xi32>, vector<16xi32>], vector<16xf32>, vector<16xi1>
        %broadcast_in_dim3A_469 = arith.constant 39 : i32
        %broadcast_in_dim3A_470 = vector.broadcast %broadcast_in_dim3A_469 : i32 to vector<16xi32>
        %gather3A_471 = tpu.vector_load_idx %arg5[%broadcast_in_dim3A_470, %gather3A] masked %lt3A_225 : memref<64x512xf32, #tpu.memory_space<vmem>>[vector<16xi32>, vector<16xi32>], vector<16xf32>, vector<16xi1>
        %add3A_472 = arith.constant 39 : i32
        %add3A_473 = vector.broadcast %add3A_472 : i32 to vector<16xi32>
        %add3A_474 = arith.addi %mul3A_234, %add3A_473 : vector<16xi32>
        tpu.vector_store_idx %arg6[%shift_right_arithmetic3A_228, %add3A_474], %gather3A_471 masked %lt3A_225 : memref<512x128xf32, #tpu.memory_space<vmem>>[vector<16xi32>, vector<16xi32>], vector<16xf32>, vector<16xi1>
        %broadcast_in_dim3A_475 = arith.constant 40 : i32
        %broadcast_in_dim3A_476 = vector.broadcast %broadcast_in_dim3A_475 : i32 to vector<16xi32>
        %gather3A_477 = tpu.vector_load_idx %arg5[%broadcast_in_dim3A_476, %gather3A] masked %lt3A_225 : memref<64x512xf32, #tpu.memory_space<vmem>>[vector<16xi32>, vector<16xi32>], vector<16xf32>, vector<16xi1>
        %add3A_478 = arith.constant 40 : i32
        %add3A_479 = vector.broadcast %add3A_478 : i32 to vector<16xi32>
        %add3A_480 = arith.addi %mul3A_234, %add3A_479 : vector<16xi32>
        tpu.vector_store_idx %arg6[%shift_right_arithmetic3A_228, %add3A_480], %gather3A_477 masked %lt3A_225 : memref<512x128xf32, #tpu.memory_space<vmem>>[vector<16xi32>, vector<16xi32>], vector<16xf32>, vector<16xi1>
        %broadcast_in_dim3A_481 = arith.constant 41 : i32
        %broadcast_in_dim3A_482 = vector.broadcast %broadcast_in_dim3A_481 : i32 to vector<16xi32>
        %gather3A_483 = tpu.vector_load_idx %arg5[%broadcast_in_dim3A_482, %gather3A] masked %lt3A_225 : memref<64x512xf32, #tpu.memory_space<vmem>>[vector<16xi32>, vector<16xi32>], vector<16xf32>, vector<16xi1>
        %add3A_484 = arith.constant 41 : i32
        %add3A_485 = vector.broadcast %add3A_484 : i32 to vector<16xi32>
        %add3A_486 = arith.addi %mul3A_234, %add3A_485 : vector<16xi32>
        tpu.vector_store_idx %arg6[%shift_right_arithmetic3A_228, %add3A_486], %gather3A_483 masked %lt3A_225 : memref<512x128xf32, #tpu.memory_space<vmem>>[vector<16xi32>, vector<16xi32>], vector<16xf32>, vector<16xi1>
        %broadcast_in_dim3A_487 = arith.constant 42 : i32
        %broadcast_in_dim3A_488 = vector.broadcast %broadcast_in_dim3A_487 : i32 to vector<16xi32>
        %gather3A_489 = tpu.vector_load_idx %arg5[%broadcast_in_dim3A_488, %gather3A] masked %lt3A_225 : memref<64x512xf32, #tpu.memory_space<vmem>>[vector<16xi32>, vector<16xi32>], vector<16xf32>, vector<16xi1>
        %add3A_490 = arith.constant 42 : i32
        %add3A_491 = vector.broadcast %add3A_490 : i32 to vector<16xi32>
        %add3A_492 = arith.addi %mul3A_234, %add3A_491 : vector<16xi32>
        tpu.vector_store_idx %arg6[%shift_right_arithmetic3A_228, %add3A_492], %gather3A_489 masked %lt3A_225 : memref<512x128xf32, #tpu.memory_space<vmem>>[vector<16xi32>, vector<16xi32>], vector<16xf32>, vector<16xi1>
        %broadcast_in_dim3A_493 = arith.constant 43 : i32
        %broadcast_in_dim3A_494 = vector.broadcast %broadcast_in_dim3A_493 : i32 to vector<16xi32>
        %gather3A_495 = tpu.vector_load_idx %arg5[%broadcast_in_dim3A_494, %gather3A] masked %lt3A_225 : memref<64x512xf32, #tpu.memory_space<vmem>>[vector<16xi32>, vector<16xi32>], vector<16xf32>, vector<16xi1>
        %add3A_496 = arith.constant 43 : i32
        %add3A_497 = vector.broadcast %add3A_496 : i32 to vector<16xi32>
        %add3A_498 = arith.addi %mul3A_234, %add3A_497 : vector<16xi32>
        tpu.vector_store_idx %arg6[%shift_right_arithmetic3A_228, %add3A_498], %gather3A_495 masked %lt3A_225 : memref<512x128xf32, #tpu.memory_space<vmem>>[vector<16xi32>, vector<16xi32>], vector<16xf32>, vector<16xi1>
        %broadcast_in_dim3A_499 = arith.constant 44 : i32
        %broadcast_in_dim3A_500 = vector.broadcast %broadcast_in_dim3A_499 : i32 to vector<16xi32>
        %gather3A_501 = tpu.vector_load_idx %arg5[%broadcast_in_dim3A_500, %gather3A] masked %lt3A_225 : memref<64x512xf32, #tpu.memory_space<vmem>>[vector<16xi32>, vector<16xi32>], vector<16xf32>, vector<16xi1>
        %add3A_502 = arith.constant 44 : i32
        %add3A_503 = vector.broadcast %add3A_502 : i32 to vector<16xi32>
        %add3A_504 = arith.addi %mul3A_234, %add3A_503 : vector<16xi32>
        tpu.vector_store_idx %arg6[%shift_right_arithmetic3A_228, %add3A_504], %gather3A_501 masked %lt3A_225 : memref<512x128xf32, #tpu.memory_space<vmem>>[vector<16xi32>, vector<16xi32>], vector<16xf32>, vector<16xi1>
        %broadcast_in_dim3A_505 = arith.constant 45 : i32
        %broadcast_in_dim3A_506 = vector.broadcast %broadcast_in_dim3A_505 : i32 to vector<16xi32>
        %gather3A_507 = tpu.vector_load_idx %arg5[%broadcast_in_dim3A_506, %gather3A] masked %lt3A_225 : memref<64x512xf32, #tpu.memory_space<vmem>>[vector<16xi32>, vector<16xi32>], vector<16xf32>, vector<16xi1>
        %add3A_508 = arith.constant 45 : i32
        %add3A_509 = vector.broadcast %add3A_508 : i32 to vector<16xi32>
        %add3A_510 = arith.addi %mul3A_234, %add3A_509 : vector<16xi32>
        tpu.vector_store_idx %arg6[%shift_right_arithmetic3A_228, %add3A_510], %gather3A_507 masked %lt3A_225 : memref<512x128xf32, #tpu.memory_space<vmem>>[vector<16xi32>, vector<16xi32>], vector<16xf32>, vector<16xi1>
        %broadcast_in_dim3A_511 = arith.constant 46 : i32
        %broadcast_in_dim3A_512 = vector.broadcast %broadcast_in_dim3A_511 : i32 to vector<16xi32>
        %gather3A_513 = tpu.vector_load_idx %arg5[%broadcast_in_dim3A_512, %gather3A] masked %lt3A_225 : memref<64x512xf32, #tpu.memory_space<vmem>>[vector<16xi32>, vector<16xi32>], vector<16xf32>, vector<16xi1>
        %add3A_514 = arith.constant 46 : i32
        %add3A_515 = vector.broadcast %add3A_514 : i32 to vector<16xi32>
        %add3A_516 = arith.addi %mul3A_234, %add3A_515 : vector<16xi32>
        tpu.vector_store_idx %arg6[%shift_right_arithmetic3A_228, %add3A_516], %gather3A_513 masked %lt3A_225 : memref<512x128xf32, #tpu.memory_space<vmem>>[vector<16xi32>, vector<16xi32>], vector<16xf32>, vector<16xi1>
        %broadcast_in_dim3A_517 = arith.constant 47 : i32
        %broadcast_in_dim3A_518 = vector.broadcast %broadcast_in_dim3A_517 : i32 to vector<16xi32>
        %gather3A_519 = tpu.vector_load_idx %arg5[%broadcast_in_dim3A_518, %gather3A] masked %lt3A_225 : memref<64x512xf32, #tpu.memory_space<vmem>>[vector<16xi32>, vector<16xi32>], vector<16xf32>, vector<16xi1>
        %add3A_520 = arith.constant 47 : i32
        %add3A_521 = vector.broadcast %add3A_520 : i32 to vector<16xi32>
        %add3A_522 = arith.addi %mul3A_234, %add3A_521 : vector<16xi32>
        tpu.vector_store_idx %arg6[%shift_right_arithmetic3A_228, %add3A_522], %gather3A_519 masked %lt3A_225 : memref<512x128xf32, #tpu.memory_space<vmem>>[vector<16xi32>, vector<16xi32>], vector<16xf32>, vector<16xi1>
        %broadcast_in_dim3A_523 = arith.constant 48 : i32
        %broadcast_in_dim3A_524 = vector.broadcast %broadcast_in_dim3A_523 : i32 to vector<16xi32>
        %gather3A_525 = tpu.vector_load_idx %arg5[%broadcast_in_dim3A_524, %gather3A] masked %lt3A_225 : memref<64x512xf32, #tpu.memory_space<vmem>>[vector<16xi32>, vector<16xi32>], vector<16xf32>, vector<16xi1>
        %add3A_526 = arith.constant 48 : i32
        %add3A_527 = vector.broadcast %add3A_526 : i32 to vector<16xi32>
        %add3A_528 = arith.addi %mul3A_234, %add3A_527 : vector<16xi32>
        tpu.vector_store_idx %arg6[%shift_right_arithmetic3A_228, %add3A_528], %gather3A_525 masked %lt3A_225 : memref<512x128xf32, #tpu.memory_space<vmem>>[vector<16xi32>, vector<16xi32>], vector<16xf32>, vector<16xi1>
        %broadcast_in_dim3A_529 = arith.constant 49 : i32
        %broadcast_in_dim3A_530 = vector.broadcast %broadcast_in_dim3A_529 : i32 to vector<16xi32>
        %gather3A_531 = tpu.vector_load_idx %arg5[%broadcast_in_dim3A_530, %gather3A] masked %lt3A_225 : memref<64x512xf32, #tpu.memory_space<vmem>>[vector<16xi32>, vector<16xi32>], vector<16xf32>, vector<16xi1>
        %add3A_532 = arith.constant 49 : i32
        %add3A_533 = vector.broadcast %add3A_532 : i32 to vector<16xi32>
        %add3A_534 = arith.addi %mul3A_234, %add3A_533 : vector<16xi32>
        tpu.vector_store_idx %arg6[%shift_right_arithmetic3A_228, %add3A_534], %gather3A_531 masked %lt3A_225 : memref<512x128xf32, #tpu.memory_space<vmem>>[vector<16xi32>, vector<16xi32>], vector<16xf32>, vector<16xi1>
        %broadcast_in_dim3A_535 = arith.constant 50 : i32
        %broadcast_in_dim3A_536 = vector.broadcast %broadcast_in_dim3A_535 : i32 to vector<16xi32>
        %gather3A_537 = tpu.vector_load_idx %arg5[%broadcast_in_dim3A_536, %gather3A] masked %lt3A_225 : memref<64x512xf32, #tpu.memory_space<vmem>>[vector<16xi32>, vector<16xi32>], vector<16xf32>, vector<16xi1>
        %add3A_538 = arith.constant 50 : i32
        %add3A_539 = vector.broadcast %add3A_538 : i32 to vector<16xi32>
        %add3A_540 = arith.addi %mul3A_234, %add3A_539 : vector<16xi32>
        tpu.vector_store_idx %arg6[%shift_right_arithmetic3A_228, %add3A_540], %gather3A_537 masked %lt3A_225 : memref<512x128xf32, #tpu.memory_space<vmem>>[vector<16xi32>, vector<16xi32>], vector<16xf32>, vector<16xi1>
        %broadcast_in_dim3A_541 = arith.constant 51 : i32
        %broadcast_in_dim3A_542 = vector.broadcast %broadcast_in_dim3A_541 : i32 to vector<16xi32>
        %gather3A_543 = tpu.vector_load_idx %arg5[%broadcast_in_dim3A_542, %gather3A] masked %lt3A_225 : memref<64x512xf32, #tpu.memory_space<vmem>>[vector<16xi32>, vector<16xi32>], vector<16xf32>, vector<16xi1>
        %add3A_544 = arith.constant 51 : i32
        %add3A_545 = vector.broadcast %add3A_544 : i32 to vector<16xi32>
        %add3A_546 = arith.addi %mul3A_234, %add3A_545 : vector<16xi32>
        tpu.vector_store_idx %arg6[%shift_right_arithmetic3A_228, %add3A_546], %gather3A_543 masked %lt3A_225 : memref<512x128xf32, #tpu.memory_space<vmem>>[vector<16xi32>, vector<16xi32>], vector<16xf32>, vector<16xi1>
        %broadcast_in_dim3A_547 = arith.constant 52 : i32
        %broadcast_in_dim3A_548 = vector.broadcast %broadcast_in_dim3A_547 : i32 to vector<16xi32>
        %gather3A_549 = tpu.vector_load_idx %arg5[%broadcast_in_dim3A_548, %gather3A] masked %lt3A_225 : memref<64x512xf32, #tpu.memory_space<vmem>>[vector<16xi32>, vector<16xi32>], vector<16xf32>, vector<16xi1>
        %add3A_550 = arith.constant 52 : i32
        %add3A_551 = vector.broadcast %add3A_550 : i32 to vector<16xi32>
        %add3A_552 = arith.addi %mul3A_234, %add3A_551 : vector<16xi32>
        tpu.vector_store_idx %arg6[%shift_right_arithmetic3A_228, %add3A_552], %gather3A_549 masked %lt3A_225 : memref<512x128xf32, #tpu.memory_space<vmem>>[vector<16xi32>, vector<16xi32>], vector<16xf32>, vector<16xi1>
        %broadcast_in_dim3A_553 = arith.constant 53 : i32
        %broadcast_in_dim3A_554 = vector.broadcast %broadcast_in_dim3A_553 : i32 to vector<16xi32>
        %gather3A_555 = tpu.vector_load_idx %arg5[%broadcast_in_dim3A_554, %gather3A] masked %lt3A_225 : memref<64x512xf32, #tpu.memory_space<vmem>>[vector<16xi32>, vector<16xi32>], vector<16xf32>, vector<16xi1>
        %add3A_556 = arith.constant 53 : i32
        %add3A_557 = vector.broadcast %add3A_556 : i32 to vector<16xi32>
        %add3A_558 = arith.addi %mul3A_234, %add3A_557 : vector<16xi32>
        tpu.vector_store_idx %arg6[%shift_right_arithmetic3A_228, %add3A_558], %gather3A_555 masked %lt3A_225 : memref<512x128xf32, #tpu.memory_space<vmem>>[vector<16xi32>, vector<16xi32>], vector<16xf32>, vector<16xi1>
        %broadcast_in_dim3A_559 = arith.constant 54 : i32
        %broadcast_in_dim3A_560 = vector.broadcast %broadcast_in_dim3A_559 : i32 to vector<16xi32>
        %gather3A_561 = tpu.vector_load_idx %arg5[%broadcast_in_dim3A_560, %gather3A] masked %lt3A_225 : memref<64x512xf32, #tpu.memory_space<vmem>>[vector<16xi32>, vector<16xi32>], vector<16xf32>, vector<16xi1>
        %add3A_562 = arith.constant 54 : i32
        %add3A_563 = vector.broadcast %add3A_562 : i32 to vector<16xi32>
        %add3A_564 = arith.addi %mul3A_234, %add3A_563 : vector<16xi32>
        tpu.vector_store_idx %arg6[%shift_right_arithmetic3A_228, %add3A_564], %gather3A_561 masked %lt3A_225 : memref<512x128xf32, #tpu.memory_space<vmem>>[vector<16xi32>, vector<16xi32>], vector<16xf32>, vector<16xi1>
        %broadcast_in_dim3A_565 = arith.constant 55 : i32
        %broadcast_in_dim3A_566 = vector.broadcast %broadcast_in_dim3A_565 : i32 to vector<16xi32>
        %gather3A_567 = tpu.vector_load_idx %arg5[%broadcast_in_dim3A_566, %gather3A] masked %lt3A_225 : memref<64x512xf32, #tpu.memory_space<vmem>>[vector<16xi32>, vector<16xi32>], vector<16xf32>, vector<16xi1>
        %add3A_568 = arith.constant 55 : i32
        %add3A_569 = vector.broadcast %add3A_568 : i32 to vector<16xi32>
        %add3A_570 = arith.addi %mul3A_234, %add3A_569 : vector<16xi32>
        tpu.vector_store_idx %arg6[%shift_right_arithmetic3A_228, %add3A_570], %gather3A_567 masked %lt3A_225 : memref<512x128xf32, #tpu.memory_space<vmem>>[vector<16xi32>, vector<16xi32>], vector<16xf32>, vector<16xi1>
        %broadcast_in_dim3A_571 = arith.constant 56 : i32
        %broadcast_in_dim3A_572 = vector.broadcast %broadcast_in_dim3A_571 : i32 to vector<16xi32>
        %gather3A_573 = tpu.vector_load_idx %arg5[%broadcast_in_dim3A_572, %gather3A] masked %lt3A_225 : memref<64x512xf32, #tpu.memory_space<vmem>>[vector<16xi32>, vector<16xi32>], vector<16xf32>, vector<16xi1>
        %add3A_574 = arith.constant 56 : i32
        %add3A_575 = vector.broadcast %add3A_574 : i32 to vector<16xi32>
        %add3A_576 = arith.addi %mul3A_234, %add3A_575 : vector<16xi32>
        tpu.vector_store_idx %arg6[%shift_right_arithmetic3A_228, %add3A_576], %gather3A_573 masked %lt3A_225 : memref<512x128xf32, #tpu.memory_space<vmem>>[vector<16xi32>, vector<16xi32>], vector<16xf32>, vector<16xi1>
        %broadcast_in_dim3A_577 = arith.constant 57 : i32
        %broadcast_in_dim3A_578 = vector.broadcast %broadcast_in_dim3A_577 : i32 to vector<16xi32>
        %gather3A_579 = tpu.vector_load_idx %arg5[%broadcast_in_dim3A_578, %gather3A] masked %lt3A_225 : memref<64x512xf32, #tpu.memory_space<vmem>>[vector<16xi32>, vector<16xi32>], vector<16xf32>, vector<16xi1>
        %add3A_580 = arith.constant 57 : i32
        %add3A_581 = vector.broadcast %add3A_580 : i32 to vector<16xi32>
        %add3A_582 = arith.addi %mul3A_234, %add3A_581 : vector<16xi32>
        tpu.vector_store_idx %arg6[%shift_right_arithmetic3A_228, %add3A_582], %gather3A_579 masked %lt3A_225 : memref<512x128xf32, #tpu.memory_space<vmem>>[vector<16xi32>, vector<16xi32>], vector<16xf32>, vector<16xi1>
        %broadcast_in_dim3A_583 = arith.constant 58 : i32
        %broadcast_in_dim3A_584 = vector.broadcast %broadcast_in_dim3A_583 : i32 to vector<16xi32>
        %gather3A_585 = tpu.vector_load_idx %arg5[%broadcast_in_dim3A_584, %gather3A] masked %lt3A_225 : memref<64x512xf32, #tpu.memory_space<vmem>>[vector<16xi32>, vector<16xi32>], vector<16xf32>, vector<16xi1>
        %add3A_586 = arith.constant 58 : i32
        %add3A_587 = vector.broadcast %add3A_586 : i32 to vector<16xi32>
        %add3A_588 = arith.addi %mul3A_234, %add3A_587 : vector<16xi32>
        tpu.vector_store_idx %arg6[%shift_right_arithmetic3A_228, %add3A_588], %gather3A_585 masked %lt3A_225 : memref<512x128xf32, #tpu.memory_space<vmem>>[vector<16xi32>, vector<16xi32>], vector<16xf32>, vector<16xi1>
        %broadcast_in_dim3A_589 = arith.constant 59 : i32
        %broadcast_in_dim3A_590 = vector.broadcast %broadcast_in_dim3A_589 : i32 to vector<16xi32>
        %gather3A_591 = tpu.vector_load_idx %arg5[%broadcast_in_dim3A_590, %gather3A] masked %lt3A_225 : memref<64x512xf32, #tpu.memory_space<vmem>>[vector<16xi32>, vector<16xi32>], vector<16xf32>, vector<16xi1>
        %add3A_592 = arith.constant 59 : i32
        %add3A_593 = vector.broadcast %add3A_592 : i32 to vector<16xi32>
        %add3A_594 = arith.addi %mul3A_234, %add3A_593 : vector<16xi32>
        tpu.vector_store_idx %arg6[%shift_right_arithmetic3A_228, %add3A_594], %gather3A_591 masked %lt3A_225 : memref<512x128xf32, #tpu.memory_space<vmem>>[vector<16xi32>, vector<16xi32>], vector<16xf32>, vector<16xi1>
        %broadcast_in_dim3A_595 = arith.constant 60 : i32
        %broadcast_in_dim3A_596 = vector.broadcast %broadcast_in_dim3A_595 : i32 to vector<16xi32>
        %gather3A_597 = tpu.vector_load_idx %arg5[%broadcast_in_dim3A_596, %gather3A] masked %lt3A_225 : memref<64x512xf32, #tpu.memory_space<vmem>>[vector<16xi32>, vector<16xi32>], vector<16xf32>, vector<16xi1>
        %add3A_598 = arith.constant 60 : i32
        %add3A_599 = vector.broadcast %add3A_598 : i32 to vector<16xi32>
        %add3A_600 = arith.addi %mul3A_234, %add3A_599 : vector<16xi32>
        tpu.vector_store_idx %arg6[%shift_right_arithmetic3A_228, %add3A_600], %gather3A_597 masked %lt3A_225 : memref<512x128xf32, #tpu.memory_space<vmem>>[vector<16xi32>, vector<16xi32>], vector<16xf32>, vector<16xi1>
        %broadcast_in_dim3A_601 = arith.constant 61 : i32
        %broadcast_in_dim3A_602 = vector.broadcast %broadcast_in_dim3A_601 : i32 to vector<16xi32>
        %gather3A_603 = tpu.vector_load_idx %arg5[%broadcast_in_dim3A_602, %gather3A] masked %lt3A_225 : memref<64x512xf32, #tpu.memory_space<vmem>>[vector<16xi32>, vector<16xi32>], vector<16xf32>, vector<16xi1>
        %add3A_604 = arith.constant 61 : i32
        %add3A_605 = vector.broadcast %add3A_604 : i32 to vector<16xi32>
        %add3A_606 = arith.addi %mul3A_234, %add3A_605 : vector<16xi32>
        tpu.vector_store_idx %arg6[%shift_right_arithmetic3A_228, %add3A_606], %gather3A_603 masked %lt3A_225 : memref<512x128xf32, #tpu.memory_space<vmem>>[vector<16xi32>, vector<16xi32>], vector<16xf32>, vector<16xi1>
        %broadcast_in_dim3A_607 = arith.constant 62 : i32
        %broadcast_in_dim3A_608 = vector.broadcast %broadcast_in_dim3A_607 : i32 to vector<16xi32>
        %gather3A_609 = tpu.vector_load_idx %arg5[%broadcast_in_dim3A_608, %gather3A] masked %lt3A_225 : memref<64x512xf32, #tpu.memory_space<vmem>>[vector<16xi32>, vector<16xi32>], vector<16xf32>, vector<16xi1>
        %add3A_610 = arith.constant 62 : i32
        %add3A_611 = vector.broadcast %add3A_610 : i32 to vector<16xi32>
        %add3A_612 = arith.addi %mul3A_234, %add3A_611 : vector<16xi32>
        tpu.vector_store_idx %arg6[%shift_right_arithmetic3A_228, %add3A_612], %gather3A_609 masked %lt3A_225 : memref<512x128xf32, #tpu.memory_space<vmem>>[vector<16xi32>, vector<16xi32>], vector<16xf32>, vector<16xi1>
        %broadcast_in_dim3A_613 = arith.constant 63 : i32
        %broadcast_in_dim3A_614 = vector.broadcast %broadcast_in_dim3A_613 : i32 to vector<16xi32>
        %gather3A_615 = tpu.vector_load_idx %arg5[%broadcast_in_dim3A_614, %gather3A] masked %lt3A_225 : memref<64x512xf32, #tpu.memory_space<vmem>>[vector<16xi32>, vector<16xi32>], vector<16xf32>, vector<16xi1>
        %add3A_616 = arith.constant 63 : i32
        %add3A_617 = vector.broadcast %add3A_616 : i32 to vector<16xi32>
        %add3A_618 = arith.addi %mul3A_234, %add3A_617 : vector<16xi32>
        tpu.vector_store_idx %arg6[%shift_right_arithmetic3A_228, %add3A_618], %gather3A_615 masked %lt3A_225 : memref<512x128xf32, #tpu.memory_space<vmem>>[vector<16xi32>, vector<16xi32>], vector<16xf32>, vector<16xi1>
      }
    }
    %scan3A_99 = arith.constant 64 : i32
    "tpu.region"() ({
      %run_scoped3A = tpu.sem_alloc : memref<!tpu.dma_semaphore, #tpu.memory_space<semaphore_mem>>
      %dma_start3A = arith.constant 0 : i32
      %dma_start3A_100 = arith.constant 0 : i32
      %dma_start3A_101 = tpu.memref_slice %arg4[%add3A, %dma_start3A, %dma_start3A_100] : memref<32x512x128xf32, #tpu.memory_space<hbm>> -> memref<1x512x128xf32, #tpu.memory_space<hbm>>
      %dma_start3A_102 = tpu.memref_squeeze %dma_start3A_101 : memref<1x512x128xf32, #tpu.memory_space<hbm>> -> memref<512x128xf32, #tpu.memory_space<hbm>>
      %dma_start3A_103 = arith.constant 0 : i32
      %dma_start3A_104 = arith.constant 0 : i32
      %dma_start3A_105 = tpu.memref_slice %arg4[%add3A, %dma_start3A_103, %dma_start3A_104] : memref<32x512x128xf32, #tpu.memory_space<hbm>> -> memref<1x512x128xf32, #tpu.memory_space<hbm>>
      %dma_start3A_106 = tpu.memref_squeeze %dma_start3A_105 : memref<1x512x128xf32, #tpu.memory_space<hbm>> -> memref<512x128xf32, #tpu.memory_space<hbm>>
      tpu.enqueue_dma source(%arg6 : memref<512x128xf32, #tpu.memory_space<vmem>>) target(%dma_start3A_106 : memref<512x128xf32, #tpu.memory_space<hbm>>) target_semaphore(%run_scoped3A : memref<!tpu.dma_semaphore, #tpu.memory_space<semaphore_mem>>)
      %dma_wait3A = arith.constant 0 : i32
      %dma_wait3A_107 = arith.constant 0 : i32
      %dma_wait3A_108 = tpu.memref_slice %arg4[%add3A, %dma_wait3A, %dma_wait3A_107] : memref<32x512x128xf32, #tpu.memory_space<hbm>> -> memref<1x512x128xf32, #tpu.memory_space<hbm>>
      %dma_wait3A_109 = tpu.memref_squeeze %dma_wait3A_108 : memref<1x512x128xf32, #tpu.memory_space<hbm>> -> memref<512x128xf32, #tpu.memory_space<hbm>>
      %dma_wait3A_110 = arith.constant 0 : i32
      %dma_wait3A_111 = arith.constant 0 : i32
      %dma_wait3A_112 = tpu.memref_slice %arg4[%add3A, %dma_wait3A_110, %dma_wait3A_111] : memref<32x512x128xf32, #tpu.memory_space<hbm>> -> memref<1x512x128xf32, #tpu.memory_space<hbm>>
      %dma_wait3A_113 = tpu.memref_squeeze %dma_wait3A_112 : memref<1x512x128xf32, #tpu.memory_space<hbm>> -> memref<512x128xf32, #tpu.memory_space<hbm>>
      tpu.wait_dma2 semaphore(%run_scoped3A : memref<!tpu.dma_semaphore, #tpu.memory_space<semaphore_mem>>) src(%arg6 : memref<512x128xf32, #tpu.memory_space<vmem>>) dst(%dma_wait3A_113 : memref<512x128xf32, #tpu.memory_space<hbm>>)
      tpu.yield
    }) : () -> ()
    return
  }
}

#map = affine_map<(d0, d1) -> (0, 0)>
module attributes {stable_mosaic.version = 14 : i64} {
  func.func @_sc_select(%arg0: i32, %arg1: i32, %arg2: memref<32x32768xf32, #tpu.memory_space<hbm>>, %arg3: memref<256x128xi32, #tpu.memory_space<hbm>>, %arg4: memref<32768xf32, #tpu.memory_space<vmem>>, %arg5: memref<4096xi32, #tpu.memory_space<vmem>>, %arg6: memref<256xi32, #tpu.memory_space<vmem>>, %arg7: memref<1024xi32, #tpu.memory_space<vmem>>, %arg8: memref<1024xi32, #tpu.memory_space<vmem>>, %arg9: memref<1024xi32, #tpu.memory_space<vmem>>, %arg10: memref<1024xi32, #tpu.memory_space<vmem>>, %arg11: memref<8x128xi32, #tpu.memory_space<vmem>>) attributes {dimension_semantics = [#tpu.dimension_semantics<core_parallel>, #tpu.dimension_semantics<subcore_parallel>], iteration_bounds = array<i64: 2, 16>, scalar_prefetch = 0 : i64, scratch_operands = 8 : i64, tpu.core_type = #tpu.core_type<sc_vector_subcore>, window_params = [{transform_indices = #map}, {transform_indices = #map}]} {
    %mul3A = arith.constant 2 : i32
    %mul3A_0 = arith.muli %arg1, %mul3A : i32
    %add3A = arith.addi %mul3A_0, %arg0 : i32
    "tpu.region"() ({
      %run_scoped3A = tpu.sem_alloc : memref<!tpu.dma_semaphore, #tpu.memory_space<semaphore_mem>>
      %dma_start3A = arith.constant 0 : i32
      %dma_start3A_270 = tpu.memref_slice %arg2[%add3A, %dma_start3A] : memref<32x32768xf32, #tpu.memory_space<hbm>> -> memref<1x32768xf32, #tpu.memory_space<hbm>>
      %dma_start3A_271 = tpu.memref_squeeze %dma_start3A_270 : memref<1x32768xf32, #tpu.memory_space<hbm>> -> memref<32768xf32, #tpu.memory_space<hbm>>
      %dma_start3A_272 = arith.constant 0 : i32
      %dma_start3A_273 = tpu.memref_slice %arg2[%add3A, %dma_start3A_272] : memref<32x32768xf32, #tpu.memory_space<hbm>> -> memref<1x32768xf32, #tpu.memory_space<hbm>>
      %dma_start3A_274 = tpu.memref_squeeze %dma_start3A_273 : memref<1x32768xf32, #tpu.memory_space<hbm>> -> memref<32768xf32, #tpu.memory_space<hbm>>
      tpu.enqueue_dma source(%dma_start3A_274 : memref<32768xf32, #tpu.memory_space<hbm>>) target(%arg4 : memref<32768xf32, #tpu.memory_space<vmem>>) target_semaphore(%run_scoped3A : memref<!tpu.dma_semaphore, #tpu.memory_space<semaphore_mem>>)
      %dma_wait3A = arith.constant 0 : i32
      %dma_wait3A_275 = tpu.memref_slice %arg2[%add3A, %dma_wait3A] : memref<32x32768xf32, #tpu.memory_space<hbm>> -> memref<1x32768xf32, #tpu.memory_space<hbm>>
      %dma_wait3A_276 = tpu.memref_squeeze %dma_wait3A_275 : memref<1x32768xf32, #tpu.memory_space<hbm>> -> memref<32768xf32, #tpu.memory_space<hbm>>
      %dma_wait3A_277 = arith.constant 0 : i32
      %dma_wait3A_278 = tpu.memref_slice %arg2[%add3A, %dma_wait3A_277] : memref<32x32768xf32, #tpu.memory_space<hbm>> -> memref<1x32768xf32, #tpu.memory_space<hbm>>
      %dma_wait3A_279 = tpu.memref_squeeze %dma_wait3A_278 : memref<1x32768xf32, #tpu.memory_space<hbm>> -> memref<32768xf32, #tpu.memory_space<hbm>>
      tpu.wait_dma2 semaphore(%run_scoped3A : memref<!tpu.dma_semaphore, #tpu.memory_space<semaphore_mem>>) src(%dma_wait3A_279 : memref<32768xf32, #tpu.memory_space<hbm>>) dst(%arg4 : memref<32768xf32, #tpu.memory_space<vmem>>)
      tpu.yield
    }) : () -> ()
    %scan3A = arith.constant 0 : i32
    %scan3A_1 = arith.constant 0 : i32
    %scan3A_2 = arith.constant 64 : i32
    %scan3A_3 = arith.addi %scan3A_1, %scan3A_2 : i32
    %scan3A_4 = arith.constant 1 : i32
    scf.for %scan3A_270 = %scan3A_1 to %scan3A_3 step %scan3A_4  : i32 {
      %broadcast_in_dim3A_271 = arith.constant 0 : i32
      %broadcast_in_dim3A_272 = vector.broadcast %broadcast_in_dim3A_271 : i32 to vector<16xi32>
      %jit3A_273 = arith.constant 8 : i32
      %div3A_274 = arith.divsi %scan3A_270, %jit3A_273 : i32
      %sign3A_275 = arith.constant 0 : i32
      %sign3A_276 = arith.cmpi sgt, %scan3A_270, %sign3A_275 : i32
      %sign3A_277 = arith.extui %sign3A_276 : i1 to i32
      %sign3A_278 = arith.constant 0 : i32
      %sign3A_279 = arith.cmpi slt, %scan3A_270, %sign3A_278 : i32
      %sign3A_280 = arith.extui %sign3A_279 : i1 to i32
      %sign3A_281 = arith.subi %sign3A_277, %sign3A_280 : i32
      %sign3A_282 = arith.constant 0 : i32
      %sign3A_283 = arith.cmpi sgt, %jit3A_273, %sign3A_282 : i32
      %sign3A_284 = arith.extui %sign3A_283 : i1 to i32
      %sign3A_285 = arith.constant 0 : i32
      %sign3A_286 = arith.cmpi slt, %jit3A_273, %sign3A_285 : i32
      %sign3A_287 = arith.extui %sign3A_286 : i1 to i32
      %sign3A_288 = arith.subi %sign3A_284, %sign3A_287 : i32
      %ne3A_289 = arith.cmpi ne, %sign3A_281, %sign3A_288 : i32
      %rem3A_290 = arith.remsi %scan3A_270, %jit3A_273 : i32
      %ne3A_291 = arith.constant 0 : i32
      %ne3A_292 = arith.cmpi ne, %rem3A_290, %ne3A_291 : i32
      %and3A_293 = arith.andi %ne3A_289, %ne3A_292 : i1
      %sub3A_294 = arith.constant 1 : i32
      %sub3A_295 = arith.subi %div3A_274, %sub3A_294 : i32
      %select_n3A_296 = arith.select %and3A_293, %sub3A_295, %div3A_274 : i32
      %jit3A_297 = arith.constant 8 : i32
      %eq3A = arith.constant 0 : i32
      %eq3A_298 = arith.cmpi eq, %jit3A_297, %eq3A : i32
      %jit3A_299 = arith.constant 1 : i32
      %select_n3A_300 = arith.select %eq3A_298, %jit3A_299, %jit3A_297 : i32
      %rem3A_301 = arith.remsi %scan3A_270, %select_n3A_300 : i32
      %ne3A_302 = arith.constant 0 : i32
      %ne3A_303 = arith.cmpi ne, %rem3A_301, %ne3A_302 : i32
      %lt3A = arith.constant 0 : i32
      %lt3A_304 = arith.cmpi slt, %rem3A_301, %lt3A : i32
      %lt3A_305 = arith.constant 0 : i32
      %lt3A_306 = arith.cmpi slt, %select_n3A_300, %lt3A_305 : i32
      %ne3A_307 = arith.xori %lt3A_304, %lt3A_306 : i1
      %and3A_308 = arith.andi %ne3A_307, %ne3A_303 : i1
      %add3A_309 = arith.addi %rem3A_301, %select_n3A_300 : i32
      %select_n3A_310 = arith.select %and3A_308, %add3A_309, %rem3A_301 : i32
      %mul3A_311 = arith.constant 16 : i32
      %mul3A_312 = arith.muli %select_n3A_310, %mul3A_311 : i32
      %swap3A = arith.index_cast %select_n3A_296 : i32 to index
      %swap3A_313 = arith.index_cast %mul3A_312 : i32 to index
      %swap3A_314 = tpu.vector_load %arg11[%swap3A, %swap3A_313] {strides = array<i32>} : memref<8x128xi32, #tpu.memory_space<vmem>>, vector<16xi32>,
      tpu.vector_store %arg11[%swap3A, %swap3A_313], %broadcast_in_dim3A_272 {strides = array<i32>} : memref<8x128xi32, #tpu.memory_space<vmem>>, vector<16xi32>,
    }
    %scan3A_5 = arith.constant 64 : i32
    %iota3A = tpu.iota {dimensions = array<i32: 0>} : vector<16xi32>
    %broadcast_in_dim3A = arith.constant 1 : i32
    %broadcast_in_dim3A_6 = vector.broadcast %broadcast_in_dim3A : i32 to vector<16xi32>
    %broadcast_in_dim3A_7 = arith.constant 0 : i32
    %broadcast_in_dim3A_8 = vector.broadcast %broadcast_in_dim3A_7 : i32 to vector<16xi32>
    %scan3A_9 = arith.constant 0 : i32
    %scan3A_10 = arith.constant 0 : i32
    %scan3A_11 = arith.constant 256 : i32
    %scan3A_12 = arith.addi %scan3A_10, %scan3A_11 : i32
    %scan3A_13 = arith.constant 1 : i32
    scf.for %scan3A_270 = %scan3A_10 to %scan3A_12 step %scan3A_13  : i32 {
      %mul3A_271 = arith.constant 16 : i32
      %mul3A_272 = arith.muli %scan3A_270, %mul3A_271 : i32
      %swap3A = arith.index_cast %mul3A_272 : i32 to index
      %swap3A_273 = tpu.vector_load %arg5[%swap3A] {strides = array<i32>} : memref<4096xi32, #tpu.memory_space<vmem>>, vector<16xi32>,
      tpu.vector_store %arg5[%swap3A], %broadcast_in_dim3A_8 {strides = array<i32>} : memref<4096xi32, #tpu.memory_space<vmem>>, vector<16xi32>,
    }
    %scan3A_14 = arith.constant 256 : i32
    %scan3A_15 = arith.constant 0 : i32
    %scan3A_16 = arith.constant 0 : i32
    %scan3A_17 = arith.constant 512 : i32
    %scan3A_18 = arith.addi %scan3A_16, %scan3A_17 : i32
    %scan3A_19 = arith.constant 1 : i32
    scf.for %scan3A_270 = %scan3A_16 to %scan3A_18 step %scan3A_19  : i32 {
      %mul3A_271 = arith.constant 4 : i32
      %mul3A_272 = arith.muli %scan3A_270, %mul3A_271 : i32
      %add3A_273 = arith.constant 0 : i32
      %add3A_274 = arith.addi %mul3A_272, %add3A_273 : i32
      %mul3A_275 = arith.constant 16 : i32
      %mul3A_276 = arith.muli %add3A_274, %mul3A_275 : i32
      %get3A = arith.index_cast %mul3A_276 : i32 to index
      %get3A_277 = tpu.vector_load %arg4[%get3A] {strides = array<i32>} : memref<32768xf32, #tpu.memory_space<vmem>>, vector<16xf32>,
      %bitcast_convert_type3A = tpu.bitcast %get3A_277 : vector<16xf32> -> vector<16xi32>
      %lt3A = arith.constant 0 : i32
      %lt3A_278 = vector.broadcast %lt3A : i32 to vector<16xi32>
      %lt3A_279 = arith.cmpi slt, %bitcast_convert_type3A, %lt3A_278 : vector<16xi32>
      %not3A = arith.constant dense<-1> : vector<16xi32>
      %not3A_280 = arith.xori %bitcast_convert_type3A, %not3A : vector<16xi32>
      %and3A_281 = arith.constant 2147483647 : i32
      %and3A_282 = vector.broadcast %and3A_281 : i32 to vector<16xi32>
      %and3A_283 = arith.andi %not3A_280, %and3A_282 : vector<16xi32>
      %select_n3A_284 = arith.select %lt3A_279, %bitcast_convert_type3A, %and3A_283 : vector<16xi1>, vector<16xi32>
      %bitcast_convert_type3A_285 = tpu.bitcast %select_n3A_284 : vector<16xi32> -> vector<16xf32>
      %swap3A = arith.index_cast %mul3A_276 : i32 to index
      %swap3A_286 = tpu.vector_load %arg4[%swap3A] {strides = array<i32>} : memref<32768xf32, #tpu.memory_space<vmem>>, vector<16xf32>,
      tpu.vector_store %arg4[%swap3A], %bitcast_convert_type3A_285 {strides = array<i32>} : memref<32768xf32, #tpu.memory_space<vmem>>, vector<16xf32>,
      %broadcast_in_dim3A_287 = arith.constant 24 : i32
      %broadcast_in_dim3A_288 = vector.broadcast %broadcast_in_dim3A_287 : i32 to vector<16xi32>
      %shift_right_logical3A = arith.shrui %select_n3A_284, %broadcast_in_dim3A_288 : vector<16xi32>
      %and3A_289 = arith.constant 255 : i32
      %and3A_290 = vector.broadcast %and3A_289 : i32 to vector<16xi32>
      %and3A_291 = arith.andi %shift_right_logical3A, %and3A_290 : vector<16xi32>
      %mul3A_292 = arith.constant 256 : i32
      %mul3A_293 = vector.broadcast %mul3A_292 : i32 to vector<16xi32>
      %mul3A_294 = arith.muli %iota3A, %mul3A_293 : vector<16xi32>
      %add3A_295 = arith.addi %mul3A_294, %and3A_291 : vector<16xi32>
      tpu.vector_store_idx %arg5[%add3A_295], %broadcast_in_dim3A_6 {add = true} : memref<4096xi32, #tpu.memory_space<vmem>>[vector<16xi32>], vector<16xi32>,
      %mul3A_296 = arith.constant 4 : i32
      %mul3A_297 = arith.muli %scan3A_270, %mul3A_296 : i32
      %add3A_298 = arith.constant 1 : i32
      %add3A_299 = arith.addi %mul3A_297, %add3A_298 : i32
      %mul3A_300 = arith.constant 16 : i32
      %mul3A_301 = arith.muli %add3A_299, %mul3A_300 : i32
      %get3A_302 = arith.index_cast %mul3A_301 : i32 to index
      %get3A_303 = tpu.vector_load %arg4[%get3A_302] {strides = array<i32>} : memref<32768xf32, #tpu.memory_space<vmem>>, vector<16xf32>,
      %bitcast_convert_type3A_304 = tpu.bitcast %get3A_303 : vector<16xf32> -> vector<16xi32>
      %lt3A_305 = arith.constant 0 : i32
      %lt3A_306 = vector.broadcast %lt3A_305 : i32 to vector<16xi32>
      %lt3A_307 = arith.cmpi slt, %bitcast_convert_type3A_304, %lt3A_306 : vector<16xi32>
      %not3A_308 = arith.constant dense<-1> : vector<16xi32>
      %not3A_309 = arith.xori %bitcast_convert_type3A_304, %not3A_308 : vector<16xi32>
      %and3A_310 = arith.constant 2147483647 : i32
      %and3A_311 = vector.broadcast %and3A_310 : i32 to vector<16xi32>
      %and3A_312 = arith.andi %not3A_309, %and3A_311 : vector<16xi32>
      %select_n3A_313 = arith.select %lt3A_307, %bitcast_convert_type3A_304, %and3A_312 : vector<16xi1>, vector<16xi32>
      %bitcast_convert_type3A_314 = tpu.bitcast %select_n3A_313 : vector<16xi32> -> vector<16xf32>
      %swap3A_315 = arith.index_cast %mul3A_301 : i32 to index
      %swap3A_316 = tpu.vector_load %arg4[%swap3A_315] {strides = array<i32>} : memref<32768xf32, #tpu.memory_space<vmem>>, vector<16xf32>,
      tpu.vector_store %arg4[%swap3A_315], %bitcast_convert_type3A_314 {strides = array<i32>} : memref<32768xf32, #tpu.memory_space<vmem>>, vector<16xf32>,
      %broadcast_in_dim3A_317 = arith.constant 24 : i32
      %broadcast_in_dim3A_318 = vector.broadcast %broadcast_in_dim3A_317 : i32 to vector<16xi32>
      %shift_right_logical3A_319 = arith.shrui %select_n3A_313, %broadcast_in_dim3A_318 : vector<16xi32>
      %and3A_320 = arith.constant 255 : i32
      %and3A_321 = vector.broadcast %and3A_320 : i32 to vector<16xi32>
      %and3A_322 = arith.andi %shift_right_logical3A_319, %and3A_321 : vector<16xi32>
      %mul3A_323 = arith.constant 256 : i32
      %mul3A_324 = vector.broadcast %mul3A_323 : i32 to vector<16xi32>
      %mul3A_325 = arith.muli %iota3A, %mul3A_324 : vector<16xi32>
      %add3A_326 = arith.addi %mul3A_325, %and3A_322 : vector<16xi32>
      tpu.vector_store_idx %arg5[%add3A_326], %broadcast_in_dim3A_6 {add = true} : memref<4096xi32, #tpu.memory_space<vmem>>[vector<16xi32>], vector<16xi32>,
      %mul3A_327 = arith.constant 4 : i32
      %mul3A_328 = arith.muli %scan3A_270, %mul3A_327 : i32
      %add3A_329 = arith.constant 2 : i32
      %add3A_330 = arith.addi %mul3A_328, %add3A_329 : i32
      %mul3A_331 = arith.constant 16 : i32
      %mul3A_332 = arith.muli %add3A_330, %mul3A_331 : i32
      %get3A_333 = arith.index_cast %mul3A_332 : i32 to index
      %get3A_334 = tpu.vector_load %arg4[%get3A_333] {strides = array<i32>} : memref<32768xf32, #tpu.memory_space<vmem>>, vector<16xf32>,
      %bitcast_convert_type3A_335 = tpu.bitcast %get3A_334 : vector<16xf32> -> vector<16xi32>
      %lt3A_336 = arith.constant 0 : i32
      %lt3A_337 = vector.broadcast %lt3A_336 : i32 to vector<16xi32>
      %lt3A_338 = arith.cmpi slt, %bitcast_convert_type3A_335, %lt3A_337 : vector<16xi32>
      %not3A_339 = arith.constant dense<-1> : vector<16xi32>
      %not3A_340 = arith.xori %bitcast_convert_type3A_335, %not3A_339 : vector<16xi32>
      %and3A_341 = arith.constant 2147483647 : i32
      %and3A_342 = vector.broadcast %and3A_341 : i32 to vector<16xi32>
      %and3A_343 = arith.andi %not3A_340, %and3A_342 : vector<16xi32>
      %select_n3A_344 = arith.select %lt3A_338, %bitcast_convert_type3A_335, %and3A_343 : vector<16xi1>, vector<16xi32>
      %bitcast_convert_type3A_345 = tpu.bitcast %select_n3A_344 : vector<16xi32> -> vector<16xf32>
      %swap3A_346 = arith.index_cast %mul3A_332 : i32 to index
      %swap3A_347 = tpu.vector_load %arg4[%swap3A_346] {strides = array<i32>} : memref<32768xf32, #tpu.memory_space<vmem>>, vector<16xf32>,
      tpu.vector_store %arg4[%swap3A_346], %bitcast_convert_type3A_345 {strides = array<i32>} : memref<32768xf32, #tpu.memory_space<vmem>>, vector<16xf32>,
      %broadcast_in_dim3A_348 = arith.constant 24 : i32
      %broadcast_in_dim3A_349 = vector.broadcast %broadcast_in_dim3A_348 : i32 to vector<16xi32>
      %shift_right_logical3A_350 = arith.shrui %select_n3A_344, %broadcast_in_dim3A_349 : vector<16xi32>
      %and3A_351 = arith.constant 255 : i32
      %and3A_352 = vector.broadcast %and3A_351 : i32 to vector<16xi32>
      %and3A_353 = arith.andi %shift_right_logical3A_350, %and3A_352 : vector<16xi32>
      %mul3A_354 = arith.constant 256 : i32
      %mul3A_355 = vector.broadcast %mul3A_354 : i32 to vector<16xi32>
      %mul3A_356 = arith.muli %iota3A, %mul3A_355 : vector<16xi32>
      %add3A_357 = arith.addi %mul3A_356, %and3A_353 : vector<16xi32>
      tpu.vector_store_idx %arg5[%add3A_357], %broadcast_in_dim3A_6 {add = true} : memref<4096xi32, #tpu.memory_space<vmem>>[vector<16xi32>], vector<16xi32>,
      %mul3A_358 = arith.constant 4 : i32
      %mul3A_359 = arith.muli %scan3A_270, %mul3A_358 : i32
      %add3A_360 = arith.constant 3 : i32
      %add3A_361 = arith.addi %mul3A_359, %add3A_360 : i32
      %mul3A_362 = arith.constant 16 : i32
      %mul3A_363 = arith.muli %add3A_361, %mul3A_362 : i32
      %get3A_364 = arith.index_cast %mul3A_363 : i32 to index
      %get3A_365 = tpu.vector_load %arg4[%get3A_364] {strides = array<i32>} : memref<32768xf32, #tpu.memory_space<vmem>>, vector<16xf32>,
      %bitcast_convert_type3A_366 = tpu.bitcast %get3A_365 : vector<16xf32> -> vector<16xi32>
      %lt3A_367 = arith.constant 0 : i32
      %lt3A_368 = vector.broadcast %lt3A_367 : i32 to vector<16xi32>
      %lt3A_369 = arith.cmpi slt, %bitcast_convert_type3A_366, %lt3A_368 : vector<16xi32>
      %not3A_370 = arith.constant dense<-1> : vector<16xi32>
      %not3A_371 = arith.xori %bitcast_convert_type3A_366, %not3A_370 : vector<16xi32>
      %and3A_372 = arith.constant 2147483647 : i32
      %and3A_373 = vector.broadcast %and3A_372 : i32 to vector<16xi32>
      %and3A_374 = arith.andi %not3A_371, %and3A_373 : vector<16xi32>
      %select_n3A_375 = arith.select %lt3A_369, %bitcast_convert_type3A_366, %and3A_374 : vector<16xi1>, vector<16xi32>
      %bitcast_convert_type3A_376 = tpu.bitcast %select_n3A_375 : vector<16xi32> -> vector<16xf32>
      %swap3A_377 = arith.index_cast %mul3A_363 : i32 to index
      %swap3A_378 = tpu.vector_load %arg4[%swap3A_377] {strides = array<i32>} : memref<32768xf32, #tpu.memory_space<vmem>>, vector<16xf32>,
      tpu.vector_store %arg4[%swap3A_377], %bitcast_convert_type3A_376 {strides = array<i32>} : memref<32768xf32, #tpu.memory_space<vmem>>, vector<16xf32>,
      %broadcast_in_dim3A_379 = arith.constant 24 : i32
      %broadcast_in_dim3A_380 = vector.broadcast %broadcast_in_dim3A_379 : i32 to vector<16xi32>
      %shift_right_logical3A_381 = arith.shrui %select_n3A_375, %broadcast_in_dim3A_380 : vector<16xi32>
      %and3A_382 = arith.constant 255 : i32
      %and3A_383 = vector.broadcast %and3A_382 : i32 to vector<16xi32>
      %and3A_384 = arith.andi %shift_right_logical3A_381, %and3A_383 : vector<16xi32>
      %mul3A_385 = arith.constant 256 : i32
      %mul3A_386 = vector.broadcast %mul3A_385 : i32 to vector<16xi32>
      %mul3A_387 = arith.muli %iota3A, %mul3A_386 : vector<16xi32>
      %add3A_388 = arith.addi %mul3A_387, %and3A_384 : vector<16xi32>
      tpu.vector_store_idx %arg5[%add3A_388], %broadcast_in_dim3A_6 {add = true} : memref<4096xi32, #tpu.memory_space<vmem>>[vector<16xi32>], vector<16xi32>,
    }
    %scan3A_20 = arith.constant 512 : i32
    %scan3A_21 = arith.constant 0 : i32
    %scan3A_22 = arith.constant 0 : i32
    %scan3A_23 = arith.constant 0 : i32
    %scan3A_24 = arith.constant 0 : i32
    %scan3A_25 = arith.constant 0 : i32
    %scan3A_26 = arith.constant 16 : i32
    %scan3A_27 = arith.addi %scan3A_25, %scan3A_26 : i32
    %scan3A_28 = arith.constant 1 : i32
    %scan3A_29:4 = scf.for %scan3A_270 = %scan3A_25 to %scan3A_27 step %scan3A_28 iter_args(%scan3A_271 = %scan3A_21, %scan3A_272 = %scan3A_22, %scan3A_273 = %scan3A_23, %scan3A_274 = %scan3A_24) -> (i32, i32, i32, i32)  : i32 {
      %mul3A_275 = arith.constant 16 : i32
      %mul3A_276 = arith.muli %scan3A_270, %mul3A_275 : i32
      %add3A_277 = arith.constant 0 : i32
      %add3A_278 = arith.addi %add3A_277, %mul3A_276 : i32
      %get3A = arith.index_cast %add3A_278 : i32 to index
      %get3A_279 = tpu.vector_load %arg5[%get3A] {strides = array<i32>} : memref<4096xi32, #tpu.memory_space<vmem>>, vector<16xi32>,
      %add3A_280 = arith.addi %broadcast_in_dim3A_8, %get3A_279 : vector<16xi32>
      %mul3A_281 = arith.constant 16 : i32
      %mul3A_282 = arith.muli %scan3A_270, %mul3A_281 : i32
      %add3A_283 = arith.constant 256 : i32
      %add3A_284 = arith.addi %add3A_283, %mul3A_282 : i32
      %get3A_285 = arith.index_cast %add3A_284 : i32 to index
      %get3A_286 = tpu.vector_load %arg5[%get3A_285] {strides = array<i32>} : memref<4096xi32, #tpu.memory_space<vmem>>, vector<16xi32>,
      %add3A_287 = arith.addi %add3A_280, %get3A_286 : vector<16xi32>
      %mul3A_288 = arith.constant 16 : i32
      %mul3A_289 = arith.muli %scan3A_270, %mul3A_288 : i32
      %add3A_290 = arith.constant 512 : i32
      %add3A_291 = arith.addi %add3A_290, %mul3A_289 : i32
      %get3A_292 = arith.index_cast %add3A_291 : i32 to index
      %get3A_293 = tpu.vector_load %arg5[%get3A_292] {strides = array<i32>} : memref<4096xi32, #tpu.memory_space<vmem>>, vector<16xi32>,
      %add3A_294 = arith.addi %add3A_287, %get3A_293 : vector<16xi32>
      %mul3A_295 = arith.constant 16 : i32
      %mul3A_296 = arith.muli %scan3A_270, %mul3A_295 : i32
      %add3A_297 = arith.constant 768 : i32
      %add3A_298 = arith.addi %add3A_297, %mul3A_296 : i32
      %get3A_299 = arith.index_cast %add3A_298 : i32 to index
      %get3A_300 = tpu.vector_load %arg5[%get3A_299] {strides = array<i32>} : memref<4096xi32, #tpu.memory_space<vmem>>, vector<16xi32>,
      %add3A_301 = arith.addi %add3A_294, %get3A_300 : vector<16xi32>
      %mul3A_302 = arith.constant 16 : i32
      %mul3A_303 = arith.muli %scan3A_270, %mul3A_302 : i32
      %add3A_304 = arith.constant 1024 : i32
      %add3A_305 = arith.addi %add3A_304, %mul3A_303 : i32
      %get3A_306 = arith.index_cast %add3A_305 : i32 to index
      %get3A_307 = tpu.vector_load %arg5[%get3A_306] {strides = array<i32>} : memref<4096xi32, #tpu.memory_space<vmem>>, vector<16xi32>,
      %add3A_308 = arith.addi %add3A_301, %get3A_307 : vector<16xi32>
      %mul3A_309 = arith.constant 16 : i32
      %mul3A_310 = arith.muli %scan3A_270, %mul3A_309 : i32
      %add3A_311 = arith.constant 1280 : i32
      %add3A_312 = arith.addi %add3A_311, %mul3A_310 : i32
      %get3A_313 = arith.index_cast %add3A_312 : i32 to index
      %get3A_314 = tpu.vector_load %arg5[%get3A_313] {strides = array<i32>} : memref<4096xi32, #tpu.memory_space<vmem>>, vector<16xi32>,
      %add3A_315 = arith.addi %add3A_308, %get3A_314 : vector<16xi32>
      %mul3A_316 = arith.constant 16 : i32
      %mul3A_317 = arith.muli %scan3A_270, %mul3A_316 : i32
      %add3A_318 = arith.constant 1536 : i32
      %add3A_319 = arith.addi %add3A_318, %mul3A_317 : i32
      %get3A_320 = arith.index_cast %add3A_319 : i32 to index
      %get3A_321 = tpu.vector_load %arg5[%get3A_320] {strides = array<i32>} : memref<4096xi32, #tpu.memory_space<vmem>>, vector<16xi32>,
      %add3A_322 = arith.addi %add3A_315, %get3A_321 : vector<16xi32>
      %mul3A_323 = arith.constant 16 : i32
      %mul3A_324 = arith.muli %scan3A_270, %mul3A_323 : i32
      %add3A_325 = arith.constant 1792 : i32
      %add3A_326 = arith.addi %add3A_325, %mul3A_324 : i32
      %get3A_327 = arith.index_cast %add3A_326 : i32 to index
      %get3A_328 = tpu.vector_load %arg5[%get3A_327] {strides = array<i32>} : memref<4096xi32, #tpu.memory_space<vmem>>, vector<16xi32>,
      %add3A_329 = arith.addi %add3A_322, %get3A_328 : vector<16xi32>
      %mul3A_330 = arith.constant 16 : i32
      %mul3A_331 = arith.muli %scan3A_270, %mul3A_330 : i32
      %add3A_332 = arith.constant 2048 : i32
      %add3A_333 = arith.addi %add3A_332, %mul3A_331 : i32
      %get3A_334 = arith.index_cast %add3A_333 : i32 to index
      %get3A_335 = tpu.vector_load %arg5[%get3A_334] {strides = array<i32>} : memref<4096xi32, #tpu.memory_space<vmem>>, vector<16xi32>,
      %add3A_336 = arith.addi %add3A_329, %get3A_335 : vector<16xi32>
      %mul3A_337 = arith.constant 16 : i32
      %mul3A_338 = arith.muli %scan3A_270, %mul3A_337 : i32
      %add3A_339 = arith.constant 2304 : i32
      %add3A_340 = arith.addi %add3A_339, %mul3A_338 : i32
      %get3A_341 = arith.index_cast %add3A_340 : i32 to index
      %get3A_342 = tpu.vector_load %arg5[%get3A_341] {strides = array<i32>} : memref<4096xi32, #tpu.memory_space<vmem>>, vector<16xi32>,
      %add3A_343 = arith.addi %add3A_336, %get3A_342 : vector<16xi32>
      %mul3A_344 = arith.constant 16 : i32
      %mul3A_345 = arith.muli %scan3A_270, %mul3A_344 : i32
      %add3A_346 = arith.constant 2560 : i32
      %add3A_347 = arith.addi %add3A_346, %mul3A_345 : i32
      %get3A_348 = arith.index_cast %add3A_347 : i32 to index
      %get3A_349 = tpu.vector_load %arg5[%get3A_348] {strides = array<i32>} : memref<4096xi32, #tpu.memory_space<vmem>>, vector<16xi32>,
      %add3A_350 = arith.addi %add3A_343, %get3A_349 : vector<16xi32>
      %mul3A_351 = arith.constant 16 : i32
      %mul3A_352 = arith.muli %scan3A_270, %mul3A_351 : i32
      %add3A_353 = arith.constant 2816 : i32
      %add3A_354 = arith.addi %add3A_353, %mul3A_352 : i32
      %get3A_355 = arith.index_cast %add3A_354 : i32 to index
      %get3A_356 = tpu.vector_load %arg5[%get3A_355] {strides = array<i32>} : memref<4096xi32, #tpu.memory_space<vmem>>, vector<16xi32>,
      %add3A_357 = arith.addi %add3A_350, %get3A_356 : vector<16xi32>
      %mul3A_358 = arith.constant 16 : i32
      %mul3A_359 = arith.muli %scan3A_270, %mul3A_358 : i32
      %add3A_360 = arith.constant 3072 : i32
      %add3A_361 = arith.addi %add3A_360, %mul3A_359 : i32
      %get3A_362 = arith.index_cast %add3A_361 : i32 to index
      %get3A_363 = tpu.vector_load %arg5[%get3A_362] {strides = array<i32>} : memref<4096xi32, #tpu.memory_space<vmem>>, vector<16xi32>,
      %add3A_364 = arith.addi %add3A_357, %get3A_363 : vector<16xi32>
      %mul3A_365 = arith.constant 16 : i32
      %mul3A_366 = arith.muli %scan3A_270, %mul3A_365 : i32
      %add3A_367 = arith.constant 3328 : i32
      %add3A_368 = arith.addi %add3A_367, %mul3A_366 : i32
      %get3A_369 = arith.index_cast %add3A_368 : i32 to index
      %get3A_370 = tpu.vector_load %arg5[%get3A_369] {strides = array<i32>} : memref<4096xi32, #tpu.memory_space<vmem>>, vector<16xi32>,
      %add3A_371 = arith.addi %add3A_364, %get3A_370 : vector<16xi32>
      %mul3A_372 = arith.constant 16 : i32
      %mul3A_373 = arith.muli %scan3A_270, %mul3A_372 : i32
      %add3A_374 = arith.constant 3584 : i32
      %add3A_375 = arith.addi %add3A_374, %mul3A_373 : i32
      %get3A_376 = arith.index_cast %add3A_375 : i32 to index
      %get3A_377 = tpu.vector_load %arg5[%get3A_376] {strides = array<i32>} : memref<4096xi32, #tpu.memory_space<vmem>>, vector<16xi32>,
      %add3A_378 = arith.addi %add3A_371, %get3A_377 : vector<16xi32>
      %mul3A_379 = arith.constant 16 : i32
      %mul3A_380 = arith.muli %scan3A_270, %mul3A_379 : i32
      %add3A_381 = arith.constant 3840 : i32
      %add3A_382 = arith.addi %add3A_381, %mul3A_380 : i32
      %get3A_383 = arith.index_cast %add3A_382 : i32 to index
      %get3A_384 = tpu.vector_load %arg5[%get3A_383] {strides = array<i32>} : memref<4096xi32, #tpu.memory_space<vmem>>, vector<16xi32>,
      %add3A_385 = arith.addi %add3A_378, %get3A_384 : vector<16xi32>
      %broadcast_in_dim3A_386 = arith.constant true
      %broadcast_in_dim3A_387 = vector.broadcast %broadcast_in_dim3A_386 : i1 to vector<16xi1>
      %masked_cumsum3A = tpu.scan <sum>, %add3A_385 masked %broadcast_in_dim3A_387 : vector<16xi32>, vector<16xi1> -> vector<16xi32>
      %add3A_388 = vector.broadcast %scan3A_271 : i32 to vector<16xi32>
      %add3A_389 = arith.addi %add3A_388, %masked_cumsum3A : vector<16xi32>
      %ge3A = arith.constant 1024 : i32
      %ge3A_390 = vector.broadcast %ge3A : i32 to vector<16xi32>
      %ge3A_391 = arith.cmpi sge, %add3A_389, %ge3A_390 : vector<16xi32>
      %jit3A_392 = arith.constant 0 : i32
      %jit3A_393 = arith.constant 1 : i32
      %broadcast_in_dim3A_394 = vector.broadcast %jit3A_392 : i32 to vector<16xi32>
      %broadcast_in_dim3A_395 = vector.broadcast %jit3A_393 : i32 to vector<16xi32>
      %select_n3A_396 = arith.select %ge3A_391, %broadcast_in_dim3A_394, %broadcast_in_dim3A_395 : vector<16xi1>, vector<16xi32>
      %reduce_sum3A = arith.constant true
      %reduce_sum3A_397 = vector.broadcast %reduce_sum3A : i1 to vector<16xi1>
      %reduce_sum3A_398 = tpu.scan <sum>, %select_n3A_396 masked %reduce_sum3A_397 : vector<16xi32>, vector<16xi1> -> vector<16xi32>
      %reduce_sum3A_399 = vector.extract %reduce_sum3A_398[15] : i32 from vector<16xi32>
      %jit3A_400 = arith.constant 0 : i32
      %broadcast_in_dim3A_401 = vector.broadcast %jit3A_400 : i32 to vector<16xi32>
      %select_n3A_402 = arith.select %ge3A_391, %broadcast_in_dim3A_401, %add3A_385 : vector<16xi1>, vector<16xi32>
      %reduce_sum3A_403 = arith.constant true
      %reduce_sum3A_404 = vector.broadcast %reduce_sum3A_403 : i1 to vector<16xi1>
      %reduce_sum3A_405 = tpu.scan <sum>, %select_n3A_402 masked %reduce_sum3A_404 : vector<16xi32>, vector<16xi1> -> vector<16xi32>
      %reduce_sum3A_406 = vector.extract %reduce_sum3A_405[15] : i32 from vector<16xi32>
      %lt3A = arith.constant 16 : i32
      %lt3A_407 = arith.cmpi slt, %reduce_sum3A_399, %lt3A : i32
      %eq3A = arith.constant 0 : i32
      %eq3A_408 = arith.cmpi eq, %scan3A_274, %eq3A : i32
      %and3A_409 = arith.andi %eq3A_408, %lt3A_407 : i1
      %mul3A_410 = arith.constant 16 : i32
      %mul3A_411 = arith.muli %scan3A_270, %mul3A_410 : i32
      %add3A_412 = arith.addi %mul3A_411, %reduce_sum3A_399 : i32
      %select_n3A_413 = arith.select %and3A_409, %add3A_412, %scan3A_272 : i32
      %add3A_414 = arith.addi %scan3A_271, %reduce_sum3A_406 : i32
      %select_n3A_415 = arith.select %and3A_409, %add3A_414, %scan3A_273 : i32
      %reduce_sum3A_416 = arith.constant true
      %reduce_sum3A_417 = vector.broadcast %reduce_sum3A_416 : i1 to vector<16xi1>
      %reduce_sum3A_418 = tpu.scan <sum>, %add3A_385 masked %reduce_sum3A_417 : vector<16xi32>, vector<16xi1> -> vector<16xi32>
      %reduce_sum3A_419 = vector.extract %reduce_sum3A_418[15] : i32 from vector<16xi32>
      %add3A_420 = arith.addi %scan3A_271, %reduce_sum3A_419 : i32
      %jit3A_421 = arith.constant 1 : i32
      %select_n3A_422 = arith.select %and3A_409, %jit3A_421, %scan3A_274 : i32
      scf.yield %add3A_420, %select_n3A_413, %select_n3A_415, %select_n3A_422 : i32, i32, i32, i32
    }
    %scan3A_30 = arith.constant 16 : i32
    %shift_left3A = arith.constant 24 : i32
    %shift_left3A_31 = arith.shli %scan3A_29#1, %shift_left3A : i32
    %or3A = arith.constant 0 : i32
    %or3A_32 = arith.ori %or3A, %shift_left3A_31 : i32
    %scan3A_33 = arith.constant 0 : i32
    %scan3A_34 = arith.constant 0 : i32
    %scan3A_35 = arith.constant 256 : i32
    %scan3A_36 = arith.addi %scan3A_34, %scan3A_35 : i32
    %scan3A_37 = arith.constant 1 : i32
    scf.for %scan3A_270 = %scan3A_34 to %scan3A_36 step %scan3A_37  : i32 {
      %mul3A_271 = arith.constant 16 : i32
      %mul3A_272 = arith.muli %scan3A_270, %mul3A_271 : i32
      %swap3A = arith.index_cast %mul3A_272 : i32 to index
      %swap3A_273 = tpu.vector_load %arg5[%swap3A] {strides = array<i32>} : memref<4096xi32, #tpu.memory_space<vmem>>, vector<16xi32>,
      tpu.vector_store %arg5[%swap3A], %broadcast_in_dim3A_8 {strides = array<i32>} : memref<4096xi32, #tpu.memory_space<vmem>>, vector<16xi32>,
    }
    %scan3A_38 = arith.constant 256 : i32
    %scan3A_39 = arith.constant 0 : i32
    %scan3A_40 = arith.constant 0 : i32
    %scan3A_41 = arith.constant 512 : i32
    %scan3A_42 = arith.addi %scan3A_40, %scan3A_41 : i32
    %scan3A_43 = arith.constant 1 : i32
    scf.for %scan3A_270 = %scan3A_40 to %scan3A_42 step %scan3A_43  : i32 {
      %mul3A_271 = arith.constant 4 : i32
      %mul3A_272 = arith.muli %scan3A_270, %mul3A_271 : i32
      %add3A_273 = arith.constant 0 : i32
      %add3A_274 = arith.addi %mul3A_272, %add3A_273 : i32
      %mul3A_275 = arith.constant 16 : i32
      %mul3A_276 = arith.muli %add3A_274, %mul3A_275 : i32
      %get3A = arith.index_cast %mul3A_276 : i32 to index
      %get3A_277 = tpu.vector_load %arg4[%get3A] {strides = array<i32>} : memref<32768xf32, #tpu.memory_space<vmem>>, vector<16xf32>,
      %bitcast_convert_type3A = tpu.bitcast %get3A_277 : vector<16xf32> -> vector<16xi32>
      %broadcast_in_dim3A_278 = arith.constant 16 : i32
      %broadcast_in_dim3A_279 = vector.broadcast %broadcast_in_dim3A_278 : i32 to vector<16xi32>
      %shift_right_logical3A = arith.shrui %bitcast_convert_type3A, %broadcast_in_dim3A_279 : vector<16xi32>
      %and3A_280 = arith.constant 255 : i32
      %and3A_281 = vector.broadcast %and3A_280 : i32 to vector<16xi32>
      %and3A_282 = arith.andi %shift_right_logical3A, %and3A_281 : vector<16xi32>
      %broadcast_in_dim3A_283 = arith.constant 24 : i32
      %broadcast_in_dim3A_284 = vector.broadcast %broadcast_in_dim3A_283 : i32 to vector<16xi32>
      %shift_right_logical3A_285 = arith.shrui %bitcast_convert_type3A, %broadcast_in_dim3A_284 : vector<16xi32>
      %shift_right_logical3A_286 = arith.constant 24 : i32
      %shift_right_logical3A_287 = arith.shrui %or3A_32, %shift_right_logical3A_286 : i32
      %eq3A = vector.broadcast %shift_right_logical3A_287 : i32 to vector<16xi32>
      %eq3A_288 = arith.cmpi eq, %shift_right_logical3A_285, %eq3A : vector<16xi32>
      %mul3A_289 = arith.constant 256 : i32
      %mul3A_290 = vector.broadcast %mul3A_289 : i32 to vector<16xi32>
      %mul3A_291 = arith.muli %iota3A, %mul3A_290 : vector<16xi32>
      %add3A_292 = arith.addi %mul3A_291, %and3A_282 : vector<16xi32>
      tpu.vector_store_idx %arg5[%add3A_292], %broadcast_in_dim3A_6 masked %eq3A_288 {add = true} : memref<4096xi32, #tpu.memory_space<vmem>>[vector<16xi32>], vector<16xi32>, vector<16xi1>
      %mul3A_293 = arith.constant 4 : i32
      %mul3A_294 = arith.muli %scan3A_270, %mul3A_293 : i32
      %add3A_295 = arith.constant 1 : i32
      %add3A_296 = arith.addi %mul3A_294, %add3A_295 : i32
      %mul3A_297 = arith.constant 16 : i32
      %mul3A_298 = arith.muli %add3A_296, %mul3A_297 : i32
      %get3A_299 = arith.index_cast %mul3A_298 : i32 to index
      %get3A_300 = tpu.vector_load %arg4[%get3A_299] {strides = array<i32>} : memref<32768xf32, #tpu.memory_space<vmem>>, vector<16xf32>,
      %bitcast_convert_type3A_301 = tpu.bitcast %get3A_300 : vector<16xf32> -> vector<16xi32>
      %broadcast_in_dim3A_302 = arith.constant 16 : i32
      %broadcast_in_dim3A_303 = vector.broadcast %broadcast_in_dim3A_302 : i32 to vector<16xi32>
      %shift_right_logical3A_304 = arith.shrui %bitcast_convert_type3A_301, %broadcast_in_dim3A_303 : vector<16xi32>
      %and3A_305 = arith.constant 255 : i32
      %and3A_306 = vector.broadcast %and3A_305 : i32 to vector<16xi32>
      %and3A_307 = arith.andi %shift_right_logical3A_304, %and3A_306 : vector<16xi32>
      %broadcast_in_dim3A_308 = arith.constant 24 : i32
      %broadcast_in_dim3A_309 = vector.broadcast %broadcast_in_dim3A_308 : i32 to vector<16xi32>
      %shift_right_logical3A_310 = arith.shrui %bitcast_convert_type3A_301, %broadcast_in_dim3A_309 : vector<16xi32>
      %shift_right_logical3A_311 = arith.constant 24 : i32
      %shift_right_logical3A_312 = arith.shrui %or3A_32, %shift_right_logical3A_311 : i32
      %eq3A_313 = vector.broadcast %shift_right_logical3A_312 : i32 to vector<16xi32>
      %eq3A_314 = arith.cmpi eq, %shift_right_logical3A_310, %eq3A_313 : vector<16xi32>
      %mul3A_315 = arith.constant 256 : i32
      %mul3A_316 = vector.broadcast %mul3A_315 : i32 to vector<16xi32>
      %mul3A_317 = arith.muli %iota3A, %mul3A_316 : vector<16xi32>
      %add3A_318 = arith.addi %mul3A_317, %and3A_307 : vector<16xi32>
      tpu.vector_store_idx %arg5[%add3A_318], %broadcast_in_dim3A_6 masked %eq3A_314 {add = true} : memref<4096xi32, #tpu.memory_space<vmem>>[vector<16xi32>], vector<16xi32>, vector<16xi1>
      %mul3A_319 = arith.constant 4 : i32
      %mul3A_320 = arith.muli %scan3A_270, %mul3A_319 : i32
      %add3A_321 = arith.constant 2 : i32
      %add3A_322 = arith.addi %mul3A_320, %add3A_321 : i32
      %mul3A_323 = arith.constant 16 : i32
      %mul3A_324 = arith.muli %add3A_322, %mul3A_323 : i32
      %get3A_325 = arith.index_cast %mul3A_324 : i32 to index
      %get3A_326 = tpu.vector_load %arg4[%get3A_325] {strides = array<i32>} : memref<32768xf32, #tpu.memory_space<vmem>>, vector<16xf32>,
      %bitcast_convert_type3A_327 = tpu.bitcast %get3A_326 : vector<16xf32> -> vector<16xi32>
      %broadcast_in_dim3A_328 = arith.constant 16 : i32
      %broadcast_in_dim3A_329 = vector.broadcast %broadcast_in_dim3A_328 : i32 to vector<16xi32>
      %shift_right_logical3A_330 = arith.shrui %bitcast_convert_type3A_327, %broadcast_in_dim3A_329 : vector<16xi32>
      %and3A_331 = arith.constant 255 : i32
      %and3A_332 = vector.broadcast %and3A_331 : i32 to vector<16xi32>
      %and3A_333 = arith.andi %shift_right_logical3A_330, %and3A_332 : vector<16xi32>
      %broadcast_in_dim3A_334 = arith.constant 24 : i32
      %broadcast_in_dim3A_335 = vector.broadcast %broadcast_in_dim3A_334 : i32 to vector<16xi32>
      %shift_right_logical3A_336 = arith.shrui %bitcast_convert_type3A_327, %broadcast_in_dim3A_335 : vector<16xi32>
      %shift_right_logical3A_337 = arith.constant 24 : i32
      %shift_right_logical3A_338 = arith.shrui %or3A_32, %shift_right_logical3A_337 : i32
      %eq3A_339 = vector.broadcast %shift_right_logical3A_338 : i32 to vector<16xi32>
      %eq3A_340 = arith.cmpi eq, %shift_right_logical3A_336, %eq3A_339 : vector<16xi32>
      %mul3A_341 = arith.constant 256 : i32
      %mul3A_342 = vector.broadcast %mul3A_341 : i32 to vector<16xi32>
      %mul3A_343 = arith.muli %iota3A, %mul3A_342 : vector<16xi32>
      %add3A_344 = arith.addi %mul3A_343, %and3A_333 : vector<16xi32>
      tpu.vector_store_idx %arg5[%add3A_344], %broadcast_in_dim3A_6 masked %eq3A_340 {add = true} : memref<4096xi32, #tpu.memory_space<vmem>>[vector<16xi32>], vector<16xi32>, vector<16xi1>
      %mul3A_345 = arith.constant 4 : i32
      %mul3A_346 = arith.muli %scan3A_270, %mul3A_345 : i32
      %add3A_347 = arith.constant 3 : i32
      %add3A_348 = arith.addi %mul3A_346, %add3A_347 : i32
      %mul3A_349 = arith.constant 16 : i32
      %mul3A_350 = arith.muli %add3A_348, %mul3A_349 : i32
      %get3A_351 = arith.index_cast %mul3A_350 : i32 to index
      %get3A_352 = tpu.vector_load %arg4[%get3A_351] {strides = array<i32>} : memref<32768xf32, #tpu.memory_space<vmem>>, vector<16xf32>,
      %bitcast_convert_type3A_353 = tpu.bitcast %get3A_352 : vector<16xf32> -> vector<16xi32>
      %broadcast_in_dim3A_354 = arith.constant 16 : i32
      %broadcast_in_dim3A_355 = vector.broadcast %broadcast_in_dim3A_354 : i32 to vector<16xi32>
      %shift_right_logical3A_356 = arith.shrui %bitcast_convert_type3A_353, %broadcast_in_dim3A_355 : vector<16xi32>
      %and3A_357 = arith.constant 255 : i32
      %and3A_358 = vector.broadcast %and3A_357 : i32 to vector<16xi32>
      %and3A_359 = arith.andi %shift_right_logical3A_356, %and3A_358 : vector<16xi32>
      %broadcast_in_dim3A_360 = arith.constant 24 : i32
      %broadcast_in_dim3A_361 = vector.broadcast %broadcast_in_dim3A_360 : i32 to vector<16xi32>
      %shift_right_logical3A_362 = arith.shrui %bitcast_convert_type3A_353, %broadcast_in_dim3A_361 : vector<16xi32>
      %shift_right_logical3A_363 = arith.constant 24 : i32
      %shift_right_logical3A_364 = arith.shrui %or3A_32, %shift_right_logical3A_363 : i32
      %eq3A_365 = vector.broadcast %shift_right_logical3A_364 : i32 to vector<16xi32>
      %eq3A_366 = arith.cmpi eq, %shift_right_logical3A_362, %eq3A_365 : vector<16xi32>
      %mul3A_367 = arith.constant 256 : i32
      %mul3A_368 = vector.broadcast %mul3A_367 : i32 to vector<16xi32>
      %mul3A_369 = arith.muli %iota3A, %mul3A_368 : vector<16xi32>
      %add3A_370 = arith.addi %mul3A_369, %and3A_359 : vector<16xi32>
      tpu.vector_store_idx %arg5[%add3A_370], %broadcast_in_dim3A_6 masked %eq3A_366 {add = true} : memref<4096xi32, #tpu.memory_space<vmem>>[vector<16xi32>], vector<16xi32>, vector<16xi1>
    }
    %scan3A_44 = arith.constant 512 : i32
    %scan3A_45 = arith.constant 0 : i32
    %scan3A_46 = arith.constant 0 : i32
    %scan3A_47 = arith.constant 0 : i32
    %scan3A_48 = arith.constant 0 : i32
    %scan3A_49 = arith.constant 16 : i32
    %scan3A_50 = arith.addi %scan3A_48, %scan3A_49 : i32
    %scan3A_51 = arith.constant 1 : i32
    %scan3A_52:4 = scf.for %scan3A_270 = %scan3A_48 to %scan3A_50 step %scan3A_51 iter_args(%scan3A_271 = %scan3A_29#2, %scan3A_272 = %scan3A_45, %scan3A_273 = %scan3A_46, %scan3A_274 = %scan3A_47) -> (i32, i32, i32, i32)  : i32 {
      %mul3A_275 = arith.constant 16 : i32
      %mul3A_276 = arith.muli %scan3A_270, %mul3A_275 : i32
      %add3A_277 = arith.constant 0 : i32
      %add3A_278 = arith.addi %add3A_277, %mul3A_276 : i32
      %get3A = arith.index_cast %add3A_278 : i32 to index
      %get3A_279 = tpu.vector_load %arg5[%get3A] {strides = array<i32>} : memref<4096xi32, #tpu.memory_space<vmem>>, vector<16xi32>,
      %add3A_280 = arith.addi %broadcast_in_dim3A_8, %get3A_279 : vector<16xi32>
      %mul3A_281 = arith.constant 16 : i32
      %mul3A_282 = arith.muli %scan3A_270, %mul3A_281 : i32
      %add3A_283 = arith.constant 256 : i32
      %add3A_284 = arith.addi %add3A_283, %mul3A_282 : i32
      %get3A_285 = arith.index_cast %add3A_284 : i32 to index
      %get3A_286 = tpu.vector_load %arg5[%get3A_285] {strides = array<i32>} : memref<4096xi32, #tpu.memory_space<vmem>>, vector<16xi32>,
      %add3A_287 = arith.addi %add3A_280, %get3A_286 : vector<16xi32>
      %mul3A_288 = arith.constant 16 : i32
      %mul3A_289 = arith.muli %scan3A_270, %mul3A_288 : i32
      %add3A_290 = arith.constant 512 : i32
      %add3A_291 = arith.addi %add3A_290, %mul3A_289 : i32
      %get3A_292 = arith.index_cast %add3A_291 : i32 to index
      %get3A_293 = tpu.vector_load %arg5[%get3A_292] {strides = array<i32>} : memref<4096xi32, #tpu.memory_space<vmem>>, vector<16xi32>,
      %add3A_294 = arith.addi %add3A_287, %get3A_293 : vector<16xi32>
      %mul3A_295 = arith.constant 16 : i32
      %mul3A_296 = arith.muli %scan3A_270, %mul3A_295 : i32
      %add3A_297 = arith.constant 768 : i32
      %add3A_298 = arith.addi %add3A_297, %mul3A_296 : i32
      %get3A_299 = arith.index_cast %add3A_298 : i32 to index
      %get3A_300 = tpu.vector_load %arg5[%get3A_299] {strides = array<i32>} : memref<4096xi32, #tpu.memory_space<vmem>>, vector<16xi32>,
      %add3A_301 = arith.addi %add3A_294, %get3A_300 : vector<16xi32>
      %mul3A_302 = arith.constant 16 : i32
      %mul3A_303 = arith.muli %scan3A_270, %mul3A_302 : i32
      %add3A_304 = arith.constant 1024 : i32
      %add3A_305 = arith.addi %add3A_304, %mul3A_303 : i32
      %get3A_306 = arith.index_cast %add3A_305 : i32 to index
      %get3A_307 = tpu.vector_load %arg5[%get3A_306] {strides = array<i32>} : memref<4096xi32, #tpu.memory_space<vmem>>, vector<16xi32>,
      %add3A_308 = arith.addi %add3A_301, %get3A_307 : vector<16xi32>
      %mul3A_309 = arith.constant 16 : i32
      %mul3A_310 = arith.muli %scan3A_270, %mul3A_309 : i32
      %add3A_311 = arith.constant 1280 : i32
      %add3A_312 = arith.addi %add3A_311, %mul3A_310 : i32
      %get3A_313 = arith.index_cast %add3A_312 : i32 to index
      %get3A_314 = tpu.vector_load %arg5[%get3A_313] {strides = array<i32>} : memref<4096xi32, #tpu.memory_space<vmem>>, vector<16xi32>,
      %add3A_315 = arith.addi %add3A_308, %get3A_314 : vector<16xi32>
      %mul3A_316 = arith.constant 16 : i32
      %mul3A_317 = arith.muli %scan3A_270, %mul3A_316 : i32
      %add3A_318 = arith.constant 1536 : i32
      %add3A_319 = arith.addi %add3A_318, %mul3A_317 : i32
      %get3A_320 = arith.index_cast %add3A_319 : i32 to index
      %get3A_321 = tpu.vector_load %arg5[%get3A_320] {strides = array<i32>} : memref<4096xi32, #tpu.memory_space<vmem>>, vector<16xi32>,
      %add3A_322 = arith.addi %add3A_315, %get3A_321 : vector<16xi32>
      %mul3A_323 = arith.constant 16 : i32
      %mul3A_324 = arith.muli %scan3A_270, %mul3A_323 : i32
      %add3A_325 = arith.constant 1792 : i32
      %add3A_326 = arith.addi %add3A_325, %mul3A_324 : i32
      %get3A_327 = arith.index_cast %add3A_326 : i32 to index
      %get3A_328 = tpu.vector_load %arg5[%get3A_327] {strides = array<i32>} : memref<4096xi32, #tpu.memory_space<vmem>>, vector<16xi32>,
      %add3A_329 = arith.addi %add3A_322, %get3A_328 : vector<16xi32>
      %mul3A_330 = arith.constant 16 : i32
      %mul3A_331 = arith.muli %scan3A_270, %mul3A_330 : i32
      %add3A_332 = arith.constant 2048 : i32
      %add3A_333 = arith.addi %add3A_332, %mul3A_331 : i32
      %get3A_334 = arith.index_cast %add3A_333 : i32 to index
      %get3A_335 = tpu.vector_load %arg5[%get3A_334] {strides = array<i32>} : memref<4096xi32, #tpu.memory_space<vmem>>, vector<16xi32>,
      %add3A_336 = arith.addi %add3A_329, %get3A_335 : vector<16xi32>
      %mul3A_337 = arith.constant 16 : i32
      %mul3A_338 = arith.muli %scan3A_270, %mul3A_337 : i32
      %add3A_339 = arith.constant 2304 : i32
      %add3A_340 = arith.addi %add3A_339, %mul3A_338 : i32
      %get3A_341 = arith.index_cast %add3A_340 : i32 to index
      %get3A_342 = tpu.vector_load %arg5[%get3A_341] {strides = array<i32>} : memref<4096xi32, #tpu.memory_space<vmem>>, vector<16xi32>,
      %add3A_343 = arith.addi %add3A_336, %get3A_342 : vector<16xi32>
      %mul3A_344 = arith.constant 16 : i32
      %mul3A_345 = arith.muli %scan3A_270, %mul3A_344 : i32
      %add3A_346 = arith.constant 2560 : i32
      %add3A_347 = arith.addi %add3A_346, %mul3A_345 : i32
      %get3A_348 = arith.index_cast %add3A_347 : i32 to index
      %get3A_349 = tpu.vector_load %arg5[%get3A_348] {strides = array<i32>} : memref<4096xi32, #tpu.memory_space<vmem>>, vector<16xi32>,
      %add3A_350 = arith.addi %add3A_343, %get3A_349 : vector<16xi32>
      %mul3A_351 = arith.constant 16 : i32
      %mul3A_352 = arith.muli %scan3A_270, %mul3A_351 : i32
      %add3A_353 = arith.constant 2816 : i32
      %add3A_354 = arith.addi %add3A_353, %mul3A_352 : i32
      %get3A_355 = arith.index_cast %add3A_354 : i32 to index
      %get3A_356 = tpu.vector_load %arg5[%get3A_355] {strides = array<i32>} : memref<4096xi32, #tpu.memory_space<vmem>>, vector<16xi32>,
      %add3A_357 = arith.addi %add3A_350, %get3A_356 : vector<16xi32>
      %mul3A_358 = arith.constant 16 : i32
      %mul3A_359 = arith.muli %scan3A_270, %mul3A_358 : i32
      %add3A_360 = arith.constant 3072 : i32
      %add3A_361 = arith.addi %add3A_360, %mul3A_359 : i32
      %get3A_362 = arith.index_cast %add3A_361 : i32 to index
      %get3A_363 = tpu.vector_load %arg5[%get3A_362] {strides = array<i32>} : memref<4096xi32, #tpu.memory_space<vmem>>, vector<16xi32>,
      %add3A_364 = arith.addi %add3A_357, %get3A_363 : vector<16xi32>
      %mul3A_365 = arith.constant 16 : i32
      %mul3A_366 = arith.muli %scan3A_270, %mul3A_365 : i32
      %add3A_367 = arith.constant 3328 : i32
      %add3A_368 = arith.addi %add3A_367, %mul3A_366 : i32
      %get3A_369 = arith.index_cast %add3A_368 : i32 to index
      %get3A_370 = tpu.vector_load %arg5[%get3A_369] {strides = array<i32>} : memref<4096xi32, #tpu.memory_space<vmem>>, vector<16xi32>,
      %add3A_371 = arith.addi %add3A_364, %get3A_370 : vector<16xi32>
      %mul3A_372 = arith.constant 16 : i32
      %mul3A_373 = arith.muli %scan3A_270, %mul3A_372 : i32
      %add3A_374 = arith.constant 3584 : i32
      %add3A_375 = arith.addi %add3A_374, %mul3A_373 : i32
      %get3A_376 = arith.index_cast %add3A_375 : i32 to index
      %get3A_377 = tpu.vector_load %arg5[%get3A_376] {strides = array<i32>} : memref<4096xi32, #tpu.memory_space<vmem>>, vector<16xi32>,
      %add3A_378 = arith.addi %add3A_371, %get3A_377 : vector<16xi32>
      %mul3A_379 = arith.constant 16 : i32
      %mul3A_380 = arith.muli %scan3A_270, %mul3A_379 : i32
      %add3A_381 = arith.constant 3840 : i32
      %add3A_382 = arith.addi %add3A_381, %mul3A_380 : i32
      %get3A_383 = arith.index_cast %add3A_382 : i32 to index
      %get3A_384 = tpu.vector_load %arg5[%get3A_383] {strides = array<i32>} : memref<4096xi32, #tpu.memory_space<vmem>>, vector<16xi32>,
      %add3A_385 = arith.addi %add3A_378, %get3A_384 : vector<16xi32>
      %broadcast_in_dim3A_386 = arith.constant true
      %broadcast_in_dim3A_387 = vector.broadcast %broadcast_in_dim3A_386 : i1 to vector<16xi1>
      %masked_cumsum3A = tpu.scan <sum>, %add3A_385 masked %broadcast_in_dim3A_387 : vector<16xi32>, vector<16xi1> -> vector<16xi32>
      %add3A_388 = vector.broadcast %scan3A_271 : i32 to vector<16xi32>
      %add3A_389 = arith.addi %add3A_388, %masked_cumsum3A : vector<16xi32>
      %ge3A = arith.constant 1024 : i32
      %ge3A_390 = vector.broadcast %ge3A : i32 to vector<16xi32>
      %ge3A_391 = arith.cmpi sge, %add3A_389, %ge3A_390 : vector<16xi32>
      %jit3A_392 = arith.constant 0 : i32
      %jit3A_393 = arith.constant 1 : i32
      %broadcast_in_dim3A_394 = vector.broadcast %jit3A_392 : i32 to vector<16xi32>
      %broadcast_in_dim3A_395 = vector.broadcast %jit3A_393 : i32 to vector<16xi32>
      %select_n3A_396 = arith.select %ge3A_391, %broadcast_in_dim3A_394, %broadcast_in_dim3A_395 : vector<16xi1>, vector<16xi32>
      %reduce_sum3A = arith.constant true
      %reduce_sum3A_397 = vector.broadcast %reduce_sum3A : i1 to vector<16xi1>
      %reduce_sum3A_398 = tpu.scan <sum>, %select_n3A_396 masked %reduce_sum3A_397 : vector<16xi32>, vector<16xi1> -> vector<16xi32>
      %reduce_sum3A_399 = vector.extract %reduce_sum3A_398[15] : i32 from vector<16xi32>
      %jit3A_400 = arith.constant 0 : i32
      %broadcast_in_dim3A_401 = vector.broadcast %jit3A_400 : i32 to vector<16xi32>
      %select_n3A_402 = arith.select %ge3A_391, %broadcast_in_dim3A_401, %add3A_385 : vector<16xi1>, vector<16xi32>
      %reduce_sum3A_403 = arith.constant true
      %reduce_sum3A_404 = vector.broadcast %reduce_sum3A_403 : i1 to vector<16xi1>
      %reduce_sum3A_405 = tpu.scan <sum>, %select_n3A_402 masked %reduce_sum3A_404 : vector<16xi32>, vector<16xi1> -> vector<16xi32>
      %reduce_sum3A_406 = vector.extract %reduce_sum3A_405[15] : i32 from vector<16xi32>
      %lt3A = arith.constant 16 : i32
      %lt3A_407 = arith.cmpi slt, %reduce_sum3A_399, %lt3A : i32
      %eq3A = arith.constant 0 : i32
      %eq3A_408 = arith.cmpi eq, %scan3A_274, %eq3A : i32
      %and3A_409 = arith.andi %eq3A_408, %lt3A_407 : i1
      %mul3A_410 = arith.constant 16 : i32
      %mul3A_411 = arith.muli %scan3A_270, %mul3A_410 : i32
      %add3A_412 = arith.addi %mul3A_411, %reduce_sum3A_399 : i32
      %select_n3A_413 = arith.select %and3A_409, %add3A_412, %scan3A_272 : i32
      %add3A_414 = arith.addi %scan3A_271, %reduce_sum3A_406 : i32
      %select_n3A_415 = arith.select %and3A_409, %add3A_414, %scan3A_273 : i32
      %reduce_sum3A_416 = arith.constant true
      %reduce_sum3A_417 = vector.broadcast %reduce_sum3A_416 : i1 to vector<16xi1>
      %reduce_sum3A_418 = tpu.scan <sum>, %add3A_385 masked %reduce_sum3A_417 : vector<16xi32>, vector<16xi1> -> vector<16xi32>
      %reduce_sum3A_419 = vector.extract %reduce_sum3A_418[15] : i32 from vector<16xi32>
      %add3A_420 = arith.addi %scan3A_271, %reduce_sum3A_419 : i32
      %jit3A_421 = arith.constant 1 : i32
      %select_n3A_422 = arith.select %and3A_409, %jit3A_421, %scan3A_274 : i32
      scf.yield %add3A_420, %select_n3A_413, %select_n3A_415, %select_n3A_422 : i32, i32, i32, i32
    }
    %scan3A_53 = arith.constant 16 : i32
    %shift_left3A_54 = arith.constant 16 : i32
    %shift_left3A_55 = arith.shli %scan3A_52#1, %shift_left3A_54 : i32
    %or3A_56 = arith.ori %or3A_32, %shift_left3A_55 : i32
    %scan3A_57 = arith.constant 0 : i32
    %scan3A_58 = arith.constant 0 : i32
    %scan3A_59 = arith.constant 256 : i32
    %scan3A_60 = arith.addi %scan3A_58, %scan3A_59 : i32
    %scan3A_61 = arith.constant 1 : i32
    scf.for %scan3A_270 = %scan3A_58 to %scan3A_60 step %scan3A_61  : i32 {
      %mul3A_271 = arith.constant 16 : i32
      %mul3A_272 = arith.muli %scan3A_270, %mul3A_271 : i32
      %swap3A = arith.index_cast %mul3A_272 : i32 to index
      %swap3A_273 = tpu.vector_load %arg5[%swap3A] {strides = array<i32>} : memref<4096xi32, #tpu.memory_space<vmem>>, vector<16xi32>,
      tpu.vector_store %arg5[%swap3A], %broadcast_in_dim3A_8 {strides = array<i32>} : memref<4096xi32, #tpu.memory_space<vmem>>, vector<16xi32>,
    }
    %scan3A_62 = arith.constant 256 : i32
    %scan3A_63 = arith.constant 0 : i32
    %scan3A_64 = arith.constant 0 : i32
    %scan3A_65 = arith.constant 512 : i32
    %scan3A_66 = arith.addi %scan3A_64, %scan3A_65 : i32
    %scan3A_67 = arith.constant 1 : i32
    scf.for %scan3A_270 = %scan3A_64 to %scan3A_66 step %scan3A_67  : i32 {
      %mul3A_271 = arith.constant 4 : i32
      %mul3A_272 = arith.muli %scan3A_270, %mul3A_271 : i32
      %add3A_273 = arith.constant 0 : i32
      %add3A_274 = arith.addi %mul3A_272, %add3A_273 : i32
      %mul3A_275 = arith.constant 16 : i32
      %mul3A_276 = arith.muli %add3A_274, %mul3A_275 : i32
      %get3A = arith.index_cast %mul3A_276 : i32 to index
      %get3A_277 = tpu.vector_load %arg4[%get3A] {strides = array<i32>} : memref<32768xf32, #tpu.memory_space<vmem>>, vector<16xf32>,
      %bitcast_convert_type3A = tpu.bitcast %get3A_277 : vector<16xf32> -> vector<16xi32>
      %broadcast_in_dim3A_278 = arith.constant 8 : i32
      %broadcast_in_dim3A_279 = vector.broadcast %broadcast_in_dim3A_278 : i32 to vector<16xi32>
      %shift_right_logical3A = arith.shrui %bitcast_convert_type3A, %broadcast_in_dim3A_279 : vector<16xi32>
      %and3A_280 = arith.constant 255 : i32
      %and3A_281 = vector.broadcast %and3A_280 : i32 to vector<16xi32>
      %and3A_282 = arith.andi %shift_right_logical3A, %and3A_281 : vector<16xi32>
      %broadcast_in_dim3A_283 = arith.constant 16 : i32
      %broadcast_in_dim3A_284 = vector.broadcast %broadcast_in_dim3A_283 : i32 to vector<16xi32>
      %shift_right_logical3A_285 = arith.shrui %bitcast_convert_type3A, %broadcast_in_dim3A_284 : vector<16xi32>
      %shift_right_logical3A_286 = arith.constant 16 : i32
      %shift_right_logical3A_287 = arith.shrui %or3A_56, %shift_right_logical3A_286 : i32
      %eq3A = vector.broadcast %shift_right_logical3A_287 : i32 to vector<16xi32>
      %eq3A_288 = arith.cmpi eq, %shift_right_logical3A_285, %eq3A : vector<16xi32>
      %mul3A_289 = arith.constant 256 : i32
      %mul3A_290 = vector.broadcast %mul3A_289 : i32 to vector<16xi32>
      %mul3A_291 = arith.muli %iota3A, %mul3A_290 : vector<16xi32>
      %add3A_292 = arith.addi %mul3A_291, %and3A_282 : vector<16xi32>
      tpu.vector_store_idx %arg5[%add3A_292], %broadcast_in_dim3A_6 masked %eq3A_288 {add = true} : memref<4096xi32, #tpu.memory_space<vmem>>[vector<16xi32>], vector<16xi32>, vector<16xi1>
      %mul3A_293 = arith.constant 4 : i32
      %mul3A_294 = arith.muli %scan3A_270, %mul3A_293 : i32
      %add3A_295 = arith.constant 1 : i32
      %add3A_296 = arith.addi %mul3A_294, %add3A_295 : i32
      %mul3A_297 = arith.constant 16 : i32
      %mul3A_298 = arith.muli %add3A_296, %mul3A_297 : i32
      %get3A_299 = arith.index_cast %mul3A_298 : i32 to index
      %get3A_300 = tpu.vector_load %arg4[%get3A_299] {strides = array<i32>} : memref<32768xf32, #tpu.memory_space<vmem>>, vector<16xf32>,
      %bitcast_convert_type3A_301 = tpu.bitcast %get3A_300 : vector<16xf32> -> vector<16xi32>
      %broadcast_in_dim3A_302 = arith.constant 8 : i32
      %broadcast_in_dim3A_303 = vector.broadcast %broadcast_in_dim3A_302 : i32 to vector<16xi32>
      %shift_right_logical3A_304 = arith.shrui %bitcast_convert_type3A_301, %broadcast_in_dim3A_303 : vector<16xi32>
      %and3A_305 = arith.constant 255 : i32
      %and3A_306 = vector.broadcast %and3A_305 : i32 to vector<16xi32>
      %and3A_307 = arith.andi %shift_right_logical3A_304, %and3A_306 : vector<16xi32>
      %broadcast_in_dim3A_308 = arith.constant 16 : i32
      %broadcast_in_dim3A_309 = vector.broadcast %broadcast_in_dim3A_308 : i32 to vector<16xi32>
      %shift_right_logical3A_310 = arith.shrui %bitcast_convert_type3A_301, %broadcast_in_dim3A_309 : vector<16xi32>
      %shift_right_logical3A_311 = arith.constant 16 : i32
      %shift_right_logical3A_312 = arith.shrui %or3A_56, %shift_right_logical3A_311 : i32
      %eq3A_313 = vector.broadcast %shift_right_logical3A_312 : i32 to vector<16xi32>
      %eq3A_314 = arith.cmpi eq, %shift_right_logical3A_310, %eq3A_313 : vector<16xi32>
      %mul3A_315 = arith.constant 256 : i32
      %mul3A_316 = vector.broadcast %mul3A_315 : i32 to vector<16xi32>
      %mul3A_317 = arith.muli %iota3A, %mul3A_316 : vector<16xi32>
      %add3A_318 = arith.addi %mul3A_317, %and3A_307 : vector<16xi32>
      tpu.vector_store_idx %arg5[%add3A_318], %broadcast_in_dim3A_6 masked %eq3A_314 {add = true} : memref<4096xi32, #tpu.memory_space<vmem>>[vector<16xi32>], vector<16xi32>, vector<16xi1>
      %mul3A_319 = arith.constant 4 : i32
      %mul3A_320 = arith.muli %scan3A_270, %mul3A_319 : i32
      %add3A_321 = arith.constant 2 : i32
      %add3A_322 = arith.addi %mul3A_320, %add3A_321 : i32
      %mul3A_323 = arith.constant 16 : i32
      %mul3A_324 = arith.muli %add3A_322, %mul3A_323 : i32
      %get3A_325 = arith.index_cast %mul3A_324 : i32 to index
      %get3A_326 = tpu.vector_load %arg4[%get3A_325] {strides = array<i32>} : memref<32768xf32, #tpu.memory_space<vmem>>, vector<16xf32>,
      %bitcast_convert_type3A_327 = tpu.bitcast %get3A_326 : vector<16xf32> -> vector<16xi32>
      %broadcast_in_dim3A_328 = arith.constant 8 : i32
      %broadcast_in_dim3A_329 = vector.broadcast %broadcast_in_dim3A_328 : i32 to vector<16xi32>
      %shift_right_logical3A_330 = arith.shrui %bitcast_convert_type3A_327, %broadcast_in_dim3A_329 : vector<16xi32>
      %and3A_331 = arith.constant 255 : i32
      %and3A_332 = vector.broadcast %and3A_331 : i32 to vector<16xi32>
      %and3A_333 = arith.andi %shift_right_logical3A_330, %and3A_332 : vector<16xi32>
      %broadcast_in_dim3A_334 = arith.constant 16 : i32
      %broadcast_in_dim3A_335 = vector.broadcast %broadcast_in_dim3A_334 : i32 to vector<16xi32>
      %shift_right_logical3A_336 = arith.shrui %bitcast_convert_type3A_327, %broadcast_in_dim3A_335 : vector<16xi32>
      %shift_right_logical3A_337 = arith.constant 16 : i32
      %shift_right_logical3A_338 = arith.shrui %or3A_56, %shift_right_logical3A_337 : i32
      %eq3A_339 = vector.broadcast %shift_right_logical3A_338 : i32 to vector<16xi32>
      %eq3A_340 = arith.cmpi eq, %shift_right_logical3A_336, %eq3A_339 : vector<16xi32>
      %mul3A_341 = arith.constant 256 : i32
      %mul3A_342 = vector.broadcast %mul3A_341 : i32 to vector<16xi32>
      %mul3A_343 = arith.muli %iota3A, %mul3A_342 : vector<16xi32>
      %add3A_344 = arith.addi %mul3A_343, %and3A_333 : vector<16xi32>
      tpu.vector_store_idx %arg5[%add3A_344], %broadcast_in_dim3A_6 masked %eq3A_340 {add = true} : memref<4096xi32, #tpu.memory_space<vmem>>[vector<16xi32>], vector<16xi32>, vector<16xi1>
      %mul3A_345 = arith.constant 4 : i32
      %mul3A_346 = arith.muli %scan3A_270, %mul3A_345 : i32
      %add3A_347 = arith.constant 3 : i32
      %add3A_348 = arith.addi %mul3A_346, %add3A_347 : i32
      %mul3A_349 = arith.constant 16 : i32
      %mul3A_350 = arith.muli %add3A_348, %mul3A_349 : i32
      %get3A_351 = arith.index_cast %mul3A_350 : i32 to index
      %get3A_352 = tpu.vector_load %arg4[%get3A_351] {strides = array<i32>} : memref<32768xf32, #tpu.memory_space<vmem>>, vector<16xf32>,
      %bitcast_convert_type3A_353 = tpu.bitcast %get3A_352 : vector<16xf32> -> vector<16xi32>
      %broadcast_in_dim3A_354 = arith.constant 8 : i32
      %broadcast_in_dim3A_355 = vector.broadcast %broadcast_in_dim3A_354 : i32 to vector<16xi32>
      %shift_right_logical3A_356 = arith.shrui %bitcast_convert_type3A_353, %broadcast_in_dim3A_355 : vector<16xi32>
      %and3A_357 = arith.constant 255 : i32
      %and3A_358 = vector.broadcast %and3A_357 : i32 to vector<16xi32>
      %and3A_359 = arith.andi %shift_right_logical3A_356, %and3A_358 : vector<16xi32>
      %broadcast_in_dim3A_360 = arith.constant 16 : i32
      %broadcast_in_dim3A_361 = vector.broadcast %broadcast_in_dim3A_360 : i32 to vector<16xi32>
      %shift_right_logical3A_362 = arith.shrui %bitcast_convert_type3A_353, %broadcast_in_dim3A_361 : vector<16xi32>
      %shift_right_logical3A_363 = arith.constant 16 : i32
      %shift_right_logical3A_364 = arith.shrui %or3A_56, %shift_right_logical3A_363 : i32
      %eq3A_365 = vector.broadcast %shift_right_logical3A_364 : i32 to vector<16xi32>
      %eq3A_366 = arith.cmpi eq, %shift_right_logical3A_362, %eq3A_365 : vector<16xi32>
      %mul3A_367 = arith.constant 256 : i32
      %mul3A_368 = vector.broadcast %mul3A_367 : i32 to vector<16xi32>
      %mul3A_369 = arith.muli %iota3A, %mul3A_368 : vector<16xi32>
      %add3A_370 = arith.addi %mul3A_369, %and3A_359 : vector<16xi32>
      tpu.vector_store_idx %arg5[%add3A_370], %broadcast_in_dim3A_6 masked %eq3A_366 {add = true} : memref<4096xi32, #tpu.memory_space<vmem>>[vector<16xi32>], vector<16xi32>, vector<16xi1>
    }
    %scan3A_68 = arith.constant 512 : i32
    %scan3A_69 = arith.constant 0 : i32
    %scan3A_70 = arith.constant 0 : i32
    %scan3A_71 = arith.constant 0 : i32
    %scan3A_72 = arith.constant 0 : i32
    %scan3A_73 = arith.constant 16 : i32
    %scan3A_74 = arith.addi %scan3A_72, %scan3A_73 : i32
    %scan3A_75 = arith.constant 1 : i32
    %scan3A_76:4 = scf.for %scan3A_270 = %scan3A_72 to %scan3A_74 step %scan3A_75 iter_args(%scan3A_271 = %scan3A_52#2, %scan3A_272 = %scan3A_69, %scan3A_273 = %scan3A_70, %scan3A_274 = %scan3A_71) -> (i32, i32, i32, i32)  : i32 {
      %mul3A_275 = arith.constant 16 : i32
      %mul3A_276 = arith.muli %scan3A_270, %mul3A_275 : i32
      %add3A_277 = arith.constant 0 : i32
      %add3A_278 = arith.addi %add3A_277, %mul3A_276 : i32
      %get3A = arith.index_cast %add3A_278 : i32 to index
      %get3A_279 = tpu.vector_load %arg5[%get3A] {strides = array<i32>} : memref<4096xi32, #tpu.memory_space<vmem>>, vector<16xi32>,
      %add3A_280 = arith.addi %broadcast_in_dim3A_8, %get3A_279 : vector<16xi32>
      %mul3A_281 = arith.constant 16 : i32
      %mul3A_282 = arith.muli %scan3A_270, %mul3A_281 : i32
      %add3A_283 = arith.constant 256 : i32
      %add3A_284 = arith.addi %add3A_283, %mul3A_282 : i32
      %get3A_285 = arith.index_cast %add3A_284 : i32 to index
      %get3A_286 = tpu.vector_load %arg5[%get3A_285] {strides = array<i32>} : memref<4096xi32, #tpu.memory_space<vmem>>, vector<16xi32>,
      %add3A_287 = arith.addi %add3A_280, %get3A_286 : vector<16xi32>
      %mul3A_288 = arith.constant 16 : i32
      %mul3A_289 = arith.muli %scan3A_270, %mul3A_288 : i32
      %add3A_290 = arith.constant 512 : i32
      %add3A_291 = arith.addi %add3A_290, %mul3A_289 : i32
      %get3A_292 = arith.index_cast %add3A_291 : i32 to index
      %get3A_293 = tpu.vector_load %arg5[%get3A_292] {strides = array<i32>} : memref<4096xi32, #tpu.memory_space<vmem>>, vector<16xi32>,
      %add3A_294 = arith.addi %add3A_287, %get3A_293 : vector<16xi32>
      %mul3A_295 = arith.constant 16 : i32
      %mul3A_296 = arith.muli %scan3A_270, %mul3A_295 : i32
      %add3A_297 = arith.constant 768 : i32
      %add3A_298 = arith.addi %add3A_297, %mul3A_296 : i32
      %get3A_299 = arith.index_cast %add3A_298 : i32 to index
      %get3A_300 = tpu.vector_load %arg5[%get3A_299] {strides = array<i32>} : memref<4096xi32, #tpu.memory_space<vmem>>, vector<16xi32>,
      %add3A_301 = arith.addi %add3A_294, %get3A_300 : vector<16xi32>
      %mul3A_302 = arith.constant 16 : i32
      %mul3A_303 = arith.muli %scan3A_270, %mul3A_302 : i32
      %add3A_304 = arith.constant 1024 : i32
      %add3A_305 = arith.addi %add3A_304, %mul3A_303 : i32
      %get3A_306 = arith.index_cast %add3A_305 : i32 to index
      %get3A_307 = tpu.vector_load %arg5[%get3A_306] {strides = array<i32>} : memref<4096xi32, #tpu.memory_space<vmem>>, vector<16xi32>,
      %add3A_308 = arith.addi %add3A_301, %get3A_307 : vector<16xi32>
      %mul3A_309 = arith.constant 16 : i32
      %mul3A_310 = arith.muli %scan3A_270, %mul3A_309 : i32
      %add3A_311 = arith.constant 1280 : i32
      %add3A_312 = arith.addi %add3A_311, %mul3A_310 : i32
      %get3A_313 = arith.index_cast %add3A_312 : i32 to index
      %get3A_314 = tpu.vector_load %arg5[%get3A_313] {strides = array<i32>} : memref<4096xi32, #tpu.memory_space<vmem>>, vector<16xi32>,
      %add3A_315 = arith.addi %add3A_308, %get3A_314 : vector<16xi32>
      %mul3A_316 = arith.constant 16 : i32
      %mul3A_317 = arith.muli %scan3A_270, %mul3A_316 : i32
      %add3A_318 = arith.constant 1536 : i32
      %add3A_319 = arith.addi %add3A_318, %mul3A_317 : i32
      %get3A_320 = arith.index_cast %add3A_319 : i32 to index
      %get3A_321 = tpu.vector_load %arg5[%get3A_320] {strides = array<i32>} : memref<4096xi32, #tpu.memory_space<vmem>>, vector<16xi32>,
      %add3A_322 = arith.addi %add3A_315, %get3A_321 : vector<16xi32>
      %mul3A_323 = arith.constant 16 : i32
      %mul3A_324 = arith.muli %scan3A_270, %mul3A_323 : i32
      %add3A_325 = arith.constant 1792 : i32
      %add3A_326 = arith.addi %add3A_325, %mul3A_324 : i32
      %get3A_327 = arith.index_cast %add3A_326 : i32 to index
      %get3A_328 = tpu.vector_load %arg5[%get3A_327] {strides = array<i32>} : memref<4096xi32, #tpu.memory_space<vmem>>, vector<16xi32>,
      %add3A_329 = arith.addi %add3A_322, %get3A_328 : vector<16xi32>
      %mul3A_330 = arith.constant 16 : i32
      %mul3A_331 = arith.muli %scan3A_270, %mul3A_330 : i32
      %add3A_332 = arith.constant 2048 : i32
      %add3A_333 = arith.addi %add3A_332, %mul3A_331 : i32
      %get3A_334 = arith.index_cast %add3A_333 : i32 to index
      %get3A_335 = tpu.vector_load %arg5[%get3A_334] {strides = array<i32>} : memref<4096xi32, #tpu.memory_space<vmem>>, vector<16xi32>,
      %add3A_336 = arith.addi %add3A_329, %get3A_335 : vector<16xi32>
      %mul3A_337 = arith.constant 16 : i32
      %mul3A_338 = arith.muli %scan3A_270, %mul3A_337 : i32
      %add3A_339 = arith.constant 2304 : i32
      %add3A_340 = arith.addi %add3A_339, %mul3A_338 : i32
      %get3A_341 = arith.index_cast %add3A_340 : i32 to index
      %get3A_342 = tpu.vector_load %arg5[%get3A_341] {strides = array<i32>} : memref<4096xi32, #tpu.memory_space<vmem>>, vector<16xi32>,
      %add3A_343 = arith.addi %add3A_336, %get3A_342 : vector<16xi32>
      %mul3A_344 = arith.constant 16 : i32
      %mul3A_345 = arith.muli %scan3A_270, %mul3A_344 : i32
      %add3A_346 = arith.constant 2560 : i32
      %add3A_347 = arith.addi %add3A_346, %mul3A_345 : i32
      %get3A_348 = arith.index_cast %add3A_347 : i32 to index
      %get3A_349 = tpu.vector_load %arg5[%get3A_348] {strides = array<i32>} : memref<4096xi32, #tpu.memory_space<vmem>>, vector<16xi32>,
      %add3A_350 = arith.addi %add3A_343, %get3A_349 : vector<16xi32>
      %mul3A_351 = arith.constant 16 : i32
      %mul3A_352 = arith.muli %scan3A_270, %mul3A_351 : i32
      %add3A_353 = arith.constant 2816 : i32
      %add3A_354 = arith.addi %add3A_353, %mul3A_352 : i32
      %get3A_355 = arith.index_cast %add3A_354 : i32 to index
      %get3A_356 = tpu.vector_load %arg5[%get3A_355] {strides = array<i32>} : memref<4096xi32, #tpu.memory_space<vmem>>, vector<16xi32>,
      %add3A_357 = arith.addi %add3A_350, %get3A_356 : vector<16xi32>
      %mul3A_358 = arith.constant 16 : i32
      %mul3A_359 = arith.muli %scan3A_270, %mul3A_358 : i32
      %add3A_360 = arith.constant 3072 : i32
      %add3A_361 = arith.addi %add3A_360, %mul3A_359 : i32
      %get3A_362 = arith.index_cast %add3A_361 : i32 to index
      %get3A_363 = tpu.vector_load %arg5[%get3A_362] {strides = array<i32>} : memref<4096xi32, #tpu.memory_space<vmem>>, vector<16xi32>,
      %add3A_364 = arith.addi %add3A_357, %get3A_363 : vector<16xi32>
      %mul3A_365 = arith.constant 16 : i32
      %mul3A_366 = arith.muli %scan3A_270, %mul3A_365 : i32
      %add3A_367 = arith.constant 3328 : i32
      %add3A_368 = arith.addi %add3A_367, %mul3A_366 : i32
      %get3A_369 = arith.index_cast %add3A_368 : i32 to index
      %get3A_370 = tpu.vector_load %arg5[%get3A_369] {strides = array<i32>} : memref<4096xi32, #tpu.memory_space<vmem>>, vector<16xi32>,
      %add3A_371 = arith.addi %add3A_364, %get3A_370 : vector<16xi32>
      %mul3A_372 = arith.constant 16 : i32
      %mul3A_373 = arith.muli %scan3A_270, %mul3A_372 : i32
      %add3A_374 = arith.constant 3584 : i32
      %add3A_375 = arith.addi %add3A_374, %mul3A_373 : i32
      %get3A_376 = arith.index_cast %add3A_375 : i32 to index
      %get3A_377 = tpu.vector_load %arg5[%get3A_376] {strides = array<i32>} : memref<4096xi32, #tpu.memory_space<vmem>>, vector<16xi32>,
      %add3A_378 = arith.addi %add3A_371, %get3A_377 : vector<16xi32>
      %mul3A_379 = arith.constant 16 : i32
      %mul3A_380 = arith.muli %scan3A_270, %mul3A_379 : i32
      %add3A_381 = arith.constant 3840 : i32
      %add3A_382 = arith.addi %add3A_381, %mul3A_380 : i32
      %get3A_383 = arith.index_cast %add3A_382 : i32 to index
      %get3A_384 = tpu.vector_load %arg5[%get3A_383] {strides = array<i32>} : memref<4096xi32, #tpu.memory_space<vmem>>, vector<16xi32>,
      %add3A_385 = arith.addi %add3A_378, %get3A_384 : vector<16xi32>
      %broadcast_in_dim3A_386 = arith.constant true
      %broadcast_in_dim3A_387 = vector.broadcast %broadcast_in_dim3A_386 : i1 to vector<16xi1>
      %masked_cumsum3A = tpu.scan <sum>, %add3A_385 masked %broadcast_in_dim3A_387 : vector<16xi32>, vector<16xi1> -> vector<16xi32>
      %add3A_388 = vector.broadcast %scan3A_271 : i32 to vector<16xi32>
      %add3A_389 = arith.addi %add3A_388, %masked_cumsum3A : vector<16xi32>
      %ge3A = arith.constant 1024 : i32
      %ge3A_390 = vector.broadcast %ge3A : i32 to vector<16xi32>
      %ge3A_391 = arith.cmpi sge, %add3A_389, %ge3A_390 : vector<16xi32>
      %jit3A_392 = arith.constant 0 : i32
      %jit3A_393 = arith.constant 1 : i32
      %broadcast_in_dim3A_394 = vector.broadcast %jit3A_392 : i32 to vector<16xi32>
      %broadcast_in_dim3A_395 = vector.broadcast %jit3A_393 : i32 to vector<16xi32>
      %select_n3A_396 = arith.select %ge3A_391, %broadcast_in_dim3A_394, %broadcast_in_dim3A_395 : vector<16xi1>, vector<16xi32>
      %reduce_sum3A = arith.constant true
      %reduce_sum3A_397 = vector.broadcast %reduce_sum3A : i1 to vector<16xi1>
      %reduce_sum3A_398 = tpu.scan <sum>, %select_n3A_396 masked %reduce_sum3A_397 : vector<16xi32>, vector<16xi1> -> vector<16xi32>
      %reduce_sum3A_399 = vector.extract %reduce_sum3A_398[15] : i32 from vector<16xi32>
      %jit3A_400 = arith.constant 0 : i32
      %broadcast_in_dim3A_401 = vector.broadcast %jit3A_400 : i32 to vector<16xi32>
      %select_n3A_402 = arith.select %ge3A_391, %broadcast_in_dim3A_401, %add3A_385 : vector<16xi1>, vector<16xi32>
      %reduce_sum3A_403 = arith.constant true
      %reduce_sum3A_404 = vector.broadcast %reduce_sum3A_403 : i1 to vector<16xi1>
      %reduce_sum3A_405 = tpu.scan <sum>, %select_n3A_402 masked %reduce_sum3A_404 : vector<16xi32>, vector<16xi1> -> vector<16xi32>
      %reduce_sum3A_406 = vector.extract %reduce_sum3A_405[15] : i32 from vector<16xi32>
      %lt3A = arith.constant 16 : i32
      %lt3A_407 = arith.cmpi slt, %reduce_sum3A_399, %lt3A : i32
      %eq3A = arith.constant 0 : i32
      %eq3A_408 = arith.cmpi eq, %scan3A_274, %eq3A : i32
      %and3A_409 = arith.andi %eq3A_408, %lt3A_407 : i1
      %mul3A_410 = arith.constant 16 : i32
      %mul3A_411 = arith.muli %scan3A_270, %mul3A_410 : i32
      %add3A_412 = arith.addi %mul3A_411, %reduce_sum3A_399 : i32
      %select_n3A_413 = arith.select %and3A_409, %add3A_412, %scan3A_272 : i32
      %add3A_414 = arith.addi %scan3A_271, %reduce_sum3A_406 : i32
      %select_n3A_415 = arith.select %and3A_409, %add3A_414, %scan3A_273 : i32
      %reduce_sum3A_416 = arith.constant true
      %reduce_sum3A_417 = vector.broadcast %reduce_sum3A_416 : i1 to vector<16xi1>
      %reduce_sum3A_418 = tpu.scan <sum>, %add3A_385 masked %reduce_sum3A_417 : vector<16xi32>, vector<16xi1> -> vector<16xi32>
      %reduce_sum3A_419 = vector.extract %reduce_sum3A_418[15] : i32 from vector<16xi32>
      %add3A_420 = arith.addi %scan3A_271, %reduce_sum3A_419 : i32
      %jit3A_421 = arith.constant 1 : i32
      %select_n3A_422 = arith.select %and3A_409, %jit3A_421, %scan3A_274 : i32
      scf.yield %add3A_420, %select_n3A_413, %select_n3A_415, %select_n3A_422 : i32, i32, i32, i32
    }
    %scan3A_77 = arith.constant 16 : i32
    %shift_left3A_78 = arith.constant 8 : i32
    %shift_left3A_79 = arith.shli %scan3A_76#1, %shift_left3A_78 : i32
    %or3A_80 = arith.ori %or3A_56, %shift_left3A_79 : i32
    %scan3A_81 = arith.constant 0 : i32
    %scan3A_82 = arith.constant 0 : i32
    %scan3A_83 = arith.constant 256 : i32
    %scan3A_84 = arith.addi %scan3A_82, %scan3A_83 : i32
    %scan3A_85 = arith.constant 1 : i32
    scf.for %scan3A_270 = %scan3A_82 to %scan3A_84 step %scan3A_85  : i32 {
      %mul3A_271 = arith.constant 16 : i32
      %mul3A_272 = arith.muli %scan3A_270, %mul3A_271 : i32
      %swap3A = arith.index_cast %mul3A_272 : i32 to index
      %swap3A_273 = tpu.vector_load %arg5[%swap3A] {strides = array<i32>} : memref<4096xi32, #tpu.memory_space<vmem>>, vector<16xi32>,
      tpu.vector_store %arg5[%swap3A], %broadcast_in_dim3A_8 {strides = array<i32>} : memref<4096xi32, #tpu.memory_space<vmem>>, vector<16xi32>,
    }
    %scan3A_86 = arith.constant 256 : i32
    %scan3A_87 = arith.constant 0 : i32
    %scan3A_88 = arith.constant 0 : i32
    %scan3A_89 = arith.constant 512 : i32
    %scan3A_90 = arith.addi %scan3A_88, %scan3A_89 : i32
    %scan3A_91 = arith.constant 1 : i32
    scf.for %scan3A_270 = %scan3A_88 to %scan3A_90 step %scan3A_91  : i32 {
      %mul3A_271 = arith.constant 4 : i32
      %mul3A_272 = arith.muli %scan3A_270, %mul3A_271 : i32
      %add3A_273 = arith.constant 0 : i32
      %add3A_274 = arith.addi %mul3A_272, %add3A_273 : i32
      %mul3A_275 = arith.constant 16 : i32
      %mul3A_276 = arith.muli %add3A_274, %mul3A_275 : i32
      %get3A = arith.index_cast %mul3A_276 : i32 to index
      %get3A_277 = tpu.vector_load %arg4[%get3A] {strides = array<i32>} : memref<32768xf32, #tpu.memory_space<vmem>>, vector<16xf32>,
      %bitcast_convert_type3A = tpu.bitcast %get3A_277 : vector<16xf32> -> vector<16xi32>
      %broadcast_in_dim3A_278 = arith.constant 0 : i32
      %broadcast_in_dim3A_279 = vector.broadcast %broadcast_in_dim3A_278 : i32 to vector<16xi32>
      %shift_right_logical3A = arith.shrui %bitcast_convert_type3A, %broadcast_in_dim3A_279 : vector<16xi32>
      %and3A_280 = arith.constant 255 : i32
      %and3A_281 = vector.broadcast %and3A_280 : i32 to vector<16xi32>
      %and3A_282 = arith.andi %shift_right_logical3A, %and3A_281 : vector<16xi32>
      %broadcast_in_dim3A_283 = arith.constant 8 : i32
      %broadcast_in_dim3A_284 = vector.broadcast %broadcast_in_dim3A_283 : i32 to vector<16xi32>
      %shift_right_logical3A_285 = arith.shrui %bitcast_convert_type3A, %broadcast_in_dim3A_284 : vector<16xi32>
      %shift_right_logical3A_286 = arith.constant 8 : i32
      %shift_right_logical3A_287 = arith.shrui %or3A_80, %shift_right_logical3A_286 : i32
      %eq3A = vector.broadcast %shift_right_logical3A_287 : i32 to vector<16xi32>
      %eq3A_288 = arith.cmpi eq, %shift_right_logical3A_285, %eq3A : vector<16xi32>
      %mul3A_289 = arith.constant 256 : i32
      %mul3A_290 = vector.broadcast %mul3A_289 : i32 to vector<16xi32>
      %mul3A_291 = arith.muli %iota3A, %mul3A_290 : vector<16xi32>
      %add3A_292 = arith.addi %mul3A_291, %and3A_282 : vector<16xi32>
      tpu.vector_store_idx %arg5[%add3A_292], %broadcast_in_dim3A_6 masked %eq3A_288 {add = true} : memref<4096xi32, #tpu.memory_space<vmem>>[vector<16xi32>], vector<16xi32>, vector<16xi1>
      %mul3A_293 = arith.constant 4 : i32
      %mul3A_294 = arith.muli %scan3A_270, %mul3A_293 : i32
      %add3A_295 = arith.constant 1 : i32
      %add3A_296 = arith.addi %mul3A_294, %add3A_295 : i32
      %mul3A_297 = arith.constant 16 : i32
      %mul3A_298 = arith.muli %add3A_296, %mul3A_297 : i32
      %get3A_299 = arith.index_cast %mul3A_298 : i32 to index
      %get3A_300 = tpu.vector_load %arg4[%get3A_299] {strides = array<i32>} : memref<32768xf32, #tpu.memory_space<vmem>>, vector<16xf32>,
      %bitcast_convert_type3A_301 = tpu.bitcast %get3A_300 : vector<16xf32> -> vector<16xi32>
      %broadcast_in_dim3A_302 = arith.constant 0 : i32
      %broadcast_in_dim3A_303 = vector.broadcast %broadcast_in_dim3A_302 : i32 to vector<16xi32>
      %shift_right_logical3A_304 = arith.shrui %bitcast_convert_type3A_301, %broadcast_in_dim3A_303 : vector<16xi32>
      %and3A_305 = arith.constant 255 : i32
      %and3A_306 = vector.broadcast %and3A_305 : i32 to vector<16xi32>
      %and3A_307 = arith.andi %shift_right_logical3A_304, %and3A_306 : vector<16xi32>
      %broadcast_in_dim3A_308 = arith.constant 8 : i32
      %broadcast_in_dim3A_309 = vector.broadcast %broadcast_in_dim3A_308 : i32 to vector<16xi32>
      %shift_right_logical3A_310 = arith.shrui %bitcast_convert_type3A_301, %broadcast_in_dim3A_309 : vector<16xi32>
      %shift_right_logical3A_311 = arith.constant 8 : i32
      %shift_right_logical3A_312 = arith.shrui %or3A_80, %shift_right_logical3A_311 : i32
      %eq3A_313 = vector.broadcast %shift_right_logical3A_312 : i32 to vector<16xi32>
      %eq3A_314 = arith.cmpi eq, %shift_right_logical3A_310, %eq3A_313 : vector<16xi32>
      %mul3A_315 = arith.constant 256 : i32
      %mul3A_316 = vector.broadcast %mul3A_315 : i32 to vector<16xi32>
      %mul3A_317 = arith.muli %iota3A, %mul3A_316 : vector<16xi32>
      %add3A_318 = arith.addi %mul3A_317, %and3A_307 : vector<16xi32>
      tpu.vector_store_idx %arg5[%add3A_318], %broadcast_in_dim3A_6 masked %eq3A_314 {add = true} : memref<4096xi32, #tpu.memory_space<vmem>>[vector<16xi32>], vector<16xi32>, vector<16xi1>
      %mul3A_319 = arith.constant 4 : i32
      %mul3A_320 = arith.muli %scan3A_270, %mul3A_319 : i32
      %add3A_321 = arith.constant 2 : i32
      %add3A_322 = arith.addi %mul3A_320, %add3A_321 : i32
      %mul3A_323 = arith.constant 16 : i32
      %mul3A_324 = arith.muli %add3A_322, %mul3A_323 : i32
      %get3A_325 = arith.index_cast %mul3A_324 : i32 to index
      %get3A_326 = tpu.vector_load %arg4[%get3A_325] {strides = array<i32>} : memref<32768xf32, #tpu.memory_space<vmem>>, vector<16xf32>,
      %bitcast_convert_type3A_327 = tpu.bitcast %get3A_326 : vector<16xf32> -> vector<16xi32>
      %broadcast_in_dim3A_328 = arith.constant 0 : i32
      %broadcast_in_dim3A_329 = vector.broadcast %broadcast_in_dim3A_328 : i32 to vector<16xi32>
      %shift_right_logical3A_330 = arith.shrui %bitcast_convert_type3A_327, %broadcast_in_dim3A_329 : vector<16xi32>
      %and3A_331 = arith.constant 255 : i32
      %and3A_332 = vector.broadcast %and3A_331 : i32 to vector<16xi32>
      %and3A_333 = arith.andi %shift_right_logical3A_330, %and3A_332 : vector<16xi32>
      %broadcast_in_dim3A_334 = arith.constant 8 : i32
      %broadcast_in_dim3A_335 = vector.broadcast %broadcast_in_dim3A_334 : i32 to vector<16xi32>
      %shift_right_logical3A_336 = arith.shrui %bitcast_convert_type3A_327, %broadcast_in_dim3A_335 : vector<16xi32>
      %shift_right_logical3A_337 = arith.constant 8 : i32
      %shift_right_logical3A_338 = arith.shrui %or3A_80, %shift_right_logical3A_337 : i32
      %eq3A_339 = vector.broadcast %shift_right_logical3A_338 : i32 to vector<16xi32>
      %eq3A_340 = arith.cmpi eq, %shift_right_logical3A_336, %eq3A_339 : vector<16xi32>
      %mul3A_341 = arith.constant 256 : i32
      %mul3A_342 = vector.broadcast %mul3A_341 : i32 to vector<16xi32>
      %mul3A_343 = arith.muli %iota3A, %mul3A_342 : vector<16xi32>
      %add3A_344 = arith.addi %mul3A_343, %and3A_333 : vector<16xi32>
      tpu.vector_store_idx %arg5[%add3A_344], %broadcast_in_dim3A_6 masked %eq3A_340 {add = true} : memref<4096xi32, #tpu.memory_space<vmem>>[vector<16xi32>], vector<16xi32>, vector<16xi1>
      %mul3A_345 = arith.constant 4 : i32
      %mul3A_346 = arith.muli %scan3A_270, %mul3A_345 : i32
      %add3A_347 = arith.constant 3 : i32
      %add3A_348 = arith.addi %mul3A_346, %add3A_347 : i32
      %mul3A_349 = arith.constant 16 : i32
      %mul3A_350 = arith.muli %add3A_348, %mul3A_349 : i32
      %get3A_351 = arith.index_cast %mul3A_350 : i32 to index
      %get3A_352 = tpu.vector_load %arg4[%get3A_351] {strides = array<i32>} : memref<32768xf32, #tpu.memory_space<vmem>>, vector<16xf32>,
      %bitcast_convert_type3A_353 = tpu.bitcast %get3A_352 : vector<16xf32> -> vector<16xi32>
      %broadcast_in_dim3A_354 = arith.constant 0 : i32
      %broadcast_in_dim3A_355 = vector.broadcast %broadcast_in_dim3A_354 : i32 to vector<16xi32>
      %shift_right_logical3A_356 = arith.shrui %bitcast_convert_type3A_353, %broadcast_in_dim3A_355 : vector<16xi32>
      %and3A_357 = arith.constant 255 : i32
      %and3A_358 = vector.broadcast %and3A_357 : i32 to vector<16xi32>
      %and3A_359 = arith.andi %shift_right_logical3A_356, %and3A_358 : vector<16xi32>
      %broadcast_in_dim3A_360 = arith.constant 8 : i32
      %broadcast_in_dim3A_361 = vector.broadcast %broadcast_in_dim3A_360 : i32 to vector<16xi32>
      %shift_right_logical3A_362 = arith.shrui %bitcast_convert_type3A_353, %broadcast_in_dim3A_361 : vector<16xi32>
      %shift_right_logical3A_363 = arith.constant 8 : i32
      %shift_right_logical3A_364 = arith.shrui %or3A_80, %shift_right_logical3A_363 : i32
      %eq3A_365 = vector.broadcast %shift_right_logical3A_364 : i32 to vector<16xi32>
      %eq3A_366 = arith.cmpi eq, %shift_right_logical3A_362, %eq3A_365 : vector<16xi32>
      %mul3A_367 = arith.constant 256 : i32
      %mul3A_368 = vector.broadcast %mul3A_367 : i32 to vector<16xi32>
      %mul3A_369 = arith.muli %iota3A, %mul3A_368 : vector<16xi32>
      %add3A_370 = arith.addi %mul3A_369, %and3A_359 : vector<16xi32>
      tpu.vector_store_idx %arg5[%add3A_370], %broadcast_in_dim3A_6 masked %eq3A_366 {add = true} : memref<4096xi32, #tpu.memory_space<vmem>>[vector<16xi32>], vector<16xi32>, vector<16xi1>
    }
    %scan3A_92 = arith.constant 512 : i32
    %scan3A_93 = arith.constant 0 : i32
    %scan3A_94 = arith.constant 0 : i32
    %scan3A_95 = arith.constant 0 : i32
    %scan3A_96 = arith.constant 0 : i32
    %scan3A_97 = arith.constant 16 : i32
    %scan3A_98 = arith.addi %scan3A_96, %scan3A_97 : i32
    %scan3A_99 = arith.constant 1 : i32
    %scan3A_100:4 = scf.for %scan3A_270 = %scan3A_96 to %scan3A_98 step %scan3A_99 iter_args(%scan3A_271 = %scan3A_76#2, %scan3A_272 = %scan3A_93, %scan3A_273 = %scan3A_94, %scan3A_274 = %scan3A_95) -> (i32, i32, i32, i32)  : i32 {
      %mul3A_275 = arith.constant 16 : i32
      %mul3A_276 = arith.muli %scan3A_270, %mul3A_275 : i32
      %add3A_277 = arith.constant 0 : i32
      %add3A_278 = arith.addi %add3A_277, %mul3A_276 : i32
      %get3A = arith.index_cast %add3A_278 : i32 to index
      %get3A_279 = tpu.vector_load %arg5[%get3A] {strides = array<i32>} : memref<4096xi32, #tpu.memory_space<vmem>>, vector<16xi32>,
      %add3A_280 = arith.addi %broadcast_in_dim3A_8, %get3A_279 : vector<16xi32>
      %mul3A_281 = arith.constant 16 : i32
      %mul3A_282 = arith.muli %scan3A_270, %mul3A_281 : i32
      %add3A_283 = arith.constant 256 : i32
      %add3A_284 = arith.addi %add3A_283, %mul3A_282 : i32
      %get3A_285 = arith.index_cast %add3A_284 : i32 to index
      %get3A_286 = tpu.vector_load %arg5[%get3A_285] {strides = array<i32>} : memref<4096xi32, #tpu.memory_space<vmem>>, vector<16xi32>,
      %add3A_287 = arith.addi %add3A_280, %get3A_286 : vector<16xi32>
      %mul3A_288 = arith.constant 16 : i32
      %mul3A_289 = arith.muli %scan3A_270, %mul3A_288 : i32
      %add3A_290 = arith.constant 512 : i32
      %add3A_291 = arith.addi %add3A_290, %mul3A_289 : i32
      %get3A_292 = arith.index_cast %add3A_291 : i32 to index
      %get3A_293 = tpu.vector_load %arg5[%get3A_292] {strides = array<i32>} : memref<4096xi32, #tpu.memory_space<vmem>>, vector<16xi32>,
      %add3A_294 = arith.addi %add3A_287, %get3A_293 : vector<16xi32>
      %mul3A_295 = arith.constant 16 : i32
      %mul3A_296 = arith.muli %scan3A_270, %mul3A_295 : i32
      %add3A_297 = arith.constant 768 : i32
      %add3A_298 = arith.addi %add3A_297, %mul3A_296 : i32
      %get3A_299 = arith.index_cast %add3A_298 : i32 to index
      %get3A_300 = tpu.vector_load %arg5[%get3A_299] {strides = array<i32>} : memref<4096xi32, #tpu.memory_space<vmem>>, vector<16xi32>,
      %add3A_301 = arith.addi %add3A_294, %get3A_300 : vector<16xi32>
      %mul3A_302 = arith.constant 16 : i32
      %mul3A_303 = arith.muli %scan3A_270, %mul3A_302 : i32
      %add3A_304 = arith.constant 1024 : i32
      %add3A_305 = arith.addi %add3A_304, %mul3A_303 : i32
      %get3A_306 = arith.index_cast %add3A_305 : i32 to index
      %get3A_307 = tpu.vector_load %arg5[%get3A_306] {strides = array<i32>} : memref<4096xi32, #tpu.memory_space<vmem>>, vector<16xi32>,
      %add3A_308 = arith.addi %add3A_301, %get3A_307 : vector<16xi32>
      %mul3A_309 = arith.constant 16 : i32
      %mul3A_310 = arith.muli %scan3A_270, %mul3A_309 : i32
      %add3A_311 = arith.constant 1280 : i32
      %add3A_312 = arith.addi %add3A_311, %mul3A_310 : i32
      %get3A_313 = arith.index_cast %add3A_312 : i32 to index
      %get3A_314 = tpu.vector_load %arg5[%get3A_313] {strides = array<i32>} : memref<4096xi32, #tpu.memory_space<vmem>>, vector<16xi32>,
      %add3A_315 = arith.addi %add3A_308, %get3A_314 : vector<16xi32>
      %mul3A_316 = arith.constant 16 : i32
      %mul3A_317 = arith.muli %scan3A_270, %mul3A_316 : i32
      %add3A_318 = arith.constant 1536 : i32
      %add3A_319 = arith.addi %add3A_318, %mul3A_317 : i32
      %get3A_320 = arith.index_cast %add3A_319 : i32 to index
      %get3A_321 = tpu.vector_load %arg5[%get3A_320] {strides = array<i32>} : memref<4096xi32, #tpu.memory_space<vmem>>, vector<16xi32>,
      %add3A_322 = arith.addi %add3A_315, %get3A_321 : vector<16xi32>
      %mul3A_323 = arith.constant 16 : i32
      %mul3A_324 = arith.muli %scan3A_270, %mul3A_323 : i32
      %add3A_325 = arith.constant 1792 : i32
      %add3A_326 = arith.addi %add3A_325, %mul3A_324 : i32
      %get3A_327 = arith.index_cast %add3A_326 : i32 to index
      %get3A_328 = tpu.vector_load %arg5[%get3A_327] {strides = array<i32>} : memref<4096xi32, #tpu.memory_space<vmem>>, vector<16xi32>,
      %add3A_329 = arith.addi %add3A_322, %get3A_328 : vector<16xi32>
      %mul3A_330 = arith.constant 16 : i32
      %mul3A_331 = arith.muli %scan3A_270, %mul3A_330 : i32
      %add3A_332 = arith.constant 2048 : i32
      %add3A_333 = arith.addi %add3A_332, %mul3A_331 : i32
      %get3A_334 = arith.index_cast %add3A_333 : i32 to index
      %get3A_335 = tpu.vector_load %arg5[%get3A_334] {strides = array<i32>} : memref<4096xi32, #tpu.memory_space<vmem>>, vector<16xi32>,
      %add3A_336 = arith.addi %add3A_329, %get3A_335 : vector<16xi32>
      %mul3A_337 = arith.constant 16 : i32
      %mul3A_338 = arith.muli %scan3A_270, %mul3A_337 : i32
      %add3A_339 = arith.constant 2304 : i32
      %add3A_340 = arith.addi %add3A_339, %mul3A_338 : i32
      %get3A_341 = arith.index_cast %add3A_340 : i32 to index
      %get3A_342 = tpu.vector_load %arg5[%get3A_341] {strides = array<i32>} : memref<4096xi32, #tpu.memory_space<vmem>>, vector<16xi32>,
      %add3A_343 = arith.addi %add3A_336, %get3A_342 : vector<16xi32>
      %mul3A_344 = arith.constant 16 : i32
      %mul3A_345 = arith.muli %scan3A_270, %mul3A_344 : i32
      %add3A_346 = arith.constant 2560 : i32
      %add3A_347 = arith.addi %add3A_346, %mul3A_345 : i32
      %get3A_348 = arith.index_cast %add3A_347 : i32 to index
      %get3A_349 = tpu.vector_load %arg5[%get3A_348] {strides = array<i32>} : memref<4096xi32, #tpu.memory_space<vmem>>, vector<16xi32>,
      %add3A_350 = arith.addi %add3A_343, %get3A_349 : vector<16xi32>
      %mul3A_351 = arith.constant 16 : i32
      %mul3A_352 = arith.muli %scan3A_270, %mul3A_351 : i32
      %add3A_353 = arith.constant 2816 : i32
      %add3A_354 = arith.addi %add3A_353, %mul3A_352 : i32
      %get3A_355 = arith.index_cast %add3A_354 : i32 to index
      %get3A_356 = tpu.vector_load %arg5[%get3A_355] {strides = array<i32>} : memref<4096xi32, #tpu.memory_space<vmem>>, vector<16xi32>,
      %add3A_357 = arith.addi %add3A_350, %get3A_356 : vector<16xi32>
      %mul3A_358 = arith.constant 16 : i32
      %mul3A_359 = arith.muli %scan3A_270, %mul3A_358 : i32
      %add3A_360 = arith.constant 3072 : i32
      %add3A_361 = arith.addi %add3A_360, %mul3A_359 : i32
      %get3A_362 = arith.index_cast %add3A_361 : i32 to index
      %get3A_363 = tpu.vector_load %arg5[%get3A_362] {strides = array<i32>} : memref<4096xi32, #tpu.memory_space<vmem>>, vector<16xi32>,
      %add3A_364 = arith.addi %add3A_357, %get3A_363 : vector<16xi32>
      %mul3A_365 = arith.constant 16 : i32
      %mul3A_366 = arith.muli %scan3A_270, %mul3A_365 : i32
      %add3A_367 = arith.constant 3328 : i32
      %add3A_368 = arith.addi %add3A_367, %mul3A_366 : i32
      %get3A_369 = arith.index_cast %add3A_368 : i32 to index
      %get3A_370 = tpu.vector_load %arg5[%get3A_369] {strides = array<i32>} : memref<4096xi32, #tpu.memory_space<vmem>>, vector<16xi32>,
      %add3A_371 = arith.addi %add3A_364, %get3A_370 : vector<16xi32>
      %mul3A_372 = arith.constant 16 : i32
      %mul3A_373 = arith.muli %scan3A_270, %mul3A_372 : i32
      %add3A_374 = arith.constant 3584 : i32
      %add3A_375 = arith.addi %add3A_374, %mul3A_373 : i32
      %get3A_376 = arith.index_cast %add3A_375 : i32 to index
      %get3A_377 = tpu.vector_load %arg5[%get3A_376] {strides = array<i32>} : memref<4096xi32, #tpu.memory_space<vmem>>, vector<16xi32>,
      %add3A_378 = arith.addi %add3A_371, %get3A_377 : vector<16xi32>
      %mul3A_379 = arith.constant 16 : i32
      %mul3A_380 = arith.muli %scan3A_270, %mul3A_379 : i32
      %add3A_381 = arith.constant 3840 : i32
      %add3A_382 = arith.addi %add3A_381, %mul3A_380 : i32
      %get3A_383 = arith.index_cast %add3A_382 : i32 to index
      %get3A_384 = tpu.vector_load %arg5[%get3A_383] {strides = array<i32>} : memref<4096xi32, #tpu.memory_space<vmem>>, vector<16xi32>,
      %add3A_385 = arith.addi %add3A_378, %get3A_384 : vector<16xi32>
      %broadcast_in_dim3A_386 = arith.constant true
      %broadcast_in_dim3A_387 = vector.broadcast %broadcast_in_dim3A_386 : i1 to vector<16xi1>
      %masked_cumsum3A = tpu.scan <sum>, %add3A_385 masked %broadcast_in_dim3A_387 : vector<16xi32>, vector<16xi1> -> vector<16xi32>
      %add3A_388 = vector.broadcast %scan3A_271 : i32 to vector<16xi32>
      %add3A_389 = arith.addi %add3A_388, %masked_cumsum3A : vector<16xi32>
      %ge3A = arith.constant 1024 : i32
      %ge3A_390 = vector.broadcast %ge3A : i32 to vector<16xi32>
      %ge3A_391 = arith.cmpi sge, %add3A_389, %ge3A_390 : vector<16xi32>
      %jit3A_392 = arith.constant 0 : i32
      %jit3A_393 = arith.constant 1 : i32
      %broadcast_in_dim3A_394 = vector.broadcast %jit3A_392 : i32 to vector<16xi32>
      %broadcast_in_dim3A_395 = vector.broadcast %jit3A_393 : i32 to vector<16xi32>
      %select_n3A_396 = arith.select %ge3A_391, %broadcast_in_dim3A_394, %broadcast_in_dim3A_395 : vector<16xi1>, vector<16xi32>
      %reduce_sum3A = arith.constant true
      %reduce_sum3A_397 = vector.broadcast %reduce_sum3A : i1 to vector<16xi1>
      %reduce_sum3A_398 = tpu.scan <sum>, %select_n3A_396 masked %reduce_sum3A_397 : vector<16xi32>, vector<16xi1> -> vector<16xi32>
      %reduce_sum3A_399 = vector.extract %reduce_sum3A_398[15] : i32 from vector<16xi32>
      %jit3A_400 = arith.constant 0 : i32
      %broadcast_in_dim3A_401 = vector.broadcast %jit3A_400 : i32 to vector<16xi32>
      %select_n3A_402 = arith.select %ge3A_391, %broadcast_in_dim3A_401, %add3A_385 : vector<16xi1>, vector<16xi32>
      %reduce_sum3A_403 = arith.constant true
      %reduce_sum3A_404 = vector.broadcast %reduce_sum3A_403 : i1 to vector<16xi1>
      %reduce_sum3A_405 = tpu.scan <sum>, %select_n3A_402 masked %reduce_sum3A_404 : vector<16xi32>, vector<16xi1> -> vector<16xi32>
      %reduce_sum3A_406 = vector.extract %reduce_sum3A_405[15] : i32 from vector<16xi32>
      %lt3A = arith.constant 16 : i32
      %lt3A_407 = arith.cmpi slt, %reduce_sum3A_399, %lt3A : i32
      %eq3A = arith.constant 0 : i32
      %eq3A_408 = arith.cmpi eq, %scan3A_274, %eq3A : i32
      %and3A_409 = arith.andi %eq3A_408, %lt3A_407 : i1
      %mul3A_410 = arith.constant 16 : i32
      %mul3A_411 = arith.muli %scan3A_270, %mul3A_410 : i32
      %add3A_412 = arith.addi %mul3A_411, %reduce_sum3A_399 : i32
      %select_n3A_413 = arith.select %and3A_409, %add3A_412, %scan3A_272 : i32
      %add3A_414 = arith.addi %scan3A_271, %reduce_sum3A_406 : i32
      %select_n3A_415 = arith.select %and3A_409, %add3A_414, %scan3A_273 : i32
      %reduce_sum3A_416 = arith.constant true
      %reduce_sum3A_417 = vector.broadcast %reduce_sum3A_416 : i1 to vector<16xi1>
      %reduce_sum3A_418 = tpu.scan <sum>, %add3A_385 masked %reduce_sum3A_417 : vector<16xi32>, vector<16xi1> -> vector<16xi32>
      %reduce_sum3A_419 = vector.extract %reduce_sum3A_418[15] : i32 from vector<16xi32>
      %add3A_420 = arith.addi %scan3A_271, %reduce_sum3A_419 : i32
      %jit3A_421 = arith.constant 1 : i32
      %select_n3A_422 = arith.select %and3A_409, %jit3A_421, %scan3A_274 : i32
      scf.yield %add3A_420, %select_n3A_413, %select_n3A_415, %select_n3A_422 : i32, i32, i32, i32
    }
    %scan3A_101 = arith.constant 16 : i32
    %shift_left3A_102 = arith.constant 0 : i32
    %shift_left3A_103 = arith.shli %scan3A_100#1, %shift_left3A_102 : i32
    %or3A_104 = arith.ori %or3A_80, %shift_left3A_103 : i32
    %sub3A = arith.constant 1024 : i32
    %sub3A_105 = arith.subi %sub3A, %scan3A_100#2 : i32
    %xor3A = arith.constant -2147483648 : i32
    %xor3A_106 = arith.xori %or3A_104, %xor3A : i32
    %broadcast_in_dim3A_107 = arith.constant 0 : i32
    %broadcast_in_dim3A_108 = vector.broadcast %broadcast_in_dim3A_107 : i32 to vector<16xi32>
    %broadcast_in_dim3A_109 = arith.constant 0 : i32
    %broadcast_in_dim3A_110 = vector.broadcast %broadcast_in_dim3A_109 : i32 to vector<16xi32>
    %scan3A_111 = arith.constant -2147483648 : i32
    %scan3A_112 = arith.constant 0 : i32
    %scan3A_113 = arith.constant 512 : i32
    %scan3A_114 = arith.addi %scan3A_112, %scan3A_113 : i32
    %scan3A_115 = arith.constant 1 : i32
    %scan3A_116:2 = scf.for %scan3A_270 = %scan3A_112 to %scan3A_114 step %scan3A_115 iter_args(%scan3A_271 = %broadcast_in_dim3A_108, %scan3A_272 = %broadcast_in_dim3A_110) -> (vector<16xi32>, vector<16xi32>)  : i32 {
      %mul3A_273 = arith.constant 4 : i32
      %mul3A_274 = arith.muli %scan3A_270, %mul3A_273 : i32
      %add3A_275 = arith.constant 0 : i32
      %add3A_276 = arith.addi %mul3A_274, %add3A_275 : i32
      %mul3A_277 = arith.constant 16 : i32
      %mul3A_278 = arith.muli %add3A_276, %mul3A_277 : i32
      %get3A = arith.index_cast %mul3A_278 : i32 to index
      %get3A_279 = tpu.vector_load %arg4[%get3A] {strides = array<i32>} : memref<32768xf32, #tpu.memory_space<vmem>>, vector<16xf32>,
      %bitcast_convert_type3A = tpu.bitcast %get3A_279 : vector<16xf32> -> vector<16xi32>
      %mul3A_280 = arith.constant 16 : i32
      %mul3A_281 = arith.muli %add3A_276, %mul3A_280 : i32
      %add3A_282 = vector.broadcast %mul3A_281 : i32 to vector<16xi32>
      %add3A_283 = arith.addi %add3A_282, %iota3A : vector<16xi32>
      %xor3A_284 = vector.broadcast %scan3A_111 : i32 to vector<16xi32>
      %xor3A_285 = arith.xori %bitcast_convert_type3A, %xor3A_284 : vector<16xi32>
      %lt3A = vector.broadcast %xor3A_106 : i32 to vector<16xi32>
      %lt3A_286 = arith.cmpi slt, %xor3A_285, %lt3A : vector<16xi32>
      %convert_element_type3A = arith.extui %lt3A_286 : vector<16xi1> to vector<16xi32>
      %broadcast_in_dim3A_287 = arith.constant true
      %broadcast_in_dim3A_288 = vector.broadcast %broadcast_in_dim3A_287 : i1 to vector<16xi1>
      %masked_cumsum3A = tpu.scan <sum>, %convert_element_type3A masked %broadcast_in_dim3A_288 : vector<16xi32>, vector<16xi1> -> vector<16xi32>
      %add3A_289 = arith.addi %scan3A_271, %masked_cumsum3A : vector<16xi32>
      %sub3A_290 = arith.constant 1 : i32
      %sub3A_291 = vector.broadcast %sub3A_290 : i32 to vector<16xi32>
      %sub3A_292 = arith.subi %add3A_289, %sub3A_291 : vector<16xi32>
      tpu.vector_store_idx %arg7[%sub3A_292], %bitcast_convert_type3A masked %lt3A_286 : memref<1024xi32, #tpu.memory_space<vmem>>[vector<16xi32>], vector<16xi32>, vector<16xi1>
      tpu.vector_store_idx %arg8[%sub3A_292], %add3A_283 masked %lt3A_286 : memref<1024xi32, #tpu.memory_space<vmem>>[vector<16xi32>], vector<16xi32>, vector<16xi1>
      %all_reduce_population_count3A = tpu.all_reduce %lt3A_286 {dim = 0 : i64, kind = #tpu.reduction_kind<sum>} : vector<16xi1> -> vector<16xi32>
      %eq3A = vector.broadcast %or3A_104 : i32 to vector<16xi32>
      %eq3A_293 = arith.cmpi eq, %bitcast_convert_type3A, %eq3A : vector<16xi32>
      %convert_element_type3A_294 = arith.extui %eq3A_293 : vector<16xi1> to vector<16xi32>
      %broadcast_in_dim3A_295 = arith.constant true
      %broadcast_in_dim3A_296 = vector.broadcast %broadcast_in_dim3A_295 : i1 to vector<16xi1>
      %masked_cumsum3A_297 = tpu.scan <sum>, %convert_element_type3A_294 masked %broadcast_in_dim3A_296 : vector<16xi32>, vector<16xi1> -> vector<16xi32>
      %add3A_298 = arith.addi %scan3A_272, %masked_cumsum3A_297 : vector<16xi32>
      %le3A = vector.broadcast %sub3A_105 : i32 to vector<16xi32>
      %le3A_299 = arith.cmpi sle, %add3A_298, %le3A : vector<16xi32>
      %and3A_300 = arith.andi %eq3A_293, %le3A_299 : vector<16xi1>
      %add3A_301 = vector.broadcast %scan3A_100#2 : i32 to vector<16xi32>
      %add3A_302 = arith.addi %add3A_301, %scan3A_272 : vector<16xi32>
      %add3A_303 = arith.addi %add3A_302, %masked_cumsum3A_297 : vector<16xi32>
      %sub3A_304 = arith.constant 1 : i32
      %sub3A_305 = vector.broadcast %sub3A_304 : i32 to vector<16xi32>
      %sub3A_306 = arith.subi %add3A_303, %sub3A_305 : vector<16xi32>
      %shift_right_arithmetic3A = arith.constant 7 : i32
      %shift_right_arithmetic3A_307 = vector.broadcast %shift_right_arithmetic3A : i32 to vector<16xi32>
      %shift_right_arithmetic3A_308 = arith.shrsi %sub3A_306, %shift_right_arithmetic3A_307 : vector<16xi32>
      %and3A_309 = arith.constant 127 : i32
      %and3A_310 = vector.broadcast %and3A_309 : i32 to vector<16xi32>
      %and3A_311 = arith.andi %sub3A_306, %and3A_310 : vector<16xi32>
      tpu.vector_store_idx %arg11[%shift_right_arithmetic3A_308, %and3A_311], %add3A_283 masked %and3A_300 : memref<8x128xi32, #tpu.memory_space<vmem>>[vector<16xi32>, vector<16xi32>], vector<16xi32>, vector<16xi1>
      %all_reduce_population_count3A_312 = tpu.all_reduce %and3A_300 {dim = 0 : i64, kind = #tpu.reduction_kind<sum>} : vector<16xi1> -> vector<16xi32>
      %add3A_313 = arith.addi %scan3A_271, %all_reduce_population_count3A : vector<16xi32>
      %add3A_314 = arith.addi %scan3A_272, %all_reduce_population_count3A_312 : vector<16xi32>
      %mul3A_315 = arith.constant 4 : i32
      %mul3A_316 = arith.muli %scan3A_270, %mul3A_315 : i32
      %add3A_317 = arith.constant 1 : i32
      %add3A_318 = arith.addi %mul3A_316, %add3A_317 : i32
      %mul3A_319 = arith.constant 16 : i32
      %mul3A_320 = arith.muli %add3A_318, %mul3A_319 : i32
      %get3A_321 = arith.index_cast %mul3A_320 : i32 to index
      %get3A_322 = tpu.vector_load %arg4[%get3A_321] {strides = array<i32>} : memref<32768xf32, #tpu.memory_space<vmem>>, vector<16xf32>,
      %bitcast_convert_type3A_323 = tpu.bitcast %get3A_322 : vector<16xf32> -> vector<16xi32>
      %mul3A_324 = arith.constant 16 : i32
      %mul3A_325 = arith.muli %add3A_318, %mul3A_324 : i32
      %add3A_326 = vector.broadcast %mul3A_325 : i32 to vector<16xi32>
      %add3A_327 = arith.addi %add3A_326, %iota3A : vector<16xi32>
      %xor3A_328 = vector.broadcast %scan3A_111 : i32 to vector<16xi32>
      %xor3A_329 = arith.xori %bitcast_convert_type3A_323, %xor3A_328 : vector<16xi32>
      %lt3A_330 = vector.broadcast %xor3A_106 : i32 to vector<16xi32>
      %lt3A_331 = arith.cmpi slt, %xor3A_329, %lt3A_330 : vector<16xi32>
      %convert_element_type3A_332 = arith.extui %lt3A_331 : vector<16xi1> to vector<16xi32>
      %broadcast_in_dim3A_333 = arith.constant true
      %broadcast_in_dim3A_334 = vector.broadcast %broadcast_in_dim3A_333 : i1 to vector<16xi1>
      %masked_cumsum3A_335 = tpu.scan <sum>, %convert_element_type3A_332 masked %broadcast_in_dim3A_334 : vector<16xi32>, vector<16xi1> -> vector<16xi32>
      %add3A_336 = arith.addi %add3A_313, %masked_cumsum3A_335 : vector<16xi32>
      %sub3A_337 = arith.constant 1 : i32
      %sub3A_338 = vector.broadcast %sub3A_337 : i32 to vector<16xi32>
      %sub3A_339 = arith.subi %add3A_336, %sub3A_338 : vector<16xi32>
      tpu.vector_store_idx %arg7[%sub3A_339], %bitcast_convert_type3A_323 masked %lt3A_331 : memref<1024xi32, #tpu.memory_space<vmem>>[vector<16xi32>], vector<16xi32>, vector<16xi1>
      tpu.vector_store_idx %arg8[%sub3A_339], %add3A_327 masked %lt3A_331 : memref<1024xi32, #tpu.memory_space<vmem>>[vector<16xi32>], vector<16xi32>, vector<16xi1>
      %all_reduce_population_count3A_340 = tpu.all_reduce %lt3A_331 {dim = 0 : i64, kind = #tpu.reduction_kind<sum>} : vector<16xi1> -> vector<16xi32>
      %eq3A_341 = vector.broadcast %or3A_104 : i32 to vector<16xi32>
      %eq3A_342 = arith.cmpi eq, %bitcast_convert_type3A_323, %eq3A_341 : vector<16xi32>
      %convert_element_type3A_343 = arith.extui %eq3A_342 : vector<16xi1> to vector<16xi32>
      %broadcast_in_dim3A_344 = arith.constant true
      %broadcast_in_dim3A_345 = vector.broadcast %broadcast_in_dim3A_344 : i1 to vector<16xi1>
      %masked_cumsum3A_346 = tpu.scan <sum>, %convert_element_type3A_343 masked %broadcast_in_dim3A_345 : vector<16xi32>, vector<16xi1> -> vector<16xi32>
      %add3A_347 = arith.addi %add3A_314, %masked_cumsum3A_346 : vector<16xi32>
      %le3A_348 = vector.broadcast %sub3A_105 : i32 to vector<16xi32>
      %le3A_349 = arith.cmpi sle, %add3A_347, %le3A_348 : vector<16xi32>
      %and3A_350 = arith.andi %eq3A_342, %le3A_349 : vector<16xi1>
      %add3A_351 = vector.broadcast %scan3A_100#2 : i32 to vector<16xi32>
      %add3A_352 = arith.addi %add3A_351, %add3A_314 : vector<16xi32>
      %add3A_353 = arith.addi %add3A_352, %masked_cumsum3A_346 : vector<16xi32>
      %sub3A_354 = arith.constant 1 : i32
      %sub3A_355 = vector.broadcast %sub3A_354 : i32 to vector<16xi32>
      %sub3A_356 = arith.subi %add3A_353, %sub3A_355 : vector<16xi32>
      %shift_right_arithmetic3A_357 = arith.constant 7 : i32
      %shift_right_arithmetic3A_358 = vector.broadcast %shift_right_arithmetic3A_357 : i32 to vector<16xi32>
      %shift_right_arithmetic3A_359 = arith.shrsi %sub3A_356, %shift_right_arithmetic3A_358 : vector<16xi32>
      %and3A_360 = arith.constant 127 : i32
      %and3A_361 = vector.broadcast %and3A_360 : i32 to vector<16xi32>
      %and3A_362 = arith.andi %sub3A_356, %and3A_361 : vector<16xi32>
      tpu.vector_store_idx %arg11[%shift_right_arithmetic3A_359, %and3A_362], %add3A_327 masked %and3A_350 : memref<8x128xi32, #tpu.memory_space<vmem>>[vector<16xi32>, vector<16xi32>], vector<16xi32>, vector<16xi1>
      %all_reduce_population_count3A_363 = tpu.all_reduce %and3A_350 {dim = 0 : i64, kind = #tpu.reduction_kind<sum>} : vector<16xi1> -> vector<16xi32>
      %add3A_364 = arith.addi %add3A_313, %all_reduce_population_count3A_340 : vector<16xi32>
      %add3A_365 = arith.addi %add3A_314, %all_reduce_population_count3A_363 : vector<16xi32>
      %mul3A_366 = arith.constant 4 : i32
      %mul3A_367 = arith.muli %scan3A_270, %mul3A_366 : i32
      %add3A_368 = arith.constant 2 : i32
      %add3A_369 = arith.addi %mul3A_367, %add3A_368 : i32
      %mul3A_370 = arith.constant 16 : i32
      %mul3A_371 = arith.muli %add3A_369, %mul3A_370 : i32
      %get3A_372 = arith.index_cast %mul3A_371 : i32 to index
      %get3A_373 = tpu.vector_load %arg4[%get3A_372] {strides = array<i32>} : memref<32768xf32, #tpu.memory_space<vmem>>, vector<16xf32>,
      %bitcast_convert_type3A_374 = tpu.bitcast %get3A_373 : vector<16xf32> -> vector<16xi32>
      %mul3A_375 = arith.constant 16 : i32
      %mul3A_376 = arith.muli %add3A_369, %mul3A_375 : i32
      %add3A_377 = vector.broadcast %mul3A_376 : i32 to vector<16xi32>
      %add3A_378 = arith.addi %add3A_377, %iota3A : vector<16xi32>
      %xor3A_379 = vector.broadcast %scan3A_111 : i32 to vector<16xi32>
      %xor3A_380 = arith.xori %bitcast_convert_type3A_374, %xor3A_379 : vector<16xi32>
      %lt3A_381 = vector.broadcast %xor3A_106 : i32 to vector<16xi32>
      %lt3A_382 = arith.cmpi slt, %xor3A_380, %lt3A_381 : vector<16xi32>
      %convert_element_type3A_383 = arith.extui %lt3A_382 : vector<16xi1> to vector<16xi32>
      %broadcast_in_dim3A_384 = arith.constant true
      %broadcast_in_dim3A_385 = vector.broadcast %broadcast_in_dim3A_384 : i1 to vector<16xi1>
      %masked_cumsum3A_386 = tpu.scan <sum>, %convert_element_type3A_383 masked %broadcast_in_dim3A_385 : vector<16xi32>, vector<16xi1> -> vector<16xi32>
      %add3A_387 = arith.addi %add3A_364, %masked_cumsum3A_386 : vector<16xi32>
      %sub3A_388 = arith.constant 1 : i32
      %sub3A_389 = vector.broadcast %sub3A_388 : i32 to vector<16xi32>
      %sub3A_390 = arith.subi %add3A_387, %sub3A_389 : vector<16xi32>
      tpu.vector_store_idx %arg7[%sub3A_390], %bitcast_convert_type3A_374 masked %lt3A_382 : memref<1024xi32, #tpu.memory_space<vmem>>[vector<16xi32>], vector<16xi32>, vector<16xi1>
      tpu.vector_store_idx %arg8[%sub3A_390], %add3A_378 masked %lt3A_382 : memref<1024xi32, #tpu.memory_space<vmem>>[vector<16xi32>], vector<16xi32>, vector<16xi1>
      %all_reduce_population_count3A_391 = tpu.all_reduce %lt3A_382 {dim = 0 : i64, kind = #tpu.reduction_kind<sum>} : vector<16xi1> -> vector<16xi32>
      %eq3A_392 = vector.broadcast %or3A_104 : i32 to vector<16xi32>
      %eq3A_393 = arith.cmpi eq, %bitcast_convert_type3A_374, %eq3A_392 : vector<16xi32>
      %convert_element_type3A_394 = arith.extui %eq3A_393 : vector<16xi1> to vector<16xi32>
      %broadcast_in_dim3A_395 = arith.constant true
      %broadcast_in_dim3A_396 = vector.broadcast %broadcast_in_dim3A_395 : i1 to vector<16xi1>
      %masked_cumsum3A_397 = tpu.scan <sum>, %convert_element_type3A_394 masked %broadcast_in_dim3A_396 : vector<16xi32>, vector<16xi1> -> vector<16xi32>
      %add3A_398 = arith.addi %add3A_365, %masked_cumsum3A_397 : vector<16xi32>
      %le3A_399 = vector.broadcast %sub3A_105 : i32 to vector<16xi32>
      %le3A_400 = arith.cmpi sle, %add3A_398, %le3A_399 : vector<16xi32>
      %and3A_401 = arith.andi %eq3A_393, %le3A_400 : vector<16xi1>
      %add3A_402 = vector.broadcast %scan3A_100#2 : i32 to vector<16xi32>
      %add3A_403 = arith.addi %add3A_402, %add3A_365 : vector<16xi32>
      %add3A_404 = arith.addi %add3A_403, %masked_cumsum3A_397 : vector<16xi32>
      %sub3A_405 = arith.constant 1 : i32
      %sub3A_406 = vector.broadcast %sub3A_405 : i32 to vector<16xi32>
      %sub3A_407 = arith.subi %add3A_404, %sub3A_406 : vector<16xi32>
      %shift_right_arithmetic3A_408 = arith.constant 7 : i32
      %shift_right_arithmetic3A_409 = vector.broadcast %shift_right_arithmetic3A_408 : i32 to vector<16xi32>
      %shift_right_arithmetic3A_410 = arith.shrsi %sub3A_407, %shift_right_arithmetic3A_409 : vector<16xi32>
      %and3A_411 = arith.constant 127 : i32
      %and3A_412 = vector.broadcast %and3A_411 : i32 to vector<16xi32>
      %and3A_413 = arith.andi %sub3A_407, %and3A_412 : vector<16xi32>
      tpu.vector_store_idx %arg11[%shift_right_arithmetic3A_410, %and3A_413], %add3A_378 masked %and3A_401 : memref<8x128xi32, #tpu.memory_space<vmem>>[vector<16xi32>, vector<16xi32>], vector<16xi32>, vector<16xi1>
      %all_reduce_population_count3A_414 = tpu.all_reduce %and3A_401 {dim = 0 : i64, kind = #tpu.reduction_kind<sum>} : vector<16xi1> -> vector<16xi32>
      %add3A_415 = arith.addi %add3A_364, %all_reduce_population_count3A_391 : vector<16xi32>
      %add3A_416 = arith.addi %add3A_365, %all_reduce_population_count3A_414 : vector<16xi32>
      %mul3A_417 = arith.constant 4 : i32
      %mul3A_418 = arith.muli %scan3A_270, %mul3A_417 : i32
      %add3A_419 = arith.constant 3 : i32
      %add3A_420 = arith.addi %mul3A_418, %add3A_419 : i32
      %mul3A_421 = arith.constant 16 : i32
      %mul3A_422 = arith.muli %add3A_420, %mul3A_421 : i32
      %get3A_423 = arith.index_cast %mul3A_422 : i32 to index
      %get3A_424 = tpu.vector_load %arg4[%get3A_423] {strides = array<i32>} : memref<32768xf32, #tpu.memory_space<vmem>>, vector<16xf32>,
      %bitcast_convert_type3A_425 = tpu.bitcast %get3A_424 : vector<16xf32> -> vector<16xi32>
      %mul3A_426 = arith.constant 16 : i32
      %mul3A_427 = arith.muli %add3A_420, %mul3A_426 : i32
      %add3A_428 = vector.broadcast %mul3A_427 : i32 to vector<16xi32>
      %add3A_429 = arith.addi %add3A_428, %iota3A : vector<16xi32>
      %xor3A_430 = vector.broadcast %scan3A_111 : i32 to vector<16xi32>
      %xor3A_431 = arith.xori %bitcast_convert_type3A_425, %xor3A_430 : vector<16xi32>
      %lt3A_432 = vector.broadcast %xor3A_106 : i32 to vector<16xi32>
      %lt3A_433 = arith.cmpi slt, %xor3A_431, %lt3A_432 : vector<16xi32>
      %convert_element_type3A_434 = arith.extui %lt3A_433 : vector<16xi1> to vector<16xi32>
      %broadcast_in_dim3A_435 = arith.constant true
      %broadcast_in_dim3A_436 = vector.broadcast %broadcast_in_dim3A_435 : i1 to vector<16xi1>
      %masked_cumsum3A_437 = tpu.scan <sum>, %convert_element_type3A_434 masked %broadcast_in_dim3A_436 : vector<16xi32>, vector<16xi1> -> vector<16xi32>
      %add3A_438 = arith.addi %add3A_415, %masked_cumsum3A_437 : vector<16xi32>
      %sub3A_439 = arith.constant 1 : i32
      %sub3A_440 = vector.broadcast %sub3A_439 : i32 to vector<16xi32>
      %sub3A_441 = arith.subi %add3A_438, %sub3A_440 : vector<16xi32>
      tpu.vector_store_idx %arg7[%sub3A_441], %bitcast_convert_type3A_425 masked %lt3A_433 : memref<1024xi32, #tpu.memory_space<vmem>>[vector<16xi32>], vector<16xi32>, vector<16xi1>
      tpu.vector_store_idx %arg8[%sub3A_441], %add3A_429 masked %lt3A_433 : memref<1024xi32, #tpu.memory_space<vmem>>[vector<16xi32>], vector<16xi32>, vector<16xi1>
      %all_reduce_population_count3A_442 = tpu.all_reduce %lt3A_433 {dim = 0 : i64, kind = #tpu.reduction_kind<sum>} : vector<16xi1> -> vector<16xi32>
      %eq3A_443 = vector.broadcast %or3A_104 : i32 to vector<16xi32>
      %eq3A_444 = arith.cmpi eq, %bitcast_convert_type3A_425, %eq3A_443 : vector<16xi32>
      %convert_element_type3A_445 = arith.extui %eq3A_444 : vector<16xi1> to vector<16xi32>
      %broadcast_in_dim3A_446 = arith.constant true
      %broadcast_in_dim3A_447 = vector.broadcast %broadcast_in_dim3A_446 : i1 to vector<16xi1>
      %masked_cumsum3A_448 = tpu.scan <sum>, %convert_element_type3A_445 masked %broadcast_in_dim3A_447 : vector<16xi32>, vector<16xi1> -> vector<16xi32>
      %add3A_449 = arith.addi %add3A_416, %masked_cumsum3A_448 : vector<16xi32>
      %le3A_450 = vector.broadcast %sub3A_105 : i32 to vector<16xi32>
      %le3A_451 = arith.cmpi sle, %add3A_449, %le3A_450 : vector<16xi32>
      %and3A_452 = arith.andi %eq3A_444, %le3A_451 : vector<16xi1>
      %add3A_453 = vector.broadcast %scan3A_100#2 : i32 to vector<16xi32>
      %add3A_454 = arith.addi %add3A_453, %add3A_416 : vector<16xi32>
      %add3A_455 = arith.addi %add3A_454, %masked_cumsum3A_448 : vector<16xi32>
      %sub3A_456 = arith.constant 1 : i32
      %sub3A_457 = vector.broadcast %sub3A_456 : i32 to vector<16xi32>
      %sub3A_458 = arith.subi %add3A_455, %sub3A_457 : vector<16xi32>
      %shift_right_arithmetic3A_459 = arith.constant 7 : i32
      %shift_right_arithmetic3A_460 = vector.broadcast %shift_right_arithmetic3A_459 : i32 to vector<16xi32>
      %shift_right_arithmetic3A_461 = arith.shrsi %sub3A_458, %shift_right_arithmetic3A_460 : vector<16xi32>
      %and3A_462 = arith.constant 127 : i32
      %and3A_463 = vector.broadcast %and3A_462 : i32 to vector<16xi32>
      %and3A_464 = arith.andi %sub3A_458, %and3A_463 : vector<16xi32>
      tpu.vector_store_idx %arg11[%shift_right_arithmetic3A_461, %and3A_464], %add3A_429 masked %and3A_452 : memref<8x128xi32, #tpu.memory_space<vmem>>[vector<16xi32>, vector<16xi32>], vector<16xi32>, vector<16xi1>
      %all_reduce_population_count3A_465 = tpu.all_reduce %and3A_452 {dim = 0 : i64, kind = #tpu.reduction_kind<sum>} : vector<16xi1> -> vector<16xi32>
      %add3A_466 = arith.addi %add3A_415, %all_reduce_population_count3A_442 : vector<16xi32>
      %add3A_467 = arith.addi %add3A_416, %all_reduce_population_count3A_465 : vector<16xi32>
      scf.yield %add3A_466, %add3A_467 : vector<16xi32>, vector<16xi32>
    }
    %scan3A_117 = arith.constant 512 : i32
    %add3A_118 = arith.constant 15 : i32
    %add3A_119 = arith.addi %scan3A_100#2, %add3A_118 : i32
    %jit3A = arith.constant 16 : i32
    %div3A = arith.divsi %add3A_119, %jit3A : i32
    %sign3A = arith.constant 0 : i32
    %sign3A_120 = arith.cmpi sgt, %add3A_119, %sign3A : i32
    %sign3A_121 = arith.extui %sign3A_120 : i1 to i32
    %sign3A_122 = arith.constant 0 : i32
    %sign3A_123 = arith.cmpi slt, %add3A_119, %sign3A_122 : i32
    %sign3A_124 = arith.extui %sign3A_123 : i1 to i32
    %sign3A_125 = arith.subi %sign3A_121, %sign3A_124 : i32
    %sign3A_126 = arith.constant 0 : i32
    %sign3A_127 = arith.cmpi sgt, %jit3A, %sign3A_126 : i32
    %sign3A_128 = arith.extui %sign3A_127 : i1 to i32
    %sign3A_129 = arith.constant 0 : i32
    %sign3A_130 = arith.cmpi slt, %jit3A, %sign3A_129 : i32
    %sign3A_131 = arith.extui %sign3A_130 : i1 to i32
    %sign3A_132 = arith.subi %sign3A_128, %sign3A_131 : i32
    %ne3A = arith.cmpi ne, %sign3A_125, %sign3A_132 : i32
    %rem3A = arith.remsi %add3A_119, %jit3A : i32
    %ne3A_133 = arith.constant 0 : i32
    %ne3A_134 = arith.cmpi ne, %rem3A, %ne3A_133 : i32
    %and3A = arith.andi %ne3A, %ne3A_134 : i1
    %sub3A_135 = arith.constant 1 : i32
    %sub3A_136 = arith.subi %div3A, %sub3A_135 : i32
    %select_n3A = arith.select %and3A, %sub3A_136, %div3A : i32
    %scan3A_137 = arith.constant 0 : i32
    %scan3A_138 = arith.constant 0 : i32
    %scan3A_139 = arith.constant 256 : i32
    %scan3A_140 = arith.addi %scan3A_138, %scan3A_139 : i32
    %scan3A_141 = arith.constant 1 : i32
    scf.for %scan3A_270 = %scan3A_138 to %scan3A_140 step %scan3A_141  : i32 {
      %mul3A_271 = arith.constant 16 : i32
      %mul3A_272 = arith.muli %scan3A_270, %mul3A_271 : i32
      %swap3A = arith.index_cast %mul3A_272 : i32 to index
      %swap3A_273 = tpu.vector_load %arg5[%swap3A] {strides = array<i32>} : memref<4096xi32, #tpu.memory_space<vmem>>, vector<16xi32>,
      tpu.vector_store %arg5[%swap3A], %broadcast_in_dim3A_8 {strides = array<i32>} : memref<4096xi32, #tpu.memory_space<vmem>>, vector<16xi32>,
    }
    %scan3A_142 = arith.constant 256 : i32
    %while3A = arith.constant 0 : i32
    %while3A_143 = arith.constant 0 : i32
    %while3A_144 = arith.subi %select_n3A, %while3A_143 : i32
    %while3A_145 = arith.addi %while3A_143, %while3A_144 : i32
    %while3A_146 = arith.constant 1 : i32
    %while3A_147 = arith.divsi %while3A_144, %while3A_146 : i32
    %while3A_148 = arith.muli %while3A_147, %while3A_146 : i32
    %while3A_149 = arith.addi %while3A_143, %while3A_148 : i32
    %while3A_150 = arith.constant 1 : i32
    scf.for %while3A_270 = %while3A_143 to %while3A_149 step %while3A_150  : i32 {
      %mul3A_271 = arith.constant 16 : i32
      %mul3A_272 = arith.muli %while3A_270, %mul3A_271 : i32
      %add3A_273 = vector.broadcast %mul3A_272 : i32 to vector<16xi32>
      %add3A_274 = arith.addi %add3A_273, %iota3A : vector<16xi32>
      %lt3A = vector.broadcast %scan3A_100#2 : i32 to vector<16xi32>
      %lt3A_275 = arith.cmpi slt, %add3A_274, %lt3A : vector<16xi32>
      %mul3A_276 = arith.constant 16 : i32
      %mul3A_277 = arith.muli %while3A_270, %mul3A_276 : i32
      %get3A = arith.index_cast %mul3A_277 : i32 to index
      %get3A_278 = tpu.vector_load %arg7[%get3A] {strides = array<i32>} : memref<1024xi32, #tpu.memory_space<vmem>>, vector<16xi32>,
      %broadcast_in_dim3A_279 = arith.constant 0 : i32
      %broadcast_in_dim3A_280 = vector.broadcast %broadcast_in_dim3A_279 : i32 to vector<16xi32>
      %shift_right_logical3A = arith.shrui %get3A_278, %broadcast_in_dim3A_280 : vector<16xi32>
      %and3A_281 = arith.constant 255 : i32
      %and3A_282 = vector.broadcast %and3A_281 : i32 to vector<16xi32>
      %and3A_283 = arith.andi %shift_right_logical3A, %and3A_282 : vector<16xi32>
      %mul3A_284 = arith.constant 256 : i32
      %mul3A_285 = vector.broadcast %mul3A_284 : i32 to vector<16xi32>
      %mul3A_286 = arith.muli %iota3A, %mul3A_285 : vector<16xi32>
      %add3A_287 = arith.addi %mul3A_286, %and3A_283 : vector<16xi32>
      tpu.vector_store_idx %arg5[%add3A_287], %broadcast_in_dim3A_6 masked %lt3A_275 {add = true} : memref<4096xi32, #tpu.memory_space<vmem>>[vector<16xi32>], vector<16xi32>, vector<16xi1>
    }
    %while3A_151 = arith.constant 1 : i32
    scf.for %while3A_270 = %while3A_149 to %while3A_145 step %while3A_151  : i32 {
      %mul3A_271 = arith.constant 16 : i32
      %mul3A_272 = arith.muli %while3A_270, %mul3A_271 : i32
      %add3A_273 = vector.broadcast %mul3A_272 : i32 to vector<16xi32>
      %add3A_274 = arith.addi %add3A_273, %iota3A : vector<16xi32>
      %lt3A = vector.broadcast %scan3A_100#2 : i32 to vector<16xi32>
      %lt3A_275 = arith.cmpi slt, %add3A_274, %lt3A : vector<16xi32>
      %mul3A_276 = arith.constant 16 : i32
      %mul3A_277 = arith.muli %while3A_270, %mul3A_276 : i32
      %get3A = arith.index_cast %mul3A_277 : i32 to index
      %get3A_278 = tpu.vector_load %arg7[%get3A] {strides = array<i32>} : memref<1024xi32, #tpu.memory_space<vmem>>, vector<16xi32>,
      %broadcast_in_dim3A_279 = arith.constant 0 : i32
      %broadcast_in_dim3A_280 = vector.broadcast %broadcast_in_dim3A_279 : i32 to vector<16xi32>
      %shift_right_logical3A = arith.shrui %get3A_278, %broadcast_in_dim3A_280 : vector<16xi32>
      %and3A_281 = arith.constant 255 : i32
      %and3A_282 = vector.broadcast %and3A_281 : i32 to vector<16xi32>
      %and3A_283 = arith.andi %shift_right_logical3A, %and3A_282 : vector<16xi32>
      %mul3A_284 = arith.constant 256 : i32
      %mul3A_285 = vector.broadcast %mul3A_284 : i32 to vector<16xi32>
      %mul3A_286 = arith.muli %iota3A, %mul3A_285 : vector<16xi32>
      %add3A_287 = arith.addi %mul3A_286, %and3A_283 : vector<16xi32>
      tpu.vector_store_idx %arg5[%add3A_287], %broadcast_in_dim3A_6 masked %lt3A_275 {add = true} : memref<4096xi32, #tpu.memory_space<vmem>>[vector<16xi32>], vector<16xi32>, vector<16xi1>
    }
    %scan3A_152 = arith.constant 0 : i32
    %scan3A_153 = arith.constant 0 : i32
    %scan3A_154 = arith.constant 16 : i32
    %scan3A_155 = arith.addi %scan3A_153, %scan3A_154 : i32
    %scan3A_156 = arith.constant 1 : i32
    %scan3A_157 = scf.for %scan3A_270 = %scan3A_153 to %scan3A_155 step %scan3A_156 iter_args(%scan3A_271 = %scan3A_152) -> (i32)  : i32 {
      %mul3A_272 = arith.constant 16 : i32
      %mul3A_273 = arith.muli %scan3A_270, %mul3A_272 : i32
      %add3A_274 = arith.constant 0 : i32
      %add3A_275 = arith.addi %add3A_274, %mul3A_273 : i32
      %get3A = arith.index_cast %add3A_275 : i32 to index
      %get3A_276 = tpu.vector_load %arg5[%get3A] {strides = array<i32>} : memref<4096xi32, #tpu.memory_space<vmem>>, vector<16xi32>,
      %add3A_277 = arith.addi %broadcast_in_dim3A_8, %get3A_276 : vector<16xi32>
      %mul3A_278 = arith.constant 16 : i32
      %mul3A_279 = arith.muli %scan3A_270, %mul3A_278 : i32
      %add3A_280 = arith.constant 256 : i32
      %add3A_281 = arith.addi %add3A_280, %mul3A_279 : i32
      %get3A_282 = arith.index_cast %add3A_281 : i32 to index
      %get3A_283 = tpu.vector_load %arg5[%get3A_282] {strides = array<i32>} : memref<4096xi32, #tpu.memory_space<vmem>>, vector<16xi32>,
      %add3A_284 = arith.addi %add3A_277, %get3A_283 : vector<16xi32>
      %mul3A_285 = arith.constant 16 : i32
      %mul3A_286 = arith.muli %scan3A_270, %mul3A_285 : i32
      %add3A_287 = arith.constant 512 : i32
      %add3A_288 = arith.addi %add3A_287, %mul3A_286 : i32
      %get3A_289 = arith.index_cast %add3A_288 : i32 to index
      %get3A_290 = tpu.vector_load %arg5[%get3A_289] {strides = array<i32>} : memref<4096xi32, #tpu.memory_space<vmem>>, vector<16xi32>,
      %add3A_291 = arith.addi %add3A_284, %get3A_290 : vector<16xi32>
      %mul3A_292 = arith.constant 16 : i32
      %mul3A_293 = arith.muli %scan3A_270, %mul3A_292 : i32
      %add3A_294 = arith.constant 768 : i32
      %add3A_295 = arith.addi %add3A_294, %mul3A_293 : i32
      %get3A_296 = arith.index_cast %add3A_295 : i32 to index
      %get3A_297 = tpu.vector_load %arg5[%get3A_296] {strides = array<i32>} : memref<4096xi32, #tpu.memory_space<vmem>>, vector<16xi32>,
      %add3A_298 = arith.addi %add3A_291, %get3A_297 : vector<16xi32>
      %mul3A_299 = arith.constant 16 : i32
      %mul3A_300 = arith.muli %scan3A_270, %mul3A_299 : i32
      %add3A_301 = arith.constant 1024 : i32
      %add3A_302 = arith.addi %add3A_301, %mul3A_300 : i32
      %get3A_303 = arith.index_cast %add3A_302 : i32 to index
      %get3A_304 = tpu.vector_load %arg5[%get3A_303] {strides = array<i32>} : memref<4096xi32, #tpu.memory_space<vmem>>, vector<16xi32>,
      %add3A_305 = arith.addi %add3A_298, %get3A_304 : vector<16xi32>
      %mul3A_306 = arith.constant 16 : i32
      %mul3A_307 = arith.muli %scan3A_270, %mul3A_306 : i32
      %add3A_308 = arith.constant 1280 : i32
      %add3A_309 = arith.addi %add3A_308, %mul3A_307 : i32
      %get3A_310 = arith.index_cast %add3A_309 : i32 to index
      %get3A_311 = tpu.vector_load %arg5[%get3A_310] {strides = array<i32>} : memref<4096xi32, #tpu.memory_space<vmem>>, vector<16xi32>,
      %add3A_312 = arith.addi %add3A_305, %get3A_311 : vector<16xi32>
      %mul3A_313 = arith.constant 16 : i32
      %mul3A_314 = arith.muli %scan3A_270, %mul3A_313 : i32
      %add3A_315 = arith.constant 1536 : i32
      %add3A_316 = arith.addi %add3A_315, %mul3A_314 : i32
      %get3A_317 = arith.index_cast %add3A_316 : i32 to index
      %get3A_318 = tpu.vector_load %arg5[%get3A_317] {strides = array<i32>} : memref<4096xi32, #tpu.memory_space<vmem>>, vector<16xi32>,
      %add3A_319 = arith.addi %add3A_312, %get3A_318 : vector<16xi32>
      %mul3A_320 = arith.constant 16 : i32
      %mul3A_321 = arith.muli %scan3A_270, %mul3A_320 : i32
      %add3A_322 = arith.constant 1792 : i32
      %add3A_323 = arith.addi %add3A_322, %mul3A_321 : i32
      %get3A_324 = arith.index_cast %add3A_323 : i32 to index
      %get3A_325 = tpu.vector_load %arg5[%get3A_324] {strides = array<i32>} : memref<4096xi32, #tpu.memory_space<vmem>>, vector<16xi32>,
      %add3A_326 = arith.addi %add3A_319, %get3A_325 : vector<16xi32>
      %mul3A_327 = arith.constant 16 : i32
      %mul3A_328 = arith.muli %scan3A_270, %mul3A_327 : i32
      %add3A_329 = arith.constant 2048 : i32
      %add3A_330 = arith.addi %add3A_329, %mul3A_328 : i32
      %get3A_331 = arith.index_cast %add3A_330 : i32 to index
      %get3A_332 = tpu.vector_load %arg5[%get3A_331] {strides = array<i32>} : memref<4096xi32, #tpu.memory_space<vmem>>, vector<16xi32>,
      %add3A_333 = arith.addi %add3A_326, %get3A_332 : vector<16xi32>
      %mul3A_334 = arith.constant 16 : i32
      %mul3A_335 = arith.muli %scan3A_270, %mul3A_334 : i32
      %add3A_336 = arith.constant 2304 : i32
      %add3A_337 = arith.addi %add3A_336, %mul3A_335 : i32
      %get3A_338 = arith.index_cast %add3A_337 : i32 to index
      %get3A_339 = tpu.vector_load %arg5[%get3A_338] {strides = array<i32>} : memref<4096xi32, #tpu.memory_space<vmem>>, vector<16xi32>,
      %add3A_340 = arith.addi %add3A_333, %get3A_339 : vector<16xi32>
      %mul3A_341 = arith.constant 16 : i32
      %mul3A_342 = arith.muli %scan3A_270, %mul3A_341 : i32
      %add3A_343 = arith.constant 2560 : i32
      %add3A_344 = arith.addi %add3A_343, %mul3A_342 : i32
      %get3A_345 = arith.index_cast %add3A_344 : i32 to index
      %get3A_346 = tpu.vector_load %arg5[%get3A_345] {strides = array<i32>} : memref<4096xi32, #tpu.memory_space<vmem>>, vector<16xi32>,
      %add3A_347 = arith.addi %add3A_340, %get3A_346 : vector<16xi32>
      %mul3A_348 = arith.constant 16 : i32
      %mul3A_349 = arith.muli %scan3A_270, %mul3A_348 : i32
      %add3A_350 = arith.constant 2816 : i32
      %add3A_351 = arith.addi %add3A_350, %mul3A_349 : i32
      %get3A_352 = arith.index_cast %add3A_351 : i32 to index
      %get3A_353 = tpu.vector_load %arg5[%get3A_352] {strides = array<i32>} : memref<4096xi32, #tpu.memory_space<vmem>>, vector<16xi32>,
      %add3A_354 = arith.addi %add3A_347, %get3A_353 : vector<16xi32>
      %mul3A_355 = arith.constant 16 : i32
      %mul3A_356 = arith.muli %scan3A_270, %mul3A_355 : i32
      %add3A_357 = arith.constant 3072 : i32
      %add3A_358 = arith.addi %add3A_357, %mul3A_356 : i32
      %get3A_359 = arith.index_cast %add3A_358 : i32 to index
      %get3A_360 = tpu.vector_load %arg5[%get3A_359] {strides = array<i32>} : memref<4096xi32, #tpu.memory_space<vmem>>, vector<16xi32>,
      %add3A_361 = arith.addi %add3A_354, %get3A_360 : vector<16xi32>
      %mul3A_362 = arith.constant 16 : i32
      %mul3A_363 = arith.muli %scan3A_270, %mul3A_362 : i32
      %add3A_364 = arith.constant 3328 : i32
      %add3A_365 = arith.addi %add3A_364, %mul3A_363 : i32
      %get3A_366 = arith.index_cast %add3A_365 : i32 to index
      %get3A_367 = tpu.vector_load %arg5[%get3A_366] {strides = array<i32>} : memref<4096xi32, #tpu.memory_space<vmem>>, vector<16xi32>,
      %add3A_368 = arith.addi %add3A_361, %get3A_367 : vector<16xi32>
      %mul3A_369 = arith.constant 16 : i32
      %mul3A_370 = arith.muli %scan3A_270, %mul3A_369 : i32
      %add3A_371 = arith.constant 3584 : i32
      %add3A_372 = arith.addi %add3A_371, %mul3A_370 : i32
      %get3A_373 = arith.index_cast %add3A_372 : i32 to index
      %get3A_374 = tpu.vector_load %arg5[%get3A_373] {strides = array<i32>} : memref<4096xi32, #tpu.memory_space<vmem>>, vector<16xi32>,
      %add3A_375 = arith.addi %add3A_368, %get3A_374 : vector<16xi32>
      %mul3A_376 = arith.constant 16 : i32
      %mul3A_377 = arith.muli %scan3A_270, %mul3A_376 : i32
      %add3A_378 = arith.constant 3840 : i32
      %add3A_379 = arith.addi %add3A_378, %mul3A_377 : i32
      %get3A_380 = arith.index_cast %add3A_379 : i32 to index
      %get3A_381 = tpu.vector_load %arg5[%get3A_380] {strides = array<i32>} : memref<4096xi32, #tpu.memory_space<vmem>>, vector<16xi32>,
      %add3A_382 = arith.addi %add3A_375, %get3A_381 : vector<16xi32>
      %broadcast_in_dim3A_383 = arith.constant true
      %broadcast_in_dim3A_384 = vector.broadcast %broadcast_in_dim3A_383 : i1 to vector<16xi1>
      %masked_cumsum3A = tpu.scan <sum>, %add3A_382 masked %broadcast_in_dim3A_384 : vector<16xi32>, vector<16xi1> -> vector<16xi32>
      %add3A_385 = vector.broadcast %scan3A_271 : i32 to vector<16xi32>
      %add3A_386 = arith.addi %add3A_385, %masked_cumsum3A : vector<16xi32>
      %sub3A_387 = arith.subi %add3A_386, %add3A_382 : vector<16xi32>
      %mul3A_388 = arith.constant 16 : i32
      %mul3A_389 = arith.muli %scan3A_270, %mul3A_388 : i32
      %swap3A = arith.index_cast %mul3A_389 : i32 to index
      %swap3A_390 = tpu.vector_load %arg6[%swap3A] {strides = array<i32>} : memref<256xi32, #tpu.memory_space<vmem>>, vector<16xi32>,
      tpu.vector_store %arg6[%swap3A], %sub3A_387 {strides = array<i32>} : memref<256xi32, #tpu.memory_space<vmem>>, vector<16xi32>,
      %reduce_sum3A = arith.constant true
      %reduce_sum3A_391 = vector.broadcast %reduce_sum3A : i1 to vector<16xi1>
      %reduce_sum3A_392 = tpu.scan <sum>, %add3A_382 masked %reduce_sum3A_391 : vector<16xi32>, vector<16xi1> -> vector<16xi32>
      %reduce_sum3A_393 = vector.extract %reduce_sum3A_392[15] : i32 from vector<16xi32>
      %add3A_394 = arith.addi %scan3A_271, %reduce_sum3A_393 : i32
      scf.yield %add3A_394 : i32
    }
    %scan3A_158 = arith.constant 16 : i32
    %while3A_159 = arith.constant 0 : i32
    %while3A_160 = arith.constant 0 : i32
    %while3A_161 = arith.subi %select_n3A, %while3A_160 : i32
    %while3A_162 = arith.addi %while3A_160, %while3A_161 : i32
    %while3A_163 = arith.constant 1 : i32
    %while3A_164 = arith.divsi %while3A_161, %while3A_163 : i32
    %while3A_165 = arith.muli %while3A_164, %while3A_163 : i32
    %while3A_166 = arith.addi %while3A_160, %while3A_165 : i32
    %while3A_167 = arith.constant 1 : i32
    scf.for %while3A_270 = %while3A_160 to %while3A_166 step %while3A_167  : i32 {
      %mul3A_271 = arith.constant 16 : i32
      %mul3A_272 = arith.muli %while3A_270, %mul3A_271 : i32
      %add3A_273 = vector.broadcast %mul3A_272 : i32 to vector<16xi32>
      %add3A_274 = arith.addi %add3A_273, %iota3A : vector<16xi32>
      %lt3A = vector.broadcast %scan3A_100#2 : i32 to vector<16xi32>
      %lt3A_275 = arith.cmpi slt, %add3A_274, %lt3A : vector<16xi32>
      %mul3A_276 = arith.constant 16 : i32
      %mul3A_277 = arith.muli %while3A_270, %mul3A_276 : i32
      %get3A = arith.index_cast %mul3A_277 : i32 to index
      %get3A_278 = tpu.vector_load %arg7[%get3A] {strides = array<i32>} : memref<1024xi32, #tpu.memory_space<vmem>>, vector<16xi32>,
      %mul3A_279 = arith.constant 16 : i32
      %mul3A_280 = arith.muli %while3A_270, %mul3A_279 : i32
      %get3A_281 = arith.index_cast %mul3A_280 : i32 to index
      %get3A_282 = tpu.vector_load %arg8[%get3A_281] {strides = array<i32>} : memref<1024xi32, #tpu.memory_space<vmem>>, vector<16xi32>,
      %broadcast_in_dim3A_283 = arith.constant 0 : i32
      %broadcast_in_dim3A_284 = vector.broadcast %broadcast_in_dim3A_283 : i32 to vector<16xi32>
      %shift_right_logical3A = arith.shrui %get3A_278, %broadcast_in_dim3A_284 : vector<16xi32>
      %and3A_285 = arith.constant 255 : i32
      %and3A_286 = vector.broadcast %and3A_285 : i32 to vector<16xi32>
      %and3A_287 = arith.andi %shift_right_logical3A, %and3A_286 : vector<16xi32>
      %gather3A = tpu.vector_load_idx %arg6[%and3A_287] : memref<256xi32, #tpu.memory_space<vmem>>[vector<16xi32>], vector<16xi32>,
      %unique3A, %unique3A_288 = tpu.scan_count mask(%lt3A_275 : vector<16xi1>) value(%and3A_287 : vector<16xi32>) : vector<16xi1>, vector<16xi32>
      %add3A_289 = arith.addi %gather3A, %unique3A_288 : vector<16xi32>
      %sub3A_290 = arith.constant 1 : i32
      %sub3A_291 = vector.broadcast %sub3A_290 : i32 to vector<16xi32>
      %sub3A_292 = arith.subi %add3A_289, %sub3A_291 : vector<16xi32>
      tpu.vector_store_idx %arg9[%sub3A_292], %get3A_278 masked %lt3A_275 : memref<1024xi32, #tpu.memory_space<vmem>>[vector<16xi32>], vector<16xi32>, vector<16xi1>
      tpu.vector_store_idx %arg10[%sub3A_292], %get3A_282 masked %lt3A_275 : memref<1024xi32, #tpu.memory_space<vmem>>[vector<16xi32>], vector<16xi32>, vector<16xi1>
      %and3A_293 = arith.andi %unique3A, %lt3A_275 : vector<16xi1>
      tpu.vector_store_idx %arg6[%and3A_287], %unique3A_288 masked %and3A_293 {add = true} : memref<256xi32, #tpu.memory_space<vmem>>[vector<16xi32>], vector<16xi32>, vector<16xi1>
    }
    %while3A_168 = arith.constant 1 : i32
    scf.for %while3A_270 = %while3A_166 to %while3A_162 step %while3A_168  : i32 {
      %mul3A_271 = arith.constant 16 : i32
      %mul3A_272 = arith.muli %while3A_270, %mul3A_271 : i32
      %add3A_273 = vector.broadcast %mul3A_272 : i32 to vector<16xi32>
      %add3A_274 = arith.addi %add3A_273, %iota3A : vector<16xi32>
      %lt3A = vector.broadcast %scan3A_100#2 : i32 to vector<16xi32>
      %lt3A_275 = arith.cmpi slt, %add3A_274, %lt3A : vector<16xi32>
      %mul3A_276 = arith.constant 16 : i32
      %mul3A_277 = arith.muli %while3A_270, %mul3A_276 : i32
      %get3A = arith.index_cast %mul3A_277 : i32 to index
      %get3A_278 = tpu.vector_load %arg7[%get3A] {strides = array<i32>} : memref<1024xi32, #tpu.memory_space<vmem>>, vector<16xi32>,
      %mul3A_279 = arith.constant 16 : i32
      %mul3A_280 = arith.muli %while3A_270, %mul3A_279 : i32
      %get3A_281 = arith.index_cast %mul3A_280 : i32 to index
      %get3A_282 = tpu.vector_load %arg8[%get3A_281] {strides = array<i32>} : memref<1024xi32, #tpu.memory_space<vmem>>, vector<16xi32>,
      %broadcast_in_dim3A_283 = arith.constant 0 : i32
      %broadcast_in_dim3A_284 = vector.broadcast %broadcast_in_dim3A_283 : i32 to vector<16xi32>
      %shift_right_logical3A = arith.shrui %get3A_278, %broadcast_in_dim3A_284 : vector<16xi32>
      %and3A_285 = arith.constant 255 : i32
      %and3A_286 = vector.broadcast %and3A_285 : i32 to vector<16xi32>
      %and3A_287 = arith.andi %shift_right_logical3A, %and3A_286 : vector<16xi32>
      %gather3A = tpu.vector_load_idx %arg6[%and3A_287] : memref<256xi32, #tpu.memory_space<vmem>>[vector<16xi32>], vector<16xi32>,
      %unique3A, %unique3A_288 = tpu.scan_count mask(%lt3A_275 : vector<16xi1>) value(%and3A_287 : vector<16xi32>) : vector<16xi1>, vector<16xi32>
      %add3A_289 = arith.addi %gather3A, %unique3A_288 : vector<16xi32>
      %sub3A_290 = arith.constant 1 : i32
      %sub3A_291 = vector.broadcast %sub3A_290 : i32 to vector<16xi32>
      %sub3A_292 = arith.subi %add3A_289, %sub3A_291 : vector<16xi32>
      tpu.vector_store_idx %arg9[%sub3A_292], %get3A_278 masked %lt3A_275 : memref<1024xi32, #tpu.memory_space<vmem>>[vector<16xi32>], vector<16xi32>, vector<16xi1>
      tpu.vector_store_idx %arg10[%sub3A_292], %get3A_282 masked %lt3A_275 : memref<1024xi32, #tpu.memory_space<vmem>>[vector<16xi32>], vector<16xi32>, vector<16xi1>
      %and3A_293 = arith.andi %unique3A, %lt3A_275 : vector<16xi1>
      tpu.vector_store_idx %arg6[%and3A_287], %unique3A_288 masked %and3A_293 {add = true} : memref<256xi32, #tpu.memory_space<vmem>>[vector<16xi32>], vector<16xi32>, vector<16xi1>
    }
    %scan3A_169 = arith.constant 0 : i32
    %scan3A_170 = arith.constant 0 : i32
    %scan3A_171 = arith.constant 256 : i32
    %scan3A_172 = arith.addi %scan3A_170, %scan3A_171 : i32
    %scan3A_173 = arith.constant 1 : i32
    scf.for %scan3A_270 = %scan3A_170 to %scan3A_172 step %scan3A_173  : i32 {
      %mul3A_271 = arith.constant 16 : i32
      %mul3A_272 = arith.muli %scan3A_270, %mul3A_271 : i32
      %swap3A = arith.index_cast %mul3A_272 : i32 to index
      %swap3A_273 = tpu.vector_load %arg5[%swap3A] {strides = array<i32>} : memref<4096xi32, #tpu.memory_space<vmem>>, vector<16xi32>,
      tpu.vector_store %arg5[%swap3A], %broadcast_in_dim3A_8 {strides = array<i32>} : memref<4096xi32, #tpu.memory_space<vmem>>, vector<16xi32>,
    }
    %scan3A_174 = arith.constant 256 : i32
    %while3A_175 = arith.constant 0 : i32
    %while3A_176 = arith.constant 0 : i32
    %while3A_177 = arith.subi %select_n3A, %while3A_176 : i32
    %while3A_178 = arith.addi %while3A_176, %while3A_177 : i32
    %while3A_179 = arith.constant 1 : i32
    %while3A_180 = arith.divsi %while3A_177, %while3A_179 : i32
    %while3A_181 = arith.muli %while3A_180, %while3A_179 : i32
    %while3A_182 = arith.addi %while3A_176, %while3A_181 : i32
    %while3A_183 = arith.constant 1 : i32
    scf.for %while3A_270 = %while3A_176 to %while3A_182 step %while3A_183  : i32 {
      %mul3A_271 = arith.constant 16 : i32
      %mul3A_272 = arith.muli %while3A_270, %mul3A_271 : i32
      %add3A_273 = vector.broadcast %mul3A_272 : i32 to vector<16xi32>
      %add3A_274 = arith.addi %add3A_273, %iota3A : vector<16xi32>
      %lt3A = vector.broadcast %scan3A_100#2 : i32 to vector<16xi32>
      %lt3A_275 = arith.cmpi slt, %add3A_274, %lt3A : vector<16xi32>
      %mul3A_276 = arith.constant 16 : i32
      %mul3A_277 = arith.muli %while3A_270, %mul3A_276 : i32
      %get3A = arith.index_cast %mul3A_277 : i32 to index
      %get3A_278 = tpu.vector_load %arg9[%get3A] {strides = array<i32>} : memref<1024xi32, #tpu.memory_space<vmem>>, vector<16xi32>,
      %broadcast_in_dim3A_279 = arith.constant 8 : i32
      %broadcast_in_dim3A_280 = vector.broadcast %broadcast_in_dim3A_279 : i32 to vector<16xi32>
      %shift_right_logical3A = arith.shrui %get3A_278, %broadcast_in_dim3A_280 : vector<16xi32>
      %and3A_281 = arith.constant 255 : i32
      %and3A_282 = vector.broadcast %and3A_281 : i32 to vector<16xi32>
      %and3A_283 = arith.andi %shift_right_logical3A, %and3A_282 : vector<16xi32>
      %mul3A_284 = arith.constant 256 : i32
      %mul3A_285 = vector.broadcast %mul3A_284 : i32 to vector<16xi32>
      %mul3A_286 = arith.muli %iota3A, %mul3A_285 : vector<16xi32>
      %add3A_287 = arith.addi %mul3A_286, %and3A_283 : vector<16xi32>
      tpu.vector_store_idx %arg5[%add3A_287], %broadcast_in_dim3A_6 masked %lt3A_275 {add = true} : memref<4096xi32, #tpu.memory_space<vmem>>[vector<16xi32>], vector<16xi32>, vector<16xi1>
    }
    %while3A_184 = arith.constant 1 : i32
    scf.for %while3A_270 = %while3A_182 to %while3A_178 step %while3A_184  : i32 {
      %mul3A_271 = arith.constant 16 : i32
      %mul3A_272 = arith.muli %while3A_270, %mul3A_271 : i32
      %add3A_273 = vector.broadcast %mul3A_272 : i32 to vector<16xi32>
      %add3A_274 = arith.addi %add3A_273, %iota3A : vector<16xi32>
      %lt3A = vector.broadcast %scan3A_100#2 : i32 to vector<16xi32>
      %lt3A_275 = arith.cmpi slt, %add3A_274, %lt3A : vector<16xi32>
      %mul3A_276 = arith.constant 16 : i32
      %mul3A_277 = arith.muli %while3A_270, %mul3A_276 : i32
      %get3A = arith.index_cast %mul3A_277 : i32 to index
      %get3A_278 = tpu.vector_load %arg9[%get3A] {strides = array<i32>} : memref<1024xi32, #tpu.memory_space<vmem>>, vector<16xi32>,
      %broadcast_in_dim3A_279 = arith.constant 8 : i32
      %broadcast_in_dim3A_280 = vector.broadcast %broadcast_in_dim3A_279 : i32 to vector<16xi32>
      %shift_right_logical3A = arith.shrui %get3A_278, %broadcast_in_dim3A_280 : vector<16xi32>
      %and3A_281 = arith.constant 255 : i32
      %and3A_282 = vector.broadcast %and3A_281 : i32 to vector<16xi32>
      %and3A_283 = arith.andi %shift_right_logical3A, %and3A_282 : vector<16xi32>
      %mul3A_284 = arith.constant 256 : i32
      %mul3A_285 = vector.broadcast %mul3A_284 : i32 to vector<16xi32>
      %mul3A_286 = arith.muli %iota3A, %mul3A_285 : vector<16xi32>
      %add3A_287 = arith.addi %mul3A_286, %and3A_283 : vector<16xi32>
      tpu.vector_store_idx %arg5[%add3A_287], %broadcast_in_dim3A_6 masked %lt3A_275 {add = true} : memref<4096xi32, #tpu.memory_space<vmem>>[vector<16xi32>], vector<16xi32>, vector<16xi1>
    }
    %scan3A_185 = arith.constant 0 : i32
    %scan3A_186 = arith.constant 0 : i32
    %scan3A_187 = arith.constant 16 : i32
    %scan3A_188 = arith.addi %scan3A_186, %scan3A_187 : i32
    %scan3A_189 = arith.constant 1 : i32
    %scan3A_190 = scf.for %scan3A_270 = %scan3A_186 to %scan3A_188 step %scan3A_189 iter_args(%scan3A_271 = %scan3A_185) -> (i32)  : i32 {
      %mul3A_272 = arith.constant 16 : i32
      %mul3A_273 = arith.muli %scan3A_270, %mul3A_272 : i32
      %add3A_274 = arith.constant 0 : i32
      %add3A_275 = arith.addi %add3A_274, %mul3A_273 : i32
      %get3A = arith.index_cast %add3A_275 : i32 to index
      %get3A_276 = tpu.vector_load %arg5[%get3A] {strides = array<i32>} : memref<4096xi32, #tpu.memory_space<vmem>>, vector<16xi32>,
      %add3A_277 = arith.addi %broadcast_in_dim3A_8, %get3A_276 : vector<16xi32>
      %mul3A_278 = arith.constant 16 : i32
      %mul3A_279 = arith.muli %scan3A_270, %mul3A_278 : i32
      %add3A_280 = arith.constant 256 : i32
      %add3A_281 = arith.addi %add3A_280, %mul3A_279 : i32
      %get3A_282 = arith.index_cast %add3A_281 : i32 to index
      %get3A_283 = tpu.vector_load %arg5[%get3A_282] {strides = array<i32>} : memref<4096xi32, #tpu.memory_space<vmem>>, vector<16xi32>,
      %add3A_284 = arith.addi %add3A_277, %get3A_283 : vector<16xi32>
      %mul3A_285 = arith.constant 16 : i32
      %mul3A_286 = arith.muli %scan3A_270, %mul3A_285 : i32
      %add3A_287 = arith.constant 512 : i32
      %add3A_288 = arith.addi %add3A_287, %mul3A_286 : i32
      %get3A_289 = arith.index_cast %add3A_288 : i32 to index
      %get3A_290 = tpu.vector_load %arg5[%get3A_289] {strides = array<i32>} : memref<4096xi32, #tpu.memory_space<vmem>>, vector<16xi32>,
      %add3A_291 = arith.addi %add3A_284, %get3A_290 : vector<16xi32>
      %mul3A_292 = arith.constant 16 : i32
      %mul3A_293 = arith.muli %scan3A_270, %mul3A_292 : i32
      %add3A_294 = arith.constant 768 : i32
      %add3A_295 = arith.addi %add3A_294, %mul3A_293 : i32
      %get3A_296 = arith.index_cast %add3A_295 : i32 to index
      %get3A_297 = tpu.vector_load %arg5[%get3A_296] {strides = array<i32>} : memref<4096xi32, #tpu.memory_space<vmem>>, vector<16xi32>,
      %add3A_298 = arith.addi %add3A_291, %get3A_297 : vector<16xi32>
      %mul3A_299 = arith.constant 16 : i32
      %mul3A_300 = arith.muli %scan3A_270, %mul3A_299 : i32
      %add3A_301 = arith.constant 1024 : i32
      %add3A_302 = arith.addi %add3A_301, %mul3A_300 : i32
      %get3A_303 = arith.index_cast %add3A_302 : i32 to index
      %get3A_304 = tpu.vector_load %arg5[%get3A_303] {strides = array<i32>} : memref<4096xi32, #tpu.memory_space<vmem>>, vector<16xi32>,
      %add3A_305 = arith.addi %add3A_298, %get3A_304 : vector<16xi32>
      %mul3A_306 = arith.constant 16 : i32
      %mul3A_307 = arith.muli %scan3A_270, %mul3A_306 : i32
      %add3A_308 = arith.constant 1280 : i32
      %add3A_309 = arith.addi %add3A_308, %mul3A_307 : i32
      %get3A_310 = arith.index_cast %add3A_309 : i32 to index
      %get3A_311 = tpu.vector_load %arg5[%get3A_310] {strides = array<i32>} : memref<4096xi32, #tpu.memory_space<vmem>>, vector<16xi32>,
      %add3A_312 = arith.addi %add3A_305, %get3A_311 : vector<16xi32>
      %mul3A_313 = arith.constant 16 : i32
      %mul3A_314 = arith.muli %scan3A_270, %mul3A_313 : i32
      %add3A_315 = arith.constant 1536 : i32
      %add3A_316 = arith.addi %add3A_315, %mul3A_314 : i32
      %get3A_317 = arith.index_cast %add3A_316 : i32 to index
      %get3A_318 = tpu.vector_load %arg5[%get3A_317] {strides = array<i32>} : memref<4096xi32, #tpu.memory_space<vmem>>, vector<16xi32>,
      %add3A_319 = arith.addi %add3A_312, %get3A_318 : vector<16xi32>
      %mul3A_320 = arith.constant 16 : i32
      %mul3A_321 = arith.muli %scan3A_270, %mul3A_320 : i32
      %add3A_322 = arith.constant 1792 : i32
      %add3A_323 = arith.addi %add3A_322, %mul3A_321 : i32
      %get3A_324 = arith.index_cast %add3A_323 : i32 to index
      %get3A_325 = tpu.vector_load %arg5[%get3A_324] {strides = array<i32>} : memref<4096xi32, #tpu.memory_space<vmem>>, vector<16xi32>,
      %add3A_326 = arith.addi %add3A_319, %get3A_325 : vector<16xi32>
      %mul3A_327 = arith.constant 16 : i32
      %mul3A_328 = arith.muli %scan3A_270, %mul3A_327 : i32
      %add3A_329 = arith.constant 2048 : i32
      %add3A_330 = arith.addi %add3A_329, %mul3A_328 : i32
      %get3A_331 = arith.index_cast %add3A_330 : i32 to index
      %get3A_332 = tpu.vector_load %arg5[%get3A_331] {strides = array<i32>} : memref<4096xi32, #tpu.memory_space<vmem>>, vector<16xi32>,
      %add3A_333 = arith.addi %add3A_326, %get3A_332 : vector<16xi32>
      %mul3A_334 = arith.constant 16 : i32
      %mul3A_335 = arith.muli %scan3A_270, %mul3A_334 : i32
      %add3A_336 = arith.constant 2304 : i32
      %add3A_337 = arith.addi %add3A_336, %mul3A_335 : i32
      %get3A_338 = arith.index_cast %add3A_337 : i32 to index
      %get3A_339 = tpu.vector_load %arg5[%get3A_338] {strides = array<i32>} : memref<4096xi32, #tpu.memory_space<vmem>>, vector<16xi32>,
      %add3A_340 = arith.addi %add3A_333, %get3A_339 : vector<16xi32>
      %mul3A_341 = arith.constant 16 : i32
      %mul3A_342 = arith.muli %scan3A_270, %mul3A_341 : i32
      %add3A_343 = arith.constant 2560 : i32
      %add3A_344 = arith.addi %add3A_343, %mul3A_342 : i32
      %get3A_345 = arith.index_cast %add3A_344 : i32 to index
      %get3A_346 = tpu.vector_load %arg5[%get3A_345] {strides = array<i32>} : memref<4096xi32, #tpu.memory_space<vmem>>, vector<16xi32>,
      %add3A_347 = arith.addi %add3A_340, %get3A_346 : vector<16xi32>
      %mul3A_348 = arith.constant 16 : i32
      %mul3A_349 = arith.muli %scan3A_270, %mul3A_348 : i32
      %add3A_350 = arith.constant 2816 : i32
      %add3A_351 = arith.addi %add3A_350, %mul3A_349 : i32
      %get3A_352 = arith.index_cast %add3A_351 : i32 to index
      %get3A_353 = tpu.vector_load %arg5[%get3A_352] {strides = array<i32>} : memref<4096xi32, #tpu.memory_space<vmem>>, vector<16xi32>,
      %add3A_354 = arith.addi %add3A_347, %get3A_353 : vector<16xi32>
      %mul3A_355 = arith.constant 16 : i32
      %mul3A_356 = arith.muli %scan3A_270, %mul3A_355 : i32
      %add3A_357 = arith.constant 3072 : i32
      %add3A_358 = arith.addi %add3A_357, %mul3A_356 : i32
      %get3A_359 = arith.index_cast %add3A_358 : i32 to index
      %get3A_360 = tpu.vector_load %arg5[%get3A_359] {strides = array<i32>} : memref<4096xi32, #tpu.memory_space<vmem>>, vector<16xi32>,
      %add3A_361 = arith.addi %add3A_354, %get3A_360 : vector<16xi32>
      %mul3A_362 = arith.constant 16 : i32
      %mul3A_363 = arith.muli %scan3A_270, %mul3A_362 : i32
      %add3A_364 = arith.constant 3328 : i32
      %add3A_365 = arith.addi %add3A_364, %mul3A_363 : i32
      %get3A_366 = arith.index_cast %add3A_365 : i32 to index
      %get3A_367 = tpu.vector_load %arg5[%get3A_366] {strides = array<i32>} : memref<4096xi32, #tpu.memory_space<vmem>>, vector<16xi32>,
      %add3A_368 = arith.addi %add3A_361, %get3A_367 : vector<16xi32>
      %mul3A_369 = arith.constant 16 : i32
      %mul3A_370 = arith.muli %scan3A_270, %mul3A_369 : i32
      %add3A_371 = arith.constant 3584 : i32
      %add3A_372 = arith.addi %add3A_371, %mul3A_370 : i32
      %get3A_373 = arith.index_cast %add3A_372 : i32 to index
      %get3A_374 = tpu.vector_load %arg5[%get3A_373] {strides = array<i32>} : memref<4096xi32, #tpu.memory_space<vmem>>, vector<16xi32>,
      %add3A_375 = arith.addi %add3A_368, %get3A_374 : vector<16xi32>
      %mul3A_376 = arith.constant 16 : i32
      %mul3A_377 = arith.muli %scan3A_270, %mul3A_376 : i32
      %add3A_378 = arith.constant 3840 : i32
      %add3A_379 = arith.addi %add3A_378, %mul3A_377 : i32
      %get3A_380 = arith.index_cast %add3A_379 : i32 to index
      %get3A_381 = tpu.vector_load %arg5[%get3A_380] {strides = array<i32>} : memref<4096xi32, #tpu.memory_space<vmem>>, vector<16xi32>,
      %add3A_382 = arith.addi %add3A_375, %get3A_381 : vector<16xi32>
      %broadcast_in_dim3A_383 = arith.constant true
      %broadcast_in_dim3A_384 = vector.broadcast %broadcast_in_dim3A_383 : i1 to vector<16xi1>
      %masked_cumsum3A = tpu.scan <sum>, %add3A_382 masked %broadcast_in_dim3A_384 : vector<16xi32>, vector<16xi1> -> vector<16xi32>
      %add3A_385 = vector.broadcast %scan3A_271 : i32 to vector<16xi32>
      %add3A_386 = arith.addi %add3A_385, %masked_cumsum3A : vector<16xi32>
      %sub3A_387 = arith.subi %add3A_386, %add3A_382 : vector<16xi32>
      %mul3A_388 = arith.constant 16 : i32
      %mul3A_389 = arith.muli %scan3A_270, %mul3A_388 : i32
      %swap3A = arith.index_cast %mul3A_389 : i32 to index
      %swap3A_390 = tpu.vector_load %arg6[%swap3A] {strides = array<i32>} : memref<256xi32, #tpu.memory_space<vmem>>, vector<16xi32>,
      tpu.vector_store %arg6[%swap3A], %sub3A_387 {strides = array<i32>} : memref<256xi32, #tpu.memory_space<vmem>>, vector<16xi32>,
      %reduce_sum3A = arith.constant true
      %reduce_sum3A_391 = vector.broadcast %reduce_sum3A : i1 to vector<16xi1>
      %reduce_sum3A_392 = tpu.scan <sum>, %add3A_382 masked %reduce_sum3A_391 : vector<16xi32>, vector<16xi1> -> vector<16xi32>
      %reduce_sum3A_393 = vector.extract %reduce_sum3A_392[15] : i32 from vector<16xi32>
      %add3A_394 = arith.addi %scan3A_271, %reduce_sum3A_393 : i32
      scf.yield %add3A_394 : i32
    }
    %scan3A_191 = arith.constant 16 : i32
    %while3A_192 = arith.constant 0 : i32
    %while3A_193 = arith.constant 0 : i32
    %while3A_194 = arith.subi %select_n3A, %while3A_193 : i32
    %while3A_195 = arith.addi %while3A_193, %while3A_194 : i32
    %while3A_196 = arith.constant 1 : i32
    %while3A_197 = arith.divsi %while3A_194, %while3A_196 : i32
    %while3A_198 = arith.muli %while3A_197, %while3A_196 : i32
    %while3A_199 = arith.addi %while3A_193, %while3A_198 : i32
    %while3A_200 = arith.constant 1 : i32
    scf.for %while3A_270 = %while3A_193 to %while3A_199 step %while3A_200  : i32 {
      %mul3A_271 = arith.constant 16 : i32
      %mul3A_272 = arith.muli %while3A_270, %mul3A_271 : i32
      %add3A_273 = vector.broadcast %mul3A_272 : i32 to vector<16xi32>
      %add3A_274 = arith.addi %add3A_273, %iota3A : vector<16xi32>
      %lt3A = vector.broadcast %scan3A_100#2 : i32 to vector<16xi32>
      %lt3A_275 = arith.cmpi slt, %add3A_274, %lt3A : vector<16xi32>
      %mul3A_276 = arith.constant 16 : i32
      %mul3A_277 = arith.muli %while3A_270, %mul3A_276 : i32
      %get3A = arith.index_cast %mul3A_277 : i32 to index
      %get3A_278 = tpu.vector_load %arg9[%get3A] {strides = array<i32>} : memref<1024xi32, #tpu.memory_space<vmem>>, vector<16xi32>,
      %mul3A_279 = arith.constant 16 : i32
      %mul3A_280 = arith.muli %while3A_270, %mul3A_279 : i32
      %get3A_281 = arith.index_cast %mul3A_280 : i32 to index
      %get3A_282 = tpu.vector_load %arg10[%get3A_281] {strides = array<i32>} : memref<1024xi32, #tpu.memory_space<vmem>>, vector<16xi32>,
      %broadcast_in_dim3A_283 = arith.constant 8 : i32
      %broadcast_in_dim3A_284 = vector.broadcast %broadcast_in_dim3A_283 : i32 to vector<16xi32>
      %shift_right_logical3A = arith.shrui %get3A_278, %broadcast_in_dim3A_284 : vector<16xi32>
      %and3A_285 = arith.constant 255 : i32
      %and3A_286 = vector.broadcast %and3A_285 : i32 to vector<16xi32>
      %and3A_287 = arith.andi %shift_right_logical3A, %and3A_286 : vector<16xi32>
      %gather3A = tpu.vector_load_idx %arg6[%and3A_287] : memref<256xi32, #tpu.memory_space<vmem>>[vector<16xi32>], vector<16xi32>,
      %unique3A, %unique3A_288 = tpu.scan_count mask(%lt3A_275 : vector<16xi1>) value(%and3A_287 : vector<16xi32>) : vector<16xi1>, vector<16xi32>
      %add3A_289 = arith.addi %gather3A, %unique3A_288 : vector<16xi32>
      %sub3A_290 = arith.constant 1 : i32
      %sub3A_291 = vector.broadcast %sub3A_290 : i32 to vector<16xi32>
      %sub3A_292 = arith.subi %add3A_289, %sub3A_291 : vector<16xi32>
      tpu.vector_store_idx %arg7[%sub3A_292], %get3A_278 masked %lt3A_275 : memref<1024xi32, #tpu.memory_space<vmem>>[vector<16xi32>], vector<16xi32>, vector<16xi1>
      tpu.vector_store_idx %arg8[%sub3A_292], %get3A_282 masked %lt3A_275 : memref<1024xi32, #tpu.memory_space<vmem>>[vector<16xi32>], vector<16xi32>, vector<16xi1>
      %and3A_293 = arith.andi %unique3A, %lt3A_275 : vector<16xi1>
      tpu.vector_store_idx %arg6[%and3A_287], %unique3A_288 masked %and3A_293 {add = true} : memref<256xi32, #tpu.memory_space<vmem>>[vector<16xi32>], vector<16xi32>, vector<16xi1>
    }
    %while3A_201 = arith.constant 1 : i32
    scf.for %while3A_270 = %while3A_199 to %while3A_195 step %while3A_201  : i32 {
      %mul3A_271 = arith.constant 16 : i32
      %mul3A_272 = arith.muli %while3A_270, %mul3A_271 : i32
      %add3A_273 = vector.broadcast %mul3A_272 : i32 to vector<16xi32>
      %add3A_274 = arith.addi %add3A_273, %iota3A : vector<16xi32>
      %lt3A = vector.broadcast %scan3A_100#2 : i32 to vector<16xi32>
      %lt3A_275 = arith.cmpi slt, %add3A_274, %lt3A : vector<16xi32>
      %mul3A_276 = arith.constant 16 : i32
      %mul3A_277 = arith.muli %while3A_270, %mul3A_276 : i32
      %get3A = arith.index_cast %mul3A_277 : i32 to index
      %get3A_278 = tpu.vector_load %arg9[%get3A] {strides = array<i32>} : memref<1024xi32, #tpu.memory_space<vmem>>, vector<16xi32>,
      %mul3A_279 = arith.constant 16 : i32
      %mul3A_280 = arith.muli %while3A_270, %mul3A_279 : i32
      %get3A_281 = arith.index_cast %mul3A_280 : i32 to index
      %get3A_282 = tpu.vector_load %arg10[%get3A_281] {strides = array<i32>} : memref<1024xi32, #tpu.memory_space<vmem>>, vector<16xi32>,
      %broadcast_in_dim3A_283 = arith.constant 8 : i32
      %broadcast_in_dim3A_284 = vector.broadcast %broadcast_in_dim3A_283 : i32 to vector<16xi32>
      %shift_right_logical3A = arith.shrui %get3A_278, %broadcast_in_dim3A_284 : vector<16xi32>
      %and3A_285 = arith.constant 255 : i32
      %and3A_286 = vector.broadcast %and3A_285 : i32 to vector<16xi32>
      %and3A_287 = arith.andi %shift_right_logical3A, %and3A_286 : vector<16xi32>
      %gather3A = tpu.vector_load_idx %arg6[%and3A_287] : memref<256xi32, #tpu.memory_space<vmem>>[vector<16xi32>], vector<16xi32>,
      %unique3A, %unique3A_288 = tpu.scan_count mask(%lt3A_275 : vector<16xi1>) value(%and3A_287 : vector<16xi32>) : vector<16xi1>, vector<16xi32>
      %add3A_289 = arith.addi %gather3A, %unique3A_288 : vector<16xi32>
      %sub3A_290 = arith.constant 1 : i32
      %sub3A_291 = vector.broadcast %sub3A_290 : i32 to vector<16xi32>
      %sub3A_292 = arith.subi %add3A_289, %sub3A_291 : vector<16xi32>
      tpu.vector_store_idx %arg7[%sub3A_292], %get3A_278 masked %lt3A_275 : memref<1024xi32, #tpu.memory_space<vmem>>[vector<16xi32>], vector<16xi32>, vector<16xi1>
      tpu.vector_store_idx %arg8[%sub3A_292], %get3A_282 masked %lt3A_275 : memref<1024xi32, #tpu.memory_space<vmem>>[vector<16xi32>], vector<16xi32>, vector<16xi1>
      %and3A_293 = arith.andi %unique3A, %lt3A_275 : vector<16xi1>
      tpu.vector_store_idx %arg6[%and3A_287], %unique3A_288 masked %and3A_293 {add = true} : memref<256xi32, #tpu.memory_space<vmem>>[vector<16xi32>], vector<16xi32>, vector<16xi1>
    }
    %scan3A_202 = arith.constant 0 : i32
    %scan3A_203 = arith.constant 0 : i32
    %scan3A_204 = arith.constant 256 : i32
    %scan3A_205 = arith.addi %scan3A_203, %scan3A_204 : i32
    %scan3A_206 = arith.constant 1 : i32
    scf.for %scan3A_270 = %scan3A_203 to %scan3A_205 step %scan3A_206  : i32 {
      %mul3A_271 = arith.constant 16 : i32
      %mul3A_272 = arith.muli %scan3A_270, %mul3A_271 : i32
      %swap3A = arith.index_cast %mul3A_272 : i32 to index
      %swap3A_273 = tpu.vector_load %arg5[%swap3A] {strides = array<i32>} : memref<4096xi32, #tpu.memory_space<vmem>>, vector<16xi32>,
      tpu.vector_store %arg5[%swap3A], %broadcast_in_dim3A_8 {strides = array<i32>} : memref<4096xi32, #tpu.memory_space<vmem>>, vector<16xi32>,
    }
    %scan3A_207 = arith.constant 256 : i32
    %while3A_208 = arith.constant 0 : i32
    %while3A_209 = arith.constant 0 : i32
    %while3A_210 = arith.subi %select_n3A, %while3A_209 : i32
    %while3A_211 = arith.addi %while3A_209, %while3A_210 : i32
    %while3A_212 = arith.constant 1 : i32
    %while3A_213 = arith.divsi %while3A_210, %while3A_212 : i32
    %while3A_214 = arith.muli %while3A_213, %while3A_212 : i32
    %while3A_215 = arith.addi %while3A_209, %while3A_214 : i32
    %while3A_216 = arith.constant 1 : i32
    scf.for %while3A_270 = %while3A_209 to %while3A_215 step %while3A_216  : i32 {
      %mul3A_271 = arith.constant 16 : i32
      %mul3A_272 = arith.muli %while3A_270, %mul3A_271 : i32
      %add3A_273 = vector.broadcast %mul3A_272 : i32 to vector<16xi32>
      %add3A_274 = arith.addi %add3A_273, %iota3A : vector<16xi32>
      %lt3A = vector.broadcast %scan3A_100#2 : i32 to vector<16xi32>
      %lt3A_275 = arith.cmpi slt, %add3A_274, %lt3A : vector<16xi32>
      %mul3A_276 = arith.constant 16 : i32
      %mul3A_277 = arith.muli %while3A_270, %mul3A_276 : i32
      %get3A = arith.index_cast %mul3A_277 : i32 to index
      %get3A_278 = tpu.vector_load %arg7[%get3A] {strides = array<i32>} : memref<1024xi32, #tpu.memory_space<vmem>>, vector<16xi32>,
      %broadcast_in_dim3A_279 = arith.constant 16 : i32
      %broadcast_in_dim3A_280 = vector.broadcast %broadcast_in_dim3A_279 : i32 to vector<16xi32>
      %shift_right_logical3A = arith.shrui %get3A_278, %broadcast_in_dim3A_280 : vector<16xi32>
      %and3A_281 = arith.constant 255 : i32
      %and3A_282 = vector.broadcast %and3A_281 : i32 to vector<16xi32>
      %and3A_283 = arith.andi %shift_right_logical3A, %and3A_282 : vector<16xi32>
      %mul3A_284 = arith.constant 256 : i32
      %mul3A_285 = vector.broadcast %mul3A_284 : i32 to vector<16xi32>
      %mul3A_286 = arith.muli %iota3A, %mul3A_285 : vector<16xi32>
      %add3A_287 = arith.addi %mul3A_286, %and3A_283 : vector<16xi32>
      tpu.vector_store_idx %arg5[%add3A_287], %broadcast_in_dim3A_6 masked %lt3A_275 {add = true} : memref<4096xi32, #tpu.memory_space<vmem>>[vector<16xi32>], vector<16xi32>, vector<16xi1>
    }
    %while3A_217 = arith.constant 1 : i32
    scf.for %while3A_270 = %while3A_215 to %while3A_211 step %while3A_217  : i32 {
      %mul3A_271 = arith.constant 16 : i32
      %mul3A_272 = arith.muli %while3A_270, %mul3A_271 : i32
      %add3A_273 = vector.broadcast %mul3A_272 : i32 to vector<16xi32>
      %add3A_274 = arith.addi %add3A_273, %iota3A : vector<16xi32>
      %lt3A = vector.broadcast %scan3A_100#2 : i32 to vector<16xi32>
      %lt3A_275 = arith.cmpi slt, %add3A_274, %lt3A : vector<16xi32>
      %mul3A_276 = arith.constant 16 : i32
      %mul3A_277 = arith.muli %while3A_270, %mul3A_276 : i32
      %get3A = arith.index_cast %mul3A_277 : i32 to index
      %get3A_278 = tpu.vector_load %arg7[%get3A] {strides = array<i32>} : memref<1024xi32, #tpu.memory_space<vmem>>, vector<16xi32>,
      %broadcast_in_dim3A_279 = arith.constant 16 : i32
      %broadcast_in_dim3A_280 = vector.broadcast %broadcast_in_dim3A_279 : i32 to vector<16xi32>
      %shift_right_logical3A = arith.shrui %get3A_278, %broadcast_in_dim3A_280 : vector<16xi32>
      %and3A_281 = arith.constant 255 : i32
      %and3A_282 = vector.broadcast %and3A_281 : i32 to vector<16xi32>
      %and3A_283 = arith.andi %shift_right_logical3A, %and3A_282 : vector<16xi32>
      %mul3A_284 = arith.constant 256 : i32
      %mul3A_285 = vector.broadcast %mul3A_284 : i32 to vector<16xi32>
      %mul3A_286 = arith.muli %iota3A, %mul3A_285 : vector<16xi32>
      %add3A_287 = arith.addi %mul3A_286, %and3A_283 : vector<16xi32>
      tpu.vector_store_idx %arg5[%add3A_287], %broadcast_in_dim3A_6 masked %lt3A_275 {add = true} : memref<4096xi32, #tpu.memory_space<vmem>>[vector<16xi32>], vector<16xi32>, vector<16xi1>
    }
    %scan3A_218 = arith.constant 0 : i32
    %scan3A_219 = arith.constant 0 : i32
    %scan3A_220 = arith.constant 16 : i32
    %scan3A_221 = arith.addi %scan3A_219, %scan3A_220 : i32
    %scan3A_222 = arith.constant 1 : i32
    %scan3A_223 = scf.for %scan3A_270 = %scan3A_219 to %scan3A_221 step %scan3A_222 iter_args(%scan3A_271 = %scan3A_218) -> (i32)  : i32 {
      %mul3A_272 = arith.constant 16 : i32
      %mul3A_273 = arith.muli %scan3A_270, %mul3A_272 : i32
      %add3A_274 = arith.constant 0 : i32
      %add3A_275 = arith.addi %add3A_274, %mul3A_273 : i32
      %get3A = arith.index_cast %add3A_275 : i32 to index
      %get3A_276 = tpu.vector_load %arg5[%get3A] {strides = array<i32>} : memref<4096xi32, #tpu.memory_space<vmem>>, vector<16xi32>,
      %add3A_277 = arith.addi %broadcast_in_dim3A_8, %get3A_276 : vector<16xi32>
      %mul3A_278 = arith.constant 16 : i32
      %mul3A_279 = arith.muli %scan3A_270, %mul3A_278 : i32
      %add3A_280 = arith.constant 256 : i32
      %add3A_281 = arith.addi %add3A_280, %mul3A_279 : i32
      %get3A_282 = arith.index_cast %add3A_281 : i32 to index
      %get3A_283 = tpu.vector_load %arg5[%get3A_282] {strides = array<i32>} : memref<4096xi32, #tpu.memory_space<vmem>>, vector<16xi32>,
      %add3A_284 = arith.addi %add3A_277, %get3A_283 : vector<16xi32>
      %mul3A_285 = arith.constant 16 : i32
      %mul3A_286 = arith.muli %scan3A_270, %mul3A_285 : i32
      %add3A_287 = arith.constant 512 : i32
      %add3A_288 = arith.addi %add3A_287, %mul3A_286 : i32
      %get3A_289 = arith.index_cast %add3A_288 : i32 to index
      %get3A_290 = tpu.vector_load %arg5[%get3A_289] {strides = array<i32>} : memref<4096xi32, #tpu.memory_space<vmem>>, vector<16xi32>,
      %add3A_291 = arith.addi %add3A_284, %get3A_290 : vector<16xi32>
      %mul3A_292 = arith.constant 16 : i32
      %mul3A_293 = arith.muli %scan3A_270, %mul3A_292 : i32
      %add3A_294 = arith.constant 768 : i32
      %add3A_295 = arith.addi %add3A_294, %mul3A_293 : i32
      %get3A_296 = arith.index_cast %add3A_295 : i32 to index
      %get3A_297 = tpu.vector_load %arg5[%get3A_296] {strides = array<i32>} : memref<4096xi32, #tpu.memory_space<vmem>>, vector<16xi32>,
      %add3A_298 = arith.addi %add3A_291, %get3A_297 : vector<16xi32>
      %mul3A_299 = arith.constant 16 : i32
      %mul3A_300 = arith.muli %scan3A_270, %mul3A_299 : i32
      %add3A_301 = arith.constant 1024 : i32
      %add3A_302 = arith.addi %add3A_301, %mul3A_300 : i32
      %get3A_303 = arith.index_cast %add3A_302 : i32 to index
      %get3A_304 = tpu.vector_load %arg5[%get3A_303] {strides = array<i32>} : memref<4096xi32, #tpu.memory_space<vmem>>, vector<16xi32>,
      %add3A_305 = arith.addi %add3A_298, %get3A_304 : vector<16xi32>
      %mul3A_306 = arith.constant 16 : i32
      %mul3A_307 = arith.muli %scan3A_270, %mul3A_306 : i32
      %add3A_308 = arith.constant 1280 : i32
      %add3A_309 = arith.addi %add3A_308, %mul3A_307 : i32
      %get3A_310 = arith.index_cast %add3A_309 : i32 to index
      %get3A_311 = tpu.vector_load %arg5[%get3A_310] {strides = array<i32>} : memref<4096xi32, #tpu.memory_space<vmem>>, vector<16xi32>,
      %add3A_312 = arith.addi %add3A_305, %get3A_311 : vector<16xi32>
      %mul3A_313 = arith.constant 16 : i32
      %mul3A_314 = arith.muli %scan3A_270, %mul3A_313 : i32
      %add3A_315 = arith.constant 1536 : i32
      %add3A_316 = arith.addi %add3A_315, %mul3A_314 : i32
      %get3A_317 = arith.index_cast %add3A_316 : i32 to index
      %get3A_318 = tpu.vector_load %arg5[%get3A_317] {strides = array<i32>} : memref<4096xi32, #tpu.memory_space<vmem>>, vector<16xi32>,
      %add3A_319 = arith.addi %add3A_312, %get3A_318 : vector<16xi32>
      %mul3A_320 = arith.constant 16 : i32
      %mul3A_321 = arith.muli %scan3A_270, %mul3A_320 : i32
      %add3A_322 = arith.constant 1792 : i32
      %add3A_323 = arith.addi %add3A_322, %mul3A_321 : i32
      %get3A_324 = arith.index_cast %add3A_323 : i32 to index
      %get3A_325 = tpu.vector_load %arg5[%get3A_324] {strides = array<i32>} : memref<4096xi32, #tpu.memory_space<vmem>>, vector<16xi32>,
      %add3A_326 = arith.addi %add3A_319, %get3A_325 : vector<16xi32>
      %mul3A_327 = arith.constant 16 : i32
      %mul3A_328 = arith.muli %scan3A_270, %mul3A_327 : i32
      %add3A_329 = arith.constant 2048 : i32
      %add3A_330 = arith.addi %add3A_329, %mul3A_328 : i32
      %get3A_331 = arith.index_cast %add3A_330 : i32 to index
      %get3A_332 = tpu.vector_load %arg5[%get3A_331] {strides = array<i32>} : memref<4096xi32, #tpu.memory_space<vmem>>, vector<16xi32>,
      %add3A_333 = arith.addi %add3A_326, %get3A_332 : vector<16xi32>
      %mul3A_334 = arith.constant 16 : i32
      %mul3A_335 = arith.muli %scan3A_270, %mul3A_334 : i32
      %add3A_336 = arith.constant 2304 : i32
      %add3A_337 = arith.addi %add3A_336, %mul3A_335 : i32
      %get3A_338 = arith.index_cast %add3A_337 : i32 to index
      %get3A_339 = tpu.vector_load %arg5[%get3A_338] {strides = array<i32>} : memref<4096xi32, #tpu.memory_space<vmem>>, vector<16xi32>,
      %add3A_340 = arith.addi %add3A_333, %get3A_339 : vector<16xi32>
      %mul3A_341 = arith.constant 16 : i32
      %mul3A_342 = arith.muli %scan3A_270, %mul3A_341 : i32
      %add3A_343 = arith.constant 2560 : i32
      %add3A_344 = arith.addi %add3A_343, %mul3A_342 : i32
      %get3A_345 = arith.index_cast %add3A_344 : i32 to index
      %get3A_346 = tpu.vector_load %arg5[%get3A_345] {strides = array<i32>} : memref<4096xi32, #tpu.memory_space<vmem>>, vector<16xi32>,
      %add3A_347 = arith.addi %add3A_340, %get3A_346 : vector<16xi32>
      %mul3A_348 = arith.constant 16 : i32
      %mul3A_349 = arith.muli %scan3A_270, %mul3A_348 : i32
      %add3A_350 = arith.constant 2816 : i32
      %add3A_351 = arith.addi %add3A_350, %mul3A_349 : i32
      %get3A_352 = arith.index_cast %add3A_351 : i32 to index
      %get3A_353 = tpu.vector_load %arg5[%get3A_352] {strides = array<i32>} : memref<4096xi32, #tpu.memory_space<vmem>>, vector<16xi32>,
      %add3A_354 = arith.addi %add3A_347, %get3A_353 : vector<16xi32>
      %mul3A_355 = arith.constant 16 : i32
      %mul3A_356 = arith.muli %scan3A_270, %mul3A_355 : i32
      %add3A_357 = arith.constant 3072 : i32
      %add3A_358 = arith.addi %add3A_357, %mul3A_356 : i32
      %get3A_359 = arith.index_cast %add3A_358 : i32 to index
      %get3A_360 = tpu.vector_load %arg5[%get3A_359] {strides = array<i32>} : memref<4096xi32, #tpu.memory_space<vmem>>, vector<16xi32>,
      %add3A_361 = arith.addi %add3A_354, %get3A_360 : vector<16xi32>
      %mul3A_362 = arith.constant 16 : i32
      %mul3A_363 = arith.muli %scan3A_270, %mul3A_362 : i32
      %add3A_364 = arith.constant 3328 : i32
      %add3A_365 = arith.addi %add3A_364, %mul3A_363 : i32
      %get3A_366 = arith.index_cast %add3A_365 : i32 to index
      %get3A_367 = tpu.vector_load %arg5[%get3A_366] {strides = array<i32>} : memref<4096xi32, #tpu.memory_space<vmem>>, vector<16xi32>,
      %add3A_368 = arith.addi %add3A_361, %get3A_367 : vector<16xi32>
      %mul3A_369 = arith.constant 16 : i32
      %mul3A_370 = arith.muli %scan3A_270, %mul3A_369 : i32
      %add3A_371 = arith.constant 3584 : i32
      %add3A_372 = arith.addi %add3A_371, %mul3A_370 : i32
      %get3A_373 = arith.index_cast %add3A_372 : i32 to index
      %get3A_374 = tpu.vector_load %arg5[%get3A_373] {strides = array<i32>} : memref<4096xi32, #tpu.memory_space<vmem>>, vector<16xi32>,
      %add3A_375 = arith.addi %add3A_368, %get3A_374 : vector<16xi32>
      %mul3A_376 = arith.constant 16 : i32
      %mul3A_377 = arith.muli %scan3A_270, %mul3A_376 : i32
      %add3A_378 = arith.constant 3840 : i32
      %add3A_379 = arith.addi %add3A_378, %mul3A_377 : i32
      %get3A_380 = arith.index_cast %add3A_379 : i32 to index
      %get3A_381 = tpu.vector_load %arg5[%get3A_380] {strides = array<i32>} : memref<4096xi32, #tpu.memory_space<vmem>>, vector<16xi32>,
      %add3A_382 = arith.addi %add3A_375, %get3A_381 : vector<16xi32>
      %broadcast_in_dim3A_383 = arith.constant true
      %broadcast_in_dim3A_384 = vector.broadcast %broadcast_in_dim3A_383 : i1 to vector<16xi1>
      %masked_cumsum3A = tpu.scan <sum>, %add3A_382 masked %broadcast_in_dim3A_384 : vector<16xi32>, vector<16xi1> -> vector<16xi32>
      %add3A_385 = vector.broadcast %scan3A_271 : i32 to vector<16xi32>
      %add3A_386 = arith.addi %add3A_385, %masked_cumsum3A : vector<16xi32>
      %sub3A_387 = arith.subi %add3A_386, %add3A_382 : vector<16xi32>
      %mul3A_388 = arith.constant 16 : i32
      %mul3A_389 = arith.muli %scan3A_270, %mul3A_388 : i32
      %swap3A = arith.index_cast %mul3A_389 : i32 to index
      %swap3A_390 = tpu.vector_load %arg6[%swap3A] {strides = array<i32>} : memref<256xi32, #tpu.memory_space<vmem>>, vector<16xi32>,
      tpu.vector_store %arg6[%swap3A], %sub3A_387 {strides = array<i32>} : memref<256xi32, #tpu.memory_space<vmem>>, vector<16xi32>,
      %reduce_sum3A = arith.constant true
      %reduce_sum3A_391 = vector.broadcast %reduce_sum3A : i1 to vector<16xi1>
      %reduce_sum3A_392 = tpu.scan <sum>, %add3A_382 masked %reduce_sum3A_391 : vector<16xi32>, vector<16xi1> -> vector<16xi32>
      %reduce_sum3A_393 = vector.extract %reduce_sum3A_392[15] : i32 from vector<16xi32>
      %add3A_394 = arith.addi %scan3A_271, %reduce_sum3A_393 : i32
      scf.yield %add3A_394 : i32
    }
    %scan3A_224 = arith.constant 16 : i32
    %while3A_225 = arith.constant 0 : i32
    %while3A_226 = arith.constant 0 : i32
    %while3A_227 = arith.subi %select_n3A, %while3A_226 : i32
    %while3A_228 = arith.addi %while3A_226, %while3A_227 : i32
    %while3A_229 = arith.constant 1 : i32
    %while3A_230 = arith.divsi %while3A_227, %while3A_229 : i32
    %while3A_231 = arith.muli %while3A_230, %while3A_229 : i32
    %while3A_232 = arith.addi %while3A_226, %while3A_231 : i32
    %while3A_233 = arith.constant 1 : i32
    scf.for %while3A_270 = %while3A_226 to %while3A_232 step %while3A_233  : i32 {
      %mul3A_271 = arith.constant 16 : i32
      %mul3A_272 = arith.muli %while3A_270, %mul3A_271 : i32
      %add3A_273 = vector.broadcast %mul3A_272 : i32 to vector<16xi32>
      %add3A_274 = arith.addi %add3A_273, %iota3A : vector<16xi32>
      %lt3A = vector.broadcast %scan3A_100#2 : i32 to vector<16xi32>
      %lt3A_275 = arith.cmpi slt, %add3A_274, %lt3A : vector<16xi32>
      %mul3A_276 = arith.constant 16 : i32
      %mul3A_277 = arith.muli %while3A_270, %mul3A_276 : i32
      %get3A = arith.index_cast %mul3A_277 : i32 to index
      %get3A_278 = tpu.vector_load %arg7[%get3A] {strides = array<i32>} : memref<1024xi32, #tpu.memory_space<vmem>>, vector<16xi32>,
      %mul3A_279 = arith.constant 16 : i32
      %mul3A_280 = arith.muli %while3A_270, %mul3A_279 : i32
      %get3A_281 = arith.index_cast %mul3A_280 : i32 to index
      %get3A_282 = tpu.vector_load %arg8[%get3A_281] {strides = array<i32>} : memref<1024xi32, #tpu.memory_space<vmem>>, vector<16xi32>,
      %broadcast_in_dim3A_283 = arith.constant 16 : i32
      %broadcast_in_dim3A_284 = vector.broadcast %broadcast_in_dim3A_283 : i32 to vector<16xi32>
      %shift_right_logical3A = arith.shrui %get3A_278, %broadcast_in_dim3A_284 : vector<16xi32>
      %and3A_285 = arith.constant 255 : i32
      %and3A_286 = vector.broadcast %and3A_285 : i32 to vector<16xi32>
      %and3A_287 = arith.andi %shift_right_logical3A, %and3A_286 : vector<16xi32>
      %gather3A = tpu.vector_load_idx %arg6[%and3A_287] : memref<256xi32, #tpu.memory_space<vmem>>[vector<16xi32>], vector<16xi32>,
      %unique3A, %unique3A_288 = tpu.scan_count mask(%lt3A_275 : vector<16xi1>) value(%and3A_287 : vector<16xi32>) : vector<16xi1>, vector<16xi32>
      %add3A_289 = arith.addi %gather3A, %unique3A_288 : vector<16xi32>
      %sub3A_290 = arith.constant 1 : i32
      %sub3A_291 = vector.broadcast %sub3A_290 : i32 to vector<16xi32>
      %sub3A_292 = arith.subi %add3A_289, %sub3A_291 : vector<16xi32>
      tpu.vector_store_idx %arg9[%sub3A_292], %get3A_278 masked %lt3A_275 : memref<1024xi32, #tpu.memory_space<vmem>>[vector<16xi32>], vector<16xi32>, vector<16xi1>
      tpu.vector_store_idx %arg10[%sub3A_292], %get3A_282 masked %lt3A_275 : memref<1024xi32, #tpu.memory_space<vmem>>[vector<16xi32>], vector<16xi32>, vector<16xi1>
      %and3A_293 = arith.andi %unique3A, %lt3A_275 : vector<16xi1>
      tpu.vector_store_idx %arg6[%and3A_287], %unique3A_288 masked %and3A_293 {add = true} : memref<256xi32, #tpu.memory_space<vmem>>[vector<16xi32>], vector<16xi32>, vector<16xi1>
    }
    %while3A_234 = arith.constant 1 : i32
    scf.for %while3A_270 = %while3A_232 to %while3A_228 step %while3A_234  : i32 {
      %mul3A_271 = arith.constant 16 : i32
      %mul3A_272 = arith.muli %while3A_270, %mul3A_271 : i32
      %add3A_273 = vector.broadcast %mul3A_272 : i32 to vector<16xi32>
      %add3A_274 = arith.addi %add3A_273, %iota3A : vector<16xi32>
      %lt3A = vector.broadcast %scan3A_100#2 : i32 to vector<16xi32>
      %lt3A_275 = arith.cmpi slt, %add3A_274, %lt3A : vector<16xi32>
      %mul3A_276 = arith.constant 16 : i32
      %mul3A_277 = arith.muli %while3A_270, %mul3A_276 : i32
      %get3A = arith.index_cast %mul3A_277 : i32 to index
      %get3A_278 = tpu.vector_load %arg7[%get3A] {strides = array<i32>} : memref<1024xi32, #tpu.memory_space<vmem>>, vector<16xi32>,
      %mul3A_279 = arith.constant 16 : i32
      %mul3A_280 = arith.muli %while3A_270, %mul3A_279 : i32
      %get3A_281 = arith.index_cast %mul3A_280 : i32 to index
      %get3A_282 = tpu.vector_load %arg8[%get3A_281] {strides = array<i32>} : memref<1024xi32, #tpu.memory_space<vmem>>, vector<16xi32>,
      %broadcast_in_dim3A_283 = arith.constant 16 : i32
      %broadcast_in_dim3A_284 = vector.broadcast %broadcast_in_dim3A_283 : i32 to vector<16xi32>
      %shift_right_logical3A = arith.shrui %get3A_278, %broadcast_in_dim3A_284 : vector<16xi32>
      %and3A_285 = arith.constant 255 : i32
      %and3A_286 = vector.broadcast %and3A_285 : i32 to vector<16xi32>
      %and3A_287 = arith.andi %shift_right_logical3A, %and3A_286 : vector<16xi32>
      %gather3A = tpu.vector_load_idx %arg6[%and3A_287] : memref<256xi32, #tpu.memory_space<vmem>>[vector<16xi32>], vector<16xi32>,
      %unique3A, %unique3A_288 = tpu.scan_count mask(%lt3A_275 : vector<16xi1>) value(%and3A_287 : vector<16xi32>) : vector<16xi1>, vector<16xi32>
      %add3A_289 = arith.addi %gather3A, %unique3A_288 : vector<16xi32>
      %sub3A_290 = arith.constant 1 : i32
      %sub3A_291 = vector.broadcast %sub3A_290 : i32 to vector<16xi32>
      %sub3A_292 = arith.subi %add3A_289, %sub3A_291 : vector<16xi32>
      tpu.vector_store_idx %arg9[%sub3A_292], %get3A_278 masked %lt3A_275 : memref<1024xi32, #tpu.memory_space<vmem>>[vector<16xi32>], vector<16xi32>, vector<16xi1>
      tpu.vector_store_idx %arg10[%sub3A_292], %get3A_282 masked %lt3A_275 : memref<1024xi32, #tpu.memory_space<vmem>>[vector<16xi32>], vector<16xi32>, vector<16xi1>
      %and3A_293 = arith.andi %unique3A, %lt3A_275 : vector<16xi1>
      tpu.vector_store_idx %arg6[%and3A_287], %unique3A_288 masked %and3A_293 {add = true} : memref<256xi32, #tpu.memory_space<vmem>>[vector<16xi32>], vector<16xi32>, vector<16xi1>
    }
    %scan3A_235 = arith.constant 0 : i32
    %scan3A_236 = arith.constant 0 : i32
    %scan3A_237 = arith.constant 256 : i32
    %scan3A_238 = arith.addi %scan3A_236, %scan3A_237 : i32
    %scan3A_239 = arith.constant 1 : i32
    scf.for %scan3A_270 = %scan3A_236 to %scan3A_238 step %scan3A_239  : i32 {
      %mul3A_271 = arith.constant 16 : i32
      %mul3A_272 = arith.muli %scan3A_270, %mul3A_271 : i32
      %swap3A = arith.index_cast %mul3A_272 : i32 to index
      %swap3A_273 = tpu.vector_load %arg5[%swap3A] {strides = array<i32>} : memref<4096xi32, #tpu.memory_space<vmem>>, vector<16xi32>,
      tpu.vector_store %arg5[%swap3A], %broadcast_in_dim3A_8 {strides = array<i32>} : memref<4096xi32, #tpu.memory_space<vmem>>, vector<16xi32>,
    }
    %scan3A_240 = arith.constant 256 : i32
    %while3A_241 = arith.constant 0 : i32
    %while3A_242 = arith.constant 0 : i32
    %while3A_243 = arith.subi %select_n3A, %while3A_242 : i32
    %while3A_244 = arith.addi %while3A_242, %while3A_243 : i32
    %while3A_245 = arith.constant 1 : i32
    %while3A_246 = arith.divsi %while3A_243, %while3A_245 : i32
    %while3A_247 = arith.muli %while3A_246, %while3A_245 : i32
    %while3A_248 = arith.addi %while3A_242, %while3A_247 : i32
    %while3A_249 = arith.constant 1 : i32
    scf.for %while3A_270 = %while3A_242 to %while3A_248 step %while3A_249  : i32 {
      %mul3A_271 = arith.constant 16 : i32
      %mul3A_272 = arith.muli %while3A_270, %mul3A_271 : i32
      %add3A_273 = vector.broadcast %mul3A_272 : i32 to vector<16xi32>
      %add3A_274 = arith.addi %add3A_273, %iota3A : vector<16xi32>
      %lt3A = vector.broadcast %scan3A_100#2 : i32 to vector<16xi32>
      %lt3A_275 = arith.cmpi slt, %add3A_274, %lt3A : vector<16xi32>
      %mul3A_276 = arith.constant 16 : i32
      %mul3A_277 = arith.muli %while3A_270, %mul3A_276 : i32
      %get3A = arith.index_cast %mul3A_277 : i32 to index
      %get3A_278 = tpu.vector_load %arg9[%get3A] {strides = array<i32>} : memref<1024xi32, #tpu.memory_space<vmem>>, vector<16xi32>,
      %broadcast_in_dim3A_279 = arith.constant 24 : i32
      %broadcast_in_dim3A_280 = vector.broadcast %broadcast_in_dim3A_279 : i32 to vector<16xi32>
      %shift_right_logical3A = arith.shrui %get3A_278, %broadcast_in_dim3A_280 : vector<16xi32>
      %and3A_281 = arith.constant 255 : i32
      %and3A_282 = vector.broadcast %and3A_281 : i32 to vector<16xi32>
      %and3A_283 = arith.andi %shift_right_logical3A, %and3A_282 : vector<16xi32>
      %mul3A_284 = arith.constant 256 : i32
      %mul3A_285 = vector.broadcast %mul3A_284 : i32 to vector<16xi32>
      %mul3A_286 = arith.muli %iota3A, %mul3A_285 : vector<16xi32>
      %add3A_287 = arith.addi %mul3A_286, %and3A_283 : vector<16xi32>
      tpu.vector_store_idx %arg5[%add3A_287], %broadcast_in_dim3A_6 masked %lt3A_275 {add = true} : memref<4096xi32, #tpu.memory_space<vmem>>[vector<16xi32>], vector<16xi32>, vector<16xi1>
    }
    %while3A_250 = arith.constant 1 : i32
    scf.for %while3A_270 = %while3A_248 to %while3A_244 step %while3A_250  : i32 {
      %mul3A_271 = arith.constant 16 : i32
      %mul3A_272 = arith.muli %while3A_270, %mul3A_271 : i32
      %add3A_273 = vector.broadcast %mul3A_272 : i32 to vector<16xi32>
      %add3A_274 = arith.addi %add3A_273, %iota3A : vector<16xi32>
      %lt3A = vector.broadcast %scan3A_100#2 : i32 to vector<16xi32>
      %lt3A_275 = arith.cmpi slt, %add3A_274, %lt3A : vector<16xi32>
      %mul3A_276 = arith.constant 16 : i32
      %mul3A_277 = arith.muli %while3A_270, %mul3A_276 : i32
      %get3A = arith.index_cast %mul3A_277 : i32 to index
      %get3A_278 = tpu.vector_load %arg9[%get3A] {strides = array<i32>} : memref<1024xi32, #tpu.memory_space<vmem>>, vector<16xi32>,
      %broadcast_in_dim3A_279 = arith.constant 24 : i32
      %broadcast_in_dim3A_280 = vector.broadcast %broadcast_in_dim3A_279 : i32 to vector<16xi32>
      %shift_right_logical3A = arith.shrui %get3A_278, %broadcast_in_dim3A_280 : vector<16xi32>
      %and3A_281 = arith.constant 255 : i32
      %and3A_282 = vector.broadcast %and3A_281 : i32 to vector<16xi32>
      %and3A_283 = arith.andi %shift_right_logical3A, %and3A_282 : vector<16xi32>
      %mul3A_284 = arith.constant 256 : i32
      %mul3A_285 = vector.broadcast %mul3A_284 : i32 to vector<16xi32>
      %mul3A_286 = arith.muli %iota3A, %mul3A_285 : vector<16xi32>
      %add3A_287 = arith.addi %mul3A_286, %and3A_283 : vector<16xi32>
      tpu.vector_store_idx %arg5[%add3A_287], %broadcast_in_dim3A_6 masked %lt3A_275 {add = true} : memref<4096xi32, #tpu.memory_space<vmem>>[vector<16xi32>], vector<16xi32>, vector<16xi1>
    }
    %scan3A_251 = arith.constant 0 : i32
    %scan3A_252 = arith.constant 0 : i32
    %scan3A_253 = arith.constant 16 : i32
    %scan3A_254 = arith.addi %scan3A_252, %scan3A_253 : i32
    %scan3A_255 = arith.constant 1 : i32
    %scan3A_256 = scf.for %scan3A_270 = %scan3A_252 to %scan3A_254 step %scan3A_255 iter_args(%scan3A_271 = %scan3A_251) -> (i32)  : i32 {
      %mul3A_272 = arith.constant 16 : i32
      %mul3A_273 = arith.muli %scan3A_270, %mul3A_272 : i32
      %add3A_274 = arith.constant 0 : i32
      %add3A_275 = arith.addi %add3A_274, %mul3A_273 : i32
      %get3A = arith.index_cast %add3A_275 : i32 to index
      %get3A_276 = tpu.vector_load %arg5[%get3A] {strides = array<i32>} : memref<4096xi32, #tpu.memory_space<vmem>>, vector<16xi32>,
      %add3A_277 = arith.addi %broadcast_in_dim3A_8, %get3A_276 : vector<16xi32>
      %mul3A_278 = arith.constant 16 : i32
      %mul3A_279 = arith.muli %scan3A_270, %mul3A_278 : i32
      %add3A_280 = arith.constant 256 : i32
      %add3A_281 = arith.addi %add3A_280, %mul3A_279 : i32
      %get3A_282 = arith.index_cast %add3A_281 : i32 to index
      %get3A_283 = tpu.vector_load %arg5[%get3A_282] {strides = array<i32>} : memref<4096xi32, #tpu.memory_space<vmem>>, vector<16xi32>,
      %add3A_284 = arith.addi %add3A_277, %get3A_283 : vector<16xi32>
      %mul3A_285 = arith.constant 16 : i32
      %mul3A_286 = arith.muli %scan3A_270, %mul3A_285 : i32
      %add3A_287 = arith.constant 512 : i32
      %add3A_288 = arith.addi %add3A_287, %mul3A_286 : i32
      %get3A_289 = arith.index_cast %add3A_288 : i32 to index
      %get3A_290 = tpu.vector_load %arg5[%get3A_289] {strides = array<i32>} : memref<4096xi32, #tpu.memory_space<vmem>>, vector<16xi32>,
      %add3A_291 = arith.addi %add3A_284, %get3A_290 : vector<16xi32>
      %mul3A_292 = arith.constant 16 : i32
      %mul3A_293 = arith.muli %scan3A_270, %mul3A_292 : i32
      %add3A_294 = arith.constant 768 : i32
      %add3A_295 = arith.addi %add3A_294, %mul3A_293 : i32
      %get3A_296 = arith.index_cast %add3A_295 : i32 to index
      %get3A_297 = tpu.vector_load %arg5[%get3A_296] {strides = array<i32>} : memref<4096xi32, #tpu.memory_space<vmem>>, vector<16xi32>,
      %add3A_298 = arith.addi %add3A_291, %get3A_297 : vector<16xi32>
      %mul3A_299 = arith.constant 16 : i32
      %mul3A_300 = arith.muli %scan3A_270, %mul3A_299 : i32
      %add3A_301 = arith.constant 1024 : i32
      %add3A_302 = arith.addi %add3A_301, %mul3A_300 : i32
      %get3A_303 = arith.index_cast %add3A_302 : i32 to index
      %get3A_304 = tpu.vector_load %arg5[%get3A_303] {strides = array<i32>} : memref<4096xi32, #tpu.memory_space<vmem>>, vector<16xi32>,
      %add3A_305 = arith.addi %add3A_298, %get3A_304 : vector<16xi32>
      %mul3A_306 = arith.constant 16 : i32
      %mul3A_307 = arith.muli %scan3A_270, %mul3A_306 : i32
      %add3A_308 = arith.constant 1280 : i32
      %add3A_309 = arith.addi %add3A_308, %mul3A_307 : i32
      %get3A_310 = arith.index_cast %add3A_309 : i32 to index
      %get3A_311 = tpu.vector_load %arg5[%get3A_310] {strides = array<i32>} : memref<4096xi32, #tpu.memory_space<vmem>>, vector<16xi32>,
      %add3A_312 = arith.addi %add3A_305, %get3A_311 : vector<16xi32>
      %mul3A_313 = arith.constant 16 : i32
      %mul3A_314 = arith.muli %scan3A_270, %mul3A_313 : i32
      %add3A_315 = arith.constant 1536 : i32
      %add3A_316 = arith.addi %add3A_315, %mul3A_314 : i32
      %get3A_317 = arith.index_cast %add3A_316 : i32 to index
      %get3A_318 = tpu.vector_load %arg5[%get3A_317] {strides = array<i32>} : memref<4096xi32, #tpu.memory_space<vmem>>, vector<16xi32>,
      %add3A_319 = arith.addi %add3A_312, %get3A_318 : vector<16xi32>
      %mul3A_320 = arith.constant 16 : i32
      %mul3A_321 = arith.muli %scan3A_270, %mul3A_320 : i32
      %add3A_322 = arith.constant 1792 : i32
      %add3A_323 = arith.addi %add3A_322, %mul3A_321 : i32
      %get3A_324 = arith.index_cast %add3A_323 : i32 to index
      %get3A_325 = tpu.vector_load %arg5[%get3A_324] {strides = array<i32>} : memref<4096xi32, #tpu.memory_space<vmem>>, vector<16xi32>,
      %add3A_326 = arith.addi %add3A_319, %get3A_325 : vector<16xi32>
      %mul3A_327 = arith.constant 16 : i32
      %mul3A_328 = arith.muli %scan3A_270, %mul3A_327 : i32
      %add3A_329 = arith.constant 2048 : i32
      %add3A_330 = arith.addi %add3A_329, %mul3A_328 : i32
      %get3A_331 = arith.index_cast %add3A_330 : i32 to index
      %get3A_332 = tpu.vector_load %arg5[%get3A_331] {strides = array<i32>} : memref<4096xi32, #tpu.memory_space<vmem>>, vector<16xi32>,
      %add3A_333 = arith.addi %add3A_326, %get3A_332 : vector<16xi32>
      %mul3A_334 = arith.constant 16 : i32
      %mul3A_335 = arith.muli %scan3A_270, %mul3A_334 : i32
      %add3A_336 = arith.constant 2304 : i32
      %add3A_337 = arith.addi %add3A_336, %mul3A_335 : i32
      %get3A_338 = arith.index_cast %add3A_337 : i32 to index
      %get3A_339 = tpu.vector_load %arg5[%get3A_338] {strides = array<i32>} : memref<4096xi32, #tpu.memory_space<vmem>>, vector<16xi32>,
      %add3A_340 = arith.addi %add3A_333, %get3A_339 : vector<16xi32>
      %mul3A_341 = arith.constant 16 : i32
      %mul3A_342 = arith.muli %scan3A_270, %mul3A_341 : i32
      %add3A_343 = arith.constant 2560 : i32
      %add3A_344 = arith.addi %add3A_343, %mul3A_342 : i32
      %get3A_345 = arith.index_cast %add3A_344 : i32 to index
      %get3A_346 = tpu.vector_load %arg5[%get3A_345] {strides = array<i32>} : memref<4096xi32, #tpu.memory_space<vmem>>, vector<16xi32>,
      %add3A_347 = arith.addi %add3A_340, %get3A_346 : vector<16xi32>
      %mul3A_348 = arith.constant 16 : i32
      %mul3A_349 = arith.muli %scan3A_270, %mul3A_348 : i32
      %add3A_350 = arith.constant 2816 : i32
      %add3A_351 = arith.addi %add3A_350, %mul3A_349 : i32
      %get3A_352 = arith.index_cast %add3A_351 : i32 to index
      %get3A_353 = tpu.vector_load %arg5[%get3A_352] {strides = array<i32>} : memref<4096xi32, #tpu.memory_space<vmem>>, vector<16xi32>,
      %add3A_354 = arith.addi %add3A_347, %get3A_353 : vector<16xi32>
      %mul3A_355 = arith.constant 16 : i32
      %mul3A_356 = arith.muli %scan3A_270, %mul3A_355 : i32
      %add3A_357 = arith.constant 3072 : i32
      %add3A_358 = arith.addi %add3A_357, %mul3A_356 : i32
      %get3A_359 = arith.index_cast %add3A_358 : i32 to index
      %get3A_360 = tpu.vector_load %arg5[%get3A_359] {strides = array<i32>} : memref<4096xi32, #tpu.memory_space<vmem>>, vector<16xi32>,
      %add3A_361 = arith.addi %add3A_354, %get3A_360 : vector<16xi32>
      %mul3A_362 = arith.constant 16 : i32
      %mul3A_363 = arith.muli %scan3A_270, %mul3A_362 : i32
      %add3A_364 = arith.constant 3328 : i32
      %add3A_365 = arith.addi %add3A_364, %mul3A_363 : i32
      %get3A_366 = arith.index_cast %add3A_365 : i32 to index
      %get3A_367 = tpu.vector_load %arg5[%get3A_366] {strides = array<i32>} : memref<4096xi32, #tpu.memory_space<vmem>>, vector<16xi32>,
      %add3A_368 = arith.addi %add3A_361, %get3A_367 : vector<16xi32>
      %mul3A_369 = arith.constant 16 : i32
      %mul3A_370 = arith.muli %scan3A_270, %mul3A_369 : i32
      %add3A_371 = arith.constant 3584 : i32
      %add3A_372 = arith.addi %add3A_371, %mul3A_370 : i32
      %get3A_373 = arith.index_cast %add3A_372 : i32 to index
      %get3A_374 = tpu.vector_load %arg5[%get3A_373] {strides = array<i32>} : memref<4096xi32, #tpu.memory_space<vmem>>, vector<16xi32>,
      %add3A_375 = arith.addi %add3A_368, %get3A_374 : vector<16xi32>
      %mul3A_376 = arith.constant 16 : i32
      %mul3A_377 = arith.muli %scan3A_270, %mul3A_376 : i32
      %add3A_378 = arith.constant 3840 : i32
      %add3A_379 = arith.addi %add3A_378, %mul3A_377 : i32
      %get3A_380 = arith.index_cast %add3A_379 : i32 to index
      %get3A_381 = tpu.vector_load %arg5[%get3A_380] {strides = array<i32>} : memref<4096xi32, #tpu.memory_space<vmem>>, vector<16xi32>,
      %add3A_382 = arith.addi %add3A_375, %get3A_381 : vector<16xi32>
      %broadcast_in_dim3A_383 = arith.constant true
      %broadcast_in_dim3A_384 = vector.broadcast %broadcast_in_dim3A_383 : i1 to vector<16xi1>
      %masked_cumsum3A = tpu.scan <sum>, %add3A_382 masked %broadcast_in_dim3A_384 : vector<16xi32>, vector<16xi1> -> vector<16xi32>
      %add3A_385 = vector.broadcast %scan3A_271 : i32 to vector<16xi32>
      %add3A_386 = arith.addi %add3A_385, %masked_cumsum3A : vector<16xi32>
      %sub3A_387 = arith.subi %add3A_386, %add3A_382 : vector<16xi32>
      %mul3A_388 = arith.constant 16 : i32
      %mul3A_389 = arith.muli %scan3A_270, %mul3A_388 : i32
      %swap3A = arith.index_cast %mul3A_389 : i32 to index
      %swap3A_390 = tpu.vector_load %arg6[%swap3A] {strides = array<i32>} : memref<256xi32, #tpu.memory_space<vmem>>, vector<16xi32>,
      tpu.vector_store %arg6[%swap3A], %sub3A_387 {strides = array<i32>} : memref<256xi32, #tpu.memory_space<vmem>>, vector<16xi32>,
      %reduce_sum3A = arith.constant true
      %reduce_sum3A_391 = vector.broadcast %reduce_sum3A : i1 to vector<16xi1>
      %reduce_sum3A_392 = tpu.scan <sum>, %add3A_382 masked %reduce_sum3A_391 : vector<16xi32>, vector<16xi1> -> vector<16xi32>
      %reduce_sum3A_393 = vector.extract %reduce_sum3A_392[15] : i32 from vector<16xi32>
      %add3A_394 = arith.addi %scan3A_271, %reduce_sum3A_393 : i32
      scf.yield %add3A_394 : i32
    }
    %scan3A_257 = arith.constant 16 : i32
    %while3A_258 = arith.constant 0 : i32
    %while3A_259 = arith.constant 0 : i32
    %while3A_260 = arith.subi %select_n3A, %while3A_259 : i32
    %while3A_261 = arith.addi %while3A_259, %while3A_260 : i32
    %while3A_262 = arith.constant 1 : i32
    %while3A_263 = arith.divsi %while3A_260, %while3A_262 : i32
    %while3A_264 = arith.muli %while3A_263, %while3A_262 : i32
    %while3A_265 = arith.addi %while3A_259, %while3A_264 : i32
    %while3A_266 = arith.constant 1 : i32
    scf.for %while3A_270 = %while3A_259 to %while3A_265 step %while3A_266  : i32 {
      %mul3A_271 = arith.constant 16 : i32
      %mul3A_272 = arith.muli %while3A_270, %mul3A_271 : i32
      %add3A_273 = vector.broadcast %mul3A_272 : i32 to vector<16xi32>
      %add3A_274 = arith.addi %add3A_273, %iota3A : vector<16xi32>
      %lt3A = vector.broadcast %scan3A_100#2 : i32 to vector<16xi32>
      %lt3A_275 = arith.cmpi slt, %add3A_274, %lt3A : vector<16xi32>
      %mul3A_276 = arith.constant 16 : i32
      %mul3A_277 = arith.muli %while3A_270, %mul3A_276 : i32
      %get3A = arith.index_cast %mul3A_277 : i32 to index
      %get3A_278 = tpu.vector_load %arg9[%get3A] {strides = array<i32>} : memref<1024xi32, #tpu.memory_space<vmem>>, vector<16xi32>,
      %mul3A_279 = arith.constant 16 : i32
      %mul3A_280 = arith.muli %while3A_270, %mul3A_279 : i32
      %get3A_281 = arith.index_cast %mul3A_280 : i32 to index
      %get3A_282 = tpu.vector_load %arg10[%get3A_281] {strides = array<i32>} : memref<1024xi32, #tpu.memory_space<vmem>>, vector<16xi32>,
      %broadcast_in_dim3A_283 = arith.constant 24 : i32
      %broadcast_in_dim3A_284 = vector.broadcast %broadcast_in_dim3A_283 : i32 to vector<16xi32>
      %shift_right_logical3A = arith.shrui %get3A_278, %broadcast_in_dim3A_284 : vector<16xi32>
      %and3A_285 = arith.constant 255 : i32
      %and3A_286 = vector.broadcast %and3A_285 : i32 to vector<16xi32>
      %and3A_287 = arith.andi %shift_right_logical3A, %and3A_286 : vector<16xi32>
      %gather3A = tpu.vector_load_idx %arg6[%and3A_287] : memref<256xi32, #tpu.memory_space<vmem>>[vector<16xi32>], vector<16xi32>,
      %unique3A, %unique3A_288 = tpu.scan_count mask(%lt3A_275 : vector<16xi1>) value(%and3A_287 : vector<16xi32>) : vector<16xi1>, vector<16xi32>
      %add3A_289 = arith.addi %gather3A, %unique3A_288 : vector<16xi32>
      %sub3A_290 = arith.constant 1 : i32
      %sub3A_291 = vector.broadcast %sub3A_290 : i32 to vector<16xi32>
      %sub3A_292 = arith.subi %add3A_289, %sub3A_291 : vector<16xi32>
      %shift_right_arithmetic3A = arith.constant 7 : i32
      %shift_right_arithmetic3A_293 = vector.broadcast %shift_right_arithmetic3A : i32 to vector<16xi32>
      %shift_right_arithmetic3A_294 = arith.shrsi %sub3A_292, %shift_right_arithmetic3A_293 : vector<16xi32>
      %and3A_295 = arith.constant 127 : i32
      %and3A_296 = vector.broadcast %and3A_295 : i32 to vector<16xi32>
      %and3A_297 = arith.andi %sub3A_292, %and3A_296 : vector<16xi32>
      tpu.vector_store_idx %arg11[%shift_right_arithmetic3A_294, %and3A_297], %get3A_282 masked %lt3A_275 : memref<8x128xi32, #tpu.memory_space<vmem>>[vector<16xi32>, vector<16xi32>], vector<16xi32>, vector<16xi1>
      %and3A_298 = arith.andi %unique3A, %lt3A_275 : vector<16xi1>
      tpu.vector_store_idx %arg6[%and3A_287], %unique3A_288 masked %and3A_298 {add = true} : memref<256xi32, #tpu.memory_space<vmem>>[vector<16xi32>], vector<16xi32>, vector<16xi1>
    }
    %while3A_267 = arith.constant 1 : i32
    scf.for %while3A_270 = %while3A_265 to %while3A_261 step %while3A_267  : i32 {
      %mul3A_271 = arith.constant 16 : i32
      %mul3A_272 = arith.muli %while3A_270, %mul3A_271 : i32
      %add3A_273 = vector.broadcast %mul3A_272 : i32 to vector<16xi32>
      %add3A_274 = arith.addi %add3A_273, %iota3A : vector<16xi32>
      %lt3A = vector.broadcast %scan3A_100#2 : i32 to vector<16xi32>
      %lt3A_275 = arith.cmpi slt, %add3A_274, %lt3A : vector<16xi32>
      %mul3A_276 = arith.constant 16 : i32
      %mul3A_277 = arith.muli %while3A_270, %mul3A_276 : i32
      %get3A = arith.index_cast %mul3A_277 : i32 to index
      %get3A_278 = tpu.vector_load %arg9[%get3A] {strides = array<i32>} : memref<1024xi32, #tpu.memory_space<vmem>>, vector<16xi32>,
      %mul3A_279 = arith.constant 16 : i32
      %mul3A_280 = arith.muli %while3A_270, %mul3A_279 : i32
      %get3A_281 = arith.index_cast %mul3A_280 : i32 to index
      %get3A_282 = tpu.vector_load %arg10[%get3A_281] {strides = array<i32>} : memref<1024xi32, #tpu.memory_space<vmem>>, vector<16xi32>,
      %broadcast_in_dim3A_283 = arith.constant 24 : i32
      %broadcast_in_dim3A_284 = vector.broadcast %broadcast_in_dim3A_283 : i32 to vector<16xi32>
      %shift_right_logical3A = arith.shrui %get3A_278, %broadcast_in_dim3A_284 : vector<16xi32>
      %and3A_285 = arith.constant 255 : i32
      %and3A_286 = vector.broadcast %and3A_285 : i32 to vector<16xi32>
      %and3A_287 = arith.andi %shift_right_logical3A, %and3A_286 : vector<16xi32>
      %gather3A = tpu.vector_load_idx %arg6[%and3A_287] : memref<256xi32, #tpu.memory_space<vmem>>[vector<16xi32>], vector<16xi32>,
      %unique3A, %unique3A_288 = tpu.scan_count mask(%lt3A_275 : vector<16xi1>) value(%and3A_287 : vector<16xi32>) : vector<16xi1>, vector<16xi32>
      %add3A_289 = arith.addi %gather3A, %unique3A_288 : vector<16xi32>
      %sub3A_290 = arith.constant 1 : i32
      %sub3A_291 = vector.broadcast %sub3A_290 : i32 to vector<16xi32>
      %sub3A_292 = arith.subi %add3A_289, %sub3A_291 : vector<16xi32>
      %shift_right_arithmetic3A = arith.constant 7 : i32
      %shift_right_arithmetic3A_293 = vector.broadcast %shift_right_arithmetic3A : i32 to vector<16xi32>
      %shift_right_arithmetic3A_294 = arith.shrsi %sub3A_292, %shift_right_arithmetic3A_293 : vector<16xi32>
      %and3A_295 = arith.constant 127 : i32
      %and3A_296 = vector.broadcast %and3A_295 : i32 to vector<16xi32>
      %and3A_297 = arith.andi %sub3A_292, %and3A_296 : vector<16xi32>
      tpu.vector_store_idx %arg11[%shift_right_arithmetic3A_294, %and3A_297], %get3A_282 masked %lt3A_275 : memref<8x128xi32, #tpu.memory_space<vmem>>[vector<16xi32>, vector<16xi32>], vector<16xi32>, vector<16xi1>
      %and3A_298 = arith.andi %unique3A, %lt3A_275 : vector<16xi1>
      tpu.vector_store_idx %arg6[%and3A_287], %unique3A_288 masked %and3A_298 {add = true} : memref<256xi32, #tpu.memory_space<vmem>>[vector<16xi32>], vector<16xi32>, vector<16xi1>
    }
    %mul3A_268 = arith.constant 8 : i32
    %mul3A_269 = arith.muli %add3A, %mul3A_268 : i32
    "tpu.region"() ({
      %run_scoped3A = tpu.sem_alloc : memref<!tpu.dma_semaphore, #tpu.memory_space<semaphore_mem>>
      %dma_start3A = arith.constant 0 : i32
      %dma_start3A_270 = tpu.memref_slice %arg3[%mul3A_269, %dma_start3A] : memref<256x128xi32, #tpu.memory_space<hbm>> -> memref<8x128xi32, #tpu.memory_space<hbm>>
      %dma_start3A_271 = arith.constant 0 : i32
      %dma_start3A_272 = tpu.memref_slice %arg3[%mul3A_269, %dma_start3A_271] : memref<256x128xi32, #tpu.memory_space<hbm>> -> memref<8x128xi32, #tpu.memory_space<hbm>>
      tpu.enqueue_dma source(%arg11 : memref<8x128xi32, #tpu.memory_space<vmem>>) target(%dma_start3A_272 : memref<8x128xi32, #tpu.memory_space<hbm>>) target_semaphore(%run_scoped3A : memref<!tpu.dma_semaphore, #tpu.memory_space<semaphore_mem>>)
      %dma_wait3A = arith.constant 0 : i32
      %dma_wait3A_273 = tpu.memref_slice %arg3[%mul3A_269, %dma_wait3A] : memref<256x128xi32, #tpu.memory_space<hbm>> -> memref<8x128xi32, #tpu.memory_space<hbm>>
      %dma_wait3A_274 = arith.constant 0 : i32
      %dma_wait3A_275 = tpu.memref_slice %arg3[%mul3A_269, %dma_wait3A_274] : memref<256x128xi32, #tpu.memory_space<hbm>> -> memref<8x128xi32, #tpu.memory_space<hbm>>
      tpu.wait_dma2 semaphore(%run_scoped3A : memref<!tpu.dma_semaphore, #tpu.memory_space<semaphore_mem>>) src(%arg11 : memref<8x128xi32, #tpu.memory_space<vmem>>) dst(%dma_wait3A_275 : memref<8x128xi32, #tpu.memory_space<hbm>>)
      tpu.yield
    }) : () -> ()
    return
  }
}

module attributes {stable_mosaic.version = 14 : i64} {
  func.func @_max_body(%arg0: i32, %arg1: memref<32x64x1024xf32, #tpu.memory_space<vmem>>, %arg2: memref<32x1024xf32, #tpu.memory_space<vmem>>) attributes {dimension_semantics = [#tpu.dimension_semantics<arbitrary>], iteration_bounds = array<i64: 32>, scalar_prefetch = 0 : i64, scratch_operands = 0 : i64, tpu.core_type = #tpu.core_type<tc>, window_params = [{transform_indices = @transform_0, window_bounds = array<i64: 32, 64, 1024>}, {transform_indices = @transform_1, window_bounds = array<i64: 32, 1024>}]} {
    %get3A = arith.constant 0 : index
    %get3A_0 = arith.constant 0 : index
    %get3A_1 = arith.constant 0 : index
    %get3A_2 = vector.load %arg1[%get3A, %get3A_0, %get3A_1] : memref<32x64x1024xf32, #tpu.memory_space<vmem>>, vector<32x64x1024xf32>
    %reduce_max3A = arith.constant dense<0xFF800000> : vector<32x1024xf32>
    %reduce_max3A_3 = vector.multi_reduction <maximumf>, %get3A_2, %reduce_max3A [1] : vector<32x64x1024xf32> to vector<32x1024xf32>
    %eq3A = arith.constant 0.000000e+00 : f32
    %eq3A_4 = vector.broadcast %eq3A : f32 to vector<32x1024xf32>
    %eq3A_5 = arith.cmpf oeq, %reduce_max3A_3, %eq3A_4 : vector<32x1024xf32>
    %jit3A = arith.constant 0.000000e+00 : f32
    %broadcast_in_dim3A = vector.broadcast %jit3A : f32 to vector<32x1024xf32>
    %select_n3A = arith.select %eq3A_5, %broadcast_in_dim3A, %reduce_max3A_3 : vector<32x1024xi1>, vector<32x1024xf32>
    %swap3A = arith.constant 0 : index
    %swap3A_6 = arith.constant 0 : index
    %swap3A_7 = vector.load %arg2[%swap3A, %swap3A_6] : memref<32x1024xf32, #tpu.memory_space<vmem>>, vector<32x1024xf32>
    tpu.vector_store %arg2[%swap3A, %swap3A_6], %select_n3A {strides = array<i32>} : memref<32x1024xf32, #tpu.memory_space<vmem>>, vector<32x1024xf32>,
    return
  }
  func.func @transform_0(%arg0: i32) -> (i32, i32, i32) {
    %c0_i32 = arith.constant 0 : i32
    %c0_i32_0 = arith.constant 0 : i32
    %c0_i32_1 = arith.constant 0 : i32
    return %c0_i32, %c0_i32_0, %arg0 : i32, i32, i32
  }
  func.func @transform_1(%arg0: i32) -> (i32, i32) {
    %c0_i32 = arith.constant 0 : i32
    %c0_i32_0 = arith.constant 0 : i32
    return %c0_i32, %arg0 : i32, i32
  }
}

</mosaic_0001>

<sc_bundles>
// kernel: kernel.5.cloned.1.call-start
scs
__scs_entry_jumppad:
0x0: {  	(pc) =	sbr.rel $0x88, $3  }
0x1: {  	(tag) =	ssettag $0x0;
	lr =	simm.s32 $0x1  }
0x2: {  	[smem:$0x3FA0] =	sst lr;
	_ =	strace $0xD0000000  }
0x3: {  	_ = 	snop  }
0x4: {  	_ = 	snop  }
0x5: {  	_ = 	snop  }
0x6: {  	_ = 	snop  }
0x7: {  	_ = 	snop  }
__scs_overlays_trampoline_lowered:
0x8: {  	[smem:$0x3FAF] =	sst s0  }
0x9: {  	[smem:$0x3FB0] =	sst s1  }
0xa: {  	[smem:$0x3FB1] =	sst s2  }
0xb: {  	[smem:$0x3FB2] =	sst s3  }
0xc: {  	[smem:$0x3FB3] =	sst s4  }
0xd: {  	[smem:$0x3FB4] =	sst s5  }
0xe: {  	[smem:$0x3FB5] =	sst s6  }
0xf: {  	[smem:$0x3FB6] =	sst s7  }
0x10: {  	[smem:$0x3FB7] =	sst s8  }
0x11: {  	[smem:$0x3FB8] =	sst s9;
	s0 =	simm.s32 @!p0 $0x0  }
0x12: {  	s1 =	sld [smem:$0x3F9E];
	s0 =	simm.s32 @p0 $0x1  }
0x13: {  	[smem:$0x3FB9] =	sst s0;
	s0 =	simm.s32 @!p1 $0x0  }
0x14: {  	s2 =	sld [smem:$0x3F9D];
	s0 =	simm.s32 @p1 $0x1  }
0x15: {  	[smem:$0x3FBA] =	sst s0;
	s0 =	simm.s32 @!p2 $0x0  }
0x16: {  	s3 =	sld [smem:$0x3FDB];
	s0 =	simm.s32 @p2 $0x1  }
0x17: {  	s4 =	simm.s32 $0x1BF5;
	[smem:$0x3FBC] =	sst s0  }
0x18: {  	s0 =	sld [smem:$0x3F9F];
	_ =	swait.ge [sflag:s4], $0x0  }
0x19: {  	s7 =	sld [smem:$0x3FA0]  }
0x1a: {  	s8 =	sadd.s32 $0xFFFFE003, lr  }
0x1b: {  	s9 =	sadd.s32 $0xFFFFFEF7, lr;
	s5 =	simm.s32 $0xFFFFFFFF;
	p2 =	slt.u32 s8, $0xFFFFF086  }
0x1c: {  	p1 =	slt.u32 s9, $0xF7A;
	s5 =	simm.s32 @!p2 $0x0  }
0x1d: {  	s5 =	simm.s32 @p1 $0x1;
	p0 =	seq.s32 s7, s2  }
0x1e: {  	s7 =	smul.u32 @!p0 $0xF7A, s2;
	p2 =	seq.s32 @!p0 s5, $0x0  }
0x1f: {  	s9 =	smul.u32 $0xF7A, s1;
	s8 =	simm.s32 @!p0 $0x1BF5;
	p2 =	por !p2, p0  }
0x20: {  	[sflag:s8] =	ssyncset.s32 @!p0 $0xFFFFF086;
	s6 =	sadd.s32 @!p0 s3, s7;
	s7 =	simm.s32 @!p0 $0x108  }
0x21: {  	s3 =	sadd.s32 s3, s9;
	s6 =	sadd.s32 @!p0 $0x88, s6;
	s7 =	simm.s32 @p2 $0x1082  }
0x22: {  	[simem:s7], [sflag:s8] =	dma.local @!p0 [hbm:s6], $0xF7A  }
0x23: {  	s9 =	sor.u32 $0xD0000000, s2;
	s6 =	simm.s32 $0x108;
	_ =	swait.ge @!p0 [sflag:s8], $0x0  }
0x24: {  	s3 =	sadd.s32 $0x88, s3;
	s6 =	simm.s32 @!p1 $0x1082;
	[sflag:s4] =	ssyncset.s32 $0xFFFFF086  }
0x25: {  	[simem:s6], [sflag:s4] =	dma.local [hbm:s3], $0xF7A  }
0x26: {  	[smem:$0x3FA0] =	sst s1;
	(tag) =	ssettag s2;
	_ =	strace s9  }
0x27: {  	s1 =	sld [smem:$0x3FB0]  }
0x28: {  	s2 =	sld [smem:$0x3FB1]  }
0x29: {  	s4 =	sld [smem:$0x3FB3]  }
0x2a: {  	p0 =	seq.s32 s5, $0x0;
	s5 =	sld [smem:$0x3FB4]  }
0x2b: {  	s6 =	sld [smem:$0x3FB5]  }
0x2c: {  	s7 =	sld [smem:$0x3FB6]  }
0x2d: {  	s3 =	simm.s32 $0x108;
	s8 =	sld [smem:$0x3FB7]  }
0x2e: {  	s3 =	simm.s32 @!p0 $0x1082;
	s9 =	sld [smem:$0x3FB8]  }
0x2f: {  	lr =	sadd.s32 s0, s3;
	s0 =	sld [smem:$0x3FAF]  }
0x30: {  	s3 =	sld [smem:$0x3FB2]  }
0x31: {  	[smem:$0x3FBB] =	sst s10  }
0x32: {  	s10 =	sld [smem:$0x3FB9];
	_ =	sdelay $0x3  }
0x33: {  	p0 =	seq.s32 s10, $0x1;
	s10 =	sld [smem:$0x3FBB];
	_ =	sdelay $0x3  }
0x34: {  	[smem:$0x3FBB] =	sst s10  }
0x35: {  	s10 =	sld [smem:$0x3FBA];
	_ =	sdelay $0x3  }
0x36: {  	p1 =	seq.s32 s10, $0x1;
	s10 =	sld [smem:$0x3FBB];
	_ =	sdelay $0x3  }
0x37: {  	[smem:$0x3FBB] =	sst s10  }
0x38: {  	s10 =	sld [smem:$0x3FBC]  }
0x39: {  	_ = 	snop;
	(pc) =	sbr.ind lr, $3  }
0x3a: {  	_ = 	snop  }
0x3b: {  	_ = 	snop  }
0x3c: {  	p2 =	seq.s32 s10, $0x1;
	s10 =	sld [smem:$0x3FBB]  }
0x3d: {  	_ =	shalt  }
0x3e: {  	_ =	shalt  }
0x3f: {  	_ =	shalt  }
0x40: {  	_ =	shalt  }
0x41: {  	_ =	shalt  }
0x42: {  	_ =	shalt  }
0x43: {  	_ =	shalt  }
0x44: {  	_ =	shalt  }
0x45: {  	_ =	shalt  }
0x46: {  	_ =	shalt  }
0x47: {  	_ =	shalt  }
0x48: {  	_ =	shalt  }
0x49: {  	_ =	shalt  }
0x4a: {  	_ =	shalt  }
0x4b: {  	_ =	shalt  }
0x4c: {  	_ =	shalt  }
0x4d: {  	_ =	shalt  }
0x4e: {  	_ =	shalt  }
0x4f: {  	_ =	shalt  }
0x50: {  	_ =	shalt  }
0x51: {  	_ =	shalt  }
0x52: {  	_ =	shalt  }
0x53: {  	_ =	shalt  }
0x54: {  	_ =	shalt  }
0x55: {  	_ =	shalt  }
0x56: {  	_ =	shalt  }
0x57: {  	_ =	shalt  }
0x58: {  	_ =	shalt  }
0x59: {  	_ =	shalt  }
0x5a: {  	_ =	shalt  }
0x5b: {  	_ =	shalt  }
0x5c: {  	_ =	shalt  }
0x5d: {  	_ =	shalt  }
0x5e: {  	_ =	shalt  }
0x5f: {  	_ =	shalt  }
0x60: {  	_ =	shalt  }
0x61: {  	_ =	shalt  }
0x62: {  	_ =	shalt  }
0x63: {  	_ =	shalt  }
0x64: {  	_ =	shalt  }
0x65: {  	_ =	shalt  }
0x66: {  	_ =	shalt  }
0x67: {  	_ =	shalt  }
0x68: {  	_ =	shalt  }
0x69: {  	_ =	shalt  }
0x6a: {  	_ =	shalt  }
0x6b: {  	_ =	shalt  }
0x6c: {  	_ =	shalt  }
0x6d: {  	_ =	shalt  }
0x6e: {  	_ =	shalt  }
0x6f: {  	_ =	shalt  }
0x70: {  	_ =	shalt  }
0x71: {  	_ =	shalt  }
0x72: {  	_ =	shalt  }
0x73: {  	_ =	shalt  }
0x74: {  	_ =	shalt  }
0x75: {  	_ =	shalt  }
0x76: {  	_ =	shalt  }
0x77: {  	_ =	shalt  }
0x78: {  	_ =	shalt  }
0x79: {  	_ =	shalt  }
0x7a: {  	_ =	shalt  }
0x7b: {  	_ =	shalt  }
0x7c: {  	_ =	shalt  }
0x7d: {  	_ =	shalt  }
0x7e: {  	_ =	shalt  }
0x7f: {  	_ =	shalt  }
0x80: {  	_ =	shalt  }
0x81: {  	_ =	shalt  }
0x82: {  	_ =	shalt  }
0x83: {  	_ =	shalt  }
0x84: {  	_ =	shalt  }
0x85: {  	_ =	shalt  }
0x86: {  	_ =	shalt  }
0x87: {  	_ =	shalt  }
.Lfunc_end0:
.L_simem_size_0:
called_computation_lowered:
.L_overlay_start_0:
0x88: {  	s2 =	sld [smem:$0x3FD9]  }
0x89: {  	s3 =	sld [smem:$0x3FFE];
	_ =	sdelay $0x1  }
0x8a: {  	s1 =	srdreg.scid  }
0x8b: {  	s0 =	sand.u32 $0x1, s1  }
0x8c: {  	s17 =	sshll.u32 s0, $0xA;
	s2 =	sadd.s32 s3, s2  }
0x8d: {  	s2 =	sadd.s32 s2, s17  }
0x8e: {  	[smem:$0x3FC7] =	sst s2  }
0x8f: {  	_ = 	snop  }
0x90: {  	s2 =	sld [smem:$0x3FD0];
	(tm) =	ssettm $0x1  }
0x91: {  	s18 =	sld [smem:$0x3FFB];
	_ =	sdelay $0x3  }
0x92: {  	_ =	strace s18  }
0x93: {  	s3 =	sld [smem:$0x3FFC];
	_ =	sdelay $0x3  }
0x94: {  	_ =	strace s3  }
0x95: {  	s3 =	sld [smem:$0x3FFD];
	_ =	sdelay $0x3  }
0x96: {  	_ =	strace s3  }
0x97: {  	_ =	strace $0x8FFFFFFF  }
0x98: {  	s19 =	sld [smem:$0x3FDB];
	_ =	sdelay $0x1  }
0x99: {  	s4 =	simm.s32 $_scs_section_size  }
0x9a: {  	s5 =	simm.s32 $_size__tile_overlayer_lowered;
	s6 =	simm.s32 $_tile_overlayer_lowered  }
0x9b: {  	s22 =	simm.s32 $0x1BFF;
	s21 =	sshll.u32 s6, $0x1;
	s3 =	sadd.s32 s4, s19  }
0x9c: {  	s7 =	simm.s32 $0x0;
	s20 =	sshll.u32 s5, $0x1;
	s5 =	sadd.s32 s21, s3  }
0x9d: {  	[timem:s7], [sflag:s22] =	dma.local [hbm:s5], s20  }
0x9e: {  	_ =	swait.ge [sflag:s22], s20  }
0x9f: {  	s4 =	ssub.s32 $0x0, s20;
	[sflag:s22] =	ssyncset.done $0x0  }
0xa0: {  	[sflag:s22] =	ssyncadd.s32 s4;
	_ =	sdelay $0x1  }
0xa1: {  	s23 =	simm.s32 $0x1B8B  }
0xa2: {  	_ =	swait.ge [sflag:s23], $0x1  }
0xa3: {  	[sflag:s23] =	ssyncset.done $0x0  }
0xa4: {  	s25 =	simm.s32 $0x1B8E;
	s24 =	sld [smem:$0x3FFE];
	[sflag:s23] =	ssyncadd.s32 $0xFFFFFFFF  }
0xa5: {  	s26 =	simm.s32 $execute0_lowered;
	[smem:$0x3FD2] =	sst s25  }
0xa6: {  	s5 =	sshll.u32 s26, $0x1;
	_ =	strace $0x80000046;
	[dreg:$0x1] =	wrdreg $0xFFFFFFFF  }
0xa7: {  	s28 =	simm.s32 $_size_execute0_lowered;
	s3 =	sadd.s32 s3, s5;
	[dreg:$0x0] =	wrdreg $0x0  }
0xa8: {  	s5 =	sshll.u32 s28, $0x1;
	[dreg:$0x2] =	wrdreg s3  }
0xa9: {  	[dreg:$0x3] =	wrdreg s5  }
0xaa: {  	[dreg:$0x4] =	wrdreg $0xC0  }
0xab: {  	_ =	task [dreg:s7], $0x5FFFF  }
0xac: {  	[dreg:$0x1] =	wrdreg $0xFFFFFFFF  }
0xad: {  	[dreg:$0x0] =	wrdreg $0x60  }
0xae: {  	[dreg:$0x2] =	wrdreg s2  }
0xaf: {  	[dreg:$0x3] =	wrdreg s24  }
0xb0: {  	[dreg:$0x4] =	wrdreg $0x9  }
0xb1: {  	_ =	task.clear_ibuf [dreg:s7], $0x5FFFF;
	_ =	strace $0x90000046  }
0xb2: {  	s29 =	simm.s32 $0x9;
	_ =	strace $0x80000048  }
0xb3: {  	_ =	swait.ge [sflag:s29], $0x1  }
0xb4: {  	[sflag:s29] =	ssyncadd.s32 $0xFFFFFFFF  }
0xb5: {  	_ =	strace $0x90000048  }
0xb6: {  	_ =	sfence  }
0xb7: {  	s30 =	sld [smem:$0x0];
	_ =	sdelay $0x2  }
0xb8: {  	s31 =	sshll.u32 s1, $0xD;
	s1 =	sshrl.u32 s1, $0x2  }
0xb9: {  	s3 =	sand.u32 $0x4000, s31;
	s1 =	sadd.s32 s1, s30  }
0xba: {  	s0 =	sor.u32 s3, s0;
	s1 =	sshll.u32 s1, $0x11  }
0xbb: {  	s0 =	sor.u32 s1, s0  }
0xbc: {  	s0 =	sadd.s32 $0x8F2B, s0  }
0xbd: {  	[sflag:s0] =	ssyncadd.remote.s32 $0x1  }
0xbe: {  	_ =	sfence.sel $0xFFFF  }
0xbf: {  	[dreg:$0x0] =	wrdreg $0xFFFFFFFF;
	(pc) =	sbr.abs _section_cstart, $3  }
0xc0: {  	[dreg:$0x1] =	wrdreg $0xFFFFFFFF  }
0xc1: {  	_ =	task.clear_ibuf [dreg:s7], $0x2FFFF;
	_ =	strace $0x9FFFFFFF  }
0xc2: {  	(tm) =	ssettm $0x7FFFFFFF  }
0xc3: {  	_ =	shalt  }
tec
execute0_lowered:
.L_overlay_start_1:
0x0: {  	(tag) =	ssettag $0x1  }
0x1: {  	s3 =	rddreg [dreg:$0x0]  }
0x2: {  	s4 =	rddreg [dreg:$0x1]  }
0x3: {  	s5 =	srdreg.scid;
	s0 =	stileid.u32;
	s2 =	simm.s32 $0x0  }
0x4: {  	s9 =	simm.s32 $0x9500;
	s10 =	simm.s32 $0xA100;
	s11 =	simm.s32 $0x9000  }
0x5: {  	s12 =	simm.s32 $0x9900;
	s13 =	simm.s32 $0x9D00;
	s14 =	simm.s32 $0x0  }
0x6: {  	s5 =	sand.u32 $0x1, s5;
	s6 =	sshll.u32 s0, $0x1;
	[smem:$0x7FF] =	sst s2  }
.Ltmp0:
0x7: {  	s6 =	sor.u32 s5, s6;
	s5 =	ssub.s32 $0x2, s5;
	(pc) =	sbr.rel .LBB2_1-.Ltmp0, $4  }
0x8: {  	_ =	strace $0x80000047;
	s7 =	sshll.u32 s6, $0x7;
	s8 =	sshrl.u32 s5, $0x1  }
0x9: {  	s6 =	sshll.u32 s6, $0xC;
	s4 =	sadd.s32 s7, s4;
	s5 =	ssub.s32 s5, s8  }
0xa: {  	v0 =	vlaneseq.u32;
	s3 =	sadd.s32 s3, s6;
	s6 =	simm.s32 $0x1;
	s7 =	simm.s32 $0x8000  }
0xb: {  	v1 =	vimm.s32 $0x0;
	v3 =	vimm.s32 $0x1;
	v2 =	vmul.u32 $0x100, v0;
	s8 =	simm.s32 $0x9100;
	s4 =	sadd.s32 $0x800, s4;
	s5 =	smax.u32 s5, $0x1  }
.LBB2_112:
0xc: {  	s18 =	simm.s32 $0x0;
	s15 =	simm.s32 $0x9D00  }
.LBB2_116:
0xd: {  	s0 =	sadd.s32 @p0 $0x10, s18  }
0xe: {  	s17 =	smov.u32 @p0 s0  }
0xf: {  	v6 =	vor.u32 s17, v0  }
0x10: {  	vm0 =	vlt.s32 v6, v4;
	v4 =	vshrl.u32 v5, $0x18  }
0x11: {  	(xrf1) =	vunique.msk.u32 vm0, v4;
	_ =	sdelay $0x9  }
0x12: {  	v5 =	vld.idx.msk [tilespmem:v4+s11+$0x0], $0xffff;
	_ =	sdelay $0x3  }
0x13: {  	s0 =	sadd.s32 @p0 $0x10, s15;
	_, v63, vm1 =	vpop (xrf1)  }
0x14: {  	s16 =	smov.u32 @p0 s0;
	v5 =	vadd.s32 v63, v5  }
0x15: {  	v7 =	vld [tilespmem:s16+$0x0];
	vm1 =	vmand vm0, vm1;
	v5 =	vadd.s32 $0xFFFFFFFF, v5;
	_ =	sdelay $0x4  }
0x16: {  	[tilespmem:v5+s10+$0x0] =	vst.idx.msk vm0, v7  }
0x17: {  	[tilespmem:v4+s11+$0x0] =	vst.idx.add.s32.msk vm1, v63  }
.LBB2_117:
0x18: {  	s14 =	sadd.s32 $0x1, s14  }
0x19: {  	p0 =	sne.s32 s14, s5  }
.Ltmp1:
0x1a: {  	_ = 	snop;
	(pc) =	sbr.rel @!p0 .LBB2_118-.Ltmp1, $4  }
0x1b: {  	[hbm4b:s4+s2] =	stream.linear.scatter [tilespmem:s10], [sflag:$0x1], $0x400, $0x38;
	[tilespmem:$0xA500] =	vst v63  }
0x1c: {  	_ =	swait.ge [sflag:s6], $0x400  }
0x1d: {  	[sflag:s6] =	ssyncset.done $0x0  }
0x1e: {  	[sflag:s6] =	ssyncadd.s32 $0xFFFFFC00  }
.LBB2_1:
0x1f: {  	[tilespmem:s2], [sflag:$0x1] =	stream.linear.gather [hbm4b:s3+s2], $0x8000, $0x38;
	[tilespmem:$0xA500] =	vst v63  }
0x20: {  	s15 =	sand.u32 $0xE00, s2;
	s17 =	sand.u32 $0x70, s2;
	_ =	swait.ge [sflag:s6], $0x8000  }
0x21: {  	s16 =	simm.s32 $0x40;
	s15 =	sshrl.u32 s15, $0x2;
	[sflag:s6] =	ssyncset.done $0x0  }
0x22: {  	s18 =	sor.u32 s17, s15;
	s17 =	simm.s32 $0x0;
	[sflag:s6] =	ssyncadd.s32 $0xFFFF8000  }
.LBB2_2:
0x23: {  	p0 =	sne.s32 s16, $0xFC0  }
0x24: {  	[tilespmem:s18+$0xA100] =	vst v1;
	s17 =	sadd.s32 $0x10, s17;
	s15 =	smov.u32 s16;
	s16 =	sadd.s32 $0x40, s16  }
.Ltmp2:
0x25: {  	(pc) =	sbr.rel @p0 .LBB2_2-.Ltmp2, $4  }
0x26: {  	_ = 	snop  }
0x27: {  	s15 =	sand.u32 $0xE00, s15  }
0x28: {  	s18 =	sand.u32 $0x70, s17;
	s15 =	sshrl.u32 s15, $0x2  }
0x29: {  	s18 =	sor.u32 s18, s15;
	s15 =	simm.s32 $0x0  }
0x2a: {  	[tilespmem:s18+$0xA100] =	vst v1;
	s16 =	simm.s32 $0x40;
	s17 =	simm.s32 $0x0  }
.LBB2_4:
0x2b: {  	p0 =	sne.s32 s16, $0x3FC0;
	[tilespmem:s17+$0x8000] =	vst v1;
	s17 =	smov.u32 s16;
	s16 =	sadd.s32 $0x40, s16  }
.Ltmp3:
0x2c: {  	(pc) =	sbr.rel @p0 .LBB2_4-.Ltmp3, $2  }
0x2d: {  	_ =	sdelay $0x2  }
0x2e: {  	s17 =	sshra.s32 s17, $0x2  }
0x2f: {  	[tilespmem:s17+$0x8000] =	vst v1  }
.LBB2_6:
0x30: {  	s16 =	sshra.s32 s15, $0x2  }
0x31: {  	v4 =	vld [tilespmem:s16+$0x0];
	_ =	sdelay $0x4  }
0x32: {  	vm0 =	vlt.s32 v4, $0x0;
	v5 =	vandn.u32 $0x7FFFFFFF, v4  }
0x33: {  	v4 =	vsel vm0, v4, v5  }
0x34: {  	v5 =	vshrl.u32 v4, $0x18  }
0x35: {  	v6 =	vand.u32 $0xF8, v5  }
0x36: {  	v5 =	vand.u32 $0x7, v5;
	v6 =	vor.u32 v2, v6  }
0x37: {  	v5 =	vor.u32 v5, v6;
	_ =	sdelay $0x3  }
0x38: {  	[tilespmem:s16+$0x0] =	vst v4  }
0x39: {  	[tilespmem:v5+s7+$0x0] =	vst.idx.add.s32.msk $0xffff, v3  }
0x3a: {  	v4 =	vld [tilespmem:s16+$0x10];
	_ =	sdelay $0x4  }
0x3b: {  	vm13 =	vlt.s32 v4, $0x0;
	v5 =	vandn.u32 $0x7FFFFFFF, v4  }
0x3c: {  	v4 =	vsel vm13, v4, v5  }
0x3d: {  	v5 =	vshrl.u32 v4, $0x18  }
0x3e: {  	v61 =	vand.u32 $0xF8, v5  }
0x3f: {  	v5 =	vand.u32 $0x7, v5;
	v6 =	vor.u32 v2, v61  }
0x40: {  	v5 =	vor.u32 v5, v6;
	_ =	sdelay $0x3  }
0x41: {  	[tilespmem:s16+$0x10] =	vst v4  }
0x42: {  	[tilespmem:v5+s7+$0x0] =	vst.idx.add.s32.msk $0xffff, v3  }
0x43: {  	v4 =	vld [tilespmem:s16+$0x20];
	_ =	sdelay $0x4  }
0x44: {  	vm14 =	vlt.s32 v4, $0x0;
	v5 =	vandn.u32 $0x7FFFFFFF, v4  }
0x45: {  	v4 =	vsel vm14, v4, v5  }
0x46: {  	v5 =	vshrl.u32 v4, $0x18  }
0x47: {  	v62 =	vand.u32 $0xF8, v5  }
0x48: {  	v5 =	vand.u32 $0x7, v5;
	v6 =	vor.u32 v2, v62  }
0x49: {  	v5 =	vor.u32 v5, v6;
	_ =	sdelay $0x3  }
0x4a: {  	[tilespmem:s16+$0x20] =	vst v4  }
0x4b: {  	[tilespmem:v5+s7+$0x0] =	vst.idx.add.s32.msk $0xffff, v3  }
0x4c: {  	v4 =	vld [tilespmem:s16+$0x30];
	_ =	sdelay $0x4  }
0x4d: {  	vm15 =	vlt.s32 v4, $0x0;
	v5 =	vandn.u32 $0x7FFFFFFF, v4  }
0x4e: {  	v4 =	vsel vm15, v4, v5  }
0x4f: {  	v5 =	vshrl.u32 v4, $0x18  }
0x50: {  	v63 =	vand.u32 $0xF8, v5  }
0x51: {  	v5 =	vand.u32 $0x7, v5;
	v6 =	vor.u32 v2, v63  }
0x52: {  	p0 =	sne.s32 s15, $0x1FF00;
	v5 =	vor.u32 v5, v6  }
.Ltmp4:
0x53: {  	_ = 	snop;
	(pc) =	sbr.rel @p0 .LBB2_6-.Ltmp4, $3  }
0x54: {  	_ =	sdelay $0x1  }
0x55: {  	[tilespmem:s16+$0x30] =	vst v4  }
0x56: {  	s15 =	sadd.s32 $0x100, s15;
	[tilespmem:v5+s7+$0x0] =	vst.idx.add.s32.msk $0xffff, v3  }
0x57: {  	s15 =	simm.s32 $0x8800  }
0x58: {  	v4 =	vld [tilespmem:s15+$0xFFFFF800]  }
0x59: {  	v5 =	vld [tilespmem:s15+$0xFFFFF900]  }
0x5a: {  	v6 =	vld [tilespmem:s15+$0xFFFFFA00]  }
0x5b: {  	v7 =	vld [tilespmem:s15+$0xFFFFFB00]  }
0x5c: {  	v8 =	vld [tilespmem:s15+$0xFFFFFC00]  }
0x5d: {  	v9 =	vld [tilespmem:s15+$0xFFFFFD00]  }
0x5e: {  	v10 =	vld [tilespmem:s15+$0xFFFFFE00];
	v4 =	vadd.s32 v4, v5  }
0x5f: {  	v5 =	vld [tilespmem:s15+$0xFFFFFF00];
	v4 =	vadd.s32 v6, v4  }
0x60: {  	v6 =	vld [tilespmem:s15+$0x0];
	v4 =	vadd.s32 v7, v4  }
0x61: {  	v7 =	vld [tilespmem:s15+$0x100];
	v4 =	vadd.s32 v8, v4  }
0x62: {  	v8 =	vld [tilespmem:s15+$0x200];
	v4 =	vadd.s32 v9, v4  }
0x63: {  	v9 =	vld [tilespmem:s15+$0x300];
	v4 =	vadd.s32 v10, v4  }
0x64: {  	v10 =	vld [tilespmem:s15+$0x400];
	v4 =	vadd.s32 v5, v4  }
0x65: {  	v5 =	vld [tilespmem:s15+$0x500];
	v4 =	vadd.s32 v6, v4  }
0x66: {  	v6 =	vld [tilespmem:s15+$0x600];
	v4 =	vadd.s32 v7, v4  }
0x67: {  	v7 =	vld [tilespmem:s15+$0x700];
	v4 =	vadd.s32 v8, v4  }
0x68: {  	s31 =	simm.s32 $0x8810;
	v4 =	vadd.s32 v9, v4  }
0x69: {  	v8 =	vld [tilespmem:s31+$0xFFFFF800];
	v4 =	vadd.s32 v10, v4  }
0x6a: {  	v9 =	vld [tilespmem:s31+$0xFFFFF900];
	v4 =	vadd.s32 v5, v4  }
0x6b: {  	v10 =	vld [tilespmem:s31+$0xFFFFFA00];
	v4 =	vadd.s32 v6, v4  }
0x6c: {  	v5 =	vld [tilespmem:s31+$0xFFFFFB00];
	v4 =	vadd.s32 v7, v4  }
0x6d: {  	v6 =	vld [tilespmem:s31+$0xFFFFFC00];
	(xrf0) =	vadd.scan.msk.s32 $0xffff, v4  }
0x6e: {  	v7 =	vld [tilespmem:s31+$0xFFFFFD00]  }
0x6f: {  	v11 =	vld [tilespmem:s31+$0xFFFFFE00];
	v8 =	vadd.s32 v8, v9  }
0x70: {  	v12 =	vld [tilespmem:s31+$0xFFFFFF00];
	v8 =	vadd.s32 v10, v8  }
0x71: {  	v13 =	vld [tilespmem:s31+$0x400];
	v5 =	vadd.s32 v5, v8  }
0x72: {  	v59 =	vld [tilespmem:s31+$0x600];
	v5 =	vadd.s32 v6, v5  }
0x73: {  	v9 =	vld [tilespmem:s31+$0x0];
	v5 =	vadd.s32 v7, v5;
	v7, _, _ =	vpop (xrf0)  }
0x74: {  	v10 =	vld [tilespmem:s31+$0x100];
	(v2sf) =	vpush v7, $0xF  }
0x75: {  	v8 =	vld [tilespmem:s31+$0x200]  }
0x76: {  	v6 =	vld [tilespmem:s31+$0x300];
	v5 =	vadd.s32 v11, v5  }
0x77: {  	v11 =	vld [tilespmem:s31+$0x500];
	v5 =	vadd.s32 v12, v5  }
0x78: {  	s16 =	simm.s32 $0x8820;
	s15 =	simm.s32 $0x0;
	v5 =	vadd.s32 v9, v5;
	v9 =	vld [tilespmem:s31+$0x700]  }
0x79: {  	v7 =	vadd.s32 s15, v7;
	v5 =	vadd.s32 v10, v5;
	v10 =	vld [tilespmem:s16+$0xFFFFF800]  }
0x7a: {  	vm0 =	vlt.s32 v7, $0x400;
	v5 =	vadd.s32 v8, v5;
	v8 =	vld [tilespmem:s16+$0xFFFFF900]  }
0x7b: {  	v60 =	vsel vm0, $0x1, v1;
	v5 =	vadd.s32 v6, v5;
	v6 =	vld [tilespmem:s16+$0xFFFFFA00]  }
0x7c: {  	v7 =	vld [tilespmem:s16+$0xFFFFFB00];
	v4 =	vnsel vm0, $0x0, v4;
	(xrf0) =	vadd.scan.msk.s32 $0xffff, v60;
	v5 =	vadd.s32 v13, v5  }
0x7d: {  	(xrf0) =	vadd.scan.msk.s32 $0xffff, v4;
	v5 =	vadd.s32 v11, v5;
	v11 =	vld [tilespmem:s16+$0xFFFFFC00];
	_ =	sdelay $0x1  }
0x7e: {  	v5 =	vadd.s32 v59, v5;
	v4 =	vadd.s32 v10, v8  }
0x7f: {  	v9 =	vadd.s32 v9, v5;
	v4 =	vadd.s32 v6, v4  }
0x80: {  	v61 =	vld [tilespmem:s16+$0xFFFFFD00];
	(xrf0) =	vadd.scan.msk.s32 $0xffff, v9;
	v4 =	vadd.s32 v7, v4  }
0x81: {  	v5 =	vld [tilespmem:s16+$0xFFFFFE00];
	v4 =	vadd.s32 v11, v4;
	v11, _, _ =	vpop (xrf0)  }
0x82: {  	v6 =	vld [tilespmem:s16+$0xFFFFFF00];
	v63, _, _ =	vpop (xrf0);
	s17 =	spop (v2sf);
	(v2sf) =	vpush v11, $0xF  }
0x83: {  	v7 =	vld [tilespmem:s16+$0x0];
	(v2sf) =	vpush v63, $0xF  }
0x84: {  	v8 =	vld [tilespmem:s16+$0x100]  }
0x85: {  	v10 =	vld [tilespmem:s16+$0x200];
	v4 =	vadd.s32 v61, v4  }
0x86: {  	v62 =	vld [tilespmem:s16+$0x300];
	v4 =	vadd.s32 v5, v4;
	v15, _, _ =	vpop (xrf0)  }
0x87: {  	v14 =	vld [tilespmem:s16+$0x400];
	v4 =	vadd.s32 v6, v4;
	s18 =	sadd.s32 $0x0, s17;
	(v2sf) =	vpush v15, $0xF  }
0x88: {  	v16 =	vld [tilespmem:s16+$0x500];
	v4 =	vadd.s32 v7, v4;
	v5 =	vadd.s32 s18, v15  }
0x89: {  	v6 =	vadd.s32 v8, v4;
	v4 =	vld [tilespmem:s16+$0x600];
	vm15 =	vlt.s32 v5, $0x400  }
0x8a: {  	s24 =	simm.s32 $0x8830;
	v6 =	vadd.s32 v10, v6;
	v5 =	vld [tilespmem:s16+$0x700];
	v7 =	vsel vm15, $0x1, v1  }
0x8b: {  	s21 =	simm.s32 $0x10;
	s20 =	simm.s32 $0x20;
	v8 =	vadd.s32 v62, v6;
	v6 =	vld [tilespmem:s24+$0xFFFFF800];
	v9 =	vnsel vm15, $0x0, v9;
	(xrf0) =	vadd.scan.msk.s32 $0xffff, v7  }
0x8c: {  	s19 =	simm.s32 $0x30;
	s25 =	simm.s32 $0x40;
	s22 =	simm.s32 $0x0;
	v10 =	vadd.s32 v14, v8;
	v7 =	vld [tilespmem:s24+$0xFFFFF900];
	(xrf0) =	vadd.scan.msk.s32 $0xffff, v9  }
0x8d: {  	s23 =	simm.s32 $0x0;
	s17 =	simm.s32 $0x0;
	v8 =	vld [tilespmem:s24+$0xFFFFFA00];
	s16 =	simm.s32 $0x0;
	v9 =	vadd.s32 v16, v10  }
.LBB2_8:
0x8e: {  	p0 =	seq.s32 s25, $0xF0;
	v10 =	vld [tilespmem:s24+$0xFFFFFB00];
	v4 =	vadd.s32 v4, v9  }
0x8f: {  	v9 =	vld [tilespmem:s24+$0xFFFFFC00];
	v11 =	vadd.s32 v5, v4  }
0x90: {  	v4 =	vld [tilespmem:s24+$0xFFFFFD00];
	(xrf0) =	vadd.scan.msk.s32 $0xffff, v11  }
0x91: {  	v5 =	vadd.s32 v6, v7;
	v6 =	vld [tilespmem:s24+$0xFFFFFE00];
	v7, _, _ =	vpop (xrf0);
	s26 =	spop (v2sf)  }
0x92: {  	p2 =	seq.s32 s15, $0x0;
	v5 =	vadd.s32 v8, v5;
	v8 =	vld [tilespmem:s24+$0xFFFFFF00];
	(v2sf) =	vpush v7, $0xF;
	v7, _, _ =	vpop (xrf0);
	p1 =	slt.s32 s26, $0x10;
	s28 =	spop (v2sf)  }
0x93: {  	s26 =	sadd.s32 s22, s26;
	v5 =	vadd.s32 v10, v5;
	v10 =	vld [tilespmem:s24+$0x0];
	(v2sf) =	vpush v7, $0xF;
	p1 =	por !p2, !p1;
	s28 =	sadd.s32 s23, s28  }
0x94: {  	s22 =	smov.u32 s21;
	s23 =	smov.u32 s18;
	v5 =	vadd.s32 v9, v5;
	v7 =	vld [tilespmem:s24+$0x100];
	p1 =	por !p1, !p1  }
0x95: {  	s21 =	smov.u32 s20;
	v4 =	vadd.s32 v4, v5;
	v5 =	vld [tilespmem:s24+$0x200];
	s16 =	smov.u32 @p1 s26;
	s15 =	simm.s32 @p1 $0x1  }
0x96: {  	s20 =	smov.u32 s19;
	s17 =	smov.u32 @p1 s28;
	v4 =	vadd.s32 v6, v4;
	v9 =	vld [tilespmem:s24+$0x300];
	v6, _, _ =	vpop (xrf0);
	s26 =	spop (v2sf)  }
0x97: {  	s19 =	smov.u32 s25;
	v4 =	vadd.s32 v8, v4;
	v8 =	vld [tilespmem:s24+$0x400];
	(v2sf) =	vpush v6, $0xF;
	s18 =	sadd.s32 s18, s26  }
0x98: {  	v4 =	vadd.s32 v10, v4;
	v10 =	vld [tilespmem:s24+$0x500];
	v6 =	vadd.s32 s18, v6  }
.Ltmp5:
0x99: {  	v7 =	vadd.s32 v7, v4;
	v4 =	vld [tilespmem:s24+$0x600];
	vm0 =	vlt.s32 v6, $0x400;
	(pc) =	sbr.rel @!p0 .LBB2_8-.Ltmp5, $4  }
0x9a: {  	v7 =	vadd.s32 v5, v7;
	v5 =	vld [tilespmem:s24+$0x700];
	s24 =	sadd.s32 $0x10, s24;
	v12 =	vsel vm0, $0x1, v1;
	v11 =	vnsel vm0, $0x0, v11  }
0x9b: {  	v6 =	vld [tilespmem:s24+$0xFFFFF800];
	v9 =	vadd.s32 v9, v7;
	(xrf0) =	vadd.scan.msk.s32 $0xffff, v12  }
0x9c: {  	v7 =	vld [tilespmem:s24+$0xFFFFF900];
	v9 =	vadd.s32 v8, v9;
	(xrf0) =	vadd.scan.msk.s32 $0xffff, v11  }
0x9d: {  	s25 =	sadd.s32 $0x10, s25;
	v8 =	vld [tilespmem:s24+$0xFFFFFA00];
	v9 =	vadd.s32 v10, v9  }
0x9e: {  	v4 =	vadd.s32 v4, v9  }
0x9f: {  	v47 =	vld [tilespmem:s24+$0xFFFFFB00];
	v4 =	vadd.s32 v5, v4  }
0xa0: {  	v5 =	vld [tilespmem:s24+$0xFFFFFC00];
	(xrf0) =	vadd.scan.msk.s32 $0xffff, v4  }
0xa1: {  	v10 =	vld [tilespmem:s24+$0xFFFFFD00]  }
0xa2: {  	v48 =	vld [tilespmem:s24+$0xFFFFFE00];
	v6 =	vadd.s32 v6, v7  }
0xa3: {  	v49 =	vld [tilespmem:s24+$0xFFFFFF00];
	v6 =	vadd.s32 v8, v6  }
0xa4: {  	v50 =	vld [tilespmem:s24+$0x0];
	v11, _, _ =	vpop (xrf0);
	v6 =	vadd.s32 v47, v6  }
0xa5: {  	v52 =	vld [tilespmem:s24+$0x100];
	(v2sf) =	vpush v11, $0xF;
	v51, _, _ =	vpop (xrf0);
	v5 =	vadd.s32 v5, v6  }
0xa6: {  	v53 =	vld [tilespmem:s24+$0x200];
	(v2sf) =	vpush v51, $0xF;
	v5 =	vadd.s32 v10, v5;
	v54, _, _ =	vpop (xrf0)  }
0xa7: {  	v55 =	vld [tilespmem:s24+$0x300];
	v5 =	vadd.s32 v48, v5;
	(v2sf) =	vpush v54, $0xF  }
0xa8: {  	v56 =	vld [tilespmem:s24+$0x400];
	s25 =	spop (v2sf);
	v5 =	vadd.s32 v49, v5  }
0xa9: {  	v57 =	vld [tilespmem:s24+$0x500];
	s26 =	spop (v2sf);
	v5 =	vadd.s32 v50, v5  }
0xaa: {  	v58 =	vld [tilespmem:s24+$0x600];
	s28 =	spop (v2sf);
	v5 =	vadd.s32 v52, v5  }
0xab: {  	v59 =	vld [tilespmem:s24+$0x700];
	s28 =	sadd.s32 s18, s28;
	v5 =	vadd.s32 v53, v5  }
0xac: {  	v11 =	vadd.s32 s28, v54;
	v5 =	vadd.s32 v55, v5  }
0xad: {  	vm0 =	vlt.s32 v11, $0x400;
	v5 =	vadd.s32 v56, v5  }
0xae: {  	v60 =	vsel vm0, $0x1, v1;
	v5 =	vadd.s32 v57, v5  }
0xaf: {  	v4 =	vnsel vm0, $0x0, v4;
	(xrf0) =	vadd.scan.msk.s32 $0xffff, v60;
	v5 =	vadd.s32 v58, v5  }
0xb0: {  	(xrf0) =	vadd.scan.msk.s32 $0xffff, v4;
	v4 =	vadd.s32 v59, v5  }
0xb1: {  	(xrf0) =	vadd.scan.msk.s32 $0xffff, v4;
	_ =	sdelay $0x2  }
0xb2: {  	s1 =	spop (v2sf)  }
0xb3: {  	v5, _, _ =	vpop (xrf0);
	s29 =	spop (v2sf)  }
0xb4: {  	v61, _, _ =	vpop (xrf0);
	s30 =	spop (v2sf)  }
0xb5: {  	v62, _, _ =	vpop (xrf0);
	s30 =	sadd.s32 s28, s30  }
0xb6: {  	v63 =	vadd.s32 s30, v62  }
0xb7: {  	vm15 =	vlt.s32 v63, $0x400  }
0xb8: {  	v8 =	vsel vm15, $0x1, v1  }
0xb9: {  	(xrf0) =	vadd.scan.msk.s32 $0xffff, v8;
	_ =	sdelay $0x1  }
0xba: {  	v4 =	vnsel vm15, $0x0, v4  }
0xbb: {  	(v2sf) =	vpush v5, $0xF;
	(xrf0) =	vadd.scan.msk.s32 $0xffff, v4;
	_ =	sdelay $0x1  }
0xbc: {  	(v2sf) =	vpush v61, $0xF  }
0xbd: {  	(v2sf) =	vpush v62, $0xF;
	v4, _, _ =	vpop (xrf0)  }
0xbe: {  	(v2sf) =	vpush v4, $0xF;
	_ =	sdelay $0x1  }
0xbf: {  	v4, _, _ =	vpop (xrf0)  }
0xc0: {  	(v2sf) =	vpush v4, $0xF  }
0xc1: {  	p1 =	seq.s32 s15, $0x0;
	p0 =	slt.s32 s25, $0x10  }
0xc2: {  	p0 =	por !p1, !p0  }
0xc3: {  	p0 =	por !p0, !p0  }
0xc4: {  	s15 =	simm.s32 @p0 $0x1  }
0xc5: {  	p2 =	seq.s32 s15, $0x0;
	p4 =	slt.s32 s1, $0x10  }
0xc6: {  	s22 =	sadd.s32 s22, s25;
	s23 =	sadd.s32 s23, s26;
	p1 =	por !p2, !p4  }
0xc7: {  	s16 =	smov.u32 @p0 s22;
	s17 =	smov.u32 @p0 s23;
	p0 =	por !p1, !p1  }
0xc8: {  	s21 =	sadd.s32 s21, s1;
	s15 =	simm.s32 @p0 $0x1;
	s23 =	spop (v2sf)  }
0xc9: {  	s18 =	sadd.s32 s18, s29;
	p6 =	seq.s32 s15, $0x0;
	p5 =	slt.s32 s23, $0x10  }
0xca: {  	s16 =	smov.u32 @p0 s21;
	s25 =	spop (v2sf);
	p3 =	por !p6, !p5  }
0xcb: {  	s17 =	smov.u32 @p0 s18;
	p0 =	por !p3, !p3;
	s26 =	spop (v2sf)  }
0xcc: {  	s18 =	sadd.s32 s20, s23;
	s15 =	simm.s32 @p0 $0x1;
	s29 =	spop (v2sf)  }
0xcd: {  	s20 =	sadd.s32 s28, s25;
	p5 =	seq.s32 s15, $0x0;
	p4 =	slt.s32 s29, $0x10  }
0xce: {  	s16 =	smov.u32 @p0 s18;
	s17 =	smov.u32 @p0 s20;
	p6 =	por !p5, !p4  }
0xcf: {  	s31 =	spop (v2sf);
	s18 =	sadd.s32 s19, s29;
	p0 =	por !p6, !p6  }
0xd0: {  	s15 =	sadd.s32 s30, s31;
	s16 =	smov.u32 @p0 s18  }
0xd1: {  	s17 =	smov.u32 @p0 s15;
	s15 =	simm.s32 $0x40;
	s18 =	simm.s32 $0x0  }
.LBB2_10:
0xd2: {  	p0 =	seq.s32 s15, $0x3FC0;
	[tilespmem:s18+$0x8000] =	vst v1;
	s18 =	smov.u32 s15;
	s15 =	sadd.s32 $0x40, s15  }
.Ltmp6:
0xd3: {  	(pc) =	sbr.rel @!p0 .LBB2_10-.Ltmp6, $2  }
0xd4: {  	_ =	sdelay $0x2  }
0xd5: {  	s18 =	sshra.s32 s18, $0x2  }
0xd6: {  	s15 =	sand.u32 $0xFF, s16  }
0xd7: {  	[tilespmem:s18+$0x8000] =	vst v1;
	s18 =	simm.s32 $0x0;
	v4 =	vmov s15;
	s15 =	simm.s32 $0x0  }
.LBB2_12:
0xd8: {  	s19 =	sshra.s32 s18, $0x2  }
0xd9: {  	v5 =	vld [tilespmem:s19+$0x0];
	_ =	sdelay $0x4  }
0xda: {  	v6 =	vshrl.u32 v5, $0x10;
	v5 =	vshrl.u32 v5, $0x18  }
0xdb: {  	vm0 =	veq.s32 v5, v4;
	v5 =	vand.u32 $0xFF, v6  }
0xdc: {  	v5 =	vor.u32 v2, v5;
	_ =	sdelay $0x4  }
0xdd: {  	[tilespmem:v5+s7+$0x0] =	vst.idx.add.s32.msk vm0, v3  }
0xde: {  	v5 =	vld [tilespmem:s19+$0x10];
	_ =	sdelay $0x4  }
0xdf: {  	v6 =	vshrl.u32 v5, $0x10;
	v5 =	vshrl.u32 v5, $0x18  }
0xe0: {  	vm13 =	veq.s32 v5, v4;
	v5 =	vand.u32 $0xFF, v6  }
0xe1: {  	v5 =	vor.u32 v2, v5;
	_ =	sdelay $0x4  }
0xe2: {  	[tilespmem:v5+s7+$0x0] =	vst.idx.add.s32.msk vm13, v3  }
0xe3: {  	v5 =	vld [tilespmem:s19+$0x20];
	_ =	sdelay $0x4  }
0xe4: {  	v6 =	vshrl.u32 v5, $0x10;
	v5 =	vshrl.u32 v5, $0x18  }
0xe5: {  	vm14 =	veq.s32 v5, v4;
	v5 =	vand.u32 $0xFF, v6  }
0xe6: {  	v5 =	vor.u32 v2, v5;
	_ =	sdelay $0x4  }
0xe7: {  	[tilespmem:v5+s7+$0x0] =	vst.idx.add.s32.msk vm14, v3  }
0xe8: {  	v5 =	vld [tilespmem:s19+$0x30];
	_ =	sdelay $0x4  }
0xe9: {  	v6 =	vshrl.u32 v5, $0x10;
	v5 =	vshrl.u32 v5, $0x18  }
0xea: {  	vm15 =	veq.s32 v5, v4;
	v5 =	vand.u32 $0xFF, v6  }
0xeb: {  	p0 =	sne.s32 s18, $0x1FF00;
	v5 =	vor.u32 v2, v5  }
.Ltmp7:
0xec: {  	_ = 	snop;
	(pc) =	sbr.rel @p0 .LBB2_12-.Ltmp7, $2  }
0xed: {  	_ =	sdelay $0x2  }
0xee: {  	s18 =	sadd.s32 $0x100, s18;
	[tilespmem:v5+s7+$0x0] =	vst.idx.add.s32.msk vm15, v3  }
0xef: {  	p3 =	por $0x0, $0x0  }
.Ltmp8:
0xf0: {  	_ = 	snop;
	(pc) =	sbr.rel @p3 .LBB2_14-.Ltmp8, $4  }
0xf1: {  	s19 =	simm.s32 $0x8800  }
0xf2: {  	v4 =	vld [tilespmem:s19+$0xFFFFF800]  }
0xf3: {  	s18 =	simm.s32 $0x10;
	v7 =	vld [tilespmem:s19+$0xFFFFF900]  }
0xf4: {  	p0 =	por $0x0, $0x0;
	p1 =	por $0x0, $0x0;
	p2 =	por $0x0, $0x0;
	v8 =	vld [tilespmem:s19+$0xFFFFFA00]  }
0xf5: {  	v5 =	vld [tilespmem:s19+$0xFFFFFB00]  }
0xf6: {  	v6 =	vld [tilespmem:s19+$0xFFFFFC00]  }
0xf7: {  	v9 =	vld [tilespmem:s19+$0xFFFFFD00]  }
0xf8: {  	v10 =	vld [tilespmem:s19+$0xFFFFFE00];
	v4 =	vadd.s32 v4, v7  }
0xf9: {  	v7 =	vld [tilespmem:s19+$0xFFFFFF00];
	v4 =	vadd.s32 v8, v4  }
0xfa: {  	v8 =	vld [tilespmem:s19+$0x0];
	v4 =	vadd.s32 v5, v4  }
0xfb: {  	v11 =	vld [tilespmem:s19+$0x100];
	v4 =	vadd.s32 v6, v4  }
0xfc: {  	v12 =	vld [tilespmem:s19+$0x200];
	v4 =	vadd.s32 v9, v4  }
0xfd: {  	v9 =	vld [tilespmem:s19+$0x300];
	v4 =	vadd.s32 v10, v4  }
0xfe: {  	v10 =	vld [tilespmem:s19+$0x400];
	v4 =	vadd.s32 v7, v4  }
0xff: {  	v13 =	vld [tilespmem:s19+$0x500];
	p3 =	por $0x0, $0x0;
	v4 =	vadd.s32 v8, v4  }
.Ltmp9:
0x100: {  	v5 =	vld [tilespmem:s19+$0x600];
	v4 =	vadd.s32 v11, v4;
	(pc) =	sbr.rel @p3 .LBB2_16-.Ltmp9, $4  }
0x101: {  	v6 =	vld [tilespmem:s19+$0x700];
	s19 =	simm.s32 $0x8810;
	v7 =	vadd.s32 v12, v4  }
0x102: {  	v4 =	vld [tilespmem:s19+$0xFFFFF800];
	v8 =	vadd.s32 v9, v7  }
0x103: {  	v7 =	vld [tilespmem:s19+$0xFFFFF900];
	v9 =	vadd.s32 v10, v8  }
0x104: {  	s20 =	simm.s32 $0x20;
	p0 =	por $0x1, $0x1;
	v8 =	vld [tilespmem:s19+$0xFFFFFA00];
	v9 =	vadd.s32 v13, v9  }
0x105: {  	v10 =	vld [tilespmem:s19+$0xFFFFFB00]  }
0x106: {  	v11 =	vld [tilespmem:s19+$0xFFFFFC00];
	v5 =	vadd.s32 v5, v9  }
0x107: {  	v12 =	vld [tilespmem:s19+$0xFFFFFD00];
	v13 =	vadd.s32 v6, v5  }
0x108: {  	v9 =	vld [tilespmem:s19+$0xFFFFFE00];
	(xrf0) =	vadd.scan.msk.s32 $0xffff, v13;
	v4 =	vadd.s32 v4, v7  }
0x109: {  	v5 =	vld [tilespmem:s19+$0xFFFFFF00];
	v4 =	vadd.s32 v8, v4  }
0x10a: {  	v6 =	vld [tilespmem:s19+$0x0];
	v4 =	vadd.s32 v10, v4  }
0x10b: {  	v7 =	vld [tilespmem:s19+$0x100];
	v4 =	vadd.s32 v11, v4  }
0x10c: {  	v8 =	vld [tilespmem:s19+$0x200];
	v4 =	vadd.s32 v12, v4  }
0x10d: {  	v10 =	vld [tilespmem:s19+$0x300];
	v4 =	vadd.s32 v9, v4  }
0x10e: {  	v9 =	vld [tilespmem:s19+$0x400];
	v63, _, _ =	vpop (xrf0);
	v4 =	vadd.s32 v5, v4  }
0x10f: {  	p3 =	por $0x0, $0x0;
	v11 =	vld [tilespmem:s19+$0x500];
	v14 =	vadd.s32 s17, v63;
	v4 =	vadd.s32 v6, v4  }
.Ltmp10:
0x110: {  	v5 =	vld [tilespmem:s19+$0x600];
	vm0 =	vlt.s32 v14, $0x400;
	v4 =	vadd.s32 v7, v4;
	(pc) =	sbr.rel @p3 .LBB2_18-.Ltmp10, $4  }
0x111: {  	v6 =	vld [tilespmem:s19+$0x700];
	s19 =	simm.s32 $0x8820;
	v7 =	vsel vm0, $0x1, v1;
	v4 =	vadd.s32 v8, v4  }
0x112: {  	(xrf0) =	vadd.scan.msk.s32 $0xffff, v7;
	v7 =	vld [tilespmem:s19+$0xFFFFF900];
	v8 =	vadd.s32 v10, v4  }
0x113: {  	v4 =	vld [tilespmem:s19+$0xFFFFF800];
	v10 =	vnsel vm0, $0x0, v13;
	v9 =	vadd.s32 v9, v8  }
0x114: {  	s28 =	simm.s32 $0x30;
	p1 =	por $0x1, $0x1;
	(v2sf) =	vpush v63, $0xF;
	(xrf0) =	vadd.scan.msk.s32 $0xffff, v10;
	v8 =	vld [tilespmem:s19+$0xFFFFFA00];
	v9 =	vadd.s32 v11, v9  }
0x115: {  	_ =	sdelay $0x2  }
0x116: {  	v10 =	vld [tilespmem:s19+$0xFFFFFB00]  }
0x117: {  	v11 =	vld [tilespmem:s19+$0xFFFFFC00];
	_ =	sdelay $0x1  }
0x118: {  	v5 =	vadd.s32 v5, v9;
	v4 =	vadd.s32 v4, v7  }
0x119: {  	v13 =	vadd.s32 v6, v5;
	v4 =	vadd.s32 v8, v4  }
0x11a: {  	v12 =	vld [tilespmem:s19+$0xFFFFFD00];
	(xrf0) =	vadd.scan.msk.s32 $0xffff, v13;
	v4 =	vadd.s32 v10, v4  }
0x11b: {  	v9 =	vld [tilespmem:s19+$0xFFFFFE00];
	v4 =	vadd.s32 v11, v4;
	v11, _, _ =	vpop (xrf0)  }
0x11c: {  	v5 =	vld [tilespmem:s19+$0xFFFFFF00];
	v63, _, _ =	vpop (xrf0);
	(v2sf) =	vpush v11, $0xF  }
0x11d: {  	v6 =	vld [tilespmem:s19+$0x0];
	(v2sf) =	vpush v63, $0xF  }
0x11e: {  	v7 =	vld [tilespmem:s19+$0x100]  }
0x11f: {  	v8 =	vld [tilespmem:s19+$0x200];
	v4 =	vadd.s32 v12, v4  }
0x120: {  	v10 =	vld [tilespmem:s19+$0x300];
	v4 =	vadd.s32 v9, v4;
	v15, _, _ =	vpop (xrf0);
	s21 =	spop (v2sf)  }
0x121: {  	v9 =	vld [tilespmem:s19+$0x400];
	v4 =	vadd.s32 v5, v4;
	(v2sf) =	vpush v15, $0xF;
	s21 =	sadd.s32 s17, s21  }
0x122: {  	v14 =	vld [tilespmem:s19+$0x500];
	p3 =	por $0x0, $0x0;
	v4 =	vadd.s32 v6, v4;
	v16 =	vadd.s32 s21, v15  }
.Ltmp11:
0x123: {  	v5 =	vld [tilespmem:s19+$0x600];
	v4 =	vadd.s32 v7, v4;
	vm0 =	vlt.s32 v16, $0x400;
	(pc) =	sbr.rel @p3 .LBB2_20-.Ltmp11, $4  }
0x124: {  	v6 =	vld [tilespmem:s19+$0x700];
	s19 =	simm.s32 $0x8830;
	v4 =	vadd.s32 v8, v4;
	v7 =	vsel vm0, $0x1, v1  }
0x125: {  	s29 =	simm.s32 $0x40;
	v8 =	vadd.s32 v10, v4;
	v4 =	vld [tilespmem:s19+$0xFFFFF800];
	v10 =	vnsel vm0, $0x0, v13;
	(xrf0) =	vadd.scan.msk.s32 $0xffff, v7  }
0x126: {  	p2 =	por $0x1, $0x1;
	s22 =	simm.s32 $0x0;
	s24 =	simm.s32 $0x0;
	v9 =	vadd.s32 v9, v8;
	v7 =	vld [tilespmem:s19+$0xFFFFF900];
	(xrf0) =	vadd.scan.msk.s32 $0xffff, v10  }
0x127: {  	s25 =	smov.u32 s17;
	s23 =	simm.s32 $0x0;
	s26 =	simm.s32 $0x0;
	v8 =	vld [tilespmem:s19+$0xFFFFFA00];
	v9 =	vadd.s32 v14, v9  }
.LBB2_21:
0x128: {  	p3 =	seq.s32 s29, $0xF0;
	v10 =	vld [tilespmem:s19+$0xFFFFFB00];
	v5 =	vadd.s32 v5, v9  }
0x129: {  	v9 =	vld [tilespmem:s19+$0xFFFFFC00];
	v11 =	vadd.s32 v6, v5  }
0x12a: {  	v5 =	vld [tilespmem:s19+$0xFFFFFD00];
	(xrf0) =	vadd.scan.msk.s32 $0xffff, v11  }
0x12b: {  	v4 =	vadd.s32 v4, v7;
	v6 =	vld [tilespmem:s19+$0xFFFFFE00];
	v7, _, _ =	vpop (xrf0);
	s30 =	spop (v2sf)  }
0x12c: {  	p5 =	seq.s32 s22, $0x0;
	v4 =	vadd.s32 v8, v4;
	v8 =	vld [tilespmem:s19+$0xFFFFFF00];
	(v2sf) =	vpush v7, $0xF;
	v7, _, _ =	vpop (xrf0);
	p4 =	slt.s32 s30, $0x10;
	s31 =	spop (v2sf)  }
0x12d: {  	s30 =	sadd.s32 s24, s30;
	v4 =	vadd.s32 v10, v4;
	v10 =	vld [tilespmem:s19+$0x0];
	(v2sf) =	vpush v7, $0xF;
	p4 =	por !p5, !p4;
	s31 =	sadd.s32 s25, s31  }
0x12e: {  	s24 =	smov.u32 s18;
	s25 =	smov.u32 s21;
	v4 =	vadd.s32 v9, v4;
	v7 =	vld [tilespmem:s19+$0x100];
	p4 =	por !p4, !p4  }
0x12f: {  	s18 =	smov.u32 s20;
	v4 =	vadd.s32 v5, v4;
	v9 =	vld [tilespmem:s19+$0x200];
	s23 =	smov.u32 @p4 s30;
	s22 =	simm.s32 @p4 $0x1  }
0x130: {  	s20 =	smov.u32 s28;
	s26 =	smov.u32 @p4 s31;
	v4 =	vadd.s32 v6, v4;
	v12 =	vld [tilespmem:s19+$0x300];
	v5, _, _ =	vpop (xrf0);
	s30 =	spop (v2sf)  }
0x131: {  	s28 =	smov.u32 s29;
	v4 =	vadd.s32 v8, v4;
	v8 =	vld [tilespmem:s19+$0x400];
	(v2sf) =	vpush v5, $0xF;
	s21 =	sadd.s32 s21, s30  }
0x132: {  	v4 =	vadd.s32 v10, v4;
	v10 =	vld [tilespmem:s19+$0x500];
	v6 =	vadd.s32 s21, v5  }
.Ltmp12:
0x133: {  	v4 =	vadd.s32 v7, v4;
	v5 =	vld [tilespmem:s19+$0x600];
	vm0 =	vlt.s32 v6, $0x400;
	(pc) =	sbr.rel @!p3 .LBB2_21-.Ltmp12, $4  }
0x134: {  	v7 =	vadd.s32 v9, v4;
	v6 =	vld [tilespmem:s19+$0x700];
	s19 =	sadd.s32 $0x10, s19;
	v9 =	vsel vm0, $0x1, v1;
	v11 =	vnsel vm0, $0x0, v11  }
0x135: {  	v4 =	vld [tilespmem:s19+$0xFFFFF800];
	v12 =	vadd.s32 v12, v7;
	(xrf0) =	vadd.scan.msk.s32 $0xffff, v9  }
0x136: {  	v7 =	vld [tilespmem:s19+$0xFFFFF900];
	v9 =	vadd.s32 v8, v12;
	(xrf0) =	vadd.scan.msk.s32 $0xffff, v11  }
0x137: {  	s29 =	sadd.s32 $0x10, s29;
	v8 =	vld [tilespmem:s19+$0xFFFFFA00];
	v9 =	vadd.s32 v10, v9  }
0x138: {  	s29 =	smov.u32 s18;
	s18 =	smov.u32 s28  }
.LBB2_23:
0x139: {  	v5 =	vadd.s32 @p0 v5, v9  }
0x13a: {  	v5 =	vadd.s32 @p0 v6, v5  }
0x13b: {  	v51 =	vld [tilespmem:s19+$0xFFFFFB00];
	(xrf0) =	vadd.scan.msk.s32 @p0 $0xffff, v5  }
0x13c: {  	v52 =	vld [tilespmem:s19+$0xFFFFFC00]  }
0x13d: {  	v10 =	vld [tilespmem:s19+$0xFFFFFD00]  }
0x13e: {  	v53 =	vld [tilespmem:s19+$0xFFFFFE00];
	v4 =	vadd.s32 v4, v7  }
0x13f: {  	v54 =	vld [tilespmem:s19+$0xFFFFFF00];
	v11, _, _ =	vpop @p1 (xrf0);
	v4 =	vadd.s32 v8, v4  }
0x140: {  	v55 =	vld [tilespmem:s19+$0x0];
	(v2sf) =	vpush @p1 v11, $0xF;
	v11, _, _ =	vpop @p1 (xrf0);
	v4 =	vadd.s32 v51, v4  }
0x141: {  	v56 =	vld [tilespmem:s19+$0x100];
	(v2sf) =	vpush @p1 v11, $0xF;
	v4 =	vadd.s32 v52, v4;
	v11, _, _ =	vpop @p0 (xrf0)  }
0x142: {  	v57 =	vld [tilespmem:s19+$0x200];
	s30 =	spop @p2 (v2sf);
	v4 =	vadd.s32 v10, v4;
	(v2sf) =	vpush @p0 v11, $0xF  }
0x143: {  	v58 =	vld [tilespmem:s19+$0x300];
	s31 =	spop @p2 (v2sf);
	v4 =	vadd.s32 v53, v4  }
0x144: {  	v59 =	vld [tilespmem:s19+$0x400];
	s28 =	spop @p1 (v2sf);
	v4 =	vadd.s32 v54, v4  }
0x145: {  	v60 =	vld [tilespmem:s19+$0x500];
	s0 =	sadd.s32 @p1 s21, s28;
	s28 =	smov.u32 s17;
	v4 =	vadd.s32 v55, v4  }
0x146: {  	v61 =	vld [tilespmem:s19+$0x600];
	s28 =	smov.u32 @p1 s0;
	v4 =	vadd.s32 v56, v4  }
0x147: {  	v62 =	vld [tilespmem:s19+$0x700];
	v11 =	vadd.s32 @p0 s28, v11;
	v4 =	vadd.s32 v57, v4  }
0x148: {  	vm0 =	vlt.s32 @p0 v11, $0x400;
	v4 =	vadd.s32 v58, v4  }
0x149: {  	v7 =	vsel @p0 vm0, $0x1, v1;
	v4 =	vadd.s32 v59, v4  }
0x14a: {  	(xrf0) =	vadd.scan.msk.s32 @p0 $0xffff, v7;
	v4 =	vadd.s32 v60, v4  }
0x14b: {  	v5 =	vnsel @p0 vm0, $0x0, v5;
	v4 =	vadd.s32 v61, v4  }
0x14c: {  	(xrf0) =	vadd.scan.msk.s32 @p0 $0xffff, v5;
	v4 =	vadd.s32 v62, v4  }
0x14d: {  	(xrf0) =	vadd.scan.msk.s32 $0xffff, v4;
	_ =	sdelay $0x1  }
0x14e: {  	s0 =	spop @p1 (v2sf)  }
0x14f: {  	v5, _, _ =	vpop @p0 (xrf0);
	s19 =	spop @p1 (v2sf)  }
0x150: {  	(v2sf) =	vpush @p0 v5, $0xF;
	s1 =	spop @p0 (v2sf)  }
0x151: {  	v5, _, _ =	vpop @p0 (xrf0);
	s1 =	sadd.s32 @p0 s28, s1  }
0x152: {  	(v2sf) =	vpush @p0 v5, $0xF;
	v5, _, _ =	vpop (xrf0);
	s17 =	smov.u32 @p0 s1  }
0x153: {  	v63 =	vadd.s32 s17, v5  }
0x154: {  	vm15 =	vlt.s32 v63, $0x400  }
0x155: {  	v6 =	vsel vm15, $0x1, v1  }
0x156: {  	(xrf0) =	vadd.scan.msk.s32 $0xffff, v6  }
0x157: {  	p4 =	seq.s32 @p2 s22, $0x0;
	p3 =	slt.s32 @p2 s30, $0x10;
	v4 =	vnsel vm15, $0x0, v4  }
0x158: {  	p3 =	por @p2 !p4, !p3;
	(xrf0) =	vadd.scan.msk.s32 $0xffff, v4  }
0x159: {  	p3 =	por @p2 !p3, !p3  }
0x15a: {  	p3 =	por !p3, !p2  }
0x15b: {  	s22 =	simm.s32 @!p3 $0x1;
	s21 =	smov.u32 @p1 s21  }
0x15c: {  	s19 =	sadd.s32 @p1 s21, s19;
	(v2sf) =	vpush v5, $0xF;
	s1 =	sadd.s32 @p2 s24, s30;
	s24 =	sadd.s32 @p2 s25, s31;
	v4, _, _ =	vpop (xrf0)  }
0x15d: {  	s1 =	smov.u32 @p3 s23;
	s23 =	smov.u32 s15;
	s24 =	smov.u32 @p3 s26;
	(v2sf) =	vpush v4, $0xF  }
0x15e: {  	p3 =	slt.s32 @p1 s0, $0x10;
	s23 =	smov.u32 @p2 s22;
	s22 =	smov.u32 s15;
	v4, _, _ =	vpop (xrf0)  }
0x15f: {  	s22 =	smov.u32 @p0 s20;
	s20 =	smov.u32 s15;
	s25 =	spop @p0 (v2sf);
	(v2sf) =	vpush v4, $0xF  }
0x160: {  	p4 =	seq.s32 @p1 s23, $0x0;
	s20 =	smov.u32 @p2 s1;
	s1 =	smov.u32 s15  }
0x161: {  	s26 =	smov.u32 @p1 s29;
	s1 =	smov.u32 @p2 s24;
	p2 =	por @p1 !p4, !p3  }
0x162: {  	s21 =	smov.u32 s15;
	s26 =	smov.u32 @p1 s26;
	p2 =	por @p1 !p2, !p2  }
0x163: {  	s0 =	sadd.s32 @p1 s26, s0;
	s26 =	smov.u32 @p0 s28;
	p2 =	por !p2, !p1  }
0x164: {  	s23 =	simm.s32 @!p2 $0x1;
	s0 =	smov.u32 @p2 s20;
	s19 =	smov.u32 @p2 s1  }
0x165: {  	s1 =	smov.u32 @p0 s22;
	s20 =	smov.u32 s15;
	s21 =	smov.u32 @p1 s23  }
0x166: {  	s22 =	smov.u32 @p0 s26;
	p3 =	slt.s32 @p0 s25, $0x10;
	p4 =	seq.s32 @p0 s21, $0x0  }
0x167: {  	s20 =	smov.u32 @p1 s0;
	s0 =	smov.u32 s15;
	p2 =	por @p0 !p4, !p3  }
0x168: {  	s0 =	smov.u32 @p1 s19;
	s1 =	sadd.s32 @p0 s1, s25;
	p2 =	por @p0 !p2, !p2  }
0x169: {  	s19 =	smov.u32 s15;
	s24 =	spop @p0 (v2sf);
	p1 =	por !p2, !p0  }
0x16a: {  	s22 =	sadd.s32 @p0 s22, s24;
	s1 =	smov.u32 @p1 s20;
	s21 =	simm.s32 @!p1 $0x1  }
0x16b: {  	s29 =	spop (v2sf);
	s22 =	smov.u32 @p1 s0;
	s0 =	smov.u32 s15  }
0x16c: {  	s19 =	smov.u32 @p0 s1;
	s0 =	smov.u32 @p0 s21;
	s30 =	spop (v2sf)  }
0x16d: {  	s15 =	smov.u32 @p0 s22;
	p5 =	seq.s32 s0, $0x0;
	p4 =	slt.s32 s30, $0x10  }
0x16e: {  	s31 =	spop (v2sf);
	s1 =	sadd.s32 s18, s30;
	p6 =	por !p5, !p4  }
0x16f: {  	s18 =	simm.s32 $0x0;
	s0 =	sadd.s32 s17, s31;
	p0 =	por !p6, !p6  }
0x170: {  	s17 =	simm.s32 $0x40;
	s19 =	smov.u32 @p0 s1;
	s15 =	smov.u32 @p0 s0  }
.LBB2_24:
0x171: {  	p0 =	seq.s32 s17, $0x3FC0;
	[tilespmem:s18+$0x8000] =	vst v1;
	s0 =	smov.u32 s17;
	s17 =	sadd.s32 $0x40, s17  }
.Ltmp13:
0x172: {  	(pc) =	sbr.rel @!p0 .LBB2_24-.Ltmp13, $2  }
0x173: {  	_ =	sdelay $0x2  }
0x174: {  	s18 =	sshra.s32 s0, $0x2  }
0x175: {  	s0 =	sshll.u32 s16, $0x18;
	s1 =	sshll.u32 s19, $0x10  }
0x176: {  	s17 =	sor.u32 s0, s1  }
0x177: {  	s0 =	sshrl.u32 s17, $0x10  }
0x178: {  	[tilespmem:s18+$0x8000] =	vst v1;
	s16 =	simm.s32 $0x0;
	s18 =	simm.s32 $0x0;
	v4 =	vmov s0  }
.LBB2_26:
0x179: {  	s0 =	sshra.s32 s18, $0x2  }
0x17a: {  	v5 =	vld [tilespmem:s0+$0x0];
	_ =	sdelay $0x4  }
0x17b: {  	v6 =	vshrl.u32 v5, $0x8;
	v5 =	vshrl.u32 v5, $0x10  }
0x17c: {  	vm0 =	veq.s32 v5, v4;
	v5 =	vand.u32 $0xFF, v6  }
0x17d: {  	v5 =	vor.u32 v2, v5;
	_ =	sdelay $0x4  }
0x17e: {  	[tilespmem:v5+s7+$0x0] =	vst.idx.add.s32.msk vm0, v3  }
0x17f: {  	v5 =	vld [tilespmem:s0+$0x10];
	_ =	sdelay $0x4  }
0x180: {  	v6 =	vshrl.u32 v5, $0x8;
	v5 =	vshrl.u32 v5, $0x10  }
0x181: {  	vm13 =	veq.s32 v5, v4;
	v5 =	vand.u32 $0xFF, v6  }
0x182: {  	v5 =	vor.u32 v2, v5;
	_ =	sdelay $0x4  }
0x183: {  	[tilespmem:v5+s7+$0x0] =	vst.idx.add.s32.msk vm13, v3  }
0x184: {  	v5 =	vld [tilespmem:s0+$0x20];
	_ =	sdelay $0x4  }
0x185: {  	v6 =	vshrl.u32 v5, $0x8;
	v5 =	vshrl.u32 v5, $0x10  }
0x186: {  	vm14 =	veq.s32 v5, v4;
	v5 =	vand.u32 $0xFF, v6  }
0x187: {  	v5 =	vor.u32 v2, v5;
	_ =	sdelay $0x4  }
0x188: {  	[tilespmem:v5+s7+$0x0] =	vst.idx.add.s32.msk vm14, v3  }
0x189: {  	v5 =	vld [tilespmem:s0+$0x30];
	_ =	sdelay $0x4  }
0x18a: {  	v6 =	vshrl.u32 v5, $0x8;
	v5 =	vshrl.u32 v5, $0x10  }
0x18b: {  	vm15 =	veq.s32 v5, v4;
	v5 =	vand.u32 $0xFF, v6  }
0x18c: {  	p0 =	sne.s32 s18, $0x1FF00;
	v5 =	vor.u32 v2, v5  }
.Ltmp14:
0x18d: {  	_ = 	snop;
	(pc) =	sbr.rel @p0 .LBB2_26-.Ltmp14, $2  }
0x18e: {  	_ =	sdelay $0x2  }
0x18f: {  	s18 =	sadd.s32 $0x100, s18;
	[tilespmem:v5+s7+$0x0] =	vst.idx.add.s32.msk vm15, v3  }
0x190: {  	p3 =	por $0x0, $0x0  }
.Ltmp15:
0x191: {  	_ = 	snop;
	(pc) =	sbr.rel @p3 .LBB2_28-.Ltmp15, $4  }
0x192: {  	s19 =	simm.s32 $0x8800  }
0x193: {  	v4 =	vld [tilespmem:s19+$0xFFFFF800]  }
0x194: {  	s18 =	simm.s32 $0x10;
	v7 =	vld [tilespmem:s19+$0xFFFFF900]  }
0x195: {  	p0 =	por $0x0, $0x0;
	p1 =	por $0x0, $0x0;
	p2 =	por $0x0, $0x0;
	v8 =	vld [tilespmem:s19+$0xFFFFFA00]  }
0x196: {  	v5 =	vld [tilespmem:s19+$0xFFFFFB00]  }
0x197: {  	v6 =	vld [tilespmem:s19+$0xFFFFFC00]  }
0x198: {  	v9 =	vld [tilespmem:s19+$0xFFFFFD00]  }
0x199: {  	v10 =	vld [tilespmem:s19+$0xFFFFFE00];
	v4 =	vadd.s32 v4, v7  }
0x19a: {  	v7 =	vld [tilespmem:s19+$0xFFFFFF00];
	v4 =	vadd.s32 v8, v4  }
0x19b: {  	v8 =	vld [tilespmem:s19+$0x0];
	v4 =	vadd.s32 v5, v4  }
0x19c: {  	v11 =	vld [tilespmem:s19+$0x100];
	v4 =	vadd.s32 v6, v4  }
0x19d: {  	v12 =	vld [tilespmem:s19+$0x200];
	v4 =	vadd.s32 v9, v4  }
0x19e: {  	v9 =	vld [tilespmem:s19+$0x300];
	v4 =	vadd.s32 v10, v4  }
0x19f: {  	v10 =	vld [tilespmem:s19+$0x400];
	v4 =	vadd.s32 v7, v4  }
0x1a0: {  	v13 =	vld [tilespmem:s19+$0x500];
	p3 =	por $0x0, $0x0;
	v4 =	vadd.s32 v8, v4  }
.Ltmp16:
0x1a1: {  	v5 =	vld [tilespmem:s19+$0x600];
	v4 =	vadd.s32 v11, v4;
	(pc) =	sbr.rel @p3 .LBB2_30-.Ltmp16, $4  }
0x1a2: {  	v6 =	vld [tilespmem:s19+$0x700];
	s19 =	simm.s32 $0x8810;
	v7 =	vadd.s32 v12, v4  }
0x1a3: {  	v4 =	vld [tilespmem:s19+$0xFFFFF800];
	v8 =	vadd.s32 v9, v7  }
0x1a4: {  	v7 =	vld [tilespmem:s19+$0xFFFFF900];
	v9 =	vadd.s32 v10, v8  }
0x1a5: {  	s20 =	simm.s32 $0x20;
	p0 =	por $0x1, $0x1;
	v8 =	vld [tilespmem:s19+$0xFFFFFA00];
	v9 =	vadd.s32 v13, v9  }
0x1a6: {  	v10 =	vld [tilespmem:s19+$0xFFFFFB00]  }
0x1a7: {  	v11 =	vld [tilespmem:s19+$0xFFFFFC00];
	v5 =	vadd.s32 v5, v9  }
0x1a8: {  	v12 =	vld [tilespmem:s19+$0xFFFFFD00];
	v13 =	vadd.s32 v6, v5  }
0x1a9: {  	v9 =	vld [tilespmem:s19+$0xFFFFFE00];
	(xrf0) =	vadd.scan.msk.s32 $0xffff, v13;
	v4 =	vadd.s32 v4, v7  }
0x1aa: {  	v5 =	vld [tilespmem:s19+$0xFFFFFF00];
	v4 =	vadd.s32 v8, v4  }
0x1ab: {  	v6 =	vld [tilespmem:s19+$0x0];
	v4 =	vadd.s32 v10, v4  }
0x1ac: {  	v7 =	vld [tilespmem:s19+$0x100];
	v4 =	vadd.s32 v11, v4  }
0x1ad: {  	v8 =	vld [tilespmem:s19+$0x200];
	v4 =	vadd.s32 v12, v4  }
0x1ae: {  	v10 =	vld [tilespmem:s19+$0x300];
	v4 =	vadd.s32 v9, v4  }
0x1af: {  	v9 =	vld [tilespmem:s19+$0x400];
	v63, _, _ =	vpop (xrf0);
	v4 =	vadd.s32 v5, v4  }
0x1b0: {  	p3 =	por $0x0, $0x0;
	v11 =	vld [tilespmem:s19+$0x500];
	v14 =	vadd.s32 s15, v63;
	v4 =	vadd.s32 v6, v4  }
.Ltmp17:
0x1b1: {  	v5 =	vld [tilespmem:s19+$0x600];
	vm0 =	vlt.s32 v14, $0x400;
	v4 =	vadd.s32 v7, v4;
	(pc) =	sbr.rel @p3 .LBB2_32-.Ltmp17, $4  }
0x1b2: {  	v6 =	vld [tilespmem:s19+$0x700];
	s19 =	simm.s32 $0x8820;
	v7 =	vsel vm0, $0x1, v1;
	v4 =	vadd.s32 v8, v4  }
0x1b3: {  	(xrf0) =	vadd.scan.msk.s32 $0xffff, v7;
	v7 =	vld [tilespmem:s19+$0xFFFFF900];
	v8 =	vadd.s32 v10, v4  }
0x1b4: {  	v4 =	vld [tilespmem:s19+$0xFFFFF800];
	v10 =	vnsel vm0, $0x0, v13;
	v9 =	vadd.s32 v9, v8  }
0x1b5: {  	s28 =	simm.s32 $0x30;
	p1 =	por $0x1, $0x1;
	(v2sf) =	vpush v63, $0xF;
	(xrf0) =	vadd.scan.msk.s32 $0xffff, v10;
	v8 =	vld [tilespmem:s19+$0xFFFFFA00];
	v9 =	vadd.s32 v11, v9  }
0x1b6: {  	_ =	sdelay $0x2  }
0x1b7: {  	v10 =	vld [tilespmem:s19+$0xFFFFFB00]  }
0x1b8: {  	v11 =	vld [tilespmem:s19+$0xFFFFFC00];
	_ =	sdelay $0x1  }
0x1b9: {  	v5 =	vadd.s32 v5, v9;
	v4 =	vadd.s32 v4, v7  }
0x1ba: {  	v13 =	vadd.s32 v6, v5;
	v4 =	vadd.s32 v8, v4  }
0x1bb: {  	v12 =	vld [tilespmem:s19+$0xFFFFFD00];
	(xrf0) =	vadd.scan.msk.s32 $0xffff, v13;
	v4 =	vadd.s32 v10, v4  }
0x1bc: {  	v9 =	vld [tilespmem:s19+$0xFFFFFE00];
	v4 =	vadd.s32 v11, v4;
	v11, _, _ =	vpop (xrf0)  }
0x1bd: {  	v5 =	vld [tilespmem:s19+$0xFFFFFF00];
	v63, _, _ =	vpop (xrf0);
	(v2sf) =	vpush v11, $0xF  }
0x1be: {  	v6 =	vld [tilespmem:s19+$0x0];
	(v2sf) =	vpush v63, $0xF  }
0x1bf: {  	v7 =	vld [tilespmem:s19+$0x100]  }
0x1c0: {  	v8 =	vld [tilespmem:s19+$0x200];
	v4 =	vadd.s32 v12, v4  }
0x1c1: {  	v10 =	vld [tilespmem:s19+$0x300];
	v4 =	vadd.s32 v9, v4;
	v15, _, _ =	vpop (xrf0);
	s0 =	spop (v2sf)  }
0x1c2: {  	v9 =	vld [tilespmem:s19+$0x400];
	v4 =	vadd.s32 v5, v4;
	(v2sf) =	vpush v15, $0xF;
	s21 =	sadd.s32 s15, s0  }
0x1c3: {  	v14 =	vld [tilespmem:s19+$0x500];
	p3 =	por $0x0, $0x0;
	v4 =	vadd.s32 v6, v4;
	v16 =	vadd.s32 s21, v15  }
.Ltmp18:
0x1c4: {  	v5 =	vld [tilespmem:s19+$0x600];
	v4 =	vadd.s32 v7, v4;
	vm0 =	vlt.s32 v16, $0x400;
	(pc) =	sbr.rel @p3 .LBB2_34-.Ltmp18, $4  }
0x1c5: {  	v6 =	vld [tilespmem:s19+$0x700];
	s19 =	simm.s32 $0x8830;
	v4 =	vadd.s32 v8, v4;
	v7 =	vsel vm0, $0x1, v1  }
0x1c6: {  	s29 =	simm.s32 $0x40;
	v8 =	vadd.s32 v10, v4;
	v4 =	vld [tilespmem:s19+$0xFFFFF800];
	v10 =	vnsel vm0, $0x0, v13;
	(xrf0) =	vadd.scan.msk.s32 $0xffff, v7  }
0x1c7: {  	p2 =	por $0x1, $0x1;
	s22 =	simm.s32 $0x0;
	s24 =	simm.s32 $0x0;
	v9 =	vadd.s32 v9, v8;
	v7 =	vld [tilespmem:s19+$0xFFFFF900];
	(xrf0) =	vadd.scan.msk.s32 $0xffff, v10  }
0x1c8: {  	s25 =	smov.u32 s15;
	s23 =	simm.s32 $0x0;
	s26 =	simm.s32 $0x0;
	v8 =	vld [tilespmem:s19+$0xFFFFFA00];
	v9 =	vadd.s32 v14, v9  }
.LBB2_35:
0x1c9: {  	p3 =	seq.s32 s29, $0xF0;
	v10 =	vld [tilespmem:s19+$0xFFFFFB00];
	v5 =	vadd.s32 v5, v9  }
0x1ca: {  	v9 =	vld [tilespmem:s19+$0xFFFFFC00];
	v11 =	vadd.s32 v6, v5  }
0x1cb: {  	v5 =	vld [tilespmem:s19+$0xFFFFFD00];
	(xrf0) =	vadd.scan.msk.s32 $0xffff, v11  }
0x1cc: {  	v4 =	vadd.s32 v4, v7;
	v6 =	vld [tilespmem:s19+$0xFFFFFE00];
	v7, _, _ =	vpop (xrf0);
	s0 =	spop (v2sf)  }
0x1cd: {  	p5 =	seq.s32 s22, $0x0;
	v4 =	vadd.s32 v8, v4;
	v8 =	vld [tilespmem:s19+$0xFFFFFF00];
	(v2sf) =	vpush v7, $0xF;
	v7, _, _ =	vpop (xrf0);
	p4 =	slt.s32 s0, $0x10;
	s1 =	spop (v2sf)  }
0x1ce: {  	s0 =	sadd.s32 s24, s0;
	v4 =	vadd.s32 v10, v4;
	v10 =	vld [tilespmem:s19+$0x0];
	(v2sf) =	vpush v7, $0xF;
	p4 =	por !p5, !p4;
	s1 =	sadd.s32 s25, s1  }
0x1cf: {  	s24 =	smov.u32 s18;
	s25 =	smov.u32 s21;
	v4 =	vadd.s32 v9, v4;
	v7 =	vld [tilespmem:s19+$0x100];
	p4 =	por !p4, !p4  }
0x1d0: {  	s18 =	smov.u32 s20;
	v4 =	vadd.s32 v5, v4;
	v9 =	vld [tilespmem:s19+$0x200];
	s23 =	smov.u32 @p4 s0;
	s22 =	simm.s32 @p4 $0x1  }
0x1d1: {  	s20 =	smov.u32 s28;
	s26 =	smov.u32 @p4 s1;
	v4 =	vadd.s32 v6, v4;
	v12 =	vld [tilespmem:s19+$0x300];
	v5, _, _ =	vpop (xrf0);
	s0 =	spop (v2sf)  }
0x1d2: {  	s28 =	smov.u32 s29;
	v4 =	vadd.s32 v8, v4;
	v8 =	vld [tilespmem:s19+$0x400];
	(v2sf) =	vpush v5, $0xF;
	s21 =	sadd.s32 s21, s0  }
0x1d3: {  	v4 =	vadd.s32 v10, v4;
	v10 =	vld [tilespmem:s19+$0x500];
	v6 =	vadd.s32 s21, v5  }
.Ltmp19:
0x1d4: {  	v4 =	vadd.s32 v7, v4;
	v5 =	vld [tilespmem:s19+$0x600];
	vm0 =	vlt.s32 v6, $0x400;
	(pc) =	sbr.rel @!p3 .LBB2_35-.Ltmp19, $4  }
0x1d5: {  	v7 =	vadd.s32 v9, v4;
	v6 =	vld [tilespmem:s19+$0x700];
	s19 =	sadd.s32 $0x10, s19;
	v9 =	vsel vm0, $0x1, v1;
	v11 =	vnsel vm0, $0x0, v11  }
0x1d6: {  	v4 =	vld [tilespmem:s19+$0xFFFFF800];
	v12 =	vadd.s32 v12, v7;
	(xrf0) =	vadd.scan.msk.s32 $0xffff, v9  }
0x1d7: {  	v7 =	vld [tilespmem:s19+$0xFFFFF900];
	v9 =	vadd.s32 v8, v12;
	(xrf0) =	vadd.scan.msk.s32 $0xffff, v11  }
0x1d8: {  	s29 =	sadd.s32 $0x10, s29;
	v8 =	vld [tilespmem:s19+$0xFFFFFA00];
	v9 =	vadd.s32 v10, v9  }
0x1d9: {  	s29 =	smov.u32 s18;
	s18 =	smov.u32 s28  }
.LBB2_37:
0x1da: {  	v5 =	vadd.s32 @p0 v5, v9  }
0x1db: {  	v5 =	vadd.s32 @p0 v6, v5  }
0x1dc: {  	v51 =	vld [tilespmem:s19+$0xFFFFFB00];
	(xrf0) =	vadd.scan.msk.s32 @p0 $0xffff, v5  }
0x1dd: {  	v52 =	vld [tilespmem:s19+$0xFFFFFC00]  }
0x1de: {  	v10 =	vld [tilespmem:s19+$0xFFFFFD00]  }
0x1df: {  	v53 =	vld [tilespmem:s19+$0xFFFFFE00];
	v4 =	vadd.s32 v4, v7  }
0x1e0: {  	v54 =	vld [tilespmem:s19+$0xFFFFFF00];
	v11, _, _ =	vpop @p1 (xrf0);
	v4 =	vadd.s32 v8, v4  }
0x1e1: {  	v55 =	vld [tilespmem:s19+$0x0];
	(v2sf) =	vpush @p1 v11, $0xF;
	v11, _, _ =	vpop @p1 (xrf0);
	v4 =	vadd.s32 v51, v4  }
0x1e2: {  	v56 =	vld [tilespmem:s19+$0x100];
	(v2sf) =	vpush @p1 v11, $0xF;
	v4 =	vadd.s32 v52, v4;
	v11, _, _ =	vpop @p0 (xrf0)  }
0x1e3: {  	v57 =	vld [tilespmem:s19+$0x200];
	s0 =	spop @p2 (v2sf);
	v4 =	vadd.s32 v10, v4;
	(v2sf) =	vpush @p0 v11, $0xF  }
0x1e4: {  	v58 =	vld [tilespmem:s19+$0x300];
	s1 =	spop @p2 (v2sf);
	v4 =	vadd.s32 v53, v4  }
0x1e5: {  	v59 =	vld [tilespmem:s19+$0x400];
	s28 =	spop @p1 (v2sf);
	v4 =	vadd.s32 v54, v4  }
0x1e6: {  	v60 =	vld [tilespmem:s19+$0x500];
	s30 =	sadd.s32 @p1 s21, s28;
	s28 =	smov.u32 s15;
	v4 =	vadd.s32 v55, v4  }
0x1e7: {  	v61 =	vld [tilespmem:s19+$0x600];
	s28 =	smov.u32 @p1 s30;
	v4 =	vadd.s32 v56, v4  }
0x1e8: {  	v62 =	vld [tilespmem:s19+$0x700];
	v11 =	vadd.s32 @p0 s28, v11;
	v4 =	vadd.s32 v57, v4  }
0x1e9: {  	vm0 =	vlt.s32 @p0 v11, $0x400;
	v4 =	vadd.s32 v58, v4  }
0x1ea: {  	v7 =	vsel @p0 vm0, $0x1, v1;
	v4 =	vadd.s32 v59, v4  }
0x1eb: {  	(xrf0) =	vadd.scan.msk.s32 @p0 $0xffff, v7;
	v4 =	vadd.s32 v60, v4  }
0x1ec: {  	v5 =	vnsel @p0 vm0, $0x0, v5;
	v4 =	vadd.s32 v61, v4  }
0x1ed: {  	(xrf0) =	vadd.scan.msk.s32 @p0 $0xffff, v5;
	v4 =	vadd.s32 v62, v4  }
0x1ee: {  	(xrf0) =	vadd.scan.msk.s32 $0xffff, v4;
	_ =	sdelay $0x1  }
0x1ef: {  	s19 =	spop @p1 (v2sf)  }
0x1f0: {  	v5, _, _ =	vpop @p0 (xrf0);
	s30 =	spop @p1 (v2sf)  }
0x1f1: {  	(v2sf) =	vpush @p0 v5, $0xF;
	s31 =	spop @p0 (v2sf)  }
0x1f2: {  	v5, _, _ =	vpop @p0 (xrf0);
	s31 =	sadd.s32 @p0 s28, s31  }
0x1f3: {  	(v2sf) =	vpush @p0 v5, $0xF;
	v5, _, _ =	vpop (xrf0);
	s15 =	smov.u32 @p0 s31  }
0x1f4: {  	v63 =	vadd.s32 s15, v5  }
0x1f5: {  	vm15 =	vlt.s32 v63, $0x400  }
0x1f6: {  	v6 =	vsel vm15, $0x1, v1  }
0x1f7: {  	(xrf0) =	vadd.scan.msk.s32 $0xffff, v6  }
0x1f8: {  	v4 =	vnsel vm15, $0x0, v4  }
0x1f9: {  	p4 =	seq.s32 @p2 s22, $0x0;
	p3 =	slt.s32 @p2 s0, $0x10;
	(xrf0) =	vadd.scan.msk.s32 $0xffff, v4  }
0x1fa: {  	p3 =	por @p2 !p4, !p3  }
0x1fb: {  	p3 =	por @p2 !p3, !p3  }
0x1fc: {  	s0 =	sadd.s32 @p2 s24, s0;
	s1 =	sadd.s32 @p2 s25, s1;
	p3 =	por !p3, !p2;
	(v2sf) =	vpush v5, $0xF  }
0x1fd: {  	s0 =	smov.u32 @p3 s23;
	s22 =	simm.s32 @!p3 $0x1;
	s23 =	smov.u32 s16;
	v4, _, _ =	vpop (xrf0)  }
0x1fe: {  	s25 =	smov.u32 @p1 s29;
	s23 =	smov.u32 @p2 s22;
	s22 =	smov.u32 s16;
	(v2sf) =	vpush v4, $0xF  }
0x1ff: {  	s25 =	smov.u32 @p1 s25;
	s1 =	smov.u32 @p3 s26;
	s22 =	smov.u32 @p0 s20;
	v4, _, _ =	vpop (xrf0)  }
0x200: {  	s20 =	smov.u32 s16;
	p4 =	seq.s32 @p1 s23, $0x0;
	s24 =	spop @p0 (v2sf);
	(v2sf) =	vpush v4, $0xF  }
0x201: {  	s20 =	smov.u32 @p2 s0;
	s0 =	smov.u32 s16;
	p3 =	slt.s32 @p1 s19, $0x10  }
0x202: {  	s21 =	smov.u32 @p1 s21;
	s0 =	smov.u32 @p2 s1;
	p2 =	por @p1 !p4, !p3  }
0x203: {  	s26 =	smov.u32 @p0 s28;
	s19 =	sadd.s32 @p1 s25, s19;
	p2 =	por @p1 !p2, !p2  }
0x204: {  	s25 =	smov.u32 s16;
	s21 =	sadd.s32 @p1 s21, s30;
	p2 =	por !p2, !p1  }
0x205: {  	s23 =	simm.s32 @!p2 $0x1;
	s19 =	smov.u32 @p2 s20;
	s21 =	smov.u32 @p2 s0  }
0x206: {  	s0 =	smov.u32 @p0 s22;
	s20 =	smov.u32 s16;
	s25 =	smov.u32 @p1 s23  }
0x207: {  	s22 =	smov.u32 @p0 s26;
	p4 =	seq.s32 @p0 s25, $0x0;
	p3 =	slt.s32 @p0 s24, $0x10  }
0x208: {  	s20 =	smov.u32 @p1 s19;
	s19 =	smov.u32 s16;
	p2 =	por @p0 !p4, !p3  }
0x209: {  	s19 =	smov.u32 @p1 s21;
	p2 =	por @p0 !p2, !p2;
	s1 =	spop @p0 (v2sf)  }
0x20a: {  	s0 =	sadd.s32 @p0 s0, s24;
	p1 =	por !p2, !p0;
	s1 =	sadd.s32 @p0 s22, s1  }
0x20b: {  	s0 =	smov.u32 @p1 s20;
	s25 =	simm.s32 @!p1 $0x1;
	s29 =	spop (v2sf)  }
0x20c: {  	s20 =	smov.u32 s16;
	s1 =	smov.u32 @p1 s19;
	s19 =	smov.u32 s16  }
0x20d: {  	s20 =	smov.u32 @p0 s25;
	s19 =	smov.u32 @p0 s0;
	s30 =	spop (v2sf)  }
0x20e: {  	p5 =	seq.s32 s20, $0x0;
	s16 =	smov.u32 @p0 s1;
	p4 =	slt.s32 s30, $0x10  }
0x20f: {  	s31 =	spop (v2sf);
	s1 =	sadd.s32 s18, s30;
	p6 =	por !p5, !p4  }
0x210: {  	s18 =	simm.s32 $0x0;
	s0 =	sadd.s32 s15, s31;
	p0 =	por !p6, !p6  }
0x211: {  	s15 =	simm.s32 $0x40;
	s19 =	smov.u32 @p0 s1;
	s16 =	smov.u32 @p0 s0  }
.LBB2_38:
0x212: {  	p0 =	seq.s32 s15, $0x3FC0;
	[tilespmem:s18+$0x8000] =	vst v1;
	s0 =	smov.u32 s15;
	s15 =	sadd.s32 $0x40, s15  }
.Ltmp20:
0x213: {  	(pc) =	sbr.rel @!p0 .LBB2_38-.Ltmp20, $2  }
0x214: {  	_ =	sdelay $0x2  }
0x215: {  	s18 =	sshra.s32 s0, $0x2  }
0x216: {  	s0 =	sshll.u32 s19, $0x8  }
0x217: {  	s15 =	sor.u32 s17, s0  }
0x218: {  	s0 =	sshrl.u32 s15, $0x8  }
0x219: {  	[tilespmem:s18+$0x8000] =	vst v1;
	s18 =	simm.s32 $0x0;
	s17 =	simm.s32 $0x0;
	v4 =	vmov s0  }
.LBB2_40:
0x21a: {  	s0 =	sshra.s32 s18, $0x2  }
0x21b: {  	v5 =	vld [tilespmem:s0+$0x0];
	_ =	sdelay $0x4  }
0x21c: {  	v6 =	vshrl.u32 v5, $0x8  }
0x21d: {  	v5 =	vand.u32 $0xFF, v5;
	vm0 =	veq.s32 v6, v4  }
0x21e: {  	v5 =	vor.u32 v2, v5;
	_ =	sdelay $0x4  }
0x21f: {  	[tilespmem:v5+s7+$0x0] =	vst.idx.add.s32.msk vm0, v3  }
0x220: {  	v5 =	vld [tilespmem:s0+$0x10];
	_ =	sdelay $0x4  }
0x221: {  	v6 =	vshrl.u32 v5, $0x8  }
0x222: {  	v5 =	vand.u32 $0xFF, v5;
	vm13 =	veq.s32 v6, v4  }
0x223: {  	v5 =	vor.u32 v2, v5;
	_ =	sdelay $0x4  }
0x224: {  	[tilespmem:v5+s7+$0x0] =	vst.idx.add.s32.msk vm13, v3  }
0x225: {  	v5 =	vld [tilespmem:s0+$0x20];
	_ =	sdelay $0x4  }
0x226: {  	v6 =	vshrl.u32 v5, $0x8  }
0x227: {  	v5 =	vand.u32 $0xFF, v5;
	vm14 =	veq.s32 v6, v4  }
0x228: {  	v5 =	vor.u32 v2, v5;
	_ =	sdelay $0x4  }
0x229: {  	[tilespmem:v5+s7+$0x0] =	vst.idx.add.s32.msk vm14, v3  }
0x22a: {  	v5 =	vld [tilespmem:s0+$0x30];
	_ =	sdelay $0x4  }
0x22b: {  	v6 =	vshrl.u32 v5, $0x8  }
0x22c: {  	v5 =	vand.u32 $0xFF, v5;
	vm15 =	veq.s32 v6, v4  }
0x22d: {  	p0 =	sne.s32 s18, $0x1FF00;
	v5 =	vor.u32 v2, v5  }
.Ltmp21:
0x22e: {  	_ = 	snop;
	(pc) =	sbr.rel @p0 .LBB2_40-.Ltmp21, $2  }
0x22f: {  	_ =	sdelay $0x2  }
0x230: {  	s18 =	sadd.s32 $0x100, s18;
	[tilespmem:v5+s7+$0x0] =	vst.idx.add.s32.msk vm15, v3  }
0x231: {  	s0 =	simm.s32 $0x8800  }
0x232: {  	v4 =	vld [tilespmem:s0+$0xFFFFF800]  }
0x233: {  	v5 =	vld [tilespmem:s0+$0xFFFFF900]  }
0x234: {  	v6 =	vld [tilespmem:s0+$0xFFFFFA00]  }
0x235: {  	v7 =	vld [tilespmem:s0+$0xFFFFFB00]  }
0x236: {  	v8 =	vld [tilespmem:s0+$0xFFFFFC00]  }
0x237: {  	v9 =	vld [tilespmem:s0+$0xFFFFFD00]  }
0x238: {  	v10 =	vld [tilespmem:s0+$0xFFFFFE00];
	v4 =	vadd.s32 v4, v5  }
0x239: {  	v5 =	vld [tilespmem:s0+$0xFFFFFF00];
	v4 =	vadd.s32 v6, v4  }
0x23a: {  	v6 =	vld [tilespmem:s0+$0x0];
	v4 =	vadd.s32 v7, v4  }
0x23b: {  	v7 =	vld [tilespmem:s0+$0x100];
	v4 =	vadd.s32 v8, v4  }
0x23c: {  	v8 =	vld [tilespmem:s0+$0x200];
	v4 =	vadd.s32 v9, v4  }
0x23d: {  	v9 =	vld [tilespmem:s0+$0x300];
	v4 =	vadd.s32 v10, v4  }
0x23e: {  	v10 =	vld [tilespmem:s0+$0x400];
	v4 =	vadd.s32 v5, v4  }
0x23f: {  	v5 =	vld [tilespmem:s0+$0x500];
	v4 =	vadd.s32 v6, v4  }
0x240: {  	v6 =	vld [tilespmem:s0+$0x600];
	v4 =	vadd.s32 v7, v4  }
0x241: {  	v7 =	vld [tilespmem:s0+$0x700];
	v4 =	vadd.s32 v8, v4  }
0x242: {  	s30 =	simm.s32 $0x8810;
	v4 =	vadd.s32 v9, v4  }
0x243: {  	v8 =	vld [tilespmem:s30+$0xFFFFF800];
	v4 =	vadd.s32 v10, v4  }
0x244: {  	v9 =	vld [tilespmem:s30+$0xFFFFF900];
	v4 =	vadd.s32 v5, v4  }
0x245: {  	v10 =	vld [tilespmem:s30+$0xFFFFFA00];
	v4 =	vadd.s32 v6, v4  }
0x246: {  	v5 =	vld [tilespmem:s30+$0xFFFFFB00];
	v4 =	vadd.s32 v7, v4  }
0x247: {  	v6 =	vld [tilespmem:s30+$0xFFFFFC00];
	(xrf0) =	vadd.scan.msk.s32 $0xffff, v4  }
0x248: {  	v7 =	vld [tilespmem:s30+$0xFFFFFD00]  }
0x249: {  	v11 =	vld [tilespmem:s30+$0xFFFFFE00];
	v8 =	vadd.s32 v8, v9  }
0x24a: {  	v12 =	vld [tilespmem:s30+$0xFFFFFF00];
	v8 =	vadd.s32 v10, v8  }
0x24b: {  	v13 =	vld [tilespmem:s30+$0x400];
	v5 =	vadd.s32 v5, v8  }
0x24c: {  	v59 =	vld [tilespmem:s30+$0x600];
	v5 =	vadd.s32 v6, v5  }
0x24d: {  	v9 =	vld [tilespmem:s30+$0x0];
	v5 =	vadd.s32 v7, v5;
	v7, _, _ =	vpop (xrf0)  }
0x24e: {  	v10 =	vld [tilespmem:s30+$0x100];
	(v2sf) =	vpush v7, $0xF  }
0x24f: {  	v8 =	vld [tilespmem:s30+$0x200]  }
0x250: {  	v6 =	vld [tilespmem:s30+$0x300];
	v5 =	vadd.s32 v11, v5  }
0x251: {  	v11 =	vld [tilespmem:s30+$0x500];
	v5 =	vadd.s32 v12, v5  }
0x252: {  	s31 =	simm.s32 $0x8820;
	v5 =	vadd.s32 v9, v5;
	v9 =	vld [tilespmem:s30+$0x700]  }
0x253: {  	v7 =	vadd.s32 s16, v7;
	v5 =	vadd.s32 v10, v5;
	v10 =	vld [tilespmem:s31+$0xFFFFF800]  }
0x254: {  	vm0 =	vlt.s32 v7, $0x400;
	v5 =	vadd.s32 v8, v5;
	v8 =	vld [tilespmem:s31+$0xFFFFF900]  }
0x255: {  	v60 =	vsel vm0, $0x1, v1;
	v5 =	vadd.s32 v6, v5;
	v6 =	vld [tilespmem:s31+$0xFFFFFA00]  }
0x256: {  	v7 =	vld [tilespmem:s31+$0xFFFFFB00];
	v4 =	vnsel vm0, $0x0, v4;
	(xrf0) =	vadd.scan.msk.s32 $0xffff, v60;
	v5 =	vadd.s32 v13, v5  }
0x257: {  	(xrf0) =	vadd.scan.msk.s32 $0xffff, v4;
	v5 =	vadd.s32 v11, v5;
	v11 =	vld [tilespmem:s31+$0xFFFFFC00];
	_ =	sdelay $0x1  }
0x258: {  	v5 =	vadd.s32 v59, v5;
	v4 =	vadd.s32 v10, v8  }
0x259: {  	v9 =	vadd.s32 v9, v5;
	v4 =	vadd.s32 v6, v4  }
0x25a: {  	v61 =	vld [tilespmem:s31+$0xFFFFFD00];
	(xrf0) =	vadd.scan.msk.s32 $0xffff, v9;
	v4 =	vadd.s32 v7, v4  }
0x25b: {  	v5 =	vld [tilespmem:s31+$0xFFFFFE00];
	v4 =	vadd.s32 v11, v4;
	v11, _, _ =	vpop (xrf0)  }
0x25c: {  	v6 =	vld [tilespmem:s31+$0xFFFFFF00];
	v63, _, _ =	vpop (xrf0);
	s1 =	spop (v2sf);
	(v2sf) =	vpush v11, $0xF  }
0x25d: {  	v7 =	vld [tilespmem:s31+$0x0];
	(v2sf) =	vpush v63, $0xF  }
0x25e: {  	v8 =	vld [tilespmem:s31+$0x100]  }
0x25f: {  	v10 =	vld [tilespmem:s31+$0x200];
	v4 =	vadd.s32 v61, v4  }
0x260: {  	v62 =	vld [tilespmem:s31+$0x300];
	v4 =	vadd.s32 v5, v4;
	v15, _, _ =	vpop (xrf0)  }
0x261: {  	v14 =	vld [tilespmem:s31+$0x400];
	v4 =	vadd.s32 v6, v4;
	s19 =	sadd.s32 s16, s1;
	(v2sf) =	vpush v15, $0xF  }
0x262: {  	v16 =	vld [tilespmem:s31+$0x500];
	v4 =	vadd.s32 v7, v4;
	v5 =	vadd.s32 s19, v15  }
0x263: {  	v6 =	vadd.s32 v8, v4;
	v4 =	vld [tilespmem:s31+$0x600];
	vm15 =	vlt.s32 v5, $0x400  }
0x264: {  	s25 =	simm.s32 $0x8830;
	v6 =	vadd.s32 v10, v6;
	v5 =	vld [tilespmem:s31+$0x700];
	v7 =	vsel vm15, $0x1, v1  }
0x265: {  	s23 =	simm.s32 $0x10;
	v8 =	vadd.s32 v62, v6;
	v6 =	vld [tilespmem:s25+$0xFFFFF800];
	v9 =	vnsel vm15, $0x0, v9;
	(xrf0) =	vadd.scan.msk.s32 $0xffff, v7  }
0x266: {  	s22 =	simm.s32 $0x20;
	s21 =	simm.s32 $0x30;
	s26 =	simm.s32 $0x40;
	v10 =	vadd.s32 v14, v8;
	v7 =	vld [tilespmem:s25+$0xFFFFF900];
	(xrf0) =	vadd.scan.msk.s32 $0xffff, v9  }
0x267: {  	s24 =	simm.s32 $0x0;
	s20 =	simm.s32 $0x0;
	s18 =	simm.s32 $0x0;
	v8 =	vld [tilespmem:s25+$0xFFFFFA00];
	v9 =	vadd.s32 v16, v10  }
.LBB2_42:
0x268: {  	p0 =	sne.s32 s26, $0xF0;
	v10 =	vld [tilespmem:s25+$0xFFFFFB00];
	v4 =	vadd.s32 v4, v9  }
0x269: {  	v9 =	vld [tilespmem:s25+$0xFFFFFC00];
	v11 =	vadd.s32 v5, v4  }
0x26a: {  	v4 =	vld [tilespmem:s25+$0xFFFFFD00];
	(xrf0) =	vadd.scan.msk.s32 $0xffff, v11  }
0x26b: {  	v5 =	vadd.s32 v6, v7;
	v6 =	vld [tilespmem:s25+$0xFFFFFE00];
	v7, _, _ =	vpop (xrf0);
	s0 =	spop (v2sf)  }
0x26c: {  	p2 =	seq.s32 s17, $0x0;
	v5 =	vadd.s32 v8, v5;
	v8 =	vld [tilespmem:s25+$0xFFFFFF00];
	(v2sf) =	vpush v7, $0xF;
	v7, _, _ =	vpop (xrf0);
	p1 =	slt.s32 s0, $0x10;
	s1 =	spop (v2sf)  }
0x26d: {  	s0 =	sadd.s32 s24, s0;
	v5 =	vadd.s32 v10, v5;
	v10 =	vld [tilespmem:s25+$0x0];
	(v2sf) =	vpush v7, $0xF;
	p1 =	por !p2, !p1;
	s1 =	sadd.s32 s16, s1  }
0x26e: {  	s24 =	smov.u32 s23;
	s16 =	smov.u32 s19;
	v5 =	vadd.s32 v9, v5;
	v7 =	vld [tilespmem:s25+$0x100];
	p1 =	por !p1, !p1  }
0x26f: {  	s23 =	smov.u32 s22;
	v4 =	vadd.s32 v4, v5;
	v5 =	vld [tilespmem:s25+$0x200];
	s20 =	smov.u32 @p1 s0;
	s17 =	simm.s32 @p1 $0x1  }
0x270: {  	s22 =	smov.u32 s21;
	s18 =	smov.u32 @p1 s1;
	v4 =	vadd.s32 v6, v4;
	v9 =	vld [tilespmem:s25+$0x300];
	v6, _, _ =	vpop (xrf0);
	s0 =	spop (v2sf)  }
0x271: {  	s21 =	smov.u32 s26;
	v4 =	vadd.s32 v8, v4;
	v8 =	vld [tilespmem:s25+$0x400];
	(v2sf) =	vpush v6, $0xF;
	s19 =	sadd.s32 s19, s0  }
0x272: {  	v4 =	vadd.s32 v10, v4;
	v10 =	vld [tilespmem:s25+$0x500];
	v6 =	vadd.s32 s19, v6  }
.Ltmp22:
0x273: {  	v7 =	vadd.s32 v7, v4;
	v4 =	vld [tilespmem:s25+$0x600];
	vm0 =	vlt.s32 v6, $0x400;
	(pc) =	sbr.rel @p0 .LBB2_42-.Ltmp22, $4  }
0x274: {  	v7 =	vadd.s32 v5, v7;
	v5 =	vld [tilespmem:s25+$0x700];
	s25 =	sadd.s32 $0x10, s25;
	v12 =	vsel vm0, $0x1, v1;
	v11 =	vnsel vm0, $0x0, v11  }
0x275: {  	v6 =	vld [tilespmem:s25+$0xFFFFF800];
	v9 =	vadd.s32 v9, v7;
	(xrf0) =	vadd.scan.msk.s32 $0xffff, v12  }
0x276: {  	v7 =	vld [tilespmem:s25+$0xFFFFF900];
	v9 =	vadd.s32 v8, v9;
	(xrf0) =	vadd.scan.msk.s32 $0xffff, v11  }
0x277: {  	s26 =	sadd.s32 $0x10, s26;
	v8 =	vld [tilespmem:s25+$0xFFFFFA00];
	v9 =	vadd.s32 v10, v9  }
0x278: {  	v4 =	vadd.s32 v4, v9  }
0x279: {  	v9 =	vld [tilespmem:s25+$0xFFFFFB00];
	v4 =	vadd.s32 v5, v4  }
0x27a: {  	v5 =	vld [tilespmem:s25+$0xFFFFFC00];
	(xrf0) =	vadd.scan.msk.s32 $0xffff, v4  }
0x27b: {  	v10 =	vld [tilespmem:s25+$0xFFFFFD00]  }
0x27c: {  	v6 =	vadd.s32 v6, v7;
	v7 =	vld [tilespmem:s25+$0xFFFFFE00]  }
0x27d: {  	v6 =	vadd.s32 v8, v6;
	v8 =	vld [tilespmem:s25+$0xFFFFFF00]  }
0x27e: {  	v11, _, _ =	vpop (xrf0);
	v6 =	vadd.s32 v9, v6;
	v9 =	vld [tilespmem:s25+$0x0]  }
0x27f: {  	(v2sf) =	vpush v11, $0xF;
	v11, _, _ =	vpop (xrf0);
	v5 =	vadd.s32 v5, v6;
	v6 =	vld [tilespmem:s25+$0x100]  }
0x280: {  	(v2sf) =	vpush v11, $0xF;
	v5 =	vadd.s32 v10, v5;
	v10 =	vld [tilespmem:s25+$0x200];
	v11, _, _ =	vpop (xrf0)  }
0x281: {  	v5 =	vadd.s32 v7, v5;
	v7 =	vld [tilespmem:s25+$0x300];
	(v2sf) =	vpush v11, $0xF  }
0x282: {  	s0 =	spop (v2sf);
	v5 =	vadd.s32 v8, v5;
	v8 =	vld [tilespmem:s25+$0x400]  }
0x283: {  	s1 =	spop (v2sf);
	v5 =	vadd.s32 v9, v5;
	v9 =	vld [tilespmem:s25+$0x500]  }
0x284: {  	s26 =	spop (v2sf);
	v5 =	vadd.s32 v6, v5;
	v6 =	vld [tilespmem:s25+$0x600]  }
0x285: {  	s26 =	sadd.s32 s19, s26;
	v5 =	vadd.s32 v10, v5;
	v10 =	vld [tilespmem:s25+$0x700]  }
0x286: {  	v11 =	vadd.s32 s26, v11;
	v5 =	vadd.s32 v7, v5  }
0x287: {  	vm0 =	vlt.s32 v11, $0x400;
	v5 =	vadd.s32 v8, v5  }
0x288: {  	v7 =	vsel vm0, $0x1, v1;
	v5 =	vadd.s32 v9, v5  }
0x289: {  	v4 =	vnsel vm0, $0x0, v4;
	(xrf0) =	vadd.scan.msk.s32 $0xffff, v7;
	v5 =	vadd.s32 v6, v5  }
0x28a: {  	(xrf0) =	vadd.scan.msk.s32 $0xffff, v4;
	v4 =	vadd.s32 v10, v5  }
0x28b: {  	(xrf0) =	vadd.scan.msk.s32 $0xffff, v4;
	_ =	sdelay $0x2  }
0x28c: {  	s30 =	spop (v2sf)  }
0x28d: {  	v5, _, _ =	vpop (xrf0);
	s28 =	spop (v2sf)  }
0x28e: {  	v6, _, _ =	vpop (xrf0);
	s29 =	spop (v2sf)  }
0x28f: {  	v7, _, _ =	vpop (xrf0);
	s29 =	sadd.s32 s26, s29  }
0x290: {  	v8 =	vadd.s32 s29, v7  }
0x291: {  	vm15 =	vlt.s32 v8, $0x400  }
0x292: {  	v8 =	vsel vm15, $0x1, v1  }
0x293: {  	(xrf0) =	vadd.scan.msk.s32 $0xffff, v8;
	_ =	sdelay $0x1  }
0x294: {  	v4 =	vnsel vm15, $0x0, v4  }
0x295: {  	(v2sf) =	vpush v5, $0xF;
	(xrf0) =	vadd.scan.msk.s32 $0xffff, v4;
	_ =	sdelay $0x1  }
0x296: {  	(v2sf) =	vpush v6, $0xF  }
0x297: {  	(v2sf) =	vpush v7, $0xF;
	v4, _, _ =	vpop (xrf0)  }
0x298: {  	(v2sf) =	vpush v4, $0xF;
	_ =	sdelay $0x1  }
0x299: {  	v4, _, _ =	vpop (xrf0)  }
0x29a: {  	(v2sf) =	vpush v4, $0xF  }
0x29b: {  	p1 =	seq.s32 s17, $0x0;
	p0 =	slt.s32 s0, $0x10  }
0x29c: {  	p0 =	por !p1, !p0  }
0x29d: {  	p1 =	por !p0, !p0  }
0x29e: {  	s17 =	simm.s32 @p1 $0x1  }
0x29f: {  	p2 =	seq.s32 s17, $0x0;
	p5 =	slt.s32 s30, $0x10  }
0x2a0: {  	s0 =	sadd.s32 s24, s0;
	p0 =	por !p2, !p5  }
0x2a1: {  	s1 =	sadd.s32 s16, s1;
	s20 =	smov.u32 @p1 s0;
	p0 =	por !p0, !p0  }
0x2a2: {  	s18 =	smov.u32 @p1 s1;
	s17 =	simm.s32 @p0 $0x1;
	s31 =	spop (v2sf)  }
0x2a3: {  	s1 =	sadd.s32 s23, s30;
	p3 =	seq.s32 s17, $0x0;
	p6 =	slt.s32 s31, $0x10  }
0x2a4: {  	s19 =	sadd.s32 s19, s28;
	s24 =	spop (v2sf);
	p3 =	por !p3, !p6  }
0x2a5: {  	s20 =	smov.u32 @p0 s1;
	p1 =	por !p3, !p3;
	s25 =	spop (v2sf)  }
0x2a6: {  	s18 =	smov.u32 @p0 s19;
	s17 =	simm.s32 @p1 $0x1;
	s23 =	spop (v2sf)  }
0x2a7: {  	s1 =	sadd.s32 s22, s31;
	p5 =	seq.s32 s17, $0x0;
	p4 =	slt.s32 s23, $0x10  }
0x2a8: {  	s0 =	sadd.s32 s26, s24;
	s20 =	smov.u32 @p1 s1;
	p6 =	por !p5, !p4  }
0x2a9: {  	s1 =	sadd.s32 s21, s23;
	s28 =	spop (v2sf);
	p0 =	por !p6, !p6  }
0x2aa: {  	s18 =	smov.u32 @p1 s0;
	s0 =	sadd.s32 s29, s28;
	s20 =	smov.u32 @p0 s1  }
0x2ab: {  	v9 =	vimm.s32 $0x0;
	s18 =	smov.u32 @p0 s0;
	s1 =	sor.u32 s15, s20  }
0x2ac: {  	v10 =	vimm.s32 $0x0;
	s31 =	ssub.s32 $0x400, s18;
	v4 =	vmov s18;
	s30 =	sxor.u32 $0x80000000, s1;
	v6 =	vmov s1  }
0x2ad: {  	s16 =	simm.s32 $0x20;
	s15 =	simm.s32 $0x0;
	v7 =	vmov s31;
	v8 =	vadd.s32 $0xFFFFFFFF, v4;
	v5 =	vmov s30  }
.LBB2_44:
0x2ae: {  	v11 =	vld [tilespmem:s16+$0xFFFFFFE0];
	_ =	sdelay $0x4  }
0x2af: {  	v12 =	vxor.u32 $0x80000000, v11  }
0x2b0: {  	vm0 =	vlt.s32 v12, v5  }
0x2b1: {  	vm1 =	veq.s32 v11, v6;
	v12 =	vsel vm0, $0x1, v1  }
0x2b2: {  	v30 =	vsel vm1, $0x1, v1;
	(xrf0) =	vadd.scan.msk.s32 $0xffff, v12  }
0x2b3: {  	(xrf0) =	vadd.scan.msk.s32 $0xffff, v30;
	_ =	sdelay $0x4  }
0x2b4: {  	v31, _, _ =	vpop (xrf0)  }
0x2b5: {  	v13, _, _ =	vpop (xrf0)  }
0x2b6: {  	v12 =	vadd.s32 v31, v10;
	v14 =	vadd.s32 v9, v13  }
0x2b7: {  	v12 =	vadd.s32 $0xFFFFFFFF, v12;
	vm2 =	vle.s32 v14, v7  }
0x2b8: {  	v32 =	vadd.s32 v9, v8;
	vm1 =	vmand vm1, vm2  }
0x2b9: {  	v13 =	vadd.s32 v13, v32;
	_ =	sdelay $0x2  }
0x2ba: {  	v33 =	vor.u32 s15, v0;
	[tilespmem:v12+s8+$0x0] =	vst.idx.msk vm0, v11  }
0x2bb: {  	[tilespmem:v12+s9+$0x0] =	vst.idx.msk vm0, v33  }
0x2bc: {  	[tilespmem:v13+s10+$0x0] =	vst.idx.msk vm1, v33  }
0x2bd: {  	v11 =	vld [tilespmem:s16+$0xFFFFFFF0];
	_ =	sdelay $0x4  }
0x2be: {  	v34 =	vxor.u32 $0x80000000, v11  }
0x2bf: {  	vm8 =	vlt.s32 v34, v5  }
0x2c0: {  	vm3 =	veq.s32 v11, v6;
	v12 =	vsel vm8, $0x1, v1  }
0x2c1: {  	v35 =	vsel vm3, $0x1, v1;
	(xrf0) =	vadd.scan.msk.s32 $0xffff, v12  }
0x2c2: {  	(xrf0) =	vadd.scan.msk.s32 $0xffff, v35;
	_ =	sdelay $0x3  }
0x2c3: {  	v36 =	vmpcnt.ones.xlane vm0;
	v37 =	vmpcnt.ones.xlane vm1  }
0x2c4: {  	v38, _, _ =	vpop (xrf0)  }
0x2c5: {  	v10 =	vadd.s32 v10, v36;
	v9 =	vadd.s32 v9, v37;
	v39, _, _ =	vpop (xrf0)  }
0x2c6: {  	v40 =	vadd.s32 v38, v10;
	v41 =	vadd.s32 v9, v39  }
0x2c7: {  	v13 =	vadd.s32 $0xFFFFFFFF, v40;
	vm9 =	vle.s32 v41, v7  }
0x2c8: {  	v42 =	vadd.s32 v9, v8;
	vm0 =	vmand vm3, vm9  }
0x2c9: {  	v12 =	vadd.s32 v39, v42;
	_ =	sdelay $0x1  }
0x2ca: {  	s0 =	sadd.s32 $0x10, s15  }
0x2cb: {  	v43 =	vor.u32 s0, v0;
	[tilespmem:v13+s8+$0x0] =	vst.idx.msk vm8, v11  }
0x2cc: {  	[tilespmem:v13+s9+$0x0] =	vst.idx.msk vm8, v43  }
0x2cd: {  	[tilespmem:v12+s10+$0x0] =	vst.idx.msk vm0, v43  }
0x2ce: {  	v11 =	vld [tilespmem:s16+$0x0];
	_ =	sdelay $0x4  }
0x2cf: {  	v44 =	vxor.u32 $0x80000000, v11  }
0x2d0: {  	vm10 =	vlt.s32 v44, v5  }
0x2d1: {  	vm11 =	veq.s32 v11, v6;
	v12 =	vsel vm10, $0x1, v1  }
0x2d2: {  	v45 =	vsel vm11, $0x1, v1;
	(xrf0) =	vadd.scan.msk.s32 $0xffff, v12  }
0x2d3: {  	(xrf0) =	vadd.scan.msk.s32 $0xffff, v45;
	_ =	sdelay $0x3  }
0x2d4: {  	v46 =	vmpcnt.ones.xlane vm8;
	v47 =	vmpcnt.ones.xlane vm0  }
0x2d5: {  	v48, _, _ =	vpop (xrf0)  }
0x2d6: {  	v10 =	vadd.s32 v10, v46;
	v9 =	vadd.s32 v9, v47;
	v49, _, _ =	vpop (xrf0)  }
0x2d7: {  	v50 =	vadd.s32 v48, v10;
	v51 =	vadd.s32 v9, v49  }
0x2d8: {  	v13 =	vadd.s32 $0xFFFFFFFF, v50;
	vm12 =	vle.s32 v51, v7  }
0x2d9: {  	v52 =	vadd.s32 v9, v8;
	vm0 =	vmand vm11, vm12  }
0x2da: {  	v12 =	vadd.s32 v49, v52;
	_ =	sdelay $0x1  }
0x2db: {  	s30 =	sadd.s32 $0x20, s15  }
0x2dc: {  	v53 =	vor.u32 s30, v0;
	[tilespmem:v13+s8+$0x0] =	vst.idx.msk vm10, v11  }
0x2dd: {  	[tilespmem:v13+s9+$0x0] =	vst.idx.msk vm10, v53  }
0x2de: {  	[tilespmem:v12+s10+$0x0] =	vst.idx.msk vm0, v53  }
0x2df: {  	v11 =	vld [tilespmem:s16+$0x10];
	_ =	sdelay $0x4  }
0x2e0: {  	v54 =	vxor.u32 $0x80000000, v11  }
0x2e1: {  	vm13 =	vlt.s32 v54, v5  }
0x2e2: {  	vm14 =	veq.s32 v11, v6;
	v12 =	vsel vm13, $0x1, v1  }
0x2e3: {  	v55 =	vsel vm14, $0x1, v1;
	(xrf0) =	vadd.scan.msk.s32 $0xffff, v12  }
0x2e4: {  	(xrf0) =	vadd.scan.msk.s32 $0xffff, v55;
	_ =	sdelay $0x3  }
0x2e5: {  	v56 =	vmpcnt.ones.xlane vm10;
	v57 =	vmpcnt.ones.xlane vm0  }
0x2e6: {  	v58, _, _ =	vpop (xrf0)  }
0x2e7: {  	v10 =	vadd.s32 v10, v56;
	v9 =	vadd.s32 v9, v57;
	v59, _, _ =	vpop (xrf0)  }
0x2e8: {  	v60 =	vadd.s32 v58, v10;
	v61 =	vadd.s32 v9, v59  }
0x2e9: {  	v13 =	vadd.s32 $0xFFFFFFFF, v60;
	vm15 =	vle.s32 v61, v7  }
0x2ea: {  	v62 =	vadd.s32 v9, v8;
	vm0 =	vmand vm14, vm15  }
0x2eb: {  	p0 =	seq.s32 s15, $0x7FC0;
	v12 =	vadd.s32 v59, v62  }
.Ltmp23:
0x2ec: {  	_ = 	snop;
	(pc) =	sbr.rel @!p0 .LBB2_44-.Ltmp23, $4  }
0x2ed: {  	s31 =	sadd.s32 $0x30, s15  }
0x2ee: {  	v63 =	vor.u32 s31, v0;
	v15 =	vmpcnt.ones.xlane vm0;
	[tilespmem:v13+s8+$0x0] =	vst.idx.msk vm13, v11;
	v11 =	vmpcnt.ones.xlane vm13  }
0x2ef: {  	[tilespmem:v13+s9+$0x0] =	vst.idx.msk vm13, v63  }
0x2f0: {  	s15 =	sadd.s32 $0x40, s15;
	s16 =	sadd.s32 $0x40, s16;
	v9 =	vadd.s32 v9, v15;
	v10 =	vadd.s32 v10, v11;
	[tilespmem:v12+s10+$0x0] =	vst.idx.msk vm0, v63  }
0x2f1: {  	s15 =	simm.s32 $0x40;
	s16 =	simm.s32 $0x0  }
.LBB2_46:
0x2f2: {  	p0 =	seq.s32 s15, $0x3FC0;
	[tilespmem:s16+$0x8000] =	vst v1;
	s0 =	smov.u32 s15;
	s15 =	sadd.s32 $0x40, s15  }
.Ltmp24:
0x2f3: {  	(pc) =	sbr.rel @!p0 .LBB2_46-.Ltmp24, $2  }
0x2f4: {  	_ =	sdelay $0x2  }
0x2f5: {  	s16 =	sshra.s32 s0, $0x2  }
0x2f6: {  	s0 =	sadd.s32 $0xF, s18  }
0x2f7: {  	s1 =	sand.u32 $0xF, s0  }
0x2f8: {  	s15 =	sshra.s32 s0, $0x1F;
	p0 =	slt.s32 s0, $0x1;
	p1 =	sne.s32 s1, $0x0  }
0x2f9: {  	s31 =	sshrl.u32 s15, $0x1C;
	p0 =	por !p0, !p1  }
0x2fa: {  	s1 =	simm.s32 $0x1;
	s0 =	sadd.s32 s31, s0;
	p0 =	por !p0, !p0  }
0x2fb: {  	s0 =	sshra.s32 s0, $0x4;
	s1 =	simm.s32 @!p0 $0x0  }
0x2fc: {  	s15 =	ssub.s32 s0, s1  }
0x2fd: {  	p0 =	sgt.s32 s15, $0x0  }
.Ltmp25:
0x2fe: {  	_ = 	snop;
	(pc) =	sbr.rel @!p0 .LBB2_54-.Ltmp25, $2  }
0x2ff: {  	_ =	sdelay $0x2  }
0x300: {  	[tilespmem:s16+$0x8000] =	vst v1  }
0x301: {  	p2 =	seq.s32 s15, $0x1  }
.Ltmp26:
0x302: {  	_ = 	snop;
	(pc) =	sbr.rel @p2 .LBB2_49-.Ltmp26, $3  }
0x303: {  	_ =	sdelay $0x1  }
0x304: {  	s17 =	simm.s32 $0x9100  }
0x305: {  	s16 =	simm.s32 $0x0;
	p1 =	por $0x0, $0x0;
	v5 =	vld [tilespmem:s17+$0x0];
	s17 =	sadd.s32 $0xFFFFFFFF, s15  }
0x306: {  	_ =	sdelay $0x2  }
0x307: {  	v6 =	vor.u32 s16, v0  }
0x308: {  	vm0 =	vlt.s32 v6, v4;
	v5 =	vand.u32 $0xFF, v5  }
0x309: {  	v5 =	vor.u32 v2, v5  }
0x30a: {  	p2 =	seq.s32 s17, $0x1  }
.Ltmp27:
0x30b: {  	_ = 	snop;
	(pc) =	sbr.rel @p2 .LBB2_51-.Ltmp27, $3  }
0x30c: {  	_ =	sdelay $0x1  }
0x30d: {  	s18 =	simm.s32 $0x9110;
	[tilespmem:v5+s7+$0x0] =	vst.idx.add.s32.msk vm0, v3  }
0x30e: {  	s19 =	sadd.s32 $0xFFFFFFFF, s17;
	p1 =	por $0x1, $0x1;
	s17 =	simm.s32 $0x0;
	v5 =	vld [tilespmem:s18+$0x0]  }
.LBB2_52:
0x30f: {  	p2 =	seq.s32 s19, $0x1;
	_ =	sdelay $0x1  }
0x310: {  	s17 =	sadd.s32 $0x10, s17  }
0x311: {  	v6 =	vor.u32 s17, v0  }
0x312: {  	vm0 =	vlt.s32 v6, v4;
	v5 =	vand.u32 $0xFF, v5  }
0x313: {  	v5 =	vor.u32 v2, v5;
	_ =	sdelay $0x1  }
.Ltmp28:
0x314: {  	(pc) =	sbr.rel @!p2 .LBB2_52-.Ltmp28, $3  }
0x315: {  	_ =	sdelay $0x1  }
0x316: {  	s18 =	sadd.s32 $0x10, s18;
	[tilespmem:v5+s7+$0x0] =	vst.idx.add.s32.msk vm0, v3  }
0x317: {  	s19 =	sadd.s32 $0xFFFFFFFF, s19;
	v5 =	vld [tilespmem:s18+$0x0]  }
.LBB2_53:
0x318: {  	_ = 	snop  }
0x319: {  	s0 =	sadd.s32 @p1 $0x10, s17  }
0x31a: {  	s16 =	smov.u32 @p1 s0  }
0x31b: {  	v6 =	vor.u32 s16, v0  }
0x31c: {  	vm0 =	vlt.s32 v6, v4;
	v5 =	vand.u32 $0xFF, v5  }
0x31d: {  	v5 =	vor.u32 v2, v5;
	_ =	sdelay $0x4  }
0x31e: {  	[tilespmem:v5+s7+$0x0] =	vst.idx.add.s32.msk vm0, v3  }
.LBB2_54:
0x31f: {  	s19 =	simm.s32 $0x0  }
0x320: {  	v5 =	vld [tilespmem:s19+$0x8000]  }
0x321: {  	v6 =	vld [tilespmem:s19+$0x8100]  }
0x322: {  	v7 =	vld [tilespmem:s19+$0x8200]  }
0x323: {  	v8 =	vld [tilespmem:s19+$0x8300]  }
0x324: {  	v9 =	vld [tilespmem:s19+$0x8400]  }
0x325: {  	v10 =	vld [tilespmem:s19+$0x8500]  }
0x326: {  	v11 =	vld [tilespmem:s19+$0x8600];
	v5 =	vadd.s32 v5, v6  }
0x327: {  	v12 =	vld [tilespmem:s19+$0x8700];
	v5 =	vadd.s32 v7, v5  }
0x328: {  	v13 =	vld [tilespmem:s19+$0x8800];
	v5 =	vadd.s32 v8, v5  }
0x329: {  	v6 =	vld [tilespmem:s19+$0x8900];
	v5 =	vadd.s32 v9, v5  }
0x32a: {  	v7 =	vld [tilespmem:s19+$0x8A00];
	v5 =	vadd.s32 v10, v5  }
0x32b: {  	v8 =	vld [tilespmem:s19+$0x8B00];
	v5 =	vadd.s32 v11, v5  }
0x32c: {  	v9 =	vld [tilespmem:s19+$0x8C00];
	v5 =	vadd.s32 v12, v5  }
0x32d: {  	v10 =	vld [tilespmem:s19+$0x8D00];
	v5 =	vadd.s32 v13, v5  }
0x32e: {  	v11 =	vld [tilespmem:s19+$0x8E00];
	v5 =	vadd.s32 v6, v5  }
0x32f: {  	s17 =	simm.s32 $0x10;
	v61 =	vld [tilespmem:s19+$0x8F00];
	v5 =	vadd.s32 v7, v5  }
0x330: {  	v62 =	vld [tilespmem:s17+$0x8000];
	v5 =	vadd.s32 v8, v5  }
0x331: {  	v6 =	vld [tilespmem:s17+$0x8100];
	v5 =	vadd.s32 v9, v5  }
0x332: {  	v7 =	vld [tilespmem:s17+$0x8200];
	v5 =	vadd.s32 v10, v5  }
0x333: {  	v8 =	vld [tilespmem:s17+$0x8300];
	v5 =	vadd.s32 v11, v5  }
0x334: {  	v9 =	vld [tilespmem:s17+$0x8400];
	v12 =	vadd.s32 v61, v5  }
0x335: {  	v10 =	vld [tilespmem:s17+$0x8500];
	(xrf0) =	vadd.scan.msk.s32 $0xffff, v12  }
0x336: {  	v11 =	vld [tilespmem:s17+$0x8600];
	v5 =	vadd.s32 v62, v6  }
0x337: {  	v6 =	vld [tilespmem:s17+$0x8700];
	v5 =	vadd.s32 v7, v5  }
0x338: {  	v7 =	vld [tilespmem:s17+$0x8800];
	v5 =	vadd.s32 v8, v5  }
0x339: {  	v8 =	vld [tilespmem:s17+$0x8900];
	v5 =	vadd.s32 v9, v5  }
0x33a: {  	v9 =	vld [tilespmem:s17+$0x8A00];
	v5 =	vadd.s32 v10, v5  }
0x33b: {  	v10 =	vld [tilespmem:s17+$0x8B00];
	v11 =	vadd.s32 v11, v5;
	v63, _, _ =	vpop (xrf0)  }
0x33c: {  	s16 =	simm.s32 $0x0;
	v5 =	vld [tilespmem:s17+$0x8C00];
	v11 =	vadd.s32 v6, v11;
	(v2sf) =	vpush v63, $0xF  }
0x33d: {  	v12 =	vsub.s32 s16, v12;
	v6 =	vld [tilespmem:s17+$0x8D00];
	v11 =	vadd.s32 v7, v11  }
0x33e: {  	v7 =	vld [tilespmem:s17+$0x8E00];
	v11 =	vadd.s32 v8, v11;
	v12 =	vadd.s32 v63, v12  }
0x33f: {  	s18 =	simm.s32 $0x20;
	v8 =	vld [tilespmem:s17+$0x8F00];
	v11 =	vadd.s32 v9, v11;
	[tilespmem:s19+$0x9000] =	vst v12  }
0x340: {  	s19 =	simm.s32 $0xC0;
	v9 =	vld [tilespmem:s18+$0x8000];
	v10 =	vadd.s32 v10, v11  }
.LBB2_55:
0x341: {  	p1 =	seq.s32 s19, $0x3C0;
	v11 =	vld [tilespmem:s18+$0x8100];
	v5 =	vadd.s32 v5, v10  }
0x342: {  	v10 =	vld [tilespmem:s18+$0x8200];
	v5 =	vadd.s32 v6, v5  }
0x343: {  	v6 =	vld [tilespmem:s18+$0x8300];
	v5 =	vadd.s32 v7, v5  }
0x344: {  	v7 =	vld [tilespmem:s18+$0x8400];
	v8 =	vadd.s32 v8, v5  }
0x345: {  	v5 =	vld [tilespmem:s18+$0x8500];
	(xrf0) =	vadd.scan.msk.s32 $0xffff, v8  }
0x346: {  	v9 =	vadd.s32 v9, v11;
	v11 =	vld [tilespmem:s18+$0x8600]  }
0x347: {  	v9 =	vadd.s32 v10, v9;
	v10 =	vld [tilespmem:s18+$0x8700]  }
0x348: {  	v6 =	vadd.s32 v6, v9;
	v9 =	vld [tilespmem:s18+$0x8800]  }
0x349: {  	v6 =	vadd.s32 v7, v6;
	v7 =	vld [tilespmem:s18+$0x8900]  }
0x34a: {  	v5 =	vadd.s32 v5, v6;
	v12 =	vld [tilespmem:s18+$0x8A00]  }
0x34b: {  	v5 =	vadd.s32 v11, v5;
	v11 =	vld [tilespmem:s18+$0x8B00];
	v13, _, _ =	vpop (xrf0);
	s0 =	spop (v2sf)  }
.Ltmp29:
0x34c: {  	v6 =	vadd.s32 v10, v5;
	v5 =	vld [tilespmem:s18+$0x8C00];
	(v2sf) =	vpush v13, $0xF;
	s16 =	sadd.s32 s16, s0;
	(pc) =	sbr.rel @!p1 .LBB2_55-.Ltmp29, $4  }
0x34d: {  	v9 =	vadd.s32 v9, v6;
	v6 =	vld [tilespmem:s18+$0x8D00];
	v8 =	vsub.s32 s16, v8  }
0x34e: {  	v9 =	vadd.s32 v7, v9;
	v7 =	vld [tilespmem:s18+$0x8E00];
	v10 =	vadd.s32 v13, v8  }
0x34f: {  	v12 =	vadd.s32 v12, v9;
	v8 =	vld [tilespmem:s18+$0x8F00];
	[tilespmem:s17+$0x9000] =	vst v10;
	s17 =	smov.u32 s18;
	s18 =	sshra.s32 s19, $0x2  }
0x350: {  	s19 =	sadd.s32 $0x40, s19;
	v9 =	vld [tilespmem:s18+$0x8000];
	v10 =	vadd.s32 v11, v12  }
0x351: {  	v11 =	vld [tilespmem:s18+$0x8100]  }
0x352: {  	v12 =	vld [tilespmem:s18+$0x8200]  }
0x353: {  	v13 =	vld [tilespmem:s18+$0x8300]  }
0x354: {  	v14 =	vld [tilespmem:s18+$0x8400]  }
0x355: {  	v15 =	vld [tilespmem:s18+$0x8500]  }
0x356: {  	v54 =	vld [tilespmem:s18+$0x8600];
	v9 =	vadd.s32 v9, v11  }
0x357: {  	v55 =	vld [tilespmem:s18+$0x8700];
	v9 =	vadd.s32 v12, v9  }
0x358: {  	v56 =	vld [tilespmem:s18+$0x8800];
	v9 =	vadd.s32 v13, v9  }
0x359: {  	v57 =	vld [tilespmem:s18+$0x8900];
	v9 =	vadd.s32 v14, v9  }
0x35a: {  	v58 =	vld [tilespmem:s18+$0x8A00];
	v9 =	vadd.s32 v15, v9  }
0x35b: {  	v59 =	vld [tilespmem:s18+$0x8B00];
	v9 =	vadd.s32 v54, v9  }
0x35c: {  	v60 =	vld [tilespmem:s18+$0x8C00];
	v9 =	vadd.s32 v55, v9  }
0x35d: {  	v5 =	vadd.s32 v5, v10;
	v61 =	vld [tilespmem:s18+$0x8D00];
	v9 =	vadd.s32 v56, v9  }
0x35e: {  	v62 =	vld [tilespmem:s18+$0x8E00];
	v5 =	vadd.s32 v6, v5;
	v6 =	vadd.s32 v57, v9  }
0x35f: {  	v5 =	vadd.s32 v7, v5;
	v7 =	vld [tilespmem:s18+$0x8F00];
	v6 =	vadd.s32 v58, v6  }
0x360: {  	v5 =	vadd.s32 v8, v5;
	v6 =	vadd.s32 v59, v6  }
0x361: {  	(xrf0) =	vadd.scan.msk.s32 $0xffff, v5;
	v6 =	vadd.s32 v60, v6  }
0x362: {  	v6 =	vadd.s32 v61, v6  }
0x363: {  	v6 =	vadd.s32 v62, v6  }
0x364: {  	v6 =	vadd.s32 v7, v6  }
0x365: {  	(xrf0) =	vadd.scan.msk.s32 $0xffff, v6;
	_ =	sdelay $0x1  }
0x366: {  	v7, _, _ =	vpop (xrf0)  }
0x367: {  	(v2sf) =	vpush v7, $0xF;
	_ =	sdelay $0x2  }
0x368: {  	v63, _, _ =	vpop (xrf0)  }
0x369: {  	(v2sf) =	vpush v63, $0xF;
	_ =	sdelay $0x9  }
0x36a: {  	s0 =	spop (v2sf)  }
.Ltmp30:
0x36b: {  	s0 =	sadd.s32 s16, s0;
	s1 =	spop (v2sf);
	(pc) =	sbr.rel @!p0 .LBB2_63-.Ltmp30, $4  }
0x36c: {  	v5 =	vsub.s32 s0, v5;
	s0 =	sadd.s32 s0, s1  }
0x36d: {  	v5 =	vadd.s32 v7, v5;
	v6 =	vsub.s32 s0, v6  }
0x36e: {  	[tilespmem:s17+$0x9000] =	vst v5;
	v5 =	vadd.s32 v63, v6  }
0x36f: {  	[tilespmem:s18+$0x9000] =	vst v5;
	s31 =	spop (v2sf)  }
0x370: {  	p2 =	seq.s32 s15, $0x1  }
.Ltmp31:
0x371: {  	_ = 	snop;
	(pc) =	sbr.rel @p2 .LBB2_58-.Ltmp31, $4  }
0x372: {  	_ = 	snop  }
0x373: {  	s18 =	simm.s32 $0x9100  }
0x374: {  	s17 =	simm.s32 $0x9500;
	v5 =	vld [tilespmem:s18+$0x0]  }
0x375: {  	s16 =	simm.s32 $0x0;
	p1 =	por $0x0, $0x0;
	v6 =	vld [tilespmem:s17+$0x0];
	s18 =	sadd.s32 $0xFFFFFFFF, s15  }
0x376: {  	_ =	sdelay $0x1  }
0x377: {  	v7 =	vor.u32 s16, v0  }
0x378: {  	vm0 =	vlt.s32 v7, v4;
	v7 =	vand.u32 $0xFF, v5  }
0x379: {  	(xrf1) =	vunique.msk.u32 vm0, v7;
	_ =	sdelay $0x9  }
0x37a: {  	v8 =	vld.idx.msk [tilespmem:v7+s11+$0x0], $0xffff;
	_ =	sdelay $0x3  }
0x37b: {  	_, v9, vm1 =	vpop (xrf1)  }
0x37c: {  	v8 =	vadd.s32 v9, v8  }
0x37d: {  	v8 =	vadd.s32 $0xFFFFFFFF, v8  }
0x37e: {  	vm1 =	vmand vm0, vm1;
	_ =	sdelay $0x3  }
0x37f: {  	p2 =	seq.s32 s18, $0x1;
	[tilespmem:v8+s12+$0x0] =	vst.idx.msk vm0, v5  }
.Ltmp32:
0x380: {  	[tilespmem:v8+s13+$0x0] =	vst.idx.msk vm0, v6;
	(pc) =	sbr.rel @p2 .LBB2_60-.Ltmp32, $4  }
0x381: {  	s17 =	simm.s32 $0x9110;
	[tilespmem:v7+s11+$0x0] =	vst.idx.add.s32.msk vm1, v9  }
0x382: {  	v5 =	vld [tilespmem:s17+$0x0]  }
0x383: {  	s19 =	simm.s32 $0x9510  }
0x384: {  	s20 =	sadd.s32 $0xFFFFFFFF, s18;
	p1 =	por $0x1, $0x1;
	s18 =	simm.s32 $0x0;
	v6 =	vld [tilespmem:s19+$0x0]  }
.LBB2_61:
0x385: {  	p2 =	seq.s32 s20, $0x1;
	s18 =	sadd.s32 $0x10, s18  }
0x386: {  	v7 =	vor.u32 s18, v0  }
0x387: {  	vm0 =	vlt.s32 v7, v4;
	v7 =	vand.u32 $0xFF, v5  }
0x388: {  	(xrf1) =	vunique.msk.u32 vm0, v7;
	_ =	sdelay $0x8  }
0x389: {  	v8 =	vld.idx.msk [tilespmem:v7+s11+$0x0], $0xffff;
	_ =	sdelay $0x4  }
0x38a: {  	_, v9, vm1 =	vpop (xrf1)  }
0x38b: {  	v8 =	vadd.s32 v9, v8;
	vm1 =	vmand vm0, vm1  }
0x38c: {  	v8 =	vadd.s32 $0xFFFFFFFF, v8;
	_ =	sdelay $0x4  }
0x38d: {  	[tilespmem:v8+s12+$0x0] =	vst.idx.msk vm0, v5  }
.Ltmp33:
0x38e: {  	[tilespmem:v8+s13+$0x0] =	vst.idx.msk vm0, v6;
	(pc) =	sbr.rel @!p2 .LBB2_61-.Ltmp33, $4  }
0x38f: {  	s17 =	sadd.s32 $0x10, s17;
	[tilespmem:v7+s11+$0x0] =	vst.idx.add.s32.msk vm1, v9  }
0x390: {  	s19 =	sadd.s32 $0x10, s19;
	v5 =	vld [tilespmem:s17+$0x0]  }
0x391: {  	v6 =	vld [tilespmem:s19+$0x0]  }
0x392: {  	s20 =	sadd.s32 $0xFFFFFFFF, s20  }
.LBB2_62:
0x393: {  	s0 =	sadd.s32 @p1 $0x10, s18  }
0x394: {  	s16 =	smov.u32 @p1 s0  }
0x395: {  	v7 =	vor.u32 s16, v0  }
0x396: {  	vm0 =	vlt.s32 v7, v4;
	v7 =	vand.u32 $0xFF, v5  }
0x397: {  	(xrf1) =	vunique.msk.u32 vm0, v7;
	_ =	sdelay $0x9  }
0x398: {  	v8 =	vld.idx.msk [tilespmem:v7+s11+$0x0], $0xffff;
	_ =	sdelay $0x3  }
0x399: {  	_, v9, vm1 =	vpop (xrf1)  }
0x39a: {  	v8 =	vadd.s32 v9, v8  }
0x39b: {  	v8 =	vadd.s32 $0xFFFFFFFF, v8  }
0x39c: {  	vm1 =	vmand vm0, vm1;
	_ =	sdelay $0x3  }
0x39d: {  	[tilespmem:v8+s12+$0x0] =	vst.idx.msk vm0, v5  }
0x39e: {  	[tilespmem:v8+s13+$0x0] =	vst.idx.msk vm0, v6  }
0x39f: {  	[tilespmem:v7+s11+$0x0] =	vst.idx.add.s32.msk vm1, v9  }
.LBB2_63:
0x3a0: {  	s16 =	simm.s32 $0x40;
	s17 =	simm.s32 $0x0  }
.LBB2_64:
0x3a1: {  	p1 =	seq.s32 s16, $0x3FC0;
	[tilespmem:s17+$0x8000] =	vst v1;
	s0 =	smov.u32 s16;
	s16 =	sadd.s32 $0x40, s16  }
.Ltmp34:
0x3a2: {  	(pc) =	sbr.rel @!p1 .LBB2_64-.Ltmp34, $2  }
0x3a3: {  	_ =	sdelay $0x2  }
0x3a4: {  	s17 =	sshra.s32 s0, $0x2  }
.Ltmp35:
0x3a5: {  	(pc) =	sbr.rel @!p0 .LBB2_72-.Ltmp35, $2  }
0x3a6: {  	_ =	sdelay $0x2  }
0x3a7: {  	[tilespmem:s17+$0x8000] =	vst v1  }
0x3a8: {  	p2 =	seq.s32 s15, $0x1  }
.Ltmp36:
0x3a9: {  	_ = 	snop;
	(pc) =	sbr.rel @p2 .LBB2_67-.Ltmp36, $3  }
0x3aa: {  	_ =	sdelay $0x1  }
0x3ab: {  	s17 =	simm.s32 $0x9900  }
0x3ac: {  	s16 =	simm.s32 $0x0;
	p1 =	por $0x0, $0x0;
	v5 =	vld [tilespmem:s17+$0x0];
	s17 =	sadd.s32 $0xFFFFFFFF, s15  }
0x3ad: {  	_ =	sdelay $0x3  }
0x3ae: {  	v6 =	vor.u32 s16, v0;
	v5 =	vshrl.u32 v5, $0x8  }
0x3af: {  	vm0 =	vlt.s32 v6, v4;
	v5 =	vand.u32 $0xFF, v5  }
0x3b0: {  	v5 =	vor.u32 v2, v5  }
0x3b1: {  	p2 =	seq.s32 s17, $0x1  }
.Ltmp37:
0x3b2: {  	_ = 	snop;
	(pc) =	sbr.rel @p2 .LBB2_69-.Ltmp37, $3  }
0x3b3: {  	_ =	sdelay $0x1  }
0x3b4: {  	s18 =	simm.s32 $0x9910;
	[tilespmem:v5+s7+$0x0] =	vst.idx.add.s32.msk vm0, v3  }
0x3b5: {  	s19 =	sadd.s32 $0xFFFFFFFF, s17;
	p1 =	por $0x1, $0x1;
	s17 =	simm.s32 $0x0;
	v5 =	vld [tilespmem:s18+$0x0]  }
.LBB2_70:
0x3b6: {  	p2 =	seq.s32 s19, $0x1;
	_ =	sdelay $0x2  }
0x3b7: {  	s17 =	sadd.s32 $0x10, s17  }
0x3b8: {  	v6 =	vor.u32 s17, v0;
	v5 =	vshrl.u32 v5, $0x8  }
0x3b9: {  	vm0 =	vlt.s32 v6, v4;
	v5 =	vand.u32 $0xFF, v5  }
0x3ba: {  	v5 =	vor.u32 v2, v5;
	_ =	sdelay $0x1  }
.Ltmp38:
0x3bb: {  	(pc) =	sbr.rel @!p2 .LBB2_70-.Ltmp38, $3  }
0x3bc: {  	_ =	sdelay $0x1  }
0x3bd: {  	s18 =	sadd.s32 $0x10, s18;
	[tilespmem:v5+s7+$0x0] =	vst.idx.add.s32.msk vm0, v3  }
0x3be: {  	s19 =	sadd.s32 $0xFFFFFFFF, s19;
	v5 =	vld [tilespmem:s18+$0x0]  }
.LBB2_71:
0x3bf: {  	_ =	sdelay $0x1  }
0x3c0: {  	s0 =	sadd.s32 @p1 $0x10, s17  }
0x3c1: {  	s16 =	smov.u32 @p1 s0  }
0x3c2: {  	v6 =	vor.u32 s16, v0;
	v5 =	vshrl.u32 v5, $0x8  }
0x3c3: {  	vm0 =	vlt.s32 v6, v4;
	v5 =	vand.u32 $0xFF, v5  }
0x3c4: {  	v5 =	vor.u32 v2, v5;
	_ =	sdelay $0x4  }
0x3c5: {  	[tilespmem:v5+s7+$0x0] =	vst.idx.add.s32.msk vm0, v3  }
.LBB2_72:
0x3c6: {  	s19 =	simm.s32 $0x0  }
0x3c7: {  	v5 =	vld [tilespmem:s19+$0x8000]  }
0x3c8: {  	v6 =	vld [tilespmem:s19+$0x8100]  }
0x3c9: {  	v7 =	vld [tilespmem:s19+$0x8200]  }
0x3ca: {  	v8 =	vld [tilespmem:s19+$0x8300]  }
0x3cb: {  	v9 =	vld [tilespmem:s19+$0x8400]  }
0x3cc: {  	v10 =	vld [tilespmem:s19+$0x8500]  }
0x3cd: {  	v11 =	vld [tilespmem:s19+$0x8600];
	v5 =	vadd.s32 v5, v6  }
0x3ce: {  	v12 =	vld [tilespmem:s19+$0x8700];
	v5 =	vadd.s32 v7, v5  }
0x3cf: {  	v13 =	vld [tilespmem:s19+$0x8800];
	v5 =	vadd.s32 v8, v5  }
0x3d0: {  	v6 =	vld [tilespmem:s19+$0x8900];
	v5 =	vadd.s32 v9, v5  }
0x3d1: {  	v7 =	vld [tilespmem:s19+$0x8A00];
	v5 =	vadd.s32 v10, v5  }
0x3d2: {  	v8 =	vld [tilespmem:s19+$0x8B00];
	v5 =	vadd.s32 v11, v5  }
0x3d3: {  	v9 =	vld [tilespmem:s19+$0x8C00];
	v5 =	vadd.s32 v12, v5  }
0x3d4: {  	v10 =	vld [tilespmem:s19+$0x8D00];
	v5 =	vadd.s32 v13, v5  }
0x3d5: {  	v11 =	vld [tilespmem:s19+$0x8E00];
	v5 =	vadd.s32 v6, v5  }
0x3d6: {  	s17 =	simm.s32 $0x10;
	v61 =	vld [tilespmem:s19+$0x8F00];
	v5 =	vadd.s32 v7, v5  }
0x3d7: {  	v62 =	vld [tilespmem:s17+$0x8000];
	v5 =	vadd.s32 v8, v5  }
0x3d8: {  	v6 =	vld [tilespmem:s17+$0x8100];
	v5 =	vadd.s32 v9, v5  }
0x3d9: {  	v7 =	vld [tilespmem:s17+$0x8200];
	v5 =	vadd.s32 v10, v5  }
0x3da: {  	v8 =	vld [tilespmem:s17+$0x8300];
	v5 =	vadd.s32 v11, v5  }
0x3db: {  	v9 =	vld [tilespmem:s17+$0x8400];
	v12 =	vadd.s32 v61, v5  }
0x3dc: {  	v10 =	vld [tilespmem:s17+$0x8500];
	(xrf0) =	vadd.scan.msk.s32 $0xffff, v12  }
0x3dd: {  	v11 =	vld [tilespmem:s17+$0x8600];
	v5 =	vadd.s32 v62, v6  }
0x3de: {  	v6 =	vld [tilespmem:s17+$0x8700];
	v5 =	vadd.s32 v7, v5  }
0x3df: {  	v7 =	vld [tilespmem:s17+$0x8800];
	v5 =	vadd.s32 v8, v5  }
0x3e0: {  	v8 =	vld [tilespmem:s17+$0x8900];
	v5 =	vadd.s32 v9, v5  }
0x3e1: {  	v9 =	vld [tilespmem:s17+$0x8A00];
	v5 =	vadd.s32 v10, v5  }
0x3e2: {  	v10 =	vld [tilespmem:s17+$0x8B00];
	v11 =	vadd.s32 v11, v5;
	v63, _, _ =	vpop (xrf0)  }
0x3e3: {  	s16 =	simm.s32 $0x0;
	v5 =	vld [tilespmem:s17+$0x8C00];
	v11 =	vadd.s32 v6, v11;
	(v2sf) =	vpush v63, $0xF  }
0x3e4: {  	v12 =	vsub.s32 s16, v12;
	v6 =	vld [tilespmem:s17+$0x8D00];
	v11 =	vadd.s32 v7, v11  }
0x3e5: {  	v7 =	vld [tilespmem:s17+$0x8E00];
	v11 =	vadd.s32 v8, v11;
	v12 =	vadd.s32 v63, v12  }
0x3e6: {  	s18 =	simm.s32 $0x20;
	v8 =	vld [tilespmem:s17+$0x8F00];
	v11 =	vadd.s32 v9, v11;
	[tilespmem:s19+$0x9000] =	vst v12  }
0x3e7: {  	s19 =	simm.s32 $0xC0;
	v9 =	vld [tilespmem:s18+$0x8000];
	v10 =	vadd.s32 v10, v11  }
.LBB2_73:
0x3e8: {  	p1 =	seq.s32 s19, $0x3C0;
	v11 =	vld [tilespmem:s18+$0x8100];
	v5 =	vadd.s32 v5, v10  }
0x3e9: {  	v10 =	vld [tilespmem:s18+$0x8200];
	v5 =	vadd.s32 v6, v5  }
0x3ea: {  	v6 =	vld [tilespmem:s18+$0x8300];
	v5 =	vadd.s32 v7, v5  }
0x3eb: {  	v7 =	vld [tilespmem:s18+$0x8400];
	v8 =	vadd.s32 v8, v5  }
0x3ec: {  	v5 =	vld [tilespmem:s18+$0x8500];
	(xrf0) =	vadd.scan.msk.s32 $0xffff, v8  }
0x3ed: {  	v9 =	vadd.s32 v9, v11;
	v11 =	vld [tilespmem:s18+$0x8600]  }
0x3ee: {  	v9 =	vadd.s32 v10, v9;
	v10 =	vld [tilespmem:s18+$0x8700]  }
0x3ef: {  	v6 =	vadd.s32 v6, v9;
	v9 =	vld [tilespmem:s18+$0x8800]  }
0x3f0: {  	v6 =	vadd.s32 v7, v6;
	v7 =	vld [tilespmem:s18+$0x8900]  }
0x3f1: {  	v5 =	vadd.s32 v5, v6;
	v12 =	vld [tilespmem:s18+$0x8A00]  }
0x3f2: {  	v5 =	vadd.s32 v11, v5;
	v11 =	vld [tilespmem:s18+$0x8B00];
	v13, _, _ =	vpop (xrf0);
	s0 =	spop (v2sf)  }
.Ltmp39:
0x3f3: {  	v6 =	vadd.s32 v10, v5;
	v5 =	vld [tilespmem:s18+$0x8C00];
	(v2sf) =	vpush v13, $0xF;
	s16 =	sadd.s32 s16, s0;
	(pc) =	sbr.rel @!p1 .LBB2_73-.Ltmp39, $4  }
0x3f4: {  	v9 =	vadd.s32 v9, v6;
	v6 =	vld [tilespmem:s18+$0x8D00];
	v8 =	vsub.s32 s16, v8  }
0x3f5: {  	v9 =	vadd.s32 v7, v9;
	v7 =	vld [tilespmem:s18+$0x8E00];
	v10 =	vadd.s32 v13, v8  }
0x3f6: {  	v12 =	vadd.s32 v12, v9;
	v8 =	vld [tilespmem:s18+$0x8F00];
	[tilespmem:s17+$0x9000] =	vst v10;
	s17 =	smov.u32 s18;
	s18 =	sshra.s32 s19, $0x2  }
0x3f7: {  	s19 =	sadd.s32 $0x40, s19;
	v9 =	vld [tilespmem:s18+$0x8000];
	v10 =	vadd.s32 v11, v12  }
0x3f8: {  	v11 =	vld [tilespmem:s18+$0x8100]  }
0x3f9: {  	v12 =	vld [tilespmem:s18+$0x8200]  }
0x3fa: {  	v13 =	vld [tilespmem:s18+$0x8300]  }
0x3fb: {  	v14 =	vld [tilespmem:s18+$0x8400]  }
0x3fc: {  	v15 =	vld [tilespmem:s18+$0x8500]  }
0x3fd: {  	v54 =	vld [tilespmem:s18+$0x8600];
	v9 =	vadd.s32 v9, v11  }
0x3fe: {  	v55 =	vld [tilespmem:s18+$0x8700];
	v9 =	vadd.s32 v12, v9  }
0x3ff: {  	v56 =	vld [tilespmem:s18+$0x8800];
	v9 =	vadd.s32 v13, v9  }
0x400: {  	v57 =	vld [tilespmem:s18+$0x8900];
	v9 =	vadd.s32 v14, v9  }
0x401: {  	v58 =	vld [tilespmem:s18+$0x8A00];
	v9 =	vadd.s32 v15, v9  }
0x402: {  	v59 =	vld [tilespmem:s18+$0x8B00];
	v9 =	vadd.s32 v54, v9  }
0x403: {  	v60 =	vld [tilespmem:s18+$0x8C00];
	v9 =	vadd.s32 v55, v9  }
0x404: {  	v5 =	vadd.s32 v5, v10;
	v61 =	vld [tilespmem:s18+$0x8D00];
	v9 =	vadd.s32 v56, v9  }
0x405: {  	v62 =	vld [tilespmem:s18+$0x8E00];
	v5 =	vadd.s32 v6, v5;
	v6 =	vadd.s32 v57, v9  }
0x406: {  	v5 =	vadd.s32 v7, v5;
	v7 =	vld [tilespmem:s18+$0x8F00];
	v6 =	vadd.s32 v58, v6  }
0x407: {  	v5 =	vadd.s32 v8, v5;
	v6 =	vadd.s32 v59, v6  }
0x408: {  	(xrf0) =	vadd.scan.msk.s32 $0xffff, v5;
	v6 =	vadd.s32 v60, v6  }
0x409: {  	v6 =	vadd.s32 v61, v6  }
0x40a: {  	v6 =	vadd.s32 v62, v6  }
0x40b: {  	v6 =	vadd.s32 v7, v6  }
0x40c: {  	(xrf0) =	vadd.scan.msk.s32 $0xffff, v6;
	_ =	sdelay $0x1  }
0x40d: {  	v7, _, _ =	vpop (xrf0)  }
0x40e: {  	(v2sf) =	vpush v7, $0xF;
	_ =	sdelay $0x2  }
0x40f: {  	v63, _, _ =	vpop (xrf0)  }
0x410: {  	(v2sf) =	vpush v63, $0xF;
	_ =	sdelay $0x9  }
0x411: {  	s0 =	spop (v2sf)  }
.Ltmp40:
0x412: {  	s0 =	sadd.s32 s16, s0;
	s1 =	spop (v2sf);
	(pc) =	sbr.rel @!p0 .LBB2_81-.Ltmp40, $4  }
0x413: {  	v5 =	vsub.s32 s0, v5;
	s0 =	sadd.s32 s0, s1  }
0x414: {  	v5 =	vadd.s32 v7, v5;
	v6 =	vsub.s32 s0, v6  }
0x415: {  	[tilespmem:s17+$0x9000] =	vst v5;
	v5 =	vadd.s32 v63, v6  }
0x416: {  	[tilespmem:s18+$0x9000] =	vst v5;
	s31 =	spop (v2sf)  }
0x417: {  	p2 =	seq.s32 s15, $0x1  }
.Ltmp41:
0x418: {  	_ = 	snop;
	(pc) =	sbr.rel @p2 .LBB2_76-.Ltmp41, $4  }
0x419: {  	_ = 	snop  }
0x41a: {  	s18 =	simm.s32 $0x9900  }
0x41b: {  	s17 =	simm.s32 $0x9D00;
	v5 =	vld [tilespmem:s18+$0x0]  }
0x41c: {  	s16 =	simm.s32 $0x0;
	p1 =	por $0x0, $0x0;
	v6 =	vld [tilespmem:s17+$0x0];
	s18 =	sadd.s32 $0xFFFFFFFF, s15  }
0x41d: {  	_ =	sdelay $0x2  }
0x41e: {  	v7 =	vor.u32 s16, v0;
	v8 =	vshrl.u32 v5, $0x8  }
0x41f: {  	vm0 =	vlt.s32 v7, v4;
	v7 =	vand.u32 $0xFF, v8  }
0x420: {  	(xrf1) =	vunique.msk.u32 vm0, v7;
	_ =	sdelay $0x9  }
0x421: {  	v8 =	vld.idx.msk [tilespmem:v7+s11+$0x0], $0xffff;
	_ =	sdelay $0x3  }
0x422: {  	_, v9, vm1 =	vpop (xrf1)  }
0x423: {  	v8 =	vadd.s32 v9, v8  }
0x424: {  	v8 =	vadd.s32 $0xFFFFFFFF, v8  }
0x425: {  	vm1 =	vmand vm0, vm1;
	_ =	sdelay $0x3  }
0x426: {  	p2 =	seq.s32 s18, $0x1;
	[tilespmem:v8+s8+$0x0] =	vst.idx.msk vm0, v5  }
.Ltmp42:
0x427: {  	[tilespmem:v8+s9+$0x0] =	vst.idx.msk vm0, v6;
	(pc) =	sbr.rel @p2 .LBB2_78-.Ltmp42, $4  }
0x428: {  	s17 =	simm.s32 $0x9910;
	[tilespmem:v7+s11+$0x0] =	vst.idx.add.s32.msk vm1, v9  }
0x429: {  	v5 =	vld [tilespmem:s17+$0x0]  }
0x42a: {  	s19 =	simm.s32 $0x9D10  }
0x42b: {  	s20 =	sadd.s32 $0xFFFFFFFF, s18;
	p1 =	por $0x1, $0x1;
	s18 =	simm.s32 $0x0;
	v6 =	vld [tilespmem:s19+$0x0]  }
.LBB2_79:
0x42c: {  	p2 =	seq.s32 s20, $0x1  }
0x42d: {  	s18 =	sadd.s32 $0x10, s18  }
0x42e: {  	v7 =	vor.u32 s18, v0;
	v8 =	vshrl.u32 v5, $0x8  }
0x42f: {  	vm0 =	vlt.s32 v7, v4;
	v7 =	vand.u32 $0xFF, v8  }
0x430: {  	(xrf1) =	vunique.msk.u32 vm0, v7;
	_ =	sdelay $0x8  }
0x431: {  	v8 =	vld.idx.msk [tilespmem:v7+s11+$0x0], $0xffff;
	_ =	sdelay $0x4  }
0x432: {  	_, v9, vm1 =	vpop (xrf1)  }
0x433: {  	v8 =	vadd.s32 v9, v8;
	vm1 =	vmand vm0, vm1  }
0x434: {  	v8 =	vadd.s32 $0xFFFFFFFF, v8;
	_ =	sdelay $0x4  }
0x435: {  	[tilespmem:v8+s8+$0x0] =	vst.idx.msk vm0, v5  }
.Ltmp43:
0x436: {  	[tilespmem:v8+s9+$0x0] =	vst.idx.msk vm0, v6;
	(pc) =	sbr.rel @!p2 .LBB2_79-.Ltmp43, $4  }
0x437: {  	s17 =	sadd.s32 $0x10, s17;
	[tilespmem:v7+s11+$0x0] =	vst.idx.add.s32.msk vm1, v9  }
0x438: {  	s19 =	sadd.s32 $0x10, s19;
	v5 =	vld [tilespmem:s17+$0x0]  }
0x439: {  	v6 =	vld [tilespmem:s19+$0x0]  }
0x43a: {  	s20 =	sadd.s32 $0xFFFFFFFF, s20  }
.LBB2_80:
0x43b: {  	s0 =	sadd.s32 @p1 $0x10, s18  }
0x43c: {  	s16 =	smov.u32 @p1 s0  }
0x43d: {  	v7 =	vor.u32 s16, v0;
	v8 =	vshrl.u32 v5, $0x8  }
0x43e: {  	vm0 =	vlt.s32 v7, v4;
	v7 =	vand.u32 $0xFF, v8  }
0x43f: {  	(xrf1) =	vunique.msk.u32 vm0, v7;
	_ =	sdelay $0x9  }
0x440: {  	v8 =	vld.idx.msk [tilespmem:v7+s11+$0x0], $0xffff;
	_ =	sdelay $0x3  }
0x441: {  	_, v9, vm1 =	vpop (xrf1)  }
0x442: {  	v8 =	vadd.s32 v9, v8  }
0x443: {  	v8 =	vadd.s32 $0xFFFFFFFF, v8  }
0x444: {  	vm1 =	vmand vm0, vm1;
	_ =	sdelay $0x3  }
0x445: {  	[tilespmem:v8+s8+$0x0] =	vst.idx.msk vm0, v5  }
0x446: {  	[tilespmem:v8+s9+$0x0] =	vst.idx.msk vm0, v6  }
0x447: {  	[tilespmem:v7+s11+$0x0] =	vst.idx.add.s32.msk vm1, v9  }
.LBB2_81:
0x448: {  	s16 =	simm.s32 $0x40;
	s17 =	simm.s32 $0x0  }
.LBB2_82:
0x449: {  	p1 =	seq.s32 s16, $0x3FC0;
	[tilespmem:s17+$0x8000] =	vst v1;
	s0 =	smov.u32 s16;
	s16 =	sadd.s32 $0x40, s16  }
.Ltmp44:
0x44a: {  	(pc) =	sbr.rel @!p1 .LBB2_82-.Ltmp44, $2  }
0x44b: {  	_ =	sdelay $0x2  }
0x44c: {  	s17 =	sshra.s32 s0, $0x2  }
.Ltmp45:
0x44d: {  	(pc) =	sbr.rel @!p0 .LBB2_90-.Ltmp45, $2  }
0x44e: {  	_ =	sdelay $0x2  }
0x44f: {  	[tilespmem:s17+$0x8000] =	vst v1  }
0x450: {  	p2 =	seq.s32 s15, $0x1  }
.Ltmp46:
0x451: {  	_ = 	snop;
	(pc) =	sbr.rel @p2 .LBB2_85-.Ltmp46, $3  }
0x452: {  	_ =	sdelay $0x1  }
0x453: {  	s17 =	simm.s32 $0x9100  }
0x454: {  	s16 =	simm.s32 $0x0;
	p1 =	por $0x0, $0x0;
	v5 =	vld [tilespmem:s17+$0x0];
	s17 =	sadd.s32 $0xFFFFFFFF, s15  }
0x455: {  	_ =	sdelay $0x3  }
0x456: {  	v6 =	vor.u32 s16, v0;
	v5 =	vshrl.u32 v5, $0x10  }
0x457: {  	vm0 =	vlt.s32 v6, v4;
	v5 =	vand.u32 $0xFF, v5  }
0x458: {  	v5 =	vor.u32 v2, v5  }
0x459: {  	p2 =	seq.s32 s17, $0x1  }
.Ltmp47:
0x45a: {  	_ = 	snop;
	(pc) =	sbr.rel @p2 .LBB2_87-.Ltmp47, $3  }
0x45b: {  	_ =	sdelay $0x1  }
0x45c: {  	s18 =	simm.s32 $0x9110;
	[tilespmem:v5+s7+$0x0] =	vst.idx.add.s32.msk vm0, v3  }
0x45d: {  	s19 =	sadd.s32 $0xFFFFFFFF, s17;
	p1 =	por $0x1, $0x1;
	s17 =	simm.s32 $0x0;
	v5 =	vld [tilespmem:s18+$0x0]  }
.LBB2_88:
0x45e: {  	p2 =	seq.s32 s19, $0x1;
	_ =	sdelay $0x2  }
0x45f: {  	s17 =	sadd.s32 $0x10, s17  }
0x460: {  	v6 =	vor.u32 s17, v0;
	v5 =	vshrl.u32 v5, $0x10  }
0x461: {  	vm0 =	vlt.s32 v6, v4;
	v5 =	vand.u32 $0xFF, v5  }
0x462: {  	v5 =	vor.u32 v2, v5;
	_ =	sdelay $0x1  }
.Ltmp48:
0x463: {  	(pc) =	sbr.rel @!p2 .LBB2_88-.Ltmp48, $3  }
0x464: {  	_ =	sdelay $0x1  }
0x465: {  	s18 =	sadd.s32 $0x10, s18;
	[tilespmem:v5+s7+$0x0] =	vst.idx.add.s32.msk vm0, v3  }
0x466: {  	s19 =	sadd.s32 $0xFFFFFFFF, s19;
	v5 =	vld [tilespmem:s18+$0x0]  }
.LBB2_89:
0x467: {  	_ =	sdelay $0x1  }
0x468: {  	s0 =	sadd.s32 @p1 $0x10, s17  }
0x469: {  	s16 =	smov.u32 @p1 s0  }
0x46a: {  	v6 =	vor.u32 s16, v0;
	v5 =	vshrl.u32 v5, $0x10  }
0x46b: {  	vm0 =	vlt.s32 v6, v4;
	v5 =	vand.u32 $0xFF, v5  }
0x46c: {  	v5 =	vor.u32 v2, v5;
	_ =	sdelay $0x4  }
0x46d: {  	[tilespmem:v5+s7+$0x0] =	vst.idx.add.s32.msk vm0, v3  }
.LBB2_90:
0x46e: {  	s19 =	simm.s32 $0x0  }
0x46f: {  	v5 =	vld [tilespmem:s19+$0x8000]  }
0x470: {  	v6 =	vld [tilespmem:s19+$0x8100]  }
0x471: {  	v7 =	vld [tilespmem:s19+$0x8200]  }
0x472: {  	v8 =	vld [tilespmem:s19+$0x8300]  }
0x473: {  	v9 =	vld [tilespmem:s19+$0x8400]  }
0x474: {  	v10 =	vld [tilespmem:s19+$0x8500]  }
0x475: {  	v11 =	vld [tilespmem:s19+$0x8600];
	v5 =	vadd.s32 v5, v6  }
0x476: {  	v12 =	vld [tilespmem:s19+$0x8700];
	v5 =	vadd.s32 v7, v5  }
0x477: {  	v13 =	vld [tilespmem:s19+$0x8800];
	v5 =	vadd.s32 v8, v5  }
0x478: {  	v6 =	vld [tilespmem:s19+$0x8900];
	v5 =	vadd.s32 v9, v5  }
0x479: {  	v7 =	vld [tilespmem:s19+$0x8A00];
	v5 =	vadd.s32 v10, v5  }
0x47a: {  	v8 =	vld [tilespmem:s19+$0x8B00];
	v5 =	vadd.s32 v11, v5  }
0x47b: {  	v9 =	vld [tilespmem:s19+$0x8C00];
	v5 =	vadd.s32 v12, v5  }
0x47c: {  	v10 =	vld [tilespmem:s19+$0x8D00];
	v5 =	vadd.s32 v13, v5  }
0x47d: {  	v11 =	vld [tilespmem:s19+$0x8E00];
	v5 =	vadd.s32 v6, v5  }
0x47e: {  	s17 =	simm.s32 $0x10;
	v61 =	vld [tilespmem:s19+$0x8F00];
	v5 =	vadd.s32 v7, v5  }
0x47f: {  	v62 =	vld [tilespmem:s17+$0x8000];
	v5 =	vadd.s32 v8, v5  }
0x480: {  	v6 =	vld [tilespmem:s17+$0x8100];
	v5 =	vadd.s32 v9, v5  }
0x481: {  	v7 =	vld [tilespmem:s17+$0x8200];
	v5 =	vadd.s32 v10, v5  }
0x482: {  	v8 =	vld [tilespmem:s17+$0x8300];
	v5 =	vadd.s32 v11, v5  }
0x483: {  	v9 =	vld [tilespmem:s17+$0x8400];
	v12 =	vadd.s32 v61, v5  }
0x484: {  	v10 =	vld [tilespmem:s17+$0x8500];
	(xrf0) =	vadd.scan.msk.s32 $0xffff, v12  }
0x485: {  	v11 =	vld [tilespmem:s17+$0x8600];
	v5 =	vadd.s32 v62, v6  }
0x486: {  	v6 =	vld [tilespmem:s17+$0x8700];
	v5 =	vadd.s32 v7, v5  }
0x487: {  	v7 =	vld [tilespmem:s17+$0x8800];
	v5 =	vadd.s32 v8, v5  }
0x488: {  	v8 =	vld [tilespmem:s17+$0x8900];
	v5 =	vadd.s32 v9, v5  }
0x489: {  	v9 =	vld [tilespmem:s17+$0x8A00];
	v5 =	vadd.s32 v10, v5  }
0x48a: {  	v10 =	vld [tilespmem:s17+$0x8B00];
	v11 =	vadd.s32 v11, v5;
	v63, _, _ =	vpop (xrf0)  }
0x48b: {  	s16 =	simm.s32 $0x0;
	v5 =	vld [tilespmem:s17+$0x8C00];
	v11 =	vadd.s32 v6, v11;
	(v2sf) =	vpush v63, $0xF  }
0x48c: {  	v12 =	vsub.s32 s16, v12;
	v6 =	vld [tilespmem:s17+$0x8D00];
	v11 =	vadd.s32 v7, v11  }
0x48d: {  	v7 =	vld [tilespmem:s17+$0x8E00];
	v11 =	vadd.s32 v8, v11;
	v12 =	vadd.s32 v63, v12  }
0x48e: {  	s18 =	simm.s32 $0x20;
	v8 =	vld [tilespmem:s17+$0x8F00];
	v11 =	vadd.s32 v9, v11;
	[tilespmem:s19+$0x9000] =	vst v12  }
0x48f: {  	s19 =	simm.s32 $0xC0;
	v9 =	vld [tilespmem:s18+$0x8000];
	v10 =	vadd.s32 v10, v11  }
.LBB2_91:
0x490: {  	p1 =	seq.s32 s19, $0x3C0;
	v11 =	vld [tilespmem:s18+$0x8100];
	v5 =	vadd.s32 v5, v10  }
0x491: {  	v10 =	vld [tilespmem:s18+$0x8200];
	v5 =	vadd.s32 v6, v5  }
0x492: {  	v6 =	vld [tilespmem:s18+$0x8300];
	v5 =	vadd.s32 v7, v5  }
0x493: {  	v7 =	vld [tilespmem:s18+$0x8400];
	v8 =	vadd.s32 v8, v5  }
0x494: {  	v5 =	vld [tilespmem:s18+$0x8500];
	(xrf0) =	vadd.scan.msk.s32 $0xffff, v8  }
0x495: {  	v9 =	vadd.s32 v9, v11;
	v11 =	vld [tilespmem:s18+$0x8600]  }
0x496: {  	v9 =	vadd.s32 v10, v9;
	v10 =	vld [tilespmem:s18+$0x8700]  }
0x497: {  	v6 =	vadd.s32 v6, v9;
	v9 =	vld [tilespmem:s18+$0x8800]  }
0x498: {  	v6 =	vadd.s32 v7, v6;
	v7 =	vld [tilespmem:s18+$0x8900]  }
0x499: {  	v5 =	vadd.s32 v5, v6;
	v12 =	vld [tilespmem:s18+$0x8A00]  }
0x49a: {  	v5 =	vadd.s32 v11, v5;
	v11 =	vld [tilespmem:s18+$0x8B00];
	v13, _, _ =	vpop (xrf0);
	s0 =	spop (v2sf)  }
.Ltmp49:
0x49b: {  	v6 =	vadd.s32 v10, v5;
	v5 =	vld [tilespmem:s18+$0x8C00];
	(v2sf) =	vpush v13, $0xF;
	s16 =	sadd.s32 s16, s0;
	(pc) =	sbr.rel @!p1 .LBB2_91-.Ltmp49, $4  }
0x49c: {  	v9 =	vadd.s32 v9, v6;
	v6 =	vld [tilespmem:s18+$0x8D00];
	v8 =	vsub.s32 s16, v8  }
0x49d: {  	v9 =	vadd.s32 v7, v9;
	v7 =	vld [tilespmem:s18+$0x8E00];
	v10 =	vadd.s32 v13, v8  }
0x49e: {  	v12 =	vadd.s32 v12, v9;
	v8 =	vld [tilespmem:s18+$0x8F00];
	[tilespmem:s17+$0x9000] =	vst v10;
	s17 =	smov.u32 s18;
	s18 =	sshra.s32 s19, $0x2  }
0x49f: {  	s19 =	sadd.s32 $0x40, s19;
	v9 =	vld [tilespmem:s18+$0x8000];
	v10 =	vadd.s32 v11, v12  }
0x4a0: {  	v11 =	vld [tilespmem:s18+$0x8100]  }
0x4a1: {  	v12 =	vld [tilespmem:s18+$0x8200]  }
0x4a2: {  	v13 =	vld [tilespmem:s18+$0x8300]  }
0x4a3: {  	v14 =	vld [tilespmem:s18+$0x8400]  }
0x4a4: {  	v15 =	vld [tilespmem:s18+$0x8500]  }
0x4a5: {  	v54 =	vld [tilespmem:s18+$0x8600];
	v9 =	vadd.s32 v9, v11  }
0x4a6: {  	v55 =	vld [tilespmem:s18+$0x8700];
	v9 =	vadd.s32 v12, v9  }
0x4a7: {  	v56 =	vld [tilespmem:s18+$0x8800];
	v9 =	vadd.s32 v13, v9  }
0x4a8: {  	v57 =	vld [tilespmem:s18+$0x8900];
	v9 =	vadd.s32 v14, v9  }
0x4a9: {  	v58 =	vld [tilespmem:s18+$0x8A00];
	v9 =	vadd.s32 v15, v9  }
0x4aa: {  	v59 =	vld [tilespmem:s18+$0x8B00];
	v9 =	vadd.s32 v54, v9  }
0x4ab: {  	v60 =	vld [tilespmem:s18+$0x8C00];
	v9 =	vadd.s32 v55, v9  }
0x4ac: {  	v5 =	vadd.s32 v5, v10;
	v61 =	vld [tilespmem:s18+$0x8D00];
	v9 =	vadd.s32 v56, v9  }
0x4ad: {  	v62 =	vld [tilespmem:s18+$0x8E00];
	v5 =	vadd.s32 v6, v5;
	v6 =	vadd.s32 v57, v9  }
0x4ae: {  	v5 =	vadd.s32 v7, v5;
	v7 =	vld [tilespmem:s18+$0x8F00];
	v6 =	vadd.s32 v58, v6  }
0x4af: {  	v5 =	vadd.s32 v8, v5;
	v6 =	vadd.s32 v59, v6  }
0x4b0: {  	(xrf0) =	vadd.scan.msk.s32 $0xffff, v5;
	v6 =	vadd.s32 v60, v6  }
0x4b1: {  	v6 =	vadd.s32 v61, v6  }
0x4b2: {  	v6 =	vadd.s32 v62, v6  }
0x4b3: {  	v6 =	vadd.s32 v7, v6  }
0x4b4: {  	(xrf0) =	vadd.scan.msk.s32 $0xffff, v6;
	_ =	sdelay $0x1  }
0x4b5: {  	v7, _, _ =	vpop (xrf0)  }
0x4b6: {  	(v2sf) =	vpush v7, $0xF;
	_ =	sdelay $0x2  }
0x4b7: {  	v63, _, _ =	vpop (xrf0)  }
0x4b8: {  	(v2sf) =	vpush v63, $0xF;
	_ =	sdelay $0x9  }
0x4b9: {  	s0 =	spop (v2sf)  }
.Ltmp50:
0x4ba: {  	s0 =	sadd.s32 s16, s0;
	s1 =	spop (v2sf);
	(pc) =	sbr.rel @!p0 .LBB2_99-.Ltmp50, $4  }
0x4bb: {  	v5 =	vsub.s32 s0, v5;
	s0 =	sadd.s32 s0, s1  }
0x4bc: {  	v5 =	vadd.s32 v7, v5;
	v6 =	vsub.s32 s0, v6  }
0x4bd: {  	[tilespmem:s17+$0x9000] =	vst v5;
	v5 =	vadd.s32 v63, v6  }
0x4be: {  	[tilespmem:s18+$0x9000] =	vst v5;
	s31 =	spop (v2sf)  }
0x4bf: {  	p2 =	seq.s32 s15, $0x1  }
.Ltmp51:
0x4c0: {  	_ = 	snop;
	(pc) =	sbr.rel @p2 .LBB2_94-.Ltmp51, $4  }
0x4c1: {  	_ = 	snop  }
0x4c2: {  	s18 =	simm.s32 $0x9100  }
0x4c3: {  	s17 =	simm.s32 $0x9500;
	v5 =	vld [tilespmem:s18+$0x0]  }
0x4c4: {  	s16 =	simm.s32 $0x0;
	p1 =	por $0x0, $0x0;
	v6 =	vld [tilespmem:s17+$0x0];
	s18 =	sadd.s32 $0xFFFFFFFF, s15  }
0x4c5: {  	_ =	sdelay $0x2  }
0x4c6: {  	v7 =	vor.u32 s16, v0;
	v8 =	vshrl.u32 v5, $0x10  }
0x4c7: {  	vm0 =	vlt.s32 v7, v4;
	v7 =	vand.u32 $0xFF, v8  }
0x4c8: {  	(xrf1) =	vunique.msk.u32 vm0, v7;
	_ =	sdelay $0x9  }
0x4c9: {  	v8 =	vld.idx.msk [tilespmem:v7+s11+$0x0], $0xffff;
	_ =	sdelay $0x3  }
0x4ca: {  	_, v9, vm1 =	vpop (xrf1)  }
0x4cb: {  	v8 =	vadd.s32 v9, v8  }
0x4cc: {  	v8 =	vadd.s32 $0xFFFFFFFF, v8  }
0x4cd: {  	vm1 =	vmand vm0, vm1;
	_ =	sdelay $0x3  }
0x4ce: {  	p2 =	seq.s32 s18, $0x1;
	[tilespmem:v8+s12+$0x0] =	vst.idx.msk vm0, v5  }
.Ltmp52:
0x4cf: {  	[tilespmem:v8+s13+$0x0] =	vst.idx.msk vm0, v6;
	(pc) =	sbr.rel @p2 .LBB2_96-.Ltmp52, $4  }
0x4d0: {  	s17 =	simm.s32 $0x9110;
	[tilespmem:v7+s11+$0x0] =	vst.idx.add.s32.msk vm1, v9  }
0x4d1: {  	v5 =	vld [tilespmem:s17+$0x0]  }
0x4d2: {  	s19 =	simm.s32 $0x9510  }
0x4d3: {  	s20 =	sadd.s32 $0xFFFFFFFF, s18;
	p1 =	por $0x1, $0x1;
	s18 =	simm.s32 $0x0;
	v6 =	vld [tilespmem:s19+$0x0]  }
.LBB2_97:
0x4d4: {  	p2 =	seq.s32 s20, $0x1  }
0x4d5: {  	s18 =	sadd.s32 $0x10, s18  }
0x4d6: {  	v7 =	vor.u32 s18, v0;
	v8 =	vshrl.u32 v5, $0x10  }
0x4d7: {  	vm0 =	vlt.s32 v7, v4;
	v7 =	vand.u32 $0xFF, v8  }
0x4d8: {  	(xrf1) =	vunique.msk.u32 vm0, v7;
	_ =	sdelay $0x8  }
0x4d9: {  	v8 =	vld.idx.msk [tilespmem:v7+s11+$0x0], $0xffff;
	_ =	sdelay $0x4  }
0x4da: {  	_, v9, vm1 =	vpop (xrf1)  }
0x4db: {  	v8 =	vadd.s32 v9, v8;
	vm1 =	vmand vm0, vm1  }
0x4dc: {  	v8 =	vadd.s32 $0xFFFFFFFF, v8;
	_ =	sdelay $0x4  }
0x4dd: {  	[tilespmem:v8+s12+$0x0] =	vst.idx.msk vm0, v5  }
.Ltmp53:
0x4de: {  	[tilespmem:v8+s13+$0x0] =	vst.idx.msk vm0, v6;
	(pc) =	sbr.rel @!p2 .LBB2_97-.Ltmp53, $4  }
0x4df: {  	s17 =	sadd.s32 $0x10, s17;
	[tilespmem:v7+s11+$0x0] =	vst.idx.add.s32.msk vm1, v9  }
0x4e0: {  	s19 =	sadd.s32 $0x10, s19;
	v5 =	vld [tilespmem:s17+$0x0]  }
0x4e1: {  	v6 =	vld [tilespmem:s19+$0x0]  }
0x4e2: {  	s20 =	sadd.s32 $0xFFFFFFFF, s20  }
.LBB2_98:
0x4e3: {  	s0 =	sadd.s32 @p1 $0x10, s18  }
0x4e4: {  	s16 =	smov.u32 @p1 s0  }
0x4e5: {  	v7 =	vor.u32 s16, v0;
	v8 =	vshrl.u32 v5, $0x10  }
0x4e6: {  	vm0 =	vlt.s32 v7, v4;
	v7 =	vand.u32 $0xFF, v8  }
0x4e7: {  	(xrf1) =	vunique.msk.u32 vm0, v7;
	_ =	sdelay $0x9  }
0x4e8: {  	v8 =	vld.idx.msk [tilespmem:v7+s11+$0x0], $0xffff;
	_ =	sdelay $0x3  }
0x4e9: {  	_, v9, vm1 =	vpop (xrf1)  }
0x4ea: {  	v8 =	vadd.s32 v9, v8  }
0x4eb: {  	v8 =	vadd.s32 $0xFFFFFFFF, v8  }
0x4ec: {  	vm1 =	vmand vm0, vm1;
	_ =	sdelay $0x3  }
0x4ed: {  	[tilespmem:v8+s12+$0x0] =	vst.idx.msk vm0, v5  }
0x4ee: {  	[tilespmem:v8+s13+$0x0] =	vst.idx.msk vm0, v6  }
0x4ef: {  	[tilespmem:v7+s11+$0x0] =	vst.idx.add.s32.msk vm1, v9  }
.LBB2_99:
0x4f0: {  	s16 =	simm.s32 $0x40;
	s17 =	simm.s32 $0x0  }
.LBB2_100:
0x4f1: {  	p1 =	seq.s32 s16, $0x3FC0;
	[tilespmem:s17+$0x8000] =	vst v1;
	s0 =	smov.u32 s16;
	s16 =	sadd.s32 $0x40, s16  }
.Ltmp54:
0x4f2: {  	(pc) =	sbr.rel @!p1 .LBB2_100-.Ltmp54, $2  }
0x4f3: {  	_ =	sdelay $0x2  }
0x4f4: {  	s17 =	sshra.s32 s0, $0x2  }
.Ltmp55:
0x4f5: {  	(pc) =	sbr.rel @!p0 .LBB2_108-.Ltmp55, $2  }
0x4f6: {  	_ =	sdelay $0x2  }
0x4f7: {  	[tilespmem:s17+$0x8000] =	vst v1  }
0x4f8: {  	p2 =	seq.s32 s15, $0x1  }
.Ltmp56:
0x4f9: {  	_ = 	snop;
	(pc) =	sbr.rel @p2 .LBB2_103-.Ltmp56, $3  }
0x4fa: {  	_ =	sdelay $0x1  }
0x4fb: {  	s17 =	simm.s32 $0x9900  }
0x4fc: {  	s16 =	simm.s32 $0x0;
	p1 =	por $0x0, $0x0;
	v5 =	vld [tilespmem:s17+$0x0];
	s17 =	sadd.s32 $0xFFFFFFFF, s15  }
0x4fd: {  	_ =	sdelay $0x3  }
0x4fe: {  	v5 =	vshrl.u32 v5, $0x18  }
0x4ff: {  	v6 =	vor.u32 s16, v0;
	v7 =	vand.u32 $0xF8, v5  }
0x500: {  	vm0 =	vlt.s32 v6, v4;
	v5 =	vand.u32 $0x7, v5;
	v6 =	vor.u32 v2, v7  }
0x501: {  	v5 =	vor.u32 v5, v6  }
0x502: {  	p2 =	seq.s32 s17, $0x1  }
.Ltmp57:
0x503: {  	_ = 	snop;
	(pc) =	sbr.rel @p2 .LBB2_105-.Ltmp57, $3  }
0x504: {  	_ =	sdelay $0x1  }
0x505: {  	s18 =	simm.s32 $0x9910;
	[tilespmem:v5+s7+$0x0] =	vst.idx.add.s32.msk vm0, v3  }
0x506: {  	s19 =	sadd.s32 $0xFFFFFFFF, s17;
	p1 =	por $0x1, $0x1;
	s17 =	simm.s32 $0x0;
	v5 =	vld [tilespmem:s18+$0x0]  }
.LBB2_106:
0x507: {  	p2 =	seq.s32 s19, $0x1;
	_ =	sdelay $0x3  }
0x508: {  	s17 =	sadd.s32 $0x10, s17;
	v5 =	vshrl.u32 v5, $0x18  }
0x509: {  	v6 =	vor.u32 s17, v0;
	v7 =	vand.u32 $0xF8, v5  }
0x50a: {  	vm0 =	vlt.s32 v6, v4;
	v5 =	vand.u32 $0x7, v5;
	v6 =	vor.u32 v2, v7  }
0x50b: {  	v5 =	vor.u32 v5, v6;
	_ =	sdelay $0x1  }
.Ltmp58:
0x50c: {  	(pc) =	sbr.rel @!p2 .LBB2_106-.Ltmp58, $3  }
0x50d: {  	_ =	sdelay $0x1  }
0x50e: {  	s18 =	sadd.s32 $0x10, s18;
	[tilespmem:v5+s7+$0x0] =	vst.idx.add.s32.msk vm0, v3  }
0x50f: {  	s19 =	sadd.s32 $0xFFFFFFFF, s19;
	v5 =	vld [tilespmem:s18+$0x0]  }
.LBB2_107:
0x510: {  	_ =	sdelay $0x2  }
0x511: {  	s0 =	sadd.s32 @p1 $0x10, s17  }
0x512: {  	s16 =	smov.u32 @p1 s0;
	v5 =	vshrl.u32 v5, $0x18  }
0x513: {  	v6 =	vor.u32 s16, v0;
	v7 =	vand.u32 $0xF8, v5  }
0x514: {  	vm0 =	vlt.s32 v6, v4;
	v5 =	vand.u32 $0x7, v5;
	v6 =	vor.u32 v2, v7  }
0x515: {  	v5 =	vor.u32 v5, v6;
	_ =	sdelay $0x4  }
0x516: {  	[tilespmem:v5+s7+$0x0] =	vst.idx.add.s32.msk vm0, v3  }
.LBB2_108:
0x517: {  	s19 =	simm.s32 $0x0  }
0x518: {  	v5 =	vld [tilespmem:s19+$0x8000]  }
0x519: {  	v6 =	vld [tilespmem:s19+$0x8100]  }
0x51a: {  	v7 =	vld [tilespmem:s19+$0x8200]  }
0x51b: {  	v8 =	vld [tilespmem:s19+$0x8300]  }
0x51c: {  	v9 =	vld [tilespmem:s19+$0x8400]  }
0x51d: {  	v10 =	vld [tilespmem:s19+$0x8500]  }
0x51e: {  	v11 =	vld [tilespmem:s19+$0x8600];
	v5 =	vadd.s32 v5, v6  }
0x51f: {  	v12 =	vld [tilespmem:s19+$0x8700];
	v5 =	vadd.s32 v7, v5  }
0x520: {  	v13 =	vld [tilespmem:s19+$0x8800];
	v5 =	vadd.s32 v8, v5  }
0x521: {  	v6 =	vld [tilespmem:s19+$0x8900];
	v5 =	vadd.s32 v9, v5  }
0x522: {  	v7 =	vld [tilespmem:s19+$0x8A00];
	v5 =	vadd.s32 v10, v5  }
0x523: {  	v8 =	vld [tilespmem:s19+$0x8B00];
	v5 =	vadd.s32 v11, v5  }
0x524: {  	v9 =	vld [tilespmem:s19+$0x8C00];
	v5 =	vadd.s32 v12, v5  }
0x525: {  	v10 =	vld [tilespmem:s19+$0x8D00];
	v5 =	vadd.s32 v13, v5  }
0x526: {  	v11 =	vld [tilespmem:s19+$0x8E00];
	v5 =	vadd.s32 v6, v5  }
0x527: {  	s17 =	simm.s32 $0x10;
	v61 =	vld [tilespmem:s19+$0x8F00];
	v5 =	vadd.s32 v7, v5  }
0x528: {  	v62 =	vld [tilespmem:s17+$0x8000];
	v5 =	vadd.s32 v8, v5  }
0x529: {  	v6 =	vld [tilespmem:s17+$0x8100];
	v5 =	vadd.s32 v9, v5  }
0x52a: {  	v7 =	vld [tilespmem:s17+$0x8200];
	v5 =	vadd.s32 v10, v5  }
0x52b: {  	v8 =	vld [tilespmem:s17+$0x8300];
	v5 =	vadd.s32 v11, v5  }
0x52c: {  	v9 =	vld [tilespmem:s17+$0x8400];
	v12 =	vadd.s32 v61, v5  }
0x52d: {  	v10 =	vld [tilespmem:s17+$0x8500];
	(xrf0) =	vadd.scan.msk.s32 $0xffff, v12  }
0x52e: {  	v11 =	vld [tilespmem:s17+$0x8600];
	v5 =	vadd.s32 v62, v6  }
0x52f: {  	v6 =	vld [tilespmem:s17+$0x8700];
	v5 =	vadd.s32 v7, v5  }
0x530: {  	v7 =	vld [tilespmem:s17+$0x8800];
	v5 =	vadd.s32 v8, v5  }
0x531: {  	v8 =	vld [tilespmem:s17+$0x8900];
	v5 =	vadd.s32 v9, v5  }
0x532: {  	v9 =	vld [tilespmem:s17+$0x8A00];
	v5 =	vadd.s32 v10, v5  }
0x533: {  	v10 =	vld [tilespmem:s17+$0x8B00];
	v11 =	vadd.s32 v11, v5;
	v63, _, _ =	vpop (xrf0)  }
0x534: {  	s16 =	simm.s32 $0x0;
	v5 =	vld [tilespmem:s17+$0x8C00];
	v11 =	vadd.s32 v6, v11;
	(v2sf) =	vpush v63, $0xF  }
0x535: {  	v12 =	vsub.s32 s16, v12;
	v6 =	vld [tilespmem:s17+$0x8D00];
	v11 =	vadd.s32 v7, v11  }
0x536: {  	v7 =	vld [tilespmem:s17+$0x8E00];
	v11 =	vadd.s32 v8, v11;
	v12 =	vadd.s32 v63, v12  }
0x537: {  	s18 =	simm.s32 $0x20;
	v8 =	vld [tilespmem:s17+$0x8F00];
	v11 =	vadd.s32 v9, v11;
	[tilespmem:s19+$0x9000] =	vst v12  }
0x538: {  	s19 =	simm.s32 $0xC0;
	v9 =	vld [tilespmem:s18+$0x8000];
	v10 =	vadd.s32 v10, v11  }
.LBB2_109:
0x539: {  	p1 =	seq.s32 s19, $0x3C0;
	v11 =	vld [tilespmem:s18+$0x8100];
	v5 =	vadd.s32 v5, v10  }
0x53a: {  	v10 =	vld [tilespmem:s18+$0x8200];
	v5 =	vadd.s32 v6, v5  }
0x53b: {  	v6 =	vld [tilespmem:s18+$0x8300];
	v5 =	vadd.s32 v7, v5  }
0x53c: {  	v7 =	vld [tilespmem:s18+$0x8400];
	v8 =	vadd.s32 v8, v5  }
0x53d: {  	v5 =	vld [tilespmem:s18+$0x8500];
	(xrf0) =	vadd.scan.msk.s32 $0xffff, v8  }
0x53e: {  	v9 =	vadd.s32 v9, v11;
	v11 =	vld [tilespmem:s18+$0x8600]  }
0x53f: {  	v9 =	vadd.s32 v10, v9;
	v10 =	vld [tilespmem:s18+$0x8700]  }
0x540: {  	v6 =	vadd.s32 v6, v9;
	v9 =	vld [tilespmem:s18+$0x8800]  }
0x541: {  	v6 =	vadd.s32 v7, v6;
	v7 =	vld [tilespmem:s18+$0x8900]  }
0x542: {  	v5 =	vadd.s32 v5, v6;
	v12 =	vld [tilespmem:s18+$0x8A00]  }
0x543: {  	v5 =	vadd.s32 v11, v5;
	v11 =	vld [tilespmem:s18+$0x8B00];
	v13, _, _ =	vpop (xrf0);
	s0 =	spop (v2sf)  }
.Ltmp59:
0x544: {  	v6 =	vadd.s32 v10, v5;
	v5 =	vld [tilespmem:s18+$0x8C00];
	(v2sf) =	vpush v13, $0xF;
	s16 =	sadd.s32 s16, s0;
	(pc) =	sbr.rel @!p1 .LBB2_109-.Ltmp59, $4  }
0x545: {  	v9 =	vadd.s32 v9, v6;
	v6 =	vld [tilespmem:s18+$0x8D00];
	v8 =	vsub.s32 s16, v8  }
0x546: {  	v9 =	vadd.s32 v7, v9;
	v7 =	vld [tilespmem:s18+$0x8E00];
	v10 =	vadd.s32 v13, v8  }
0x547: {  	v12 =	vadd.s32 v12, v9;
	v8 =	vld [tilespmem:s18+$0x8F00];
	[tilespmem:s17+$0x9000] =	vst v10;
	s17 =	smov.u32 s18;
	s18 =	sshra.s32 s19, $0x2  }
0x548: {  	s19 =	sadd.s32 $0x40, s19;
	v9 =	vld [tilespmem:s18+$0x8000];
	v10 =	vadd.s32 v11, v12  }
0x549: {  	v11 =	vld [tilespmem:s18+$0x8100]  }
0x54a: {  	v12 =	vld [tilespmem:s18+$0x8200]  }
0x54b: {  	v13 =	vld [tilespmem:s18+$0x8300]  }
0x54c: {  	v14 =	vld [tilespmem:s18+$0x8400]  }
0x54d: {  	v15 =	vld [tilespmem:s18+$0x8500]  }
0x54e: {  	v54 =	vld [tilespmem:s18+$0x8600];
	v9 =	vadd.s32 v9, v11  }
0x54f: {  	v55 =	vld [tilespmem:s18+$0x8700];
	v9 =	vadd.s32 v12, v9  }
0x550: {  	v56 =	vld [tilespmem:s18+$0x8800];
	v9 =	vadd.s32 v13, v9  }
0x551: {  	v57 =	vld [tilespmem:s18+$0x8900];
	v9 =	vadd.s32 v14, v9  }
0x552: {  	v58 =	vld [tilespmem:s18+$0x8A00];
	v9 =	vadd.s32 v15, v9  }
0x553: {  	v59 =	vld [tilespmem:s18+$0x8B00];
	v9 =	vadd.s32 v54, v9  }
0x554: {  	v60 =	vld [tilespmem:s18+$0x8C00];
	v9 =	vadd.s32 v55, v9  }
0x555: {  	v5 =	vadd.s32 v5, v10;
	v61 =	vld [tilespmem:s18+$0x8D00];
	v9 =	vadd.s32 v56, v9  }
0x556: {  	v62 =	vld [tilespmem:s18+$0x8E00];
	v5 =	vadd.s32 v6, v5;
	v6 =	vadd.s32 v57, v9  }
0x557: {  	v5 =	vadd.s32 v7, v5;
	v7 =	vld [tilespmem:s18+$0x8F00];
	v6 =	vadd.s32 v58, v6  }
0x558: {  	v5 =	vadd.s32 v8, v5;
	v6 =	vadd.s32 v59, v6  }
0x559: {  	(xrf0) =	vadd.scan.msk.s32 $0xffff, v5;
	v6 =	vadd.s32 v60, v6  }
0x55a: {  	v6 =	vadd.s32 v61, v6  }
0x55b: {  	v6 =	vadd.s32 v62, v6  }
0x55c: {  	v6 =	vadd.s32 v7, v6  }
0x55d: {  	(xrf0) =	vadd.scan.msk.s32 $0xffff, v6;
	_ =	sdelay $0x1  }
0x55e: {  	v7, _, _ =	vpop (xrf0)  }
0x55f: {  	(v2sf) =	vpush v7, $0xF;
	_ =	sdelay $0x2  }
0x560: {  	v63, _, _ =	vpop (xrf0)  }
0x561: {  	(v2sf) =	vpush v63, $0xF;
	_ =	sdelay $0x9  }
0x562: {  	s0 =	spop (v2sf)  }
.Ltmp60:
0x563: {  	s0 =	sadd.s32 s16, s0;
	s1 =	spop (v2sf);
	(pc) =	sbr.rel @!p0 .LBB2_117-.Ltmp60, $4  }
0x564: {  	v5 =	vsub.s32 s0, v5;
	s0 =	sadd.s32 s0, s1  }
0x565: {  	v5 =	vadd.s32 v7, v5;
	v6 =	vsub.s32 s0, v6  }
0x566: {  	[tilespmem:s17+$0x9000] =	vst v5;
	v5 =	vadd.s32 v63, v6  }
0x567: {  	[tilespmem:s18+$0x9000] =	vst v5;
	s31 =	spop (v2sf)  }
0x568: {  	p1 =	sne.s32 s15, $0x1  }
.Ltmp61:
0x569: {  	_ = 	snop;
	(pc) =	sbr.rel @!p1 .LBB2_112-.Ltmp61, $4  }
0x56a: {  	_ = 	snop  }
0x56b: {  	s18 =	simm.s32 $0x9900  }
0x56c: {  	s16 =	simm.s32 $0x9D00;
	v5 =	vld [tilespmem:s18+$0x0]  }
0x56d: {  	s17 =	simm.s32 $0x0;
	s15 =	sadd.s32 $0xFFFFFFFF, s15;
	p0 =	por $0x0, $0x0  }
0x56e: {  	_ =	sdelay $0x1  }
0x56f: {  	v6 =	vor.u32 s17, v0  }
0x570: {  	vm0 =	vlt.s32 v6, v4;
	v5 =	vshrl.u32 v5, $0x18  }
0x571: {  	(xrf1) =	vunique.msk.u32 vm0, v5;
	_ =	sdelay $0x9  }
0x572: {  	v6 =	vld.idx.msk [tilespmem:v5+s11+$0x0], $0xffff;
	_ =	sdelay $0x3  }
0x573: {  	_, v7, vm1 =	vpop (xrf1)  }
0x574: {  	v6 =	vadd.s32 v7, v6  }
0x575: {  	v8 =	vld [tilespmem:s16+$0x0];
	vm1 =	vmand vm0, vm1;
	v6 =	vadd.s32 $0xFFFFFFFF, v6;
	_ =	sdelay $0x2  }
0x576: {  	p1 =	sne.s32 s15, $0x1  }
.Ltmp62:
0x577: {  	_ = 	snop;
	(pc) =	sbr.rel @!p1 .LBB2_114-.Ltmp62, $4  }
0x578: {  	[tilespmem:v6+s10+$0x0] =	vst.idx.msk vm0, v8  }
0x579: {  	s19 =	simm.s32 $0x9910;
	[tilespmem:v5+s11+$0x0] =	vst.idx.add.s32.msk vm1, v7  }
0x57a: {  	s20 =	sadd.s32 $0xFFFFFFFF, s15;
	v5 =	vld [tilespmem:s19+$0x0]  }
0x57b: {  	p0 =	por $0x1, $0x1;
	s18 =	simm.s32 $0x0;
	s15 =	simm.s32 $0x9D00  }
.LBB2_115:
0x57c: {  	p1 =	sne.s32 s20, $0x1  }
0x57d: {  	s18 =	sadd.s32 $0x10, s18  }
0x57e: {  	v6 =	vor.u32 s18, v0  }
0x57f: {  	v5 =	vshrl.u32 v5, $0x18;
	vm0 =	vlt.s32 v6, v4  }
0x580: {  	(xrf1) =	vunique.msk.u32 vm0, v5;
	_ =	sdelay $0x8  }
0x581: {  	v6 =	vld.idx.msk [tilespmem:v5+s11+$0x0], $0xffff;
	_ =	sdelay $0x4  }
0x582: {  	_, v7, vm1 =	vpop (xrf1)  }
0x583: {  	s15 =	sadd.s32 $0x10, s15;
	v6 =	vadd.s32 v7, v6  }
0x584: {  	vm1 =	vmand vm0, vm1;
	v8 =	vld [tilespmem:s15+$0x0];
	v6 =	vadd.s32 $0xFFFFFFFF, v6;
	_ =	sdelay $0x3  }
.Ltmp63:
0x585: {  	(pc) =	sbr.rel @p1 .LBB2_115-.Ltmp63, $4  }
0x586: {  	[tilespmem:v6+s10+$0x0] =	vst.idx.msk vm0, v8  }
0x587: {  	s19 =	sadd.s32 $0x10, s19;
	[tilespmem:v5+s11+$0x0] =	vst.idx.add.s32.msk vm1, v7  }
0x588: {  	v5 =	vld [tilespmem:s19+$0x0]  }
0x589: {  	s20 =	sadd.s32 $0xFFFFFFFF, s20  }
.Ltmp64:
0x58a: {  	_ = 	snop;
	(pc) =	sbr.rel .LBB2_116-.Ltmp64, $1  }
0x58b: {  	_ =	sdelay $0x3  }
.LBB2_14:
.Ltmp65:
0x58c: {  	(pc) =	sbr.rel .LBB2_23-.Ltmp65, $3  }
0x58d: {  	_ =	sdelay $0x1  }
0x58e: {  	s22 =	simm.s32 $0x0;
	s21 =	smov.u32 s17  }
0x58f: {  	s23 =	simm.s32 $0x0;
	s26 =	simm.s32 $0x0;
	s18 =	simm.s32 $0x0  }
.LBB2_28:
.Ltmp66:
0x590: {  	(pc) =	sbr.rel .LBB2_37-.Ltmp66, $3  }
0x591: {  	_ =	sdelay $0x1  }
0x592: {  	s22 =	simm.s32 $0x0;
	s21 =	smov.u32 s15  }
0x593: {  	s23 =	simm.s32 $0x0;
	s26 =	simm.s32 $0x0;
	s18 =	simm.s32 $0x0  }
.LBB2_16:
.Ltmp67:
0x594: {  	(pc) =	sbr.rel .LBB2_23-.Ltmp67, $3  }
0x595: {  	_ =	sdelay $0x1  }
0x596: {  	s22 =	simm.s32 $0x0;
	s21 =	smov.u32 s17  }
0x597: {  	s23 =	simm.s32 $0x0;
	s20 =	simm.s32 $0x0;
	s26 =	simm.s32 $0x0  }
.LBB2_30:
.Ltmp68:
0x598: {  	(pc) =	sbr.rel .LBB2_37-.Ltmp68, $3  }
0x599: {  	_ =	sdelay $0x1  }
0x59a: {  	s22 =	simm.s32 $0x0;
	s21 =	smov.u32 s15  }
0x59b: {  	s23 =	simm.s32 $0x0;
	s20 =	simm.s32 $0x0;
	s26 =	simm.s32 $0x0  }
.LBB2_18:
.Ltmp69:
0x59c: {  	(pc) =	sbr.rel .LBB2_23-.Ltmp69, $4  }
0x59d: {  	_ = 	snop  }
0x59e: {  	s22 =	simm.s32 $0x0  }
0x59f: {  	s29 =	simm.s32 $0x0;
	s23 =	simm.s32 $0x0;
	s21 =	smov.u32 s17  }
0x5a0: {  	s20 =	simm.s32 $0x10;
	s26 =	simm.s32 $0x0;
	s18 =	simm.s32 $0x20  }
.LBB2_32:
.Ltmp70:
0x5a1: {  	(pc) =	sbr.rel .LBB2_37-.Ltmp70, $4  }
0x5a2: {  	_ = 	snop  }
0x5a3: {  	s22 =	simm.s32 $0x0  }
0x5a4: {  	s29 =	simm.s32 $0x0;
	s23 =	simm.s32 $0x0;
	s21 =	smov.u32 s15  }
0x5a5: {  	s20 =	simm.s32 $0x10;
	s26 =	simm.s32 $0x0;
	s18 =	simm.s32 $0x20  }
.LBB2_20:
.Ltmp71:
0x5a6: {  	(pc) =	sbr.rel .LBB2_23-.Ltmp71, $4  }
0x5a7: {  	_ = 	snop  }
0x5a8: {  	s22 =	simm.s32 $0x0  }
0x5a9: {  	s24 =	simm.s32 $0x0;
	s29 =	simm.s32 $0x10;
	s25 =	smov.u32 s17  }
0x5aa: {  	s23 =	simm.s32 $0x0;
	s26 =	simm.s32 $0x0;
	s18 =	simm.s32 $0x30  }
.LBB2_34:
.Ltmp72:
0x5ab: {  	(pc) =	sbr.rel .LBB2_37-.Ltmp72, $4  }
0x5ac: {  	_ = 	snop  }
0x5ad: {  	s22 =	simm.s32 $0x0  }
0x5ae: {  	s24 =	simm.s32 $0x0;
	s29 =	simm.s32 $0x10;
	s25 =	smov.u32 s15  }
0x5af: {  	s23 =	simm.s32 $0x0;
	s26 =	simm.s32 $0x0;
	s18 =	simm.s32 $0x30  }
.LBB2_49:
.Ltmp73:
0x5b0: {  	(pc) =	sbr.rel .LBB2_53-.Ltmp73, $2  }
0x5b1: {  	_ =	sdelay $0x2  }
0x5b2: {  	s17 =	simm.s32 $0x0  }
.LBB2_58:
.Ltmp74:
0x5b3: {  	(pc) =	sbr.rel .LBB2_62-.Ltmp74, $2  }
0x5b4: {  	_ =	sdelay $0x2  }
0x5b5: {  	s18 =	simm.s32 $0x0  }
.LBB2_67:
.Ltmp75:
0x5b6: {  	(pc) =	sbr.rel .LBB2_71-.Ltmp75, $2  }
0x5b7: {  	_ =	sdelay $0x2  }
0x5b8: {  	s17 =	simm.s32 $0x0  }
.LBB2_76:
.Ltmp76:
0x5b9: {  	(pc) =	sbr.rel .LBB2_80-.Ltmp76, $2  }
0x5ba: {  	_ =	sdelay $0x2  }
0x5bb: {  	s18 =	simm.s32 $0x0  }
.LBB2_85:
.Ltmp77:
0x5bc: {  	(pc) =	sbr.rel .LBB2_89-.Ltmp77, $2  }
0x5bd: {  	_ =	sdelay $0x2  }
0x5be: {  	s17 =	simm.s32 $0x0  }
.LBB2_94:
.Ltmp78:
0x5bf: {  	(pc) =	sbr.rel .LBB2_98-.Ltmp78, $2  }
0x5c0: {  	_ =	sdelay $0x2  }
0x5c1: {  	s18 =	simm.s32 $0x0  }
.LBB2_103:
.Ltmp79:
0x5c2: {  	(pc) =	sbr.rel .LBB2_107-.Ltmp79, $2  }
0x5c3: {  	_ =	sdelay $0x2  }
0x5c4: {  	s17 =	simm.s32 $0x0  }
.LBB2_51:
.Ltmp80:
0x5c5: {  	(pc) =	sbr.rel .LBB2_53-.Ltmp80, $2  }
0x5c6: {  	_ =	sdelay $0x2  }
0x5c7: {  	s17 =	simm.s32 $0x0  }
.LBB2_60:
.Ltmp81:
0x5c8: {  	(pc) =	sbr.rel .LBB2_62-.Ltmp81, $2  }
0x5c9: {  	_ =	sdelay $0x2  }
0x5ca: {  	s18 =	simm.s32 $0x0  }
.LBB2_69:
.Ltmp82:
0x5cb: {  	(pc) =	sbr.rel .LBB2_71-.Ltmp82, $2  }
0x5cc: {  	_ =	sdelay $0x2  }
0x5cd: {  	s17 =	simm.s32 $0x0  }
.LBB2_78:
.Ltmp83:
0x5ce: {  	(pc) =	sbr.rel .LBB2_80-.Ltmp83, $2  }
0x5cf: {  	_ =	sdelay $0x2  }
0x5d0: {  	s18 =	simm.s32 $0x0  }
.LBB2_87:
.Ltmp84:
0x5d1: {  	(pc) =	sbr.rel .LBB2_89-.Ltmp84, $2  }
0x5d2: {  	_ =	sdelay $0x2  }
0x5d3: {  	s17 =	simm.s32 $0x0  }
.LBB2_96:
.Ltmp85:
0x5d4: {  	(pc) =	sbr.rel .LBB2_98-.Ltmp85, $2  }
0x5d5: {  	_ =	sdelay $0x2  }
0x5d6: {  	s18 =	simm.s32 $0x0  }
.LBB2_105:
.Ltmp86:
0x5d7: {  	(pc) =	sbr.rel .LBB2_107-.Ltmp86, $2  }
0x5d8: {  	_ =	sdelay $0x2  }
0x5d9: {  	s17 =	simm.s32 $0x0  }
.LBB2_114:
.Ltmp87:
0x5da: {  	(pc) =	sbr.rel .LBB2_116-.Ltmp87, $2  }
0x5db: {  	_ =	sdelay $0x2  }
0x5dc: {  	s18 =	simm.s32 $0x0;
	s15 =	simm.s32 $0x9D00  }
.LBB2_118:
0x5dd: {  	_ =	sfence.sel $0x180000  }
0x5de: {  	[bflag:$0x0] =	sbarrier.arrive $0xFFFF  }
0x5df: {  	_ =	strace $0x90000047  }
0x5e0: {  	s0 =	stileid.u32;
	[bflag:$0x2] =	sbarrier.arrive $0xFFFF  }
0x5e1: {  	p0 =	sne.s32 s0, $0x0;
	s0 =	rddreg [dreg:$0x2]  }
0x5e2: {  	s0 =	sadd.s32 @!p0 $0x100000, s0  }
0x5e3: {  	[sflag:s0] =	ssyncadd.tile.s32 @!p0 $0x1;
	_ =	shalt  }
.Lfunc_end2:
_tile_overlayer_lowered:
.L_overlay_start_2:
0x5e4: {  	(tag) =	ssettag $0x2  }
0x5e5: {  	s0 =	rddreg [dreg:$0x0];
	s2 =	stileid.u32  }
0x5e6: {  	s1 =	rddreg [dreg:$0x1];
	p0 =	sne.s32 s2, $0x0  }
0x5e7: {  	s3 =	rddreg [dreg:$0x2];
	[bflag:$0x3] =	sbarrier.arrive $0xFFFF;
	s2 =	simm.s32 @!p0 $0x1C01  }
0x5e8: {  	[timem:s3], [sflag:s2] =	dma.local @!p0 [hbm:s0], s1  }
0x5e9: {  	s0 =	simm.s32 @!p0 $0x1  }
0x5ea: {  	_ =	swait.ge @!p0 [sflag:s0], s1  }
0x5eb: {  	s1 =	ssub.s32 @!p0 $0x0, s1;
	[sflag:s0] =	ssyncset.done @!p0 $0x0  }
0x5ec: {  	[sflag:s0] =	ssyncadd.s32 @!p0 s1  }
0x5ed: {  	[bflag:$0x3] =	sbarrier.arrive $0xFFFF  }
0x5ee: {  	_ =	shalt  }

// kernel: kernel.8.cloned.1.call-start
scs
__scs_entry_jumppad:
0x0: {  	(pc) =	sbr.rel $0x88, $3  }
0x1: {  	(tag) =	ssettag $0x0;
	lr =	simm.s32 $0x1  }
0x2: {  	[smem:$0x3FA0] =	sst lr;
	_ =	strace $0xD0000000  }
0x3: {  	_ = 	snop  }
0x4: {  	_ = 	snop  }
0x5: {  	_ = 	snop  }
0x6: {  	_ = 	snop  }
0x7: {  	_ = 	snop  }
__scs_overlays_trampoline_lowered:
0x8: {  	[smem:$0x3FAF] =	sst s0  }
0x9: {  	[smem:$0x3FB0] =	sst s1  }
0xa: {  	[smem:$0x3FB1] =	sst s2  }
0xb: {  	[smem:$0x3FB2] =	sst s3  }
0xc: {  	[smem:$0x3FB3] =	sst s4  }
0xd: {  	[smem:$0x3FB4] =	sst s5  }
0xe: {  	[smem:$0x3FB5] =	sst s6  }
0xf: {  	[smem:$0x3FB6] =	sst s7  }
0x10: {  	[smem:$0x3FB7] =	sst s8  }
0x11: {  	[smem:$0x3FB8] =	sst s9;
	s0 =	simm.s32 @!p0 $0x0  }
0x12: {  	s1 =	sld [smem:$0x3F9E];
	s0 =	simm.s32 @p0 $0x1  }
0x13: {  	[smem:$0x3FB9] =	sst s0;
	s0 =	simm.s32 @!p1 $0x0  }
0x14: {  	s2 =	sld [smem:$0x3F9D];
	s0 =	simm.s32 @p1 $0x1  }
0x15: {  	[smem:$0x3FBA] =	sst s0;
	s0 =	simm.s32 @!p2 $0x0  }
0x16: {  	s3 =	sld [smem:$0x3FDB];
	s0 =	simm.s32 @p2 $0x1  }
0x17: {  	s4 =	simm.s32 $0x1BF5;
	[smem:$0x3FBC] =	sst s0  }
0x18: {  	s0 =	sld [smem:$0x3F9F];
	_ =	swait.ge [sflag:s4], $0x0  }
0x19: {  	s7 =	sld [smem:$0x3FA0]  }
0x1a: {  	s8 =	sadd.s32 $0xFFFFE003, lr  }
0x1b: {  	s9 =	sadd.s32 $0xFFFFFEF7, lr;
	s5 =	simm.s32 $0xFFFFFFFF;
	p2 =	slt.u32 s8, $0xFFFFF086  }
0x1c: {  	p1 =	slt.u32 s9, $0xF7A;
	s5 =	simm.s32 @!p2 $0x0  }
0x1d: {  	s5 =	simm.s32 @p1 $0x1;
	p0 =	seq.s32 s7, s2  }
0x1e: {  	s7 =	smul.u32 @!p0 $0xF7A, s2;
	p2 =	seq.s32 @!p0 s5, $0x0  }
0x1f: {  	s9 =	smul.u32 $0xF7A, s1;
	s8 =	simm.s32 @!p0 $0x1BF5;
	p2 =	por !p2, p0  }
0x20: {  	[sflag:s8] =	ssyncset.s32 @!p0 $0xFFFFF086;
	s6 =	sadd.s32 @!p0 s3, s7;
	s7 =	simm.s32 @!p0 $0x108  }
0x21: {  	s3 =	sadd.s32 s3, s9;
	s6 =	sadd.s32 @!p0 $0x88, s6;
	s7 =	simm.s32 @p2 $0x1082  }
0x22: {  	[simem:s7], [sflag:s8] =	dma.local @!p0 [hbm:s6], $0xF7A  }
0x23: {  	s9 =	sor.u32 $0xD0000000, s2;
	s6 =	simm.s32 $0x108;
	_ =	swait.ge @!p0 [sflag:s8], $0x0  }
0x24: {  	s3 =	sadd.s32 $0x88, s3;
	s6 =	simm.s32 @!p1 $0x1082;
	[sflag:s4] =	ssyncset.s32 $0xFFFFF086  }
0x25: {  	[simem:s6], [sflag:s4] =	dma.local [hbm:s3], $0xF7A  }
0x26: {  	[smem:$0x3FA0] =	sst s1;
	(tag) =	ssettag s2;
	_ =	strace s9  }
0x27: {  	s1 =	sld [smem:$0x3FB0]  }
0x28: {  	s2 =	sld [smem:$0x3FB1]  }
0x29: {  	s4 =	sld [smem:$0x3FB3]  }
0x2a: {  	p0 =	seq.s32 s5, $0x0;
	s5 =	sld [smem:$0x3FB4]  }
0x2b: {  	s6 =	sld [smem:$0x3FB5]  }
0x2c: {  	s7 =	sld [smem:$0x3FB6]  }
0x2d: {  	s3 =	simm.s32 $0x108;
	s8 =	sld [smem:$0x3FB7]  }
0x2e: {  	s3 =	simm.s32 @!p0 $0x1082;
	s9 =	sld [smem:$0x3FB8]  }
0x2f: {  	lr =	sadd.s32 s0, s3;
	s0 =	sld [smem:$0x3FAF]  }
0x30: {  	s3 =	sld [smem:$0x3FB2]  }
0x31: {  	[smem:$0x3FBB] =	sst s10  }
0x32: {  	s10 =	sld [smem:$0x3FB9];
	_ =	sdelay $0x3  }
0x33: {  	p0 =	seq.s32 s10, $0x1;
	s10 =	sld [smem:$0x3FBB];
	_ =	sdelay $0x3  }
0x34: {  	[smem:$0x3FBB] =	sst s10  }
0x35: {  	s10 =	sld [smem:$0x3FBA];
	_ =	sdelay $0x3  }
0x36: {  	p1 =	seq.s32 s10, $0x1;
	s10 =	sld [smem:$0x3FBB];
	_ =	sdelay $0x3  }
0x37: {  	[smem:$0x3FBB] =	sst s10  }
0x38: {  	s10 =	sld [smem:$0x3FBC]  }
0x39: {  	_ = 	snop;
	(pc) =	sbr.ind lr, $3  }
0x3a: {  	_ = 	snop  }
0x3b: {  	_ = 	snop  }
0x3c: {  	p2 =	seq.s32 s10, $0x1;
	s10 =	sld [smem:$0x3FBB]  }
0x3d: {  	_ =	shalt  }
0x3e: {  	_ =	shalt  }
0x3f: {  	_ =	shalt  }
0x40: {  	_ =	shalt  }
0x41: {  	_ =	shalt  }
0x42: {  	_ =	shalt  }
0x43: {  	_ =	shalt  }
0x44: {  	_ =	shalt  }
0x45: {  	_ =	shalt  }
0x46: {  	_ =	shalt  }
0x47: {  	_ =	shalt  }
0x48: {  	_ =	shalt  }
0x49: {  	_ =	shalt  }
0x4a: {  	_ =	shalt  }
0x4b: {  	_ =	shalt  }
0x4c: {  	_ =	shalt  }
0x4d: {  	_ =	shalt  }
0x4e: {  	_ =	shalt  }
0x4f: {  	_ =	shalt  }
0x50: {  	_ =	shalt  }
0x51: {  	_ =	shalt  }
0x52: {  	_ =	shalt  }
0x53: {  	_ =	shalt  }
0x54: {  	_ =	shalt  }
0x55: {  	_ =	shalt  }
0x56: {  	_ =	shalt  }
0x57: {  	_ =	shalt  }
0x58: {  	_ =	shalt  }
0x59: {  	_ =	shalt  }
0x5a: {  	_ =	shalt  }
0x5b: {  	_ =	shalt  }
0x5c: {  	_ =	shalt  }
0x5d: {  	_ =	shalt  }
0x5e: {  	_ =	shalt  }
0x5f: {  	_ =	shalt  }
0x60: {  	_ =	shalt  }
0x61: {  	_ =	shalt  }
0x62: {  	_ =	shalt  }
0x63: {  	_ =	shalt  }
0x64: {  	_ =	shalt  }
0x65: {  	_ =	shalt  }
0x66: {  	_ =	shalt  }
0x67: {  	_ =	shalt  }
0x68: {  	_ =	shalt  }
0x69: {  	_ =	shalt  }
0x6a: {  	_ =	shalt  }
0x6b: {  	_ =	shalt  }
0x6c: {  	_ =	shalt  }
0x6d: {  	_ =	shalt  }
0x6e: {  	_ =	shalt  }
0x6f: {  	_ =	shalt  }
0x70: {  	_ =	shalt  }
0x71: {  	_ =	shalt  }
0x72: {  	_ =	shalt  }
0x73: {  	_ =	shalt  }
0x74: {  	_ =	shalt  }
0x75: {  	_ =	shalt  }
0x76: {  	_ =	shalt  }
0x77: {  	_ =	shalt  }
0x78: {  	_ =	shalt  }
0x79: {  	_ =	shalt  }
0x7a: {  	_ =	shalt  }
0x7b: {  	_ =	shalt  }
0x7c: {  	_ =	shalt  }
0x7d: {  	_ =	shalt  }
0x7e: {  	_ =	shalt  }
0x7f: {  	_ =	shalt  }
0x80: {  	_ =	shalt  }
0x81: {  	_ =	shalt  }
0x82: {  	_ =	shalt  }
0x83: {  	_ =	shalt  }
0x84: {  	_ =	shalt  }
0x85: {  	_ =	shalt  }
0x86: {  	_ =	shalt  }
0x87: {  	_ =	shalt  }
.Lfunc_end0:
.L_simem_size_0:
called_computation.1_lowered:
.L_overlay_start_0:
0x88: {  	s2 =	sld [smem:$0x3FD9]  }
0x89: {  	s3 =	sld [smem:$0x3FFE];
	_ =	sdelay $0x1  }
0x8a: {  	s1 =	srdreg.scid  }
0x8b: {  	s0 =	sand.u32 $0x1, s1  }
0x8c: {  	s17 =	sshll.u32 s0, $0xA;
	s2 =	sadd.s32 s3, s2  }
0x8d: {  	s2 =	sadd.s32 s2, s17  }
0x8e: {  	[smem:$0x3FC7] =	sst s2  }
0x8f: {  	_ = 	snop  }
0x90: {  	s2 =	sld [smem:$0x3FC9]  }
0x91: {  	s18 =	sld [smem:$0x3FD0];
	(tm) =	ssettm $0x1  }
0x92: {  	s4 =	sld [smem:$0x3FFB];
	_ =	sdelay $0x3  }
0x93: {  	_ =	strace s4  }
0x94: {  	s4 =	sld [smem:$0x3FFC];
	_ =	sdelay $0x3  }
0x95: {  	_ =	strace s4  }
0x96: {  	s4 =	sld [smem:$0x3FFD];
	_ =	sdelay $0x3  }
0x97: {  	_ =	strace s4  }
0x98: {  	_ =	strace $0x8FFFFFFF  }
0x99: {  	s19 =	sld [smem:$0x3FDB];
	_ =	sdelay $0x1  }
0x9a: {  	s5 =	simm.s32 $_scs_section_size  }
0x9b: {  	s6 =	simm.s32 $_size__tile_overlayer_lowered;
	s7 =	simm.s32 $_tile_overlayer_lowered  }
0x9c: {  	s22 =	simm.s32 $0x1BFF;
	s21 =	sshll.u32 s7, $0x1;
	s4 =	sadd.s32 s5, s19  }
0x9d: {  	s8 =	simm.s32 $0x0;
	s20 =	sshll.u32 s6, $0x1;
	s6 =	sadd.s32 s21, s4  }
0x9e: {  	[timem:s8], [sflag:s22] =	dma.local [hbm:s6], s20  }
0x9f: {  	_ =	swait.ge [sflag:s22], s20  }
0xa0: {  	s5 =	ssub.s32 $0x0, s20;
	[sflag:s22] =	ssyncset.done $0x0  }
0xa1: {  	[sflag:s22] =	ssyncadd.s32 s5;
	_ =	sdelay $0x1  }
0xa2: {  	s23 =	simm.s32 $0x1B8B  }
0xa3: {  	_ =	swait.ge [sflag:s23], $0x1  }
0xa4: {  	[sflag:s23] =	ssyncset.done $0x0  }
0xa5: {  	s25 =	simm.s32 $0x1B8E;
	s24 =	sld [smem:$0x3FFE];
	[sflag:s23] =	ssyncadd.s32 $0xFFFFFFFF  }
0xa6: {  	s26 =	simm.s32 $execute0_lowered;
	[smem:$0x3FD2] =	sst s25  }
0xa7: {  	s6 =	sshll.u32 s26, $0x1;
	_ =	strace $0x80000049;
	[dreg:$0x1] =	wrdreg $0xFFFFFFFF  }
0xa8: {  	s28 =	simm.s32 $_size_execute0_lowered;
	s4 =	sadd.s32 s4, s6;
	[dreg:$0x0] =	wrdreg $0x0  }
0xa9: {  	s6 =	sshll.u32 s28, $0x1;
	[dreg:$0x2] =	wrdreg s4  }
0xaa: {  	[dreg:$0x3] =	wrdreg s6  }
0xab: {  	[dreg:$0x4] =	wrdreg $0xC0  }
0xac: {  	_ =	task [dreg:s8], $0x5FFFF  }
0xad: {  	[dreg:$0x1] =	wrdreg $0xFFFFFFFF  }
0xae: {  	[dreg:$0x0] =	wrdreg $0x60  }
0xaf: {  	[dreg:$0x2] =	wrdreg s24  }
0xb0: {  	[dreg:$0x3] =	wrdreg s2  }
0xb1: {  	[dreg:$0x4] =	wrdreg s18  }
0xb2: {  	[dreg:$0x5] =	wrdreg $0x9  }
0xb3: {  	_ =	task.clear_ibuf [dreg:s8], $0x6FFFF;
	_ =	strace $0x90000049  }
0xb4: {  	s29 =	simm.s32 $0x9;
	_ =	strace $0x8000004B  }
0xb5: {  	_ =	swait.ge [sflag:s29], $0x1  }
0xb6: {  	[sflag:s29] =	ssyncadd.s32 $0xFFFFFFFF  }
0xb7: {  	_ =	strace $0x9000004B  }
0xb8: {  	_ =	sfence  }
0xb9: {  	s30 =	sld [smem:$0x0];
	_ =	sdelay $0x2  }
0xba: {  	s31 =	sshll.u32 s1, $0xD;
	s1 =	sshrl.u32 s1, $0x2  }
0xbb: {  	s3 =	sand.u32 $0x4000, s31;
	s1 =	sadd.s32 s1, s30  }
0xbc: {  	s0 =	sor.u32 s3, s0;
	s1 =	sshll.u32 s1, $0x11  }
0xbd: {  	s0 =	sor.u32 s1, s0  }
0xbe: {  	s0 =	sadd.s32 $0x8F2B, s0  }
0xbf: {  	[sflag:s0] =	ssyncadd.remote.s32 $0x1  }
0xc0: {  	_ =	sfence.sel $0xFFFF  }
0xc1: {  	[dreg:$0x0] =	wrdreg $0xFFFFFFFF;
	(pc) =	sbr.abs _section_cstart, $3  }
0xc2: {  	[dreg:$0x1] =	wrdreg $0xFFFFFFFF  }
0xc3: {  	_ =	task.clear_ibuf [dreg:s8], $0x2FFFF;
	_ =	strace $0x9FFFFFFF  }
0xc4: {  	(tm) =	ssettm $0x7FFFFFFF  }
0xc5: {  	_ =	shalt  }
tec
execute0_lowered:
.L_overlay_start_1:
0x0: {  	(tag) =	ssettag $0x1  }
0x1: {  	s3 =	rddreg [dreg:$0x0]  }
0x2: {  	s4 =	rddreg [dreg:$0x1]  }
0x3: {  	s5 =	rddreg [dreg:$0x2];
	s2 =	srdreg.scid  }
0x4: {  	s1 =	stileid.u32;
	s0 =	rddreg [dreg:$0x3]  }
0x5: {  	s10 =	simm.s32 $0x18400;
	s11 =	simm.s32 $0x18800;
	s12 =	simm.s32 $0x1000  }
0x6: {  	s13 =	simm.s32 $0x40000;
	s14 =	simm.s32 $0x8000;
	s15 =	simm.s32 $0x0  }
0x7: {  	s6 =	sand.u32 $0x1, s2;
	s7 =	sshll.u32 s1, $0x1;
	s2 =	simm.s32 $0x0  }
0x8: {  	s7 =	sor.u32 s6, s7;
	s6 =	ssub.s32 $0x2, s6;
	[smem:$0x7FF] =	sst s2  }
.Ltmp0:
0x9: {  	s8 =	sshll.u32 s7, $0x7;
	s9 =	sshrl.u32 s6, $0x1;
	(pc) =	sbr.rel .LBB2_1-.Ltmp0, $4  }
0xa: {  	_ =	strace $0x8000004A;
	s31 =	sshll.u32 s7, $0x12;
	s7 =	sshll.u32 s7, $0xD  }
0xb: {  	s3 =	sadd.s32 s8, s3;
	s6 =	ssub.s32 s6, s9;
	s4 =	sadd.s32 s4, s31  }
0xc: {  	s5 =	sadd.s32 s5, s7;
	s7 =	simm.s32 $0x18000;
	s8 =	simm.s32 $0x1  }
0xd: {  	v0 =	vimm.s32 $0x0;
	v1 =	vlaneseq.u32;
	s9 =	simm.s32 $0x18C80;
	s3 =	sadd.s32 $0x800, s3;
	s6 =	smax.u32 s6, $0x1  }
.LBB2_10:
0xe: {  	s15 =	sadd.s32 $0x1, s15  }
0xf: {  	p0 =	sne.s32 s15, s6  }
.Ltmp1:
0x10: {  	_ = 	snop;
	(pc) =	sbr.rel @!p0 .LBB2_11-.Ltmp1, $4  }
0x11: {  	[hbm4b:s5+s2] =	stream.linear.scatter [tilespmem:s14], [sflag:$0x1], $0x10000, $0x38;
	[tilespmem:$0x18D00] =	vst v63  }
0x12: {  	_ =	swait.ge [sflag:s8], $0x10000  }
0x13: {  	[sflag:s8] =	ssyncset.done $0x0  }
0x14: {  	[sflag:s8] =	ssyncadd.s32 $0xFFFF0000  }
.LBB2_1:
0x15: {  	[tilespmem:s7], [sflag:$0x1] =	stream.linear.gather [hbm4b:s3+s2], $0x400, $0x38;
	[tilespmem:$0x18D00] =	vst v63  }
0x16: {  	_ =	swait.ge [sflag:s8], $0x400  }
0x17: {  	[sflag:s8] =	ssyncset.done $0x0  }
0x18: {  	[sflag:s8] =	ssyncadd.s32 $0xFFFFFC00  }
0x19: {  	[tilespmem:$0x18C80] =	vst v0  }
0x1a: {  	s16 =	sand.u32 $0xE00, s2;
	[tilespmem:$0x18C90] =	vst v0  }
0x1b: {  	s17 =	sand.u32 $0x70, s2;
	s16 =	sshrl.u32 s16, $0x2;
	[tilespmem:$0x18CA0] =	vst v0  }
0x1c: {  	s16 =	sor.u32 s17, s16;
	[tilespmem:$0x18CB0] =	vst v0  }
0x1d: {  	v2 =	vld [tilespmem:s16+$0x18000];
	_ =	sdelay $0x4  }
0x1e: {  	v3 =	vshra.s32 v2, $0x1F;
	v4 =	vand.u32 $0x1FF, v2  }
0x1f: {  	vm0 =	vlt.s32 v2, $0x1;
	v3 =	vshrl.u32 v3, $0x17;
	vm1 =	vne.s32 v4, $0x0  }
0x20: {  	v2 =	vadd.s32 v3, v2;
	vm0 =	vmand vm0, vm1  }
0x21: {  	v2 =	vshra.s32 v2, $0x9;
	v3 =	vsel vm0, $0xFFFFFFFF, v0  }
0x22: {  	v2 =	vadd.s32 v3, v2  }
0x23: {  	(xrf1) =	vunique.msk.u32 $0xffff, v2;
	_ =	sdelay $0xd  }
0x24: {  	_, v3, vm0 =	vpop (xrf1);
	_ =	sdelay $0x2  }
0x25: {  	s31 =	simm.s32 $0x40  }
0x26: {  	s18 =	sand.u32 $0xE00, s31;
	s17 =	simm.s32 $0x80;
	s16 =	simm.s32 $0x10  }
.LBB2_2:
0x27: {  	p0 =	sne.s32 s17, $0xFC0;
	s19 =	sand.u32 $0x70, s16;
	s18 =	sshrl.u32 s18, $0x2  }
0x28: {  	s18 =	sor.u32 s19, s18;
	[tilespmem:v2+s9+$0x0] =	vst.idx.add.s32.msk vm0, v3  }
0x29: {  	v2 =	vld [tilespmem:s18+$0x18000];
	_ =	sdelay $0x4  }
0x2a: {  	v3 =	vshra.s32 v2, $0x1F;
	v4 =	vand.u32 $0x1FF, v2  }
0x2b: {  	vm0 =	vlt.s32 v2, $0x1;
	v3 =	vshrl.u32 v3, $0x17;
	vm1 =	vne.s32 v4, $0x0  }
0x2c: {  	v2 =	vadd.s32 v3, v2;
	vm0 =	vmand vm0, vm1  }
0x2d: {  	v2 =	vshra.s32 v2, $0x9;
	v3 =	vsel vm0, $0xFFFFFFFF, v0  }
0x2e: {  	v2 =	vadd.s32 v3, v2  }
0x2f: {  	(xrf1) =	vunique.msk.u32 $0xffff, v2;
	_ =	sdelay $0xd  }
.Ltmp2:
0x30: {  	_, v3, vm0 =	vpop (xrf1);
	(pc) =	sbr.rel @p0 .LBB2_2-.Ltmp2, $2  }
0x31: {  	_ =	sdelay $0x2  }
0x32: {  	s16 =	sadd.s32 $0x10, s16;
	s18 =	sand.u32 $0xE00, s17;
	s17 =	sadd.s32 $0x40, s17  }
0x33: {  	_ =	sdelay $0x3  }
0x34: {  	s16 =	sand.u32 $0x70, s16;
	s17 =	sshrl.u32 s18, $0x2  }
0x35: {  	[tilespmem:v2+s9+$0x0] =	vst.idx.add.s32.msk vm0, v3;
	s16 =	sor.u32 s16, s17  }
0x36: {  	v2 =	vld [tilespmem:s16+$0x18000];
	_ =	sdelay $0x4  }
0x37: {  	v3 =	vshra.s32 v2, $0x1F;
	v4 =	vand.u32 $0x1FF, v2  }
0x38: {  	vm15 =	vlt.s32 v2, $0x1;
	v3 =	vshrl.u32 v3, $0x17;
	vm1 =	vne.s32 v4, $0x0  }
0x39: {  	v2 =	vadd.s32 v3, v2;
	vm0 =	vmand vm15, vm1  }
0x3a: {  	v2 =	vshra.s32 v2, $0x9;
	v3 =	vsel vm0, $0xFFFFFFFF, v0  }
0x3b: {  	v2 =	vadd.s32 v3, v2  }
0x3c: {  	(xrf1) =	vunique.msk.u32 $0xffff, v2;
	_ =	sdelay $0xd  }
0x3d: {  	_, v3, vm0 =	vpop (xrf1);
	_ =	sdelay $0x5  }
0x3e: {  	[tilespmem:v2+s9+$0x0] =	vst.idx.add.s32.msk vm0, v3  }
0x3f: {  	v2 =	vld [tilespmem:$0x18C80]  }
0x40: {  	v3 =	vld [tilespmem:$0x18C90];
	_ =	sdelay $0x1  }
0x41: {  	v63 =	vld [tilespmem:$0x18CA0];
	_ =	sdelay $0x1  }
0x42: {  	(xrf0) =	vadd.scan.msk.s32 $0xffff, v2  }
0x43: {  	(xrf0) =	vadd.scan.msk.s32 $0xffff, v3;
	_ =	sdelay $0x1  }
0x44: {  	(xrf0) =	vadd.scan.msk.s32 $0xffff, v63;
	_ =	sdelay $0x2  }
0x45: {  	v5, _, _ =	vpop (xrf0)  }
0x46: {  	v6, _, _ =	vpop (xrf0);
	(v2sf) =	vpush v5, $0xF  }
0x47: {  	(v2sf) =	vpush v6, $0xF  }
0x48: {  	v7, _, _ =	vpop (xrf0)  }
0x49: {  	(v2sf) =	vpush v7, $0xF;
	_ =	sdelay $0x3  }
0x4a: {  	v8 =	vld [tilespmem:$0x18CB0];
	_ =	sdelay $0x4  }
0x4b: {  	(xrf0) =	vadd.scan.msk.s32 $0xffff, v8;
	v9 =	vbroadcast v5, $0xF  }
0x4c: {  	v2 =	vsub.s32 v5, v2  }
0x4d: {  	[tilespmem:$0x18C00] =	vst v2;
	v3 =	vsub.s32 v9, v3  }
0x4e: {  	[tilespmem:$0x18C80] =	vst v2;
	v2 =	vadd.s32 v6, v3;
	v3 =	vsub.s32 v7, v63;
	s26 =	spop (v2sf)  }
0x4f: {  	s28 =	spop (v2sf)  }
0x50: {  	[tilespmem:$0x18C10] =	vst v2;
	s16 =	sadd.s32 s26, s28  }
0x51: {  	[tilespmem:$0x18C90] =	vst v2;
	s29 =	spop (v2sf);
	v2 =	vadd.s32 s16, v3;
	v3, _, _ =	vpop (xrf0)  }
0x52: {  	s17 =	sadd.s32 s16, s29;
	s16 =	simm.s32 $0x0;
	[tilespmem:$0x18C20] =	vst v2;
	v3 =	vsub.s32 v3, v8  }
0x53: {  	[tilespmem:$0x18CA0] =	vst v2;
	s30 =	sand.u32 $0xE00, s16;
	v2 =	vadd.s32 s17, v3  }
0x54: {  	s31 =	sand.u32 $0x70, s16;
	s17 =	sshrl.u32 s30, $0x2;
	[tilespmem:$0x18C30] =	vst v2  }
0x55: {  	s18 =	simm.s32 $0x40;
	[tilespmem:$0x18CB0] =	vst v2;
	s19 =	sor.u32 s31, s17;
	s17 =	simm.s32 $0x0  }
.LBB2_4:
0x56: {  	p0 =	sne.s32 s18, $0xFC0;
	v2 =	vld [tilespmem:s19+$0x18000];
	_ =	sdelay $0x4  }
0x57: {  	v3 =	vshra.s32 v2, $0x1F;
	v4 =	vand.u32 $0x1FF, v2  }
0x58: {  	vm0 =	vlt.s32 v2, $0x1;
	v3 =	vshrl.u32 v3, $0x17;
	vm1 =	vne.s32 v4, $0x0  }
0x59: {  	v3 =	vadd.s32 v3, v2;
	vm0 =	vmand vm0, vm1  }
0x5a: {  	v3 =	vshra.s32 v3, $0x9;
	v4 =	vsel vm0, $0xFFFFFFFF, v0  }
0x5b: {  	v3 =	vadd.s32 v4, v3  }
0x5c: {  	(xrf1) =	vunique.msk.u32 $0xffff, v3;
	_ =	sdelay $0x8  }
0x5d: {  	v4 =	vld.idx.msk [tilespmem:v3+s9+$0x0], $0xffff;
	_ =	sdelay $0x4  }
0x5e: {  	_, v5, vm0 =	vpop (xrf1)  }
0x5f: {  	v4 =	vadd.s32 v5, v4  }
0x60: {  	v4 =	vadd.s32 $0xFFFFFFFF, v4;
	_ =	sdelay $0x2  }
.Ltmp3:
0x61: {  	v6 =	vshll.u32 v3, $0x9;
	(pc) =	sbr.rel @p0 .LBB2_4-.Ltmp3, $4  }
0x62: {  	v2 =	vsub.s32 v2, v6  }
0x63: {  	s19 =	sand.u32 $0xE00, s18;
	v6 =	vor.u32 s17, v1;
	s17 =	sadd.s32 $0x10, s17;
	[tilespmem:v4+s10+$0x0] =	vst.idx.msk $0xffff, v2  }
0x64: {  	s19 =	sshrl.u32 s19, $0x2;
	s20 =	sand.u32 $0x70, s17;
	[tilespmem:v4+s11+$0x0] =	vst.idx.msk $0xffff, v6  }
0x65: {  	s18 =	sadd.s32 $0x40, s18;
	s19 =	sor.u32 s20, s19;
	[tilespmem:v3+s9+$0x0] =	vst.idx.add.s32.msk vm0, v5  }
0x66: {  	v2 =	vld [tilespmem:s19+$0x18000];
	_ =	sdelay $0x4  }
0x67: {  	v3 =	vshra.s32 v2, $0x1F;
	v4 =	vand.u32 $0x1FF, v2  }
0x68: {  	vm0 =	vlt.s32 v2, $0x1;
	v3 =	vshrl.u32 v3, $0x17;
	vm1 =	vne.s32 v4, $0x0  }
0x69: {  	v3 =	vadd.s32 v3, v2;
	vm0 =	vmand vm0, vm1  }
0x6a: {  	v3 =	vshra.s32 v3, $0x9;
	v62 =	vsel vm0, $0xFFFFFFFF, v0  }
0x6b: {  	v3 =	vadd.s32 v62, v3  }
0x6c: {  	(xrf1) =	vunique.msk.u32 $0xffff, v3;
	_ =	sdelay $0x9  }
0x6d: {  	v4 =	vld.idx.msk [tilespmem:v3+s9+$0x0], $0xffff;
	_ =	sdelay $0x3  }
0x6e: {  	_, v5, vm15 =	vpop (xrf1)  }
0x6f: {  	v4 =	vadd.s32 v5, v4  }
0x70: {  	v4 =	vadd.s32 $0xFFFFFFFF, v4;
	_ =	sdelay $0x2  }
.Ltmp4:
0x71: {  	v6 =	vshll.u32 v3, $0x9;
	(pc) =	sbr.rel .LBB2_6-.Ltmp4, $4  }
0x72: {  	v2 =	vsub.s32 v2, v6  }
0x73: {  	v63 =	vor.u32 s17, v1;
	[tilespmem:v4+s10+$0x0] =	vst.idx.msk $0xffff, v2  }
0x74: {  	[tilespmem:v4+s11+$0x0] =	vst.idx.msk $0xffff, v63  }
0x75: {  	[tilespmem:v3+s9+$0x0] =	vst.idx.add.s32.msk vm15, v5  }
.LBB2_9:
0x76: {  	s16 =	sadd.s32 $0x1, s16  }
0x77: {  	p0 =	sne.s32 s16, $0x40  }
.Ltmp5:
0x78: {  	_ = 	snop;
	(pc) =	sbr.rel @!p0 .LBB2_10-.Ltmp5, $1  }
0x79: {  	_ =	sdelay $0x3  }
.LBB2_6:
0x7a: {  	s17 =	sshll.u32 s16, $0x9  }
0x7b: {  	s17 =	sadd.s32 s17, s4  }
0x7c: {  	[tilespmem:s2], [sflag:$0x1] =	stream.strided.gather [hbm4b:s17+s12], $0x8000, s13, s12, $0x38;
	[tilespmem:$0x18D00] =	vst v63  }
0x7d: {  	_ =	swait.ge [sflag:s8], $0x8000  }
0x7e: {  	[sflag:s8] =	ssyncset.done $0x0  }
0x7f: {  	s29 =	sand.u32 $0x30, s16;
	[sflag:s8] =	ssyncadd.s32 $0xFFFF8000  }
0x80: {  	v2 =	vld [tilespmem:s29+$0x18C00]  }
0x81: {  	v3 =	vld [tilespmem:s29+$0x18C80]  }
0x82: {  	s30 =	sand.u32 $0xF, s16  }
0x83: {  	v4 =	vmov s30  }
0x84: {  	vm0 =	veq.s32 v4, v1  }
0x85: {  	v2 =	vnsel vm0, $0x0, v2  }
0x86: {  	(xrf0) =	vadd.scan.msk.s32 $0xffff, v2;
	v2 =	vnsel vm0, $0x0, v3  }
0x87: {  	(xrf0) =	vadd.scan.msk.s32 $0xffff, v2;
	_ =	sdelay $0x4  }
0x88: {  	v2, _, _ =	vpop (xrf0)  }
0x89: {  	(v2sf) =	vpush v2, $0xF;
	v2, _, _ =	vpop (xrf0)  }
0x8a: {  	(v2sf) =	vpush v2, $0xF;
	_ =	sdelay $0xd  }
0x8b: {  	s17 =	spop (v2sf)  }
0x8c: {  	s18 =	spop (v2sf)  }
0x8d: {  	s18 =	ssub.s32 s18, s17  }
0x8e: {  	s18 =	sadd.s32 $0xF, s18  }
0x8f: {  	s19 =	sand.u32 $0xF, s18  }
0x90: {  	s31 =	sshra.s32 s18, $0x1F;
	p1 =	slt.s32 s18, $0x1;
	p0 =	sne.s32 s19, $0x0  }
0x91: {  	s19 =	sshrl.u32 s31, $0x1C;
	p0 =	por !p1, !p0  }
0x92: {  	s18 =	sadd.s32 s19, s18;
	s19 =	simm.s32 $0x1;
	p0 =	por !p0, !p0  }
0x93: {  	s18 =	sshra.s32 s18, $0x4;
	s19 =	simm.s32 @!p0 $0x0  }
0x94: {  	s18 =	ssub.s32 s18, s19  }
0x95: {  	p0 =	slt.s32 s18, $0x1  }
.Ltmp6:
0x96: {  	_ = 	snop;
	(pc) =	sbr.rel @p0 .LBB2_9-.Ltmp6, $1  }
0x97: {  	_ =	sdelay $0x3  }
0x98: {  	v2 =	vbroadcast v2, $0xF  }
.LBB2_8:
0x99: {  	v3 =	vadd.s32 s17, v1  }
0x9a: {  	vm0 =	vlt.s32 v3, v2;
	_ =	sdelay $0x5  }
0x9b: {  	v4 =	vld.idx.msk [tilespmem:v3+s10+$0x0], vm0;
	_ =	sdelay $0x4  }
0x9c: {  	v5 =	vshll.u32 v4, $0x3  }
0x9d: {  	v4 =	vand.u32 $0x7F, v4;
	v5 =	vand.u32 $0xFFFFFC00, v5  }
0x9e: {  	v3 =	vld.idx.msk [tilespmem:v3+s11+$0x0], vm0;
	v4 =	vor.u32 v4, v5;
	_ =	sdelay $0x4  }
0x9f: {  	v3 =	vshll.u32 v3, $0x6;
	v5 =	vld.idx.msk [tilespmem:v4+s2+$0x0], vm0  }
0xa0: {  	v6 =	vor.u32 $0x80, v4;
	_ =	sdelay $0x3  }
0xa1: {  	[tilespmem:v3+s14+$0x0] =	vst.idx.msk vm0, v5  }
0xa2: {  	v52 =	vor.u32 $0x1, v3;
	v5 =	vld.idx.msk [tilespmem:v6+s2+$0x0], vm0  }
0xa3: {  	v7 =	vor.u32 $0x100, v4;
	_ =	sdelay $0x3  }
0xa4: {  	[tilespmem:v52+s14+$0x0] =	vst.idx.msk vm0, v5  }
0xa5: {  	v53 =	vor.u32 $0x2, v3;
	v5 =	vld.idx.msk [tilespmem:v7+s2+$0x0], vm0  }
0xa6: {  	v54 =	vor.u32 $0x180, v4;
	_ =	sdelay $0x3  }
0xa7: {  	[tilespmem:v53+s14+$0x0] =	vst.idx.msk vm0, v5  }
0xa8: {  	v55 =	vor.u32 $0x3, v3;
	v5 =	vld.idx.msk [tilespmem:v54+s2+$0x0], vm0  }
0xa9: {  	v56 =	vor.u32 $0x200, v4;
	_ =	sdelay $0x3  }
0xaa: {  	[tilespmem:v55+s14+$0x0] =	vst.idx.msk vm0, v5  }
0xab: {  	v57 =	vor.u32 $0x4, v3;
	v5 =	vld.idx.msk [tilespmem:v56+s2+$0x0], vm0  }
0xac: {  	v58 =	vor.u32 $0x280, v4;
	_ =	sdelay $0x3  }
0xad: {  	[tilespmem:v57+s14+$0x0] =	vst.idx.msk vm0, v5  }
0xae: {  	v59 =	vor.u32 $0x5, v3;
	v5 =	vld.idx.msk [tilespmem:v58+s2+$0x0], vm0  }
0xaf: {  	v60 =	vor.u32 $0x300, v4;
	_ =	sdelay $0x3  }
0xb0: {  	[tilespmem:v59+s14+$0x0] =	vst.idx.msk vm0, v5  }
0xb1: {  	v61 =	vor.u32 $0x6, v3;
	v5 =	vld.idx.msk [tilespmem:v60+s2+$0x0], vm0  }
0xb2: {  	v62 =	vor.u32 $0x380, v4;
	_ =	sdelay $0x3  }
0xb3: {  	[tilespmem:v61+s14+$0x0] =	vst.idx.msk vm0, v5  }
0xb4: {  	v63 =	vor.u32 $0x7, v3;
	v5 =	vld.idx.msk [tilespmem:v62+s2+$0x0], vm0  }
0xb5: {  	v9 =	vadd.s32 $0x1000, v4;
	_ =	sdelay $0x3  }
0xb6: {  	[tilespmem:v63+s14+$0x0] =	vst.idx.msk vm0, v5  }
0xb7: {  	v10 =	vor.u32 $0x8, v3;
	v5 =	vld.idx.msk [tilespmem:v9+s2+$0x0], vm0  }
0xb8: {  	v11 =	vadd.s32 $0x1080, v4;
	_ =	sdelay $0x3  }
0xb9: {  	[tilespmem:v10+s14+$0x0] =	vst.idx.msk vm0, v5  }
0xba: {  	v12 =	vor.u32 $0x9, v3;
	v5 =	vld.idx.msk [tilespmem:v11+s2+$0x0], vm0  }
0xbb: {  	v13 =	vadd.s32 $0x1100, v4;
	_ =	sdelay $0x3  }
0xbc: {  	[tilespmem:v12+s14+$0x0] =	vst.idx.msk vm0, v5  }
0xbd: {  	v14 =	vor.u32 $0xA, v3;
	v5 =	vld.idx.msk [tilespmem:v13+s2+$0x0], vm0  }
0xbe: {  	v15 =	vadd.s32 $0x1180, v4;
	_ =	sdelay $0x3  }
0xbf: {  	[tilespmem:v14+s14+$0x0] =	vst.idx.msk vm0, v5  }
0xc0: {  	v16 =	vor.u32 $0xB, v3;
	v5 =	vld.idx.msk [tilespmem:v15+s2+$0x0], vm0  }
0xc1: {  	v17 =	vadd.s32 $0x1200, v4;
	_ =	sdelay $0x3  }
0xc2: {  	[tilespmem:v16+s14+$0x0] =	vst.idx.msk vm0, v5  }
0xc3: {  	v18 =	vor.u32 $0xC, v3;
	v5 =	vld.idx.msk [tilespmem:v17+s2+$0x0], vm0  }
0xc4: {  	v19 =	vadd.s32 $0x1280, v4;
	_ =	sdelay $0x3  }
0xc5: {  	[tilespmem:v18+s14+$0x0] =	vst.idx.msk vm0, v5  }
0xc6: {  	v20 =	vor.u32 $0xD, v3;
	v5 =	vld.idx.msk [tilespmem:v19+s2+$0x0], vm0  }
0xc7: {  	v21 =	vadd.s32 $0x1300, v4;
	_ =	sdelay $0x3  }
0xc8: {  	[tilespmem:v20+s14+$0x0] =	vst.idx.msk vm0, v5  }
0xc9: {  	v22 =	vor.u32 $0xE, v3;
	v5 =	vld.idx.msk [tilespmem:v21+s2+$0x0], vm0  }
0xca: {  	v23 =	vadd.s32 $0x1380, v4;
	_ =	sdelay $0x3  }
0xcb: {  	[tilespmem:v22+s14+$0x0] =	vst.idx.msk vm0, v5  }
0xcc: {  	v24 =	vor.u32 $0xF, v3;
	v5 =	vld.idx.msk [tilespmem:v23+s2+$0x0], vm0  }
0xcd: {  	v25 =	vadd.s32 $0x2000, v4;
	_ =	sdelay $0x3  }
0xce: {  	[tilespmem:v24+s14+$0x0] =	vst.idx.msk vm0, v5  }
0xcf: {  	v26 =	vor.u32 $0x10, v3;
	v5 =	vld.idx.msk [tilespmem:v25+s2+$0x0], vm0  }
0xd0: {  	v27 =	vadd.s32 $0x2080, v4;
	_ =	sdelay $0x3  }
0xd1: {  	[tilespmem:v26+s14+$0x0] =	vst.idx.msk vm0, v5  }
0xd2: {  	v28 =	vor.u32 $0x11, v3;
	v5 =	vld.idx.msk [tilespmem:v27+s2+$0x0], vm0  }
0xd3: {  	v29 =	vadd.s32 $0x2100, v4;
	_ =	sdelay $0x3  }
0xd4: {  	[tilespmem:v28+s14+$0x0] =	vst.idx.msk vm0, v5  }
0xd5: {  	v30 =	vor.u32 $0x12, v3;
	v5 =	vld.idx.msk [tilespmem:v29+s2+$0x0], vm0  }
0xd6: {  	v31 =	vadd.s32 $0x2180, v4;
	_ =	sdelay $0x3  }
0xd7: {  	[tilespmem:v30+s14+$0x0] =	vst.idx.msk vm0, v5  }
0xd8: {  	v32 =	vor.u32 $0x13, v3;
	v5 =	vld.idx.msk [tilespmem:v31+s2+$0x0], vm0  }
0xd9: {  	v33 =	vadd.s32 $0x2200, v4;
	_ =	sdelay $0x3  }
0xda: {  	[tilespmem:v32+s14+$0x0] =	vst.idx.msk vm0, v5  }
0xdb: {  	v34 =	vor.u32 $0x14, v3;
	v5 =	vld.idx.msk [tilespmem:v33+s2+$0x0], vm0  }
0xdc: {  	v35 =	vadd.s32 $0x2280, v4;
	_ =	sdelay $0x3  }
0xdd: {  	[tilespmem:v34+s14+$0x0] =	vst.idx.msk vm0, v5  }
0xde: {  	v36 =	vor.u32 $0x15, v3;
	v5 =	vld.idx.msk [tilespmem:v35+s2+$0x0], vm0  }
0xdf: {  	v37 =	vadd.s32 $0x2300, v4;
	_ =	sdelay $0x3  }
0xe0: {  	[tilespmem:v36+s14+$0x0] =	vst.idx.msk vm0, v5  }
0xe1: {  	v38 =	vor.u32 $0x16, v3;
	v5 =	vld.idx.msk [tilespmem:v37+s2+$0x0], vm0  }
0xe2: {  	v39 =	vadd.s32 $0x2380, v4;
	_ =	sdelay $0x3  }
0xe3: {  	[tilespmem:v38+s14+$0x0] =	vst.idx.msk vm0, v5  }
0xe4: {  	v40 =	vor.u32 $0x17, v3;
	v5 =	vld.idx.msk [tilespmem:v39+s2+$0x0], vm0  }
0xe5: {  	v41 =	vadd.s32 $0x3000, v4;
	_ =	sdelay $0x3  }
0xe6: {  	[tilespmem:v40+s14+$0x0] =	vst.idx.msk vm0, v5  }
0xe7: {  	v42 =	vor.u32 $0x18, v3;
	v5 =	vld.idx.msk [tilespmem:v41+s2+$0x0], vm0  }
0xe8: {  	v43 =	vadd.s32 $0x3080, v4;
	_ =	sdelay $0x3  }
0xe9: {  	[tilespmem:v42+s14+$0x0] =	vst.idx.msk vm0, v5  }
0xea: {  	v44 =	vor.u32 $0x19, v3;
	v5 =	vld.idx.msk [tilespmem:v43+s2+$0x0], vm0  }
0xeb: {  	v45 =	vadd.s32 $0x3100, v4;
	_ =	sdelay $0x3  }
0xec: {  	[tilespmem:v44+s14+$0x0] =	vst.idx.msk vm0, v5  }
0xed: {  	v46 =	vor.u32 $0x1A, v3;
	v5 =	vld.idx.msk [tilespmem:v45+s2+$0x0], vm0  }
0xee: {  	v47 =	vadd.s32 $0x3180, v4;
	_ =	sdelay $0x3  }
0xef: {  	[tilespmem:v46+s14+$0x0] =	vst.idx.msk vm0, v5  }
0xf0: {  	v48 =	vor.u32 $0x1B, v3;
	v5 =	vld.idx.msk [tilespmem:v47+s2+$0x0], vm0  }
0xf1: {  	v49 =	vadd.s32 $0x3200, v4;
	_ =	sdelay $0x3  }
0xf2: {  	[tilespmem:v48+s14+$0x0] =	vst.idx.msk vm0, v5  }
0xf3: {  	v50 =	vor.u32 $0x1C, v3;
	v5 =	vld.idx.msk [tilespmem:v49+s2+$0x0], vm0  }
0xf4: {  	v51 =	vadd.s32 $0x3280, v4;
	_ =	sdelay $0x3  }
0xf5: {  	[tilespmem:v50+s14+$0x0] =	vst.idx.msk vm0, v5  }
0xf6: {  	v52 =	vor.u32 $0x1D, v3;
	v5 =	vld.idx.msk [tilespmem:v51+s2+$0x0], vm0  }
0xf7: {  	v53 =	vadd.s32 $0x3300, v4;
	_ =	sdelay $0x3  }
0xf8: {  	[tilespmem:v52+s14+$0x0] =	vst.idx.msk vm0, v5  }
0xf9: {  	v54 =	vor.u32 $0x1E, v3;
	v5 =	vld.idx.msk [tilespmem:v53+s2+$0x0], vm0  }
0xfa: {  	v55 =	vadd.s32 $0x3380, v4;
	_ =	sdelay $0x3  }
0xfb: {  	[tilespmem:v54+s14+$0x0] =	vst.idx.msk vm0, v5  }
0xfc: {  	v56 =	vor.u32 $0x1F, v3;
	v5 =	vld.idx.msk [tilespmem:v55+s2+$0x0], vm0  }
0xfd: {  	v57 =	vadd.s32 $0x4000, v4;
	_ =	sdelay $0x3  }
0xfe: {  	[tilespmem:v56+s14+$0x0] =	vst.idx.msk vm0, v5  }
0xff: {  	v58 =	vor.u32 $0x20, v3;
	v5 =	vld.idx.msk [tilespmem:v57+s2+$0x0], vm0  }
0x100: {  	v59 =	vadd.s32 $0x4080, v4;
	_ =	sdelay $0x3  }
0x101: {  	[tilespmem:v58+s14+$0x0] =	vst.idx.msk vm0, v5  }
0x102: {  	v60 =	vor.u32 $0x21, v3;
	v5 =	vld.idx.msk [tilespmem:v59+s2+$0x0], vm0  }
0x103: {  	v61 =	vadd.s32 $0x4100, v4;
	_ =	sdelay $0x3  }
0x104: {  	[tilespmem:v60+s14+$0x0] =	vst.idx.msk vm0, v5  }
0x105: {  	v62 =	vor.u32 $0x22, v3;
	v5 =	vld.idx.msk [tilespmem:v61+s2+$0x0], vm0  }
0x106: {  	v63 =	vadd.s32 $0x4180, v4;
	_ =	sdelay $0x3  }
0x107: {  	[tilespmem:v62+s14+$0x0] =	vst.idx.msk vm0, v5  }
0x108: {  	v9 =	vor.u32 $0x23, v3;
	v5 =	vld.idx.msk [tilespmem:v63+s2+$0x0], vm0  }
0x109: {  	v10 =	vadd.s32 $0x4200, v4;
	_ =	sdelay $0x3  }
0x10a: {  	[tilespmem:v9+s14+$0x0] =	vst.idx.msk vm0, v5  }
0x10b: {  	v11 =	vor.u32 $0x24, v3;
	v5 =	vld.idx.msk [tilespmem:v10+s2+$0x0], vm0  }
0x10c: {  	v12 =	vadd.s32 $0x4280, v4;
	_ =	sdelay $0x3  }
0x10d: {  	[tilespmem:v11+s14+$0x0] =	vst.idx.msk vm0, v5  }
0x10e: {  	v13 =	vor.u32 $0x25, v3;
	v5 =	vld.idx.msk [tilespmem:v12+s2+$0x0], vm0  }
0x10f: {  	v14 =	vadd.s32 $0x4300, v4;
	_ =	sdelay $0x3  }
0x110: {  	[tilespmem:v13+s14+$0x0] =	vst.idx.msk vm0, v5  }
0x111: {  	v15 =	vor.u32 $0x26, v3;
	v5 =	vld.idx.msk [tilespmem:v14+s2+$0x0], vm0  }
0x112: {  	v16 =	vadd.s32 $0x4380, v4;
	_ =	sdelay $0x3  }
0x113: {  	[tilespmem:v15+s14+$0x0] =	vst.idx.msk vm0, v5  }
0x114: {  	v17 =	vor.u32 $0x27, v3;
	v5 =	vld.idx.msk [tilespmem:v16+s2+$0x0], vm0  }
0x115: {  	v18 =	vadd.s32 $0x5000, v4;
	_ =	sdelay $0x3  }
0x116: {  	[tilespmem:v17+s14+$0x0] =	vst.idx.msk vm0, v5  }
0x117: {  	v19 =	vor.u32 $0x28, v3;
	v5 =	vld.idx.msk [tilespmem:v18+s2+$0x0], vm0  }
0x118: {  	v20 =	vadd.s32 $0x5080, v4;
	_ =	sdelay $0x3  }
0x119: {  	[tilespmem:v19+s14+$0x0] =	vst.idx.msk vm0, v5  }
0x11a: {  	v21 =	vor.u32 $0x29, v3;
	v5 =	vld.idx.msk [tilespmem:v20+s2+$0x0], vm0  }
0x11b: {  	v22 =	vadd.s32 $0x5100, v4;
	_ =	sdelay $0x3  }
0x11c: {  	[tilespmem:v21+s14+$0x0] =	vst.idx.msk vm0, v5  }
0x11d: {  	v23 =	vor.u32 $0x2A, v3;
	v5 =	vld.idx.msk [tilespmem:v22+s2+$0x0], vm0  }
0x11e: {  	v24 =	vadd.s32 $0x5180, v4;
	_ =	sdelay $0x3  }
0x11f: {  	[tilespmem:v23+s14+$0x0] =	vst.idx.msk vm0, v5  }
0x120: {  	v25 =	vor.u32 $0x2B, v3;
	v5 =	vld.idx.msk [tilespmem:v24+s2+$0x0], vm0  }
0x121: {  	v26 =	vadd.s32 $0x5200, v4;
	_ =	sdelay $0x3  }
0x122: {  	[tilespmem:v25+s14+$0x0] =	vst.idx.msk vm0, v5  }
0x123: {  	v27 =	vor.u32 $0x2C, v3;
	v5 =	vld.idx.msk [tilespmem:v26+s2+$0x0], vm0  }
0x124: {  	v28 =	vadd.s32 $0x5280, v4;
	_ =	sdelay $0x3  }
0x125: {  	[tilespmem:v27+s14+$0x0] =	vst.idx.msk vm0, v5  }
0x126: {  	v29 =	vor.u32 $0x2D, v3;
	v5 =	vld.idx.msk [tilespmem:v28+s2+$0x0], vm0  }
0x127: {  	v30 =	vadd.s32 $0x5300, v4;
	_ =	sdelay $0x3  }
0x128: {  	[tilespmem:v29+s14+$0x0] =	vst.idx.msk vm0, v5  }
0x129: {  	v31 =	vor.u32 $0x2E, v3;
	v5 =	vld.idx.msk [tilespmem:v30+s2+$0x0], vm0  }
0x12a: {  	v32 =	vadd.s32 $0x5380, v4;
	_ =	sdelay $0x3  }
0x12b: {  	[tilespmem:v31+s14+$0x0] =	vst.idx.msk vm0, v5  }
0x12c: {  	v33 =	vor.u32 $0x2F, v3;
	v5 =	vld.idx.msk [tilespmem:v32+s2+$0x0], vm0  }
0x12d: {  	v34 =	vadd.s32 $0x6000, v4;
	_ =	sdelay $0x3  }
0x12e: {  	[tilespmem:v33+s14+$0x0] =	vst.idx.msk vm0, v5  }
0x12f: {  	v35 =	vor.u32 $0x30, v3;
	v5 =	vld.idx.msk [tilespmem:v34+s2+$0x0], vm0  }
0x130: {  	v36 =	vadd.s32 $0x6080, v4;
	_ =	sdelay $0x3  }
0x131: {  	[tilespmem:v35+s14+$0x0] =	vst.idx.msk vm0, v5  }
0x132: {  	v37 =	vor.u32 $0x31, v3;
	v5 =	vld.idx.msk [tilespmem:v36+s2+$0x0], vm0  }
0x133: {  	v38 =	vadd.s32 $0x6100, v4;
	_ =	sdelay $0x3  }
0x134: {  	[tilespmem:v37+s14+$0x0] =	vst.idx.msk vm0, v5  }
0x135: {  	v39 =	vor.u32 $0x32, v3;
	v5 =	vld.idx.msk [tilespmem:v38+s2+$0x0], vm0  }
0x136: {  	v40 =	vadd.s32 $0x6180, v4;
	_ =	sdelay $0x3  }
0x137: {  	[tilespmem:v39+s14+$0x0] =	vst.idx.msk vm0, v5  }
0x138: {  	v41 =	vor.u32 $0x33, v3;
	v5 =	vld.idx.msk [tilespmem:v40+s2+$0x0], vm0  }
0x139: {  	v42 =	vadd.s32 $0x6200, v4;
	_ =	sdelay $0x3  }
0x13a: {  	[tilespmem:v41+s14+$0x0] =	vst.idx.msk vm0, v5  }
0x13b: {  	v43 =	vor.u32 $0x34, v3;
	v5 =	vld.idx.msk [tilespmem:v42+s2+$0x0], vm0  }
0x13c: {  	v44 =	vadd.s32 $0x6280, v4;
	_ =	sdelay $0x3  }
0x13d: {  	[tilespmem:v43+s14+$0x0] =	vst.idx.msk vm0, v5  }
0x13e: {  	v45 =	vor.u32 $0x35, v3;
	v5 =	vld.idx.msk [tilespmem:v44+s2+$0x0], vm0  }
0x13f: {  	v46 =	vadd.s32 $0x6300, v4;
	_ =	sdelay $0x3  }
0x140: {  	[tilespmem:v45+s14+$0x0] =	vst.idx.msk vm0, v5  }
0x141: {  	v47 =	vor.u32 $0x36, v3;
	v5 =	vld.idx.msk [tilespmem:v46+s2+$0x0], vm0  }
0x142: {  	v48 =	vadd.s32 $0x6380, v4;
	_ =	sdelay $0x3  }
0x143: {  	[tilespmem:v47+s14+$0x0] =	vst.idx.msk vm0, v5  }
0x144: {  	v49 =	vor.u32 $0x37, v3;
	v5 =	vld.idx.msk [tilespmem:v48+s2+$0x0], vm0  }
0x145: {  	v50 =	vadd.s32 $0x7000, v4;
	_ =	sdelay $0x3  }
0x146: {  	[tilespmem:v49+s14+$0x0] =	vst.idx.msk vm0, v5  }
0x147: {  	v51 =	vor.u32 $0x38, v3;
	v5 =	vld.idx.msk [tilespmem:v50+s2+$0x0], vm0  }
0x148: {  	v52 =	vadd.s32 $0x7080, v4;
	_ =	sdelay $0x3  }
0x149: {  	[tilespmem:v51+s14+$0x0] =	vst.idx.msk vm0, v5  }
0x14a: {  	v53 =	vor.u32 $0x39, v3;
	v5 =	vld.idx.msk [tilespmem:v52+s2+$0x0], vm0  }
0x14b: {  	v54 =	vadd.s32 $0x7100, v4;
	_ =	sdelay $0x3  }
0x14c: {  	[tilespmem:v53+s14+$0x0] =	vst.idx.msk vm0, v5  }
0x14d: {  	v55 =	vor.u32 $0x3A, v3;
	v5 =	vld.idx.msk [tilespmem:v54+s2+$0x0], vm0  }
0x14e: {  	v56 =	vadd.s32 $0x7180, v4;
	_ =	sdelay $0x3  }
0x14f: {  	[tilespmem:v55+s14+$0x0] =	vst.idx.msk vm0, v5  }
0x150: {  	v57 =	vor.u32 $0x3B, v3;
	v5 =	vld.idx.msk [tilespmem:v56+s2+$0x0], vm0  }
0x151: {  	v58 =	vadd.s32 $0x7200, v4;
	_ =	sdelay $0x3  }
0x152: {  	[tilespmem:v57+s14+$0x0] =	vst.idx.msk vm0, v5  }
0x153: {  	v59 =	vor.u32 $0x3C, v3;
	v5 =	vld.idx.msk [tilespmem:v58+s2+$0x0], vm0  }
0x154: {  	v60 =	vadd.s32 $0x7280, v4;
	_ =	sdelay $0x3  }
0x155: {  	[tilespmem:v59+s14+$0x0] =	vst.idx.msk vm0, v5  }
0x156: {  	v61 =	vor.u32 $0x3D, v3;
	v5 =	vld.idx.msk [tilespmem:v60+s2+$0x0], vm0  }
0x157: {  	v62 =	vadd.s32 $0x7300, v4;
	_ =	sdelay $0x3  }
0x158: {  	[tilespmem:v61+s14+$0x0] =	vst.idx.msk vm0, v5  }
0x159: {  	v63 =	vor.u32 $0x3E, v3;
	v5 =	vld.idx.msk [tilespmem:v62+s2+$0x0], vm0  }
0x15a: {  	v4 =	vadd.s32 $0x7380, v4;
	_ =	sdelay $0x3  }
0x15b: {  	[tilespmem:v63+s14+$0x0] =	vst.idx.msk vm0, v5  }
0x15c: {  	p0 =	sne.s32 s18, $0x1;
	v3 =	vor.u32 $0x3F, v3;
	v4 =	vld.idx.msk [tilespmem:v4+s2+$0x0], vm0  }
.Ltmp7:
0x15d: {  	_ = 	snop;
	(pc) =	sbr.rel @p0 .LBB2_8-.Ltmp7, $2  }
0x15e: {  	_ =	sdelay $0x2  }
0x15f: {  	s17 =	sadd.s32 $0x10, s17;
	s18 =	sadd.s32 $0xFFFFFFFF, s18;
	[tilespmem:v3+s14+$0x0] =	vst.idx.msk vm0, v4  }
.Ltmp8:
0x160: {  	_ = 	snop;
	(pc) =	sbr.rel .LBB2_9-.Ltmp8, $1  }
0x161: {  	_ =	sdelay $0x3  }
.LBB2_11:
0x162: {  	_ =	sfence.sel $0x180000  }
0x163: {  	[bflag:$0x0] =	sbarrier.arrive $0xFFFF  }
0x164: {  	p0 =	sne.s32 s1, $0x0;
	_ =	strace $0x9000004A  }
0x165: {  	s0 =	sadd.s32 @!p0 $0x100000, s0;
	[bflag:$0x2] =	sbarrier.arrive $0xFFFF  }
0x166: {  	[sflag:s0] =	ssyncadd.tile.s32 @!p0 $0x1;
	_ =	shalt  }
.Lfunc_end2:
_tile_overlayer_lowered:
.L_overlay_start_2:
0x167: {  	(tag) =	ssettag $0x2  }
0x168: {  	s0 =	rddreg [dreg:$0x0];
	s2 =	stileid.u32  }
0x169: {  	s1 =	rddreg [dreg:$0x1];
	p0 =	sne.s32 s2, $0x0  }
0x16a: {  	s3 =	rddreg [dreg:$0x2];
	[bflag:$0x3] =	sbarrier.arrive $0xFFFF;
	s2 =	simm.s32 @!p0 $0x1C01  }
0x16b: {  	[timem:s3], [sflag:s2] =	dma.local @!p0 [hbm:s0], s1  }
0x16c: {  	s0 =	simm.s32 @!p0 $0x1  }
0x16d: {  	_ =	swait.ge @!p0 [sflag:s0], s1  }
0x16e: {  	s1 =	ssub.s32 @!p0 $0x0, s1;
	[sflag:s0] =	ssyncset.done @!p0 $0x0  }
0x16f: {  	[sflag:s0] =	ssyncadd.s32 @!p0 s1  }
0x170: {  	[bflag:$0x3] =	sbarrier.arrive $0xFFFF  }
0x171: {  	_ =	shalt  }

</sc_bundles>
